<compile_context>
chip_gen: v7x
topology: tpu7x:2x2x1
jax: 0.10.2.dev20260603
libtpu: 0.0.44.dev20260713+nightly
codegen_flags: <defaults>
</compile_context>

<pallas_src>
import functools

import jax
import jax.numpy as jnp
from jax import lax
from jax.experimental import pallas as pl
from jax.experimental.pallas import tpu as pltpu
from jax.experimental.pallas import tpu_sc as plsc

N = 10000
E = 320000
D = 128
H = 16
C = 47
CPAD = 128

NROWS = 10240
NCORES = 2
NSUB = 16
NTILES = NCORES * NSUB
K = 128
CHUNKS = 80
SLABC = 8
EP = NTILES * CHUNKS * K
ZROWS = NROWS // NSUB

_SELU_ALPHA = 1.6732632423543772
_SELU_SCALE = 1.0507009873554805

@functools.lru_cache(maxsize=None)
def _get_mesh():
    return plsc.VectorSubcoreMesh(core_axis_name="c", subcore_axis_name="s",
                                  num_cores=NCORES, num_subcores=NSUB)


@functools.lru_cache(maxsize=None)
def _make_round(width, c0_chunks=CHUNKS, c1_chunks=CHUNKS):
    assert c0_chunks % SLABC == 0 and c1_chunks % SLABC == 0
    assert c0_chunks + c1_chunks == 2 * CHUNKS
    ncores = 1 if c1_chunks == 0 else NCORES

    @functools.partial(
        pl.kernel,
        out_type=jax.ShapeDtypeStruct((ncores * NROWS, width), jnp.float32),
        mesh=_get_mesh(),
        compiler_params=pltpu.CompilerParams(
            use_tc_tiling_on_sc=(width % 128 == 0)),
        scratch_types=[
            pltpu.VMEM((2, SLABC, K), jnp.int32),
            pltpu.VMEM((2, SLABC, K), jnp.int32),
            pltpu.VMEM((2, K, width), jnp.float32),
            pltpu.VMEM_SHARED((NROWS, width), jnp.float32),
            pltpu.SemaphoreType.DMA,
            pltpu.SemaphoreType.DMA,
            pltpu.SemaphoreType.DMA,
            pltpu.SemaphoreType.DMA,
            pltpu.SemaphoreType.DMA,
            pltpu.SemaphoreType.DMA,
        ],
    )
    def round_kernel(table_hbm, srcs_hbm, dsts_hbm, out_hbm,
                     src_v, dst_v, buf, acc, g0, g1, s0, s1, si, di):
        c = lax.axis_index("c")
        s = lax.axis_index("s")

        @pl.when(c < ncores)
        def _():
            @pl.loop(0, K)
            def _(i):
                @pl.loop(0, width, step=16)
                def _(j):
                    buf[0, i, pl.ds(j, 16)] = jnp.zeros((16,), jnp.float32)

            @pl.loop(0, ZROWS // K)
            def _(t):
                pltpu.sync_copy(buf.at[0], acc.at[pl.ds(s * ZROWS + t * K, K)])

            plsc.subcore_barrier()

            n_slabs = jnp.where(c == 0, c0_chunks // SLABC,
                                c1_chunks // SLABC)
            tile_base = jnp.where(c == 0, s * c0_chunks,
                                  NSUB * c0_chunks + s * c1_chunks)
            gsems = (g0, g1)
            ssems = (s0, s1)

            def wait_gather(b):
                pltpu.make_async_copy(table_hbm.at[src_v.at[0, 0]],
                                      buf.at[b], gsems[b]).wait()

            def wait_scatter(b):
                pltpu.make_async_copy(buf.at[b], acc.at[dst_v.at[0, 0]],
                                      ssems[b]).wait()

            pltpu.sync_copy(srcs_hbm.at[pl.ds(tile_base, SLABC)],
                            src_v.at[0])
            pltpu.sync_copy(dsts_hbm.at[pl.ds(tile_base, SLABC)],
                            dst_v.at[0])
            pltpu.async_copy(table_hbm.at[src_v.at[0, 0]], buf.at[0], g0)
            pltpu.async_copy(table_hbm.at[src_v.at[0, 1]], buf.at[1], g1)

            @pl.loop(0, n_slabs)
            def _(t):
                cur = t % 2
                nxt = 1 - cur
                has_next = t < n_slabs - 1
                next_base = tile_base + (t + 1) * SLABC

                @pl.when(has_next)
                def _():
                    pltpu.async_copy(srcs_hbm.at[pl.ds(next_base, SLABC)],
                                     src_v.at[nxt], si)
                    pltpu.async_copy(dsts_hbm.at[pl.ds(next_base, SLABC)],
                                     dst_v.at[nxt], di)

                for jj in range(0, SLABC, 2):
                    last_pair = jj == SLABC - 2
                    wait_gather(0)
                    pltpu.async_copy(buf.at[0], acc.at[dst_v.at[cur, jj]],
                                     s0, add=True)
                    wait_gather(1)
                    pltpu.async_copy(buf.at[1], acc.at[dst_v.at[cur, jj + 1]],
                                     s1, add=True)
                    wait_scatter(0)
                    if not last_pair:
                        pltpu.async_copy(
                            table_hbm.at[src_v.at[cur, jj + 2]], buf.at[0],
                            g0)
                    else:
                        @pl.when(has_next)
                        def _():
                            pltpu.make_async_copy(
                                srcs_hbm.at[pl.ds(next_base, SLABC)],
                                src_v.at[nxt], si).wait()
                            pltpu.make_async_copy(
                                dsts_hbm.at[pl.ds(next_base, SLABC)],
                                dst_v.at[nxt], di).wait()
                            pltpu.async_copy(
                                table_hbm.at[src_v.at[nxt, 0]], buf.at[0],
                                g0)
                    wait_scatter(1)
                    if not last_pair:
                        pltpu.async_copy(
                            table_hbm.at[src_v.at[cur, jj + 3]], buf.at[1],
                            g1)
                    else:
                        @pl.when(has_next)
                        def _():
                            pltpu.async_copy(
                                table_hbm.at[src_v.at[nxt, 1]], buf.at[1],
                                g1)

            plsc.subcore_barrier()
            pltpu.sync_copy(acc.at[pl.ds(s * ZROWS, ZROWS)],
                            out_hbm.at[pl.ds(c * NROWS + s * ZROWS, ZROWS)])

    return round_kernel


@functools.lru_cache(maxsize=None)
def _make_deg_kernel():
    @functools.partial(
        pl.kernel,
        out_type=jax.ShapeDtypeStruct((NCORES * NROWS, 16), jnp.float32),
        mesh=_get_mesh(),
        compiler_params=pltpu.CompilerParams(use_tc_tiling_on_sc=False),
        scratch_types=[
            pltpu.VMEM((CHUNKS, K), jnp.int32),
            pltpu.VMEM((K, 16), jnp.float32),
            pltpu.VMEM_SHARED((NROWS, 16), jnp.float32),
        ],
    )
    def deg_kernel(dsts_hbm, out_hbm, dst_v, buf, acc):
        c = lax.axis_index("c")
        s = lax.axis_index("s")
        w = c * NSUB + s

        pltpu.sync_copy(dsts_hbm.at[pl.ds(w * CHUNKS, CHUNKS)], dst_v)

        @pl.loop(0, K)
        def _(i):
            buf[i, pl.ds(0, 16)] = jnp.zeros((16,), jnp.float32)

        @pl.loop(0, ZROWS // K)
        def _(t):
            pltpu.sync_copy(buf, acc.at[pl.ds(s * ZROWS + t * K, K)])

        plsc.subcore_barrier()

        @pl.loop(0, K)
        def _(i):
            buf[i, pl.ds(0, 16)] = jnp.ones((16,), jnp.float32)

        @pl.loop(0, CHUNKS)
        def _(j):
            pltpu.sync_copy(buf, acc.at[dst_v.at[j]], add=True)

        plsc.subcore_barrier()
        pltpu.sync_copy(acc.at[pl.ds(s * ZROWS, ZROWS)],
                        out_hbm.at[pl.ds(c * NROWS + s * ZROWS, ZROWS)])

    return deg_kernel



def _psum(p_ref):
    ncopies = p_ref.shape[0] // NROWS
    tot = p_ref[0:NROWS, :]
    for k in range(1, ncopies):
        tot = tot + p_ref[k * NROWS:(k + 1) * NROWS, :]
    return tot


def _prep_body(degp_ref, x_ref, y_ref, dinv_ref, dcinv_ref):
    deg = _psum(degp_ref)[:, 0:1]
    dinv = jnp.where(deg > 0, lax.rsqrt(jnp.maximum(deg, 1e-12)), 0.0)
    dinv_ref[...] = dinv
    dcinv_ref[...] = 1.0 / jnp.maximum(deg, 1.0)
    y_ref[0:N, :] = x_ref[...] * dinv[0:N, :]
    y_ref[N:NROWS, :] = jnp.zeros((NROWS - N, D), jnp.float32)


_prep = pl.pallas_call(
    _prep_body,
    out_shape=[
        jax.ShapeDtypeStruct((NROWS, D), jnp.float32),
        jax.ShapeDtypeStruct((NROWS, 1), jnp.float32),
        jax.ShapeDtypeStruct((NROWS, 1), jnp.float32),
    ],
)


def _combine_body(p_ref, dinv_ref, xp_ref):
    xp_ref[...] = dinv_ref[...] * _psum(p_ref)


_combine = pl.pallas_call(
    _combine_body,
    out_shape=jax.ShapeDtypeStruct((NROWS, D), jnp.float32),
)


def _layer1_body(m1p_ref, dcinv_ref, xp_ref, w1l_ref, b1_ref, w1r_ref, h_ref):
    m1 = dcinv_ref[...] * _psum(m1p_ref)
    z = (lax.dot_general(m1, w1l_ref[...], (((1,), (0,)), ((), ())),
                         preferred_element_type=jnp.float32)
         + b1_ref[...]
         + lax.dot_general(xp_ref[...], w1r_ref[...], (((1,), (0,)), ((), ())),
                           preferred_element_type=jnp.float32))
    h_ref[...] = _SELU_SCALE * jnp.where(
        z > 0, z, _SELU_ALPHA * (jnp.exp(z) - 1.0))


_layer1 = pl.pallas_call(
    _layer1_body,
    out_shape=jax.ShapeDtypeStruct((NROWS, H), jnp.float32),
)


def _layer2_body(m2p_ref, dcinv_ref, h_ref, w2l_ref, b2_ref, w2r_ref, o_ref):
    m2 = dcinv_ref[...] * _psum(m2p_ref)
    o = (lax.dot_general(m2, w2l_ref[...], (((1,), (0,)), ((), ())),
                         preferred_element_type=jnp.float32)
         + b2_ref[...]
         + lax.dot_general(h_ref[...], w2r_ref[...], (((1,), (0,)), ((), ())),
                           preferred_element_type=jnp.float32))
    o = o - jnp.max(o, axis=1, keepdims=True)
    e = jnp.exp(o)
    o_ref[...] = e / jnp.sum(e, axis=1, keepdims=True)


_layer2 = pl.pallas_call(
    _layer2_body,
    out_shape=jax.ShapeDtypeStruct((NROWS, CPAD), jnp.float32),
)


def kernel(x, edge_index, W1l, b1, W1r, W2l, b2, W2r):
    src = edge_index[0].astype(jnp.int32)
    dst = edge_index[1].astype(jnp.int32)
    pad = EP - E
    pad_idx = N + (jnp.arange(pad, dtype=jnp.int32) % (NROWS - N))
    srcp = jnp.concatenate([src, pad_idx]).reshape(NTILES * CHUNKS, K)
    dstp = jnp.concatenate([dst, pad_idx]).reshape(NTILES * CHUNKS, K)

    w2l = jnp.pad(W2l, ((0, 0), (0, CPAD - C)))
    w2r = jnp.pad(W2r, ((0, 0), (0, CPAD - C)))
    b2p = jnp.pad(b2.reshape(1, C), ((0, 0), (0, CPAD - C)),
                  constant_values=-1e30)

    round_d = _make_round(D, 80, 80)
    round_h = _make_round(H, 80, 80)
    degp = _make_deg_kernel()(dstp)
    y, dinv, dcinv = _prep(degp, x)
    xpp = round_d(y, srcp, dstp)
    xp = _combine(xpp, dinv)
    m1p = round_d(xp, srcp, dstp)
    h = _layer1(m1p, dcinv, xp, W1l, b1.reshape(1, H), W1r)
    m2p = round_h(h, srcp, dstp)
    o = _layer2(m2p, dcinv, h, w2l, b2p, w2r)
    return o[:N, :C]

# --- scband reference (transcript-rebuilt; emitter-appended) ---
"""Pipeline reference for scband-node-classifier-49641232007443 (READ-ONLY COPY).

The authoritative reference and input builder live on the scoring server;
editing this copy changes nothing except your own understanding.
"""

import jax, jax.numpy as jnp
import numpy as np

N = 10000
E = 320000
D = 128
H = 16
C = 47


def setup_inputs(seed: int = 0) -> dict:
    key = jax.random.key(seed)
    ks = jax.random.split(key, 8)
    x = jax.random.normal(ks[0], (N, D), dtype=jnp.float32)
    edge_index = jax.random.randint(ks[1], (2, E), 0, N, dtype=jnp.int32)
    s1 = 1.0 / np.sqrt(D)
    s2 = 1.0 / np.sqrt(H)
    W1l = jax.random.uniform(ks[2], (D, H), jnp.float32, -s1, s1)
    b1 = jax.random.uniform(ks[3], (H,), jnp.float32, -s1, s1)
    W1r = jax.random.uniform(ks[4], (D, H), jnp.float32, -s1, s1)
    W2l = jax.random.uniform(ks[5], (H, C), jnp.float32, -s2, s2)
    b2 = jax.random.uniform(ks[6], (C,), jnp.float32, -s2, s2)
    W2r = jax.random.uniform(ks[7], (H, C), jnp.float32, -s2, s2)
    return {"x": x, "edge_index": edge_index, "W1l": W1l, "b1": b1, "W1r": W1r, "W2l": W2l, "b2": b2, "W2r": W2r}


def reference(x, edge_index, W1l, b1, W1r, W2l, b2, W2r):
    src = edge_index[0]
    dst = edge_index[1]
    # ---- KProp (x_steps=1): gcn_norm without self loops, 'add' aggregation ----
    deg = jax.ops.segment_sum(jnp.ones((E,), dtype=x.dtype), dst, num_segments=N)
    dinv = jnp.where(deg > 0, 1.0 / jnp.sqrt(jnp.maximum(deg, 1e-12)), 0.0)
    norm = dinv[dst] * dinv[src]
    xp = jax.ops.segment_sum(x[src] * norm[:, None], dst, num_segments=N)
    # ---- GraphSAGE layer 1 (mean aggregation, root_weight=True, no normalize) ----
    deg_c = jnp.maximum(deg, 1.0)
    m1 = jax.ops.segment_sum(xp[src], dst, num_segments=N) / deg_c[:, None]
    h = m1 @ W1l + b1 + xp @ W1r
    h = jax.nn.selu(h)
    # dropout p=0.0 -> identity
    # ---- GraphSAGE layer 2 ----
    m2 = jax.ops.segment_sum(h[src], dst, num_segments=N) / deg_c[:, None]
    o = m2 @ W2l + b2 + h @ W2r
    return jax.nn.softmax(o, axis=1)

if __name__ == "__main__":
    import jax
    _d = setup_inputs()
    print(jax.jit(kernel)(*tuple(_d.values())))

</pallas_src>

<mosaic_0001>
#map = affine_map<(d0, d1) -> (0, 0)>
module attributes {stable_mosaic.version = 14 : i64} {
  func.func @deg_kernel(%arg0: i32, %arg1: i32, %arg2: memref<2560x128xi32, #tpu.memory_space<hbm>>, %arg3: memref<20480x16xf32, #tpu.memory_space<hbm>>, %arg4: memref<80x128xi32, #tpu.memory_space<vmem>>, %arg5: memref<128x16xf32, #tpu.memory_space<vmem>>, %arg6: memref<10240x16xf32, #tpu.memory_space<vmem_shared>>) attributes {dimension_semantics = [#tpu.dimension_semantics<core_parallel>, #tpu.dimension_semantics<subcore_parallel>], iteration_bounds = array<i64: 2, 16>, scalar_prefetch = 0 : i64, scratch_operands = 3 : i64, tpu.core_type = #tpu.core_type<sc_vector_subcore>, window_params = [{transform_indices = #map}, {transform_indices = #map}]} {
    %mul3A = arith.constant 16 : i32
    %mul3A_0 = arith.muli %arg0, %mul3A : i32
    %add3A = arith.addi %mul3A_0, %arg1 : i32
    %mul3A_1 = arith.constant 80 : i32
    %mul3A_2 = arith.muli %add3A, %mul3A_1 : i32
    "tpu.region"() ({
      %run_scoped3A = tpu.sem_alloc : memref<!tpu.dma_semaphore, #tpu.memory_space<semaphore_mem>>
      %dma_start3A = arith.constant 0 : i32
      %dma_start3A_30 = tpu.memref_slice %arg2[%mul3A_2, %dma_start3A] : memref<2560x128xi32, #tpu.memory_space<hbm>> -> memref<80x128xi32, #tpu.memory_space<hbm>>
      %dma_start3A_31 = arith.constant 0 : i32
      %dma_start3A_32 = tpu.memref_slice %arg2[%mul3A_2, %dma_start3A_31] : memref<2560x128xi32, #tpu.memory_space<hbm>> -> memref<80x128xi32, #tpu.memory_space<hbm>>
      tpu.enqueue_dma source(%dma_start3A_32 : memref<80x128xi32, #tpu.memory_space<hbm>>) target(%arg4 : memref<80x128xi32, #tpu.memory_space<vmem>>) target_semaphore(%run_scoped3A : memref<!tpu.dma_semaphore, #tpu.memory_space<semaphore_mem>>)
      %dma_wait3A = arith.constant 0 : i32
      %dma_wait3A_33 = tpu.memref_slice %arg2[%mul3A_2, %dma_wait3A] : memref<2560x128xi32, #tpu.memory_space<hbm>> -> memref<80x128xi32, #tpu.memory_space<hbm>>
      %dma_wait3A_34 = arith.constant 0 : i32
      %dma_wait3A_35 = tpu.memref_slice %arg2[%mul3A_2, %dma_wait3A_34] : memref<2560x128xi32, #tpu.memory_space<hbm>> -> memref<80x128xi32, #tpu.memory_space<hbm>>
      tpu.wait_dma2 semaphore(%run_scoped3A : memref<!tpu.dma_semaphore, #tpu.memory_space<semaphore_mem>>) src(%dma_wait3A_35 : memref<80x128xi32, #tpu.memory_space<hbm>>) dst(%arg4 : memref<80x128xi32, #tpu.memory_space<vmem>>)
      tpu.yield
    }) : () -> ()
    %scan3A = arith.constant 0 : i32
    %scan3A_3 = arith.constant 128 : i32
    %scan3A_4 = arith.addi %scan3A, %scan3A_3 : i32
    %scan3A_5 = arith.constant 1 : i32
    scf.for %scan3A_30 = %scan3A to %scan3A_4 step %scan3A_5  : i32 {
      %mul3A_31 = arith.constant 1 : i32
      %mul3A_32 = arith.muli %scan3A_30, %mul3A_31 : i32
      %add3A_33 = arith.constant 0 : i32
      %add3A_34 = arith.addi %add3A_33, %mul3A_32 : i32
      %broadcast_in_dim3A = arith.constant 0.000000e+00 : f32
      %broadcast_in_dim3A_35 = vector.broadcast %broadcast_in_dim3A : f32 to vector<16xf32>
      %swap3A = arith.index_cast %add3A_34 : i32 to index
      %swap3A_36 = arith.constant 0 : index
      %swap3A_37 = tpu.vector_load %arg5[%swap3A, %swap3A_36] {strides = array<i32>} : memref<128x16xf32, #tpu.memory_space<vmem>>, vector<1x16xf32>,
      %swap3A_38 = vector.shape_cast %swap3A_37 : vector<1x16xf32> to vector<16xf32>
      %swap3A_39 = vector.shape_cast %broadcast_in_dim3A_35 : vector<16xf32> to vector<1x16xf32>
      tpu.vector_store %arg5[%swap3A, %swap3A_36], %swap3A_39 {strides = array<i32>} : memref<128x16xf32, #tpu.memory_space<vmem>>, vector<1x16xf32>,
    }
    %scan3A_6 = arith.constant 128 : i32
    %scan3A_7 = arith.constant 0 : i32
    %scan3A_8 = arith.constant 5 : i32
    %scan3A_9 = arith.addi %scan3A_7, %scan3A_8 : i32
    %scan3A_10 = arith.constant 1 : i32
    scf.for %scan3A_30 = %scan3A_7 to %scan3A_9 step %scan3A_10  : i32 {
      %mul3A_31 = arith.constant 1 : i32
      %mul3A_32 = arith.muli %scan3A_30, %mul3A_31 : i32
      %add3A_33 = arith.constant 0 : i32
      %add3A_34 = arith.addi %add3A_33, %mul3A_32 : i32
      %mul3A_35 = arith.constant 640 : i32
      %mul3A_36 = arith.muli %arg1, %mul3A_35 : i32
      %mul3A_37 = arith.constant 128 : i32
      %mul3A_38 = arith.muli %add3A_34, %mul3A_37 : i32
      %add3A_39 = arith.addi %mul3A_36, %mul3A_38 : i32
      "tpu.region"() ({
        %run_scoped3A = tpu.sem_alloc : memref<!tpu.dma_semaphore, #tpu.memory_space<semaphore_mem>>
        %dma_start3A = arith.constant 0 : i32
        %dma_start3A_40 = tpu.memref_slice %arg6[%add3A_39, %dma_start3A] : memref<10240x16xf32, #tpu.memory_space<vmem_shared>> -> memref<128x16xf32, #tpu.memory_space<vmem_shared>>
        %dma_start3A_41 = arith.constant 0 : i32
        %dma_start3A_42 = tpu.memref_slice %arg6[%add3A_39, %dma_start3A_41] : memref<10240x16xf32, #tpu.memory_space<vmem_shared>> -> memref<128x16xf32, #tpu.memory_space<vmem_shared>>
        tpu.enqueue_dma source(%arg5 : memref<128x16xf32, #tpu.memory_space<vmem>>) target(%dma_start3A_42 : memref<128x16xf32, #tpu.memory_space<vmem_shared>>) target_semaphore(%run_scoped3A : memref<!tpu.dma_semaphore, #tpu.memory_space<semaphore_mem>>)
        %dma_wait3A = arith.constant 0 : i32
        %dma_wait3A_43 = tpu.memref_slice %arg6[%add3A_39, %dma_wait3A] : memref<10240x16xf32, #tpu.memory_space<vmem_shared>> -> memref<128x16xf32, #tpu.memory_space<vmem_shared>>
        %dma_wait3A_44 = arith.constant 0 : i32
        %dma_wait3A_45 = tpu.memref_slice %arg6[%add3A_39, %dma_wait3A_44] : memref<10240x16xf32, #tpu.memory_space<vmem_shared>> -> memref<128x16xf32, #tpu.memory_space<vmem_shared>>
        tpu.wait_dma2 semaphore(%run_scoped3A : memref<!tpu.dma_semaphore, #tpu.memory_space<semaphore_mem>>) src(%arg5 : memref<128x16xf32, #tpu.memory_space<vmem>>) dst(%dma_wait3A_45 : memref<128x16xf32, #tpu.memory_space<vmem_shared>>)
        tpu.yield
      }) : () -> ()
    }
    %scan3A_11 = arith.constant 5 : i32
    %barrier3A = arith.constant 0 : index
    tpu.barrier barrier_id(%barrier3A)
    %scan3A_12 = arith.constant 0 : i32
    %scan3A_13 = arith.constant 128 : i32
    %scan3A_14 = arith.addi %scan3A_12, %scan3A_13 : i32
    %scan3A_15 = arith.constant 1 : i32
    scf.for %scan3A_30 = %scan3A_12 to %scan3A_14 step %scan3A_15  : i32 {
      %mul3A_31 = arith.constant 1 : i32
      %mul3A_32 = arith.muli %scan3A_30, %mul3A_31 : i32
      %add3A_33 = arith.constant 0 : i32
      %add3A_34 = arith.addi %add3A_33, %mul3A_32 : i32
      %broadcast_in_dim3A = arith.constant 1.000000e+00 : f32
      %broadcast_in_dim3A_35 = vector.broadcast %broadcast_in_dim3A : f32 to vector<16xf32>
      %swap3A = arith.index_cast %add3A_34 : i32 to index
      %swap3A_36 = arith.constant 0 : index
      %swap3A_37 = tpu.vector_load %arg5[%swap3A, %swap3A_36] {strides = array<i32>} : memref<128x16xf32, #tpu.memory_space<vmem>>, vector<1x16xf32>,
      %swap3A_38 = vector.shape_cast %swap3A_37 : vector<1x16xf32> to vector<16xf32>
      %swap3A_39 = vector.shape_cast %broadcast_in_dim3A_35 : vector<16xf32> to vector<1x16xf32>
      tpu.vector_store %arg5[%swap3A, %swap3A_36], %swap3A_39 {strides = array<i32>} : memref<128x16xf32, #tpu.memory_space<vmem>>, vector<1x16xf32>,
    }
    %scan3A_16 = arith.constant 128 : i32
    %scan3A_17 = arith.constant 0 : i32
    %scan3A_18 = arith.constant 80 : i32
    %scan3A_19 = arith.addi %scan3A_17, %scan3A_18 : i32
    %scan3A_20 = arith.constant 1 : i32
    scf.for %scan3A_30 = %scan3A_17 to %scan3A_19 step %scan3A_20  : i32 {
      %mul3A_31 = arith.constant 1 : i32
      %mul3A_32 = arith.muli %scan3A_30, %mul3A_31 : i32
      %add3A_33 = arith.constant 0 : i32
      %add3A_34 = arith.addi %add3A_33, %mul3A_32 : i32
      "tpu.region"() ({
        %run_scoped3A = tpu.sem_alloc : memref<!tpu.dma_semaphore, #tpu.memory_space<semaphore_mem>>
        %dma_start3A = arith.constant 0 : i32
        %dma_start3A_35 = tpu.memref_slice %arg4[%add3A_34, %dma_start3A] : memref<80x128xi32, #tpu.memory_space<vmem>> -> memref<1x128xi32, #tpu.memory_space<vmem>>
        %dma_start3A_36 = tpu.memref_squeeze %dma_start3A_35 : memref<1x128xi32, #tpu.memory_space<vmem>> -> memref<128xi32, #tpu.memory_space<vmem>>
        %dma_start3A_37 = arith.constant 0 : i32
        %dma_start3A_38 = arith.constant 0 : i32
        %dma_start3A_39 = tpu.memref_slice %arg6[%dma_start3A_37, %dma_start3A_38] : memref<10240x16xf32, #tpu.memory_space<vmem_shared>> -> memref<10240x16xf32, #tpu.memory_space<vmem_shared>>
        tpu.enqueue_indirect_dma source(%arg5 : memref<128x16xf32, #tpu.memory_space<vmem>>) target(%dma_start3A_39 : memref<10240x16xf32, #tpu.memory_space<vmem_shared>>) offsets(%dma_start3A_36 : memref<128xi32, #tpu.memory_space<vmem>>) semaphore(%run_scoped3A : memref<!tpu.dma_semaphore, #tpu.memory_space<semaphore_mem>>) {add = true}
        %dma_wait3A = arith.constant 0 : i32
        %dma_wait3A_40 = tpu.memref_slice %arg4[%add3A_34, %dma_wait3A] : memref<80x128xi32, #tpu.memory_space<vmem>> -> memref<1x128xi32, #tpu.memory_space<vmem>>
        %dma_wait3A_41 = tpu.memref_squeeze %dma_wait3A_40 : memref<1x128xi32, #tpu.memory_space<vmem>> -> memref<128xi32, #tpu.memory_space<vmem>>
        %dma_wait3A_42 = arith.constant 0 : i32
        %dma_wait3A_43 = arith.constant 0 : i32
        %dma_wait3A_44 = tpu.memref_slice %arg6[%dma_wait3A_42, %dma_wait3A_43] : memref<10240x16xf32, #tpu.memory_space<vmem_shared>> -> memref<10240x16xf32, #tpu.memory_space<vmem_shared>>
        tpu.wait_indirect_dma semaphore(%run_scoped3A : memref<!tpu.dma_semaphore, #tpu.memory_space<semaphore_mem>>) src(%arg5 : memref<128x16xf32, #tpu.memory_space<vmem>>) dst(%dma_wait3A_44 : memref<10240x16xf32, #tpu.memory_space<vmem_shared>>)
        tpu.yield
      }) : () -> ()
    }
    %scan3A_21 = arith.constant 80 : i32
    %barrier3A_22 = arith.constant 0 : index
    tpu.barrier barrier_id(%barrier3A_22)
    %mul3A_23 = arith.constant 640 : i32
    %mul3A_24 = arith.muli %arg1, %mul3A_23 : i32
    %mul3A_25 = arith.constant 10240 : i32
    %mul3A_26 = arith.muli %arg0, %mul3A_25 : i32
    %mul3A_27 = arith.constant 640 : i32
    %mul3A_28 = arith.muli %arg1, %mul3A_27 : i32
    %add3A_29 = arith.addi %mul3A_26, %mul3A_28 : i32
    "tpu.region"() ({
      %run_scoped3A = tpu.sem_alloc : memref<!tpu.dma_semaphore, #tpu.memory_space<semaphore_mem>>
      %dma_start3A = arith.constant 0 : i32
      %dma_start3A_30 = tpu.memref_slice %arg3[%add3A_29, %dma_start3A] : memref<20480x16xf32, #tpu.memory_space<hbm>> -> memref<640x16xf32, #tpu.memory_space<hbm>>
      %dma_start3A_31 = arith.constant 0 : i32
      %dma_start3A_32 = tpu.memref_slice %arg6[%mul3A_24, %dma_start3A_31] : memref<10240x16xf32, #tpu.memory_space<vmem_shared>> -> memref<640x16xf32, #tpu.memory_space<vmem_shared>>
      tpu.enqueue_dma source(%dma_start3A_32 : memref<640x16xf32, #tpu.memory_space<vmem_shared>>) target(%dma_start3A_30 : memref<640x16xf32, #tpu.memory_space<hbm>>) target_semaphore(%run_scoped3A : memref<!tpu.dma_semaphore, #tpu.memory_space<semaphore_mem>>)
      %dma_wait3A = arith.constant 0 : i32
      %dma_wait3A_33 = tpu.memref_slice %arg3[%add3A_29, %dma_wait3A] : memref<20480x16xf32, #tpu.memory_space<hbm>> -> memref<640x16xf32, #tpu.memory_space<hbm>>
      %dma_wait3A_34 = arith.constant 0 : i32
      %dma_wait3A_35 = tpu.memref_slice %arg6[%mul3A_24, %dma_wait3A_34] : memref<10240x16xf32, #tpu.memory_space<vmem_shared>> -> memref<640x16xf32, #tpu.memory_space<vmem_shared>>
      tpu.wait_dma2 semaphore(%run_scoped3A : memref<!tpu.dma_semaphore, #tpu.memory_space<semaphore_mem>>) src(%dma_wait3A_35 : memref<640x16xf32, #tpu.memory_space<vmem_shared>>) dst(%dma_wait3A_33 : memref<640x16xf32, #tpu.memory_space<hbm>>)
      tpu.yield
    }) : () -> ()
    return
  }
}

#map = affine_map<(d0, d1) -> (0, 0)>
module attributes {stable_mosaic.version = 14 : i64} {
  func.func @round_kernel(%arg0: i32, %arg1: i32, %arg2: memref<10240x128xf32, #tpu.memory_space<hbm>>, %arg3: memref<2560x128xi32, #tpu.memory_space<hbm>>, %arg4: memref<2560x128xi32, #tpu.memory_space<hbm>>, %arg5: memref<20480x128xf32, #tpu.memory_space<hbm>>, %arg6: memref<2x8x128xi32, #tpu.memory_space<vmem>>, %arg7: memref<2x8x128xi32, #tpu.memory_space<vmem>>, %arg8: memref<2x128x128xf32, #tpu.memory_space<vmem>>, %arg9: memref<10240x128xf32, #tpu.memory_space<vmem_shared>>, %arg10: memref<!tpu.dma_semaphore, #tpu.memory_space<semaphore_mem>>, %arg11: memref<!tpu.dma_semaphore, #tpu.memory_space<semaphore_mem>>, %arg12: memref<!tpu.dma_semaphore, #tpu.memory_space<semaphore_mem>>, %arg13: memref<!tpu.dma_semaphore, #tpu.memory_space<semaphore_mem>>, %arg14: memref<!tpu.dma_semaphore, #tpu.memory_space<semaphore_mem>>, %arg15: memref<!tpu.dma_semaphore, #tpu.memory_space<semaphore_mem>>) attributes {dimension_semantics = [#tpu.dimension_semantics<core_parallel>, #tpu.dimension_semantics<subcore_parallel>], iteration_bounds = array<i64: 2, 16>, scalar_prefetch = 0 : i64, scratch_operands = 10 : i64, tpu.core_type = #tpu.core_type<sc_vector_subcore>, window_params = [{transform_indices = #map}, {transform_indices = #map}, {transform_indices = #map}, {transform_indices = #map}]} {
    %lt3A = arith.constant 2 : i32
    %lt3A_0 = arith.cmpi slt, %arg0, %lt3A : i32
    %convert_element_type3A = arith.extui %lt3A_0 : i1 to i32
    %cond3A = arith.constant 0 : i32
    %cond3A_1 = arith.cmpi ne, %convert_element_type3A, %cond3A : i32
    scf.if %cond3A_1 {
      %scan3A = arith.constant 0 : i32
      %scan3A_2 = arith.constant 128 : i32
      %scan3A_3 = arith.addi %scan3A, %scan3A_2 : i32
      %scan3A_4 = arith.constant 1 : i32
      scf.for %scan3A_70 = %scan3A to %scan3A_3 step %scan3A_4  : i32 {
        %mul3A_71 = arith.constant 1 : i32
        %mul3A_72 = arith.muli %scan3A_70, %mul3A_71 : i32
        %add3A_73 = arith.constant 0 : i32
        %add3A_74 = arith.addi %add3A_73, %mul3A_72 : i32
        %scan3A_75 = arith.constant 0 : i32
        %scan3A_76 = arith.constant 8 : i32
        %scan3A_77 = arith.addi %scan3A_75, %scan3A_76 : i32
        %scan3A_78 = arith.constant 1 : i32
        scf.for %scan3A_80 = %scan3A_75 to %scan3A_77 step %scan3A_78  : i32 {
          %mul3A_81 = arith.constant 16 : i32
          %mul3A_82 = arith.muli %scan3A_80, %mul3A_81 : i32
          %add3A_83 = arith.constant 0 : i32
          %add3A_84 = arith.addi %add3A_83, %mul3A_82 : i32
          %broadcast_in_dim3A = arith.constant 0.000000e+00 : f32
          %broadcast_in_dim3A_85 = vector.broadcast %broadcast_in_dim3A : f32 to vector<16xf32>
          %swap3A = arith.constant 0 : i32
          %swap3A_86 = arith.index_cast %swap3A : i32 to index
          %swap3A_87 = arith.index_cast %add3A_74 : i32 to index
          %swap3A_88 = arith.index_cast %add3A_84 : i32 to index
          %swap3A_89 = tpu.vector_load %arg8[%swap3A_86, %swap3A_87, %swap3A_88] {strides = array<i32>} : memref<2x128x128xf32, #tpu.memory_space<vmem>>, vector<1x1x16xf32>,
          %swap3A_90 = vector.shape_cast %swap3A_89 : vector<1x1x16xf32> to vector<16xf32>
          %swap3A_91 = vector.shape_cast %broadcast_in_dim3A_85 : vector<16xf32> to vector<1x1x16xf32>
          tpu.vector_store %arg8[%swap3A_86, %swap3A_87, %swap3A_88], %swap3A_91 {strides = array<i32>} : memref<2x128x128xf32, #tpu.memory_space<vmem>>, vector<1x1x16xf32>,
        }
        %scan3A_79 = arith.constant 8 : i32
      }
      %scan3A_5 = arith.constant 128 : i32
      %scan3A_6 = arith.constant 0 : i32
      %scan3A_7 = arith.constant 5 : i32
      %scan3A_8 = arith.addi %scan3A_6, %scan3A_7 : i32
      %scan3A_9 = arith.constant 1 : i32
      scf.for %scan3A_70 = %scan3A_6 to %scan3A_8 step %scan3A_9  : i32 {
        %mul3A_71 = arith.constant 1 : i32
        %mul3A_72 = arith.muli %scan3A_70, %mul3A_71 : i32
        %add3A_73 = arith.constant 0 : i32
        %add3A_74 = arith.addi %add3A_73, %mul3A_72 : i32
        %mul3A_75 = arith.constant 640 : i32
        %mul3A_76 = arith.muli %arg1, %mul3A_75 : i32
        %mul3A_77 = arith.constant 128 : i32
        %mul3A_78 = arith.muli %add3A_74, %mul3A_77 : i32
        %add3A_79 = arith.addi %mul3A_76, %mul3A_78 : i32
        %run_scoped3A_80 = arith.constant 0 : i32
        "tpu.region"() ({
          %run_scoped3A_81 = tpu.sem_alloc : memref<!tpu.dma_semaphore, #tpu.memory_space<semaphore_mem>>
          %dma_start3A_82 = arith.constant 0 : i32
          %dma_start3A_83 = arith.constant 0 : i32
          %dma_start3A_84 = tpu.memref_slice %arg8[%run_scoped3A_80, %dma_start3A_82, %dma_start3A_83] : memref<2x128x128xf32, #tpu.memory_space<vmem>> -> memref<1x128x128xf32, #tpu.memory_space<vmem>>
          %dma_start3A_85 = tpu.memref_squeeze %dma_start3A_84 : memref<1x128x128xf32, #tpu.memory_space<vmem>> -> memref<128x128xf32, #tpu.memory_space<vmem>>
          %dma_start3A_86 = arith.constant 0 : i32
          %dma_start3A_87 = tpu.memref_slice %arg9[%add3A_79, %dma_start3A_86] : memref<10240x128xf32, #tpu.memory_space<vmem_shared>> -> memref<128x128xf32, #tpu.memory_space<vmem_shared>>
          %dma_start3A_88 = arith.constant 0 : i32
          %dma_start3A_89 = tpu.memref_slice %arg9[%add3A_79, %dma_start3A_88] : memref<10240x128xf32, #tpu.memory_space<vmem_shared>> -> memref<128x128xf32, #tpu.memory_space<vmem_shared>>
          %dma_start3A_90 = arith.constant 0 : i32
          %dma_start3A_91 = arith.constant 0 : i32
          %dma_start3A_92 = tpu.memref_slice %arg8[%run_scoped3A_80, %dma_start3A_90, %dma_start3A_91] : memref<2x128x128xf32, #tpu.memory_space<vmem>> -> memref<1x128x128xf32, #tpu.memory_space<vmem>>
          %dma_start3A_93 = tpu.memref_squeeze %dma_start3A_92 : memref<1x128x128xf32, #tpu.memory_space<vmem>> -> memref<128x128xf32, #tpu.memory_space<vmem>>
          tpu.enqueue_dma source(%dma_start3A_93 : memref<128x128xf32, #tpu.memory_space<vmem>>) target(%dma_start3A_89 : memref<128x128xf32, #tpu.memory_space<vmem_shared>>) target_semaphore(%run_scoped3A_81 : memref<!tpu.dma_semaphore, #tpu.memory_space<semaphore_mem>>)
          %dma_wait3A = arith.constant 0 : i32
          %dma_wait3A_94 = arith.constant 0 : i32
          %dma_wait3A_95 = tpu.memref_slice %arg8[%run_scoped3A_80, %dma_wait3A, %dma_wait3A_94] : memref<2x128x128xf32, #tpu.memory_space<vmem>> -> memref<1x128x128xf32, #tpu.memory_space<vmem>>
          %dma_wait3A_96 = tpu.memref_squeeze %dma_wait3A_95 : memref<1x128x128xf32, #tpu.memory_space<vmem>> -> memref<128x128xf32, #tpu.memory_space<vmem>>
          %dma_wait3A_97 = arith.constant 0 : i32
          %dma_wait3A_98 = tpu.memref_slice %arg9[%add3A_79, %dma_wait3A_97] : memref<10240x128xf32, #tpu.memory_space<vmem_shared>> -> memref<128x128xf32, #tpu.memory_space<vmem_shared>>
          %dma_wait3A_99 = arith.constant 0 : i32
          %dma_wait3A_100 = tpu.memref_slice %arg9[%add3A_79, %dma_wait3A_99] : memref<10240x128xf32, #tpu.memory_space<vmem_shared>> -> memref<128x128xf32, #tpu.memory_space<vmem_shared>>
          %dma_wait3A_101 = arith.constant 0 : i32
          %dma_wait3A_102 = arith.constant 0 : i32
          %dma_wait3A_103 = tpu.memref_slice %arg8[%run_scoped3A_80, %dma_wait3A_101, %dma_wait3A_102] : memref<2x128x128xf32, #tpu.memory_space<vmem>> -> memref<1x128x128xf32, #tpu.memory_space<vmem>>
          %dma_wait3A_104 = tpu.memref_squeeze %dma_wait3A_103 : memref<1x128x128xf32, #tpu.memory_space<vmem>> -> memref<128x128xf32, #tpu.memory_space<vmem>>
          tpu.wait_dma2 semaphore(%run_scoped3A_81 : memref<!tpu.dma_semaphore, #tpu.memory_space<semaphore_mem>>) src(%dma_wait3A_104 : memref<128x128xf32, #tpu.memory_space<vmem>>) dst(%dma_wait3A_100 : memref<128x128xf32, #tpu.memory_space<vmem_shared>>)
          tpu.yield
        }) : () -> ()
      }
      %scan3A_10 = arith.constant 5 : i32
      %barrier3A = arith.constant 0 : index
      tpu.barrier barrier_id(%barrier3A)
      %eq3A = arith.constant 0 : i32
      %eq3A_11 = arith.cmpi eq, %arg0, %eq3A : i32
      %jit3A = arith.constant 10 : i32
      %jit3A_12 = arith.constant 10 : i32
      %select_n3A = arith.select %eq3A_11, %jit3A, %jit3A_12 : i32
      %eq3A_13 = arith.constant 0 : i32
      %eq3A_14 = arith.cmpi eq, %arg0, %eq3A_13 : i32
      %mul3A = arith.constant 80 : i32
      %mul3A_15 = arith.muli %arg1, %mul3A : i32
      %mul3A_16 = arith.constant 80 : i32
      %mul3A_17 = arith.muli %arg1, %mul3A_16 : i32
      %add3A = arith.constant 1280 : i32
      %add3A_18 = arith.addi %add3A, %mul3A_17 : i32
      %select_n3A_19 = arith.select %eq3A_14, %mul3A_15, %add3A_18 : i32
      %run_scoped3A = arith.constant 0 : i32
      "tpu.region"() ({
        %run_scoped3A_70 = tpu.sem_alloc : memref<!tpu.dma_semaphore, #tpu.memory_space<semaphore_mem>>
        %dma_start3A_71 = arith.constant 0 : i32
        %dma_start3A_72 = arith.constant 0 : i32
        %dma_start3A_73 = tpu.memref_slice %arg6[%run_scoped3A, %dma_start3A_71, %dma_start3A_72] : memref<2x8x128xi32, #tpu.memory_space<vmem>> -> memref<1x8x128xi32, #tpu.memory_space<vmem>>
        %dma_start3A_74 = tpu.memref_squeeze %dma_start3A_73 : memref<1x8x128xi32, #tpu.memory_space<vmem>> -> memref<8x128xi32, #tpu.memory_space<vmem>>
        %dma_start3A_75 = arith.constant 0 : i32
        %dma_start3A_76 = tpu.memref_slice %arg3[%select_n3A_19, %dma_start3A_75] : memref<2560x128xi32, #tpu.memory_space<hbm>> -> memref<8x128xi32, #tpu.memory_space<hbm>>
        %dma_start3A_77 = arith.constant 0 : i32
        %dma_start3A_78 = arith.constant 0 : i32
        %dma_start3A_79 = tpu.memref_slice %arg6[%run_scoped3A, %dma_start3A_77, %dma_start3A_78] : memref<2x8x128xi32, #tpu.memory_space<vmem>> -> memref<1x8x128xi32, #tpu.memory_space<vmem>>
        %dma_start3A_80 = tpu.memref_squeeze %dma_start3A_79 : memref<1x8x128xi32, #tpu.memory_space<vmem>> -> memref<8x128xi32, #tpu.memory_space<vmem>>
        %dma_start3A_81 = arith.constant 0 : i32
        %dma_start3A_82 = tpu.memref_slice %arg3[%select_n3A_19, %dma_start3A_81] : memref<2560x128xi32, #tpu.memory_space<hbm>> -> memref<8x128xi32, #tpu.memory_space<hbm>>
        tpu.enqueue_dma source(%dma_start3A_82 : memref<8x128xi32, #tpu.memory_space<hbm>>) target(%dma_start3A_80 : memref<8x128xi32, #tpu.memory_space<vmem>>) target_semaphore(%run_scoped3A_70 : memref<!tpu.dma_semaphore, #tpu.memory_space<semaphore_mem>>)
        %dma_wait3A = arith.constant 0 : i32
        %dma_wait3A_83 = arith.constant 0 : i32
        %dma_wait3A_84 = tpu.memref_slice %arg6[%run_scoped3A, %dma_wait3A, %dma_wait3A_83] : memref<2x8x128xi32, #tpu.memory_space<vmem>> -> memref<1x8x128xi32, #tpu.memory_space<vmem>>
        %dma_wait3A_85 = tpu.memref_squeeze %dma_wait3A_84 : memref<1x8x128xi32, #tpu.memory_space<vmem>> -> memref<8x128xi32, #tpu.memory_space<vmem>>
        %dma_wait3A_86 = arith.constant 0 : i32
        %dma_wait3A_87 = tpu.memref_slice %arg3[%select_n3A_19, %dma_wait3A_86] : memref<2560x128xi32, #tpu.memory_space<hbm>> -> memref<8x128xi32, #tpu.memory_space<hbm>>
        %dma_wait3A_88 = arith.constant 0 : i32
        %dma_wait3A_89 = arith.constant 0 : i32
        %dma_wait3A_90 = tpu.memref_slice %arg6[%run_scoped3A, %dma_wait3A_88, %dma_wait3A_89] : memref<2x8x128xi32, #tpu.memory_space<vmem>> -> memref<1x8x128xi32, #tpu.memory_space<vmem>>
        %dma_wait3A_91 = tpu.memref_squeeze %dma_wait3A_90 : memref<1x8x128xi32, #tpu.memory_space<vmem>> -> memref<8x128xi32, #tpu.memory_space<vmem>>
        %dma_wait3A_92 = arith.constant 0 : i32
        %dma_wait3A_93 = tpu.memref_slice %arg3[%select_n3A_19, %dma_wait3A_92] : memref<2560x128xi32, #tpu.memory_space<hbm>> -> memref<8x128xi32, #tpu.memory_space<hbm>>
        tpu.wait_dma2 semaphore(%run_scoped3A_70 : memref<!tpu.dma_semaphore, #tpu.memory_space<semaphore_mem>>) src(%dma_wait3A_93 : memref<8x128xi32, #tpu.memory_space<hbm>>) dst(%dma_wait3A_91 : memref<8x128xi32, #tpu.memory_space<vmem>>)
        tpu.yield
      }) : () -> ()
      %run_scoped3A_20 = arith.constant 0 : i32
      "tpu.region"() ({
        %run_scoped3A_70 = tpu.sem_alloc : memref<!tpu.dma_semaphore, #tpu.memory_space<semaphore_mem>>
        %dma_start3A_71 = arith.constant 0 : i32
        %dma_start3A_72 = arith.constant 0 : i32
        %dma_start3A_73 = tpu.memref_slice %arg7[%run_scoped3A_20, %dma_start3A_71, %dma_start3A_72] : memref<2x8x128xi32, #tpu.memory_space<vmem>> -> memref<1x8x128xi32, #tpu.memory_space<vmem>>
        %dma_start3A_74 = tpu.memref_squeeze %dma_start3A_73 : memref<1x8x128xi32, #tpu.memory_space<vmem>> -> memref<8x128xi32, #tpu.memory_space<vmem>>
        %dma_start3A_75 = arith.constant 0 : i32
        %dma_start3A_76 = tpu.memref_slice %arg4[%select_n3A_19, %dma_start3A_75] : memref<2560x128xi32, #tpu.memory_space<hbm>> -> memref<8x128xi32, #tpu.memory_space<hbm>>
        %dma_start3A_77 = arith.constant 0 : i32
        %dma_start3A_78 = arith.constant 0 : i32
        %dma_start3A_79 = tpu.memref_slice %arg7[%run_scoped3A_20, %dma_start3A_77, %dma_start3A_78] : memref<2x8x128xi32, #tpu.memory_space<vmem>> -> memref<1x8x128xi32, #tpu.memory_space<vmem>>
        %dma_start3A_80 = tpu.memref_squeeze %dma_start3A_79 : memref<1x8x128xi32, #tpu.memory_space<vmem>> -> memref<8x128xi32, #tpu.memory_space<vmem>>
        %dma_start3A_81 = arith.constant 0 : i32
        %dma_start3A_82 = tpu.memref_slice %arg4[%select_n3A_19, %dma_start3A_81] : memref<2560x128xi32, #tpu.memory_space<hbm>> -> memref<8x128xi32, #tpu.memory_space<hbm>>
        tpu.enqueue_dma source(%dma_start3A_82 : memref<8x128xi32, #tpu.memory_space<hbm>>) target(%dma_start3A_80 : memref<8x128xi32, #tpu.memory_space<vmem>>) target_semaphore(%run_scoped3A_70 : memref<!tpu.dma_semaphore, #tpu.memory_space<semaphore_mem>>)
        %dma_wait3A = arith.constant 0 : i32
        %dma_wait3A_83 = arith.constant 0 : i32
        %dma_wait3A_84 = tpu.memref_slice %arg7[%run_scoped3A_20, %dma_wait3A, %dma_wait3A_83] : memref<2x8x128xi32, #tpu.memory_space<vmem>> -> memref<1x8x128xi32, #tpu.memory_space<vmem>>
        %dma_wait3A_85 = tpu.memref_squeeze %dma_wait3A_84 : memref<1x8x128xi32, #tpu.memory_space<vmem>> -> memref<8x128xi32, #tpu.memory_space<vmem>>
        %dma_wait3A_86 = arith.constant 0 : i32
        %dma_wait3A_87 = tpu.memref_slice %arg4[%select_n3A_19, %dma_wait3A_86] : memref<2560x128xi32, #tpu.memory_space<hbm>> -> memref<8x128xi32, #tpu.memory_space<hbm>>
        %dma_wait3A_88 = arith.constant 0 : i32
        %dma_wait3A_89 = arith.constant 0 : i32
        %dma_wait3A_90 = tpu.memref_slice %arg7[%run_scoped3A_20, %dma_wait3A_88, %dma_wait3A_89] : memref<2x8x128xi32, #tpu.memory_space<vmem>> -> memref<1x8x128xi32, #tpu.memory_space<vmem>>
        %dma_wait3A_91 = tpu.memref_squeeze %dma_wait3A_90 : memref<1x8x128xi32, #tpu.memory_space<vmem>> -> memref<8x128xi32, #tpu.memory_space<vmem>>
        %dma_wait3A_92 = arith.constant 0 : i32
        %dma_wait3A_93 = tpu.memref_slice %arg4[%select_n3A_19, %dma_wait3A_92] : memref<2560x128xi32, #tpu.memory_space<hbm>> -> memref<8x128xi32, #tpu.memory_space<hbm>>
        tpu.wait_dma2 semaphore(%run_scoped3A_70 : memref<!tpu.dma_semaphore, #tpu.memory_space<semaphore_mem>>) src(%dma_wait3A_93 : memref<8x128xi32, #tpu.memory_space<hbm>>) dst(%dma_wait3A_91 : memref<8x128xi32, #tpu.memory_space<vmem>>)
        tpu.yield
      }) : () -> ()
      %dma_start3A = arith.constant 0 : i32
      %dma_start3A_21 = arith.constant 0 : i32
      %dma_start3A_22 = arith.constant 0 : i32
      %dma_start3A_23 = arith.constant 0 : i32
      %dma_start3A_24 = arith.constant 0 : i32
      %dma_start3A_25 = tpu.memref_slice %arg8[%dma_start3A_22, %dma_start3A_23, %dma_start3A_24] : memref<2x128x128xf32, #tpu.memory_space<vmem>> -> memref<1x128x128xf32, #tpu.memory_space<vmem>>
      %dma_start3A_26 = tpu.memref_squeeze %dma_start3A_25 : memref<1x128x128xf32, #tpu.memory_space<vmem>> -> memref<128x128xf32, #tpu.memory_space<vmem>>
      %dma_start3A_27 = arith.constant 0 : i32
      %dma_start3A_28 = tpu.memref_slice %arg6[%dma_start3A, %dma_start3A_21, %dma_start3A_27] : memref<2x8x128xi32, #tpu.memory_space<vmem>> -> memref<1x1x128xi32, #tpu.memory_space<vmem>>
      %dma_start3A_29 = tpu.memref_squeeze %dma_start3A_28 : memref<1x1x128xi32, #tpu.memory_space<vmem>> -> memref<128xi32, #tpu.memory_space<vmem>>
      %dma_start3A_30 = arith.constant 0 : i32
      %dma_start3A_31 = arith.constant 0 : i32
      %dma_start3A_32 = tpu.memref_slice %arg2[%dma_start3A_30, %dma_start3A_31] : memref<10240x128xf32, #tpu.memory_space<hbm>> -> memref<10240x128xf32, #tpu.memory_space<hbm>>
      tpu.enqueue_indirect_dma source(%dma_start3A_32 : memref<10240x128xf32, #tpu.memory_space<hbm>>) target(%dma_start3A_26 : memref<128x128xf32, #tpu.memory_space<vmem>>) offsets(%dma_start3A_29 : memref<128xi32, #tpu.memory_space<vmem>>) semaphore(%arg10 : memref<!tpu.dma_semaphore, #tpu.memory_space<semaphore_mem>>)
      %dma_start3A_33 = arith.constant 0 : i32
      %dma_start3A_34 = arith.constant 1 : i32
      %dma_start3A_35 = arith.constant 1 : i32
      %dma_start3A_36 = arith.constant 0 : i32
      %dma_start3A_37 = arith.constant 0 : i32
      %dma_start3A_38 = tpu.memref_slice %arg8[%dma_start3A_35, %dma_start3A_36, %dma_start3A_37] : memref<2x128x128xf32, #tpu.memory_space<vmem>> -> memref<1x128x128xf32, #tpu.memory_space<vmem>>
      %dma_start3A_39 = tpu.memref_squeeze %dma_start3A_38 : memref<1x128x128xf32, #tpu.memory_space<vmem>> -> memref<128x128xf32, #tpu.memory_space<vmem>>
      %dma_start3A_40 = arith.constant 0 : i32
      %dma_start3A_41 = tpu.memref_slice %arg6[%dma_start3A_33, %dma_start3A_34, %dma_start3A_40] : memref<2x8x128xi32, #tpu.memory_space<vmem>> -> memref<1x1x128xi32, #tpu.memory_space<vmem>>
      %dma_start3A_42 = tpu.memref_squeeze %dma_start3A_41 : memref<1x1x128xi32, #tpu.memory_space<vmem>> -> memref<128xi32, #tpu.memory_space<vmem>>
      %dma_start3A_43 = arith.constant 0 : i32
      %dma_start3A_44 = arith.constant 0 : i32
      %dma_start3A_45 = tpu.memref_slice %arg2[%dma_start3A_43, %dma_start3A_44] : memref<10240x128xf32, #tpu.memory_space<hbm>> -> memref<10240x128xf32, #tpu.memory_space<hbm>>
      tpu.enqueue_indirect_dma source(%dma_start3A_45 : memref<10240x128xf32, #tpu.memory_space<hbm>>) target(%dma_start3A_39 : memref<128x128xf32, #tpu.memory_space<vmem>>) offsets(%dma_start3A_42 : memref<128xi32, #tpu.memory_space<vmem>>) semaphore(%arg11 : memref<!tpu.dma_semaphore, #tpu.memory_space<semaphore_mem>>)
      %sub3A = arith.constant 0 : i32
      %sub3A_46 = arith.subi %select_n3A, %sub3A : i32
      %sub3A_47 = arith.constant 1 : i32
      %sub3A_48 = arith.constant 1 : i32
      %sub3A_49 = arith.subi %sub3A_47, %sub3A_48 : i32
      %add3A_50 = arith.addi %sub3A_46, %sub3A_49 : i32
      %div3A = arith.constant 1 : i32
      %div3A_51 = arith.divsi %add3A_50, %div3A : i32
      %while3A = arith.constant 1 : i32
      %while3A_52 = arith.constant 0 : i32
      %while3A_53 = arith.constant 0 : i32
      %while3A_54 = arith.subi %div3A_51, %while3A_53 : i32
      %while3A_55 = arith.addi %while3A_53, %while3A_54 : i32
      %while3A_56 = arith.constant 1 : i32
      %while3A_57 = arith.divsi %while3A_54, %while3A_56 : i32
      %while3A_58 = arith.muli %while3A_57, %while3A_56 : i32
      %while3A_59 = arith.addi %while3A_53, %while3A_58 : i32
      %while3A_60 = arith.constant 1 : i32
      scf.for %while3A_70 = %while3A_53 to %while3A_59 step %while3A_60  : i32 {
        %mul3A_71 = arith.muli %while3A_70, %while3A : i32
        %add3A_72 = arith.addi %while3A_52, %mul3A_71 : i32
        %jit3A_73 = arith.constant 2 : i32
        %eq3A_74 = arith.constant 0 : i32
        %eq3A_75 = arith.cmpi eq, %jit3A_73, %eq3A_74 : i32
        %jit3A_76 = arith.constant 1 : i32
        %select_n3A_77 = arith.select %eq3A_75, %jit3A_76, %jit3A_73 : i32
        %rem3A = arith.remsi %add3A_72, %select_n3A_77 : i32
        %ne3A = arith.constant 0 : i32
        %ne3A_78 = arith.cmpi ne, %rem3A, %ne3A : i32
        %lt3A_79 = arith.constant 0 : i32
        %lt3A_80 = arith.cmpi slt, %rem3A, %lt3A_79 : i32
        %lt3A_81 = arith.constant 0 : i32
        %lt3A_82 = arith.cmpi slt, %select_n3A_77, %lt3A_81 : i32
        %ne3A_83 = arith.xori %lt3A_80, %lt3A_82 : i1
        %and3A = arith.andi %ne3A_83, %ne3A_78 : i1
        %add3A_84 = arith.addi %rem3A, %select_n3A_77 : i32
        %select_n3A_85 = arith.select %and3A, %add3A_84, %rem3A : i32
        %sub3A_86 = arith.constant 1 : i32
        %sub3A_87 = arith.subi %sub3A_86, %select_n3A_85 : i32
        %sub3A_88 = arith.constant 1 : i32
        %sub3A_89 = arith.subi %select_n3A, %sub3A_88 : i32
        %lt3A_90 = arith.cmpi slt, %add3A_72, %sub3A_89 : i32
        %add3A_91 = arith.constant 1 : i32
        %add3A_92 = arith.addi %add3A_72, %add3A_91 : i32
        %mul3A_93 = arith.constant 8 : i32
        %mul3A_94 = arith.muli %add3A_92, %mul3A_93 : i32
        %add3A_95 = arith.addi %select_n3A_19, %mul3A_94 : i32
        %convert_element_type3A_96 = arith.extui %lt3A_90 : i1 to i32
        %cond3A_97 = arith.constant 0 : i32
        %cond3A_98 = arith.cmpi ne, %convert_element_type3A_96, %cond3A_97 : i32
        scf.if %cond3A_98 {
          %dma_start3A_480 = arith.constant 0 : i32
          %dma_start3A_481 = arith.constant 0 : i32
          %dma_start3A_482 = tpu.memref_slice %arg6[%sub3A_87, %dma_start3A_480, %dma_start3A_481] : memref<2x8x128xi32, #tpu.memory_space<vmem>> -> memref<1x8x128xi32, #tpu.memory_space<vmem>>
          %dma_start3A_483 = tpu.memref_squeeze %dma_start3A_482 : memref<1x8x128xi32, #tpu.memory_space<vmem>> -> memref<8x128xi32, #tpu.memory_space<vmem>>
          %dma_start3A_484 = arith.constant 0 : i32
          %dma_start3A_485 = tpu.memref_slice %arg3[%add3A_95, %dma_start3A_484] : memref<2560x128xi32, #tpu.memory_space<hbm>> -> memref<8x128xi32, #tpu.memory_space<hbm>>
          %dma_start3A_486 = arith.constant 0 : i32
          %dma_start3A_487 = arith.constant 0 : i32
          %dma_start3A_488 = tpu.memref_slice %arg6[%sub3A_87, %dma_start3A_486, %dma_start3A_487] : memref<2x8x128xi32, #tpu.memory_space<vmem>> -> memref<1x8x128xi32, #tpu.memory_space<vmem>>
          %dma_start3A_489 = tpu.memref_squeeze %dma_start3A_488 : memref<1x8x128xi32, #tpu.memory_space<vmem>> -> memref<8x128xi32, #tpu.memory_space<vmem>>
          %dma_start3A_490 = arith.constant 0 : i32
          %dma_start3A_491 = tpu.memref_slice %arg3[%add3A_95, %dma_start3A_490] : memref<2560x128xi32, #tpu.memory_space<hbm>> -> memref<8x128xi32, #tpu.memory_space<hbm>>
          tpu.enqueue_dma source(%dma_start3A_491 : memref<8x128xi32, #tpu.memory_space<hbm>>) target(%dma_start3A_489 : memref<8x128xi32, #tpu.memory_space<vmem>>) target_semaphore(%arg14 : memref<!tpu.dma_semaphore, #tpu.memory_space<semaphore_mem>>)
          %dma_start3A_492 = arith.constant 0 : i32
          %dma_start3A_493 = arith.constant 0 : i32
          %dma_start3A_494 = tpu.memref_slice %arg7[%sub3A_87, %dma_start3A_492, %dma_start3A_493] : memref<2x8x128xi32, #tpu.memory_space<vmem>> -> memref<1x8x128xi32, #tpu.memory_space<vmem>>
          %dma_start3A_495 = tpu.memref_squeeze %dma_start3A_494 : memref<1x8x128xi32, #tpu.memory_space<vmem>> -> memref<8x128xi32, #tpu.memory_space<vmem>>
          %dma_start3A_496 = arith.constant 0 : i32
          %dma_start3A_497 = tpu.memref_slice %arg4[%add3A_95, %dma_start3A_496] : memref<2560x128xi32, #tpu.memory_space<hbm>> -> memref<8x128xi32, #tpu.memory_space<hbm>>
          %dma_start3A_498 = arith.constant 0 : i32
          %dma_start3A_499 = arith.constant 0 : i32
          %dma_start3A_500 = tpu.memref_slice %arg7[%sub3A_87, %dma_start3A_498, %dma_start3A_499] : memref<2x8x128xi32, #tpu.memory_space<vmem>> -> memref<1x8x128xi32, #tpu.memory_space<vmem>>
          %dma_start3A_501 = tpu.memref_squeeze %dma_start3A_500 : memref<1x8x128xi32, #tpu.memory_space<vmem>> -> memref<8x128xi32, #tpu.memory_space<vmem>>
          %dma_start3A_502 = arith.constant 0 : i32
          %dma_start3A_503 = tpu.memref_slice %arg4[%add3A_95, %dma_start3A_502] : memref<2560x128xi32, #tpu.memory_space<hbm>> -> memref<8x128xi32, #tpu.memory_space<hbm>>
          tpu.enqueue_dma source(%dma_start3A_503 : memref<8x128xi32, #tpu.memory_space<hbm>>) target(%dma_start3A_501 : memref<8x128xi32, #tpu.memory_space<vmem>>) target_semaphore(%arg15 : memref<!tpu.dma_semaphore, #tpu.memory_space<semaphore_mem>>)
        } else {
        }
        %dma_wait3A = arith.constant 0 : i32
        %dma_wait3A_99 = arith.constant 0 : i32
        %dma_wait3A_100 = arith.constant 0 : i32
        %dma_wait3A_101 = arith.constant 0 : i32
        %dma_wait3A_102 = arith.constant 0 : i32
        %dma_wait3A_103 = tpu.memref_slice %arg8[%dma_wait3A_100, %dma_wait3A_101, %dma_wait3A_102] : memref<2x128x128xf32, #tpu.memory_space<vmem>> -> memref<1x128x128xf32, #tpu.memory_space<vmem>>
        %dma_wait3A_104 = tpu.memref_squeeze %dma_wait3A_103 : memref<1x128x128xf32, #tpu.memory_space<vmem>> -> memref<128x128xf32, #tpu.memory_space<vmem>>
        %dma_wait3A_105 = arith.constant 0 : i32
        %dma_wait3A_106 = tpu.memref_slice %arg6[%dma_wait3A, %dma_wait3A_99, %dma_wait3A_105] : memref<2x8x128xi32, #tpu.memory_space<vmem>> -> memref<1x1x128xi32, #tpu.memory_space<vmem>>
        %dma_wait3A_107 = tpu.memref_squeeze %dma_wait3A_106 : memref<1x1x128xi32, #tpu.memory_space<vmem>> -> memref<128xi32, #tpu.memory_space<vmem>>
        %dma_wait3A_108 = arith.constant 0 : i32
        %dma_wait3A_109 = arith.constant 0 : i32
        %dma_wait3A_110 = tpu.memref_slice %arg2[%dma_wait3A_108, %dma_wait3A_109] : memref<10240x128xf32, #tpu.memory_space<hbm>> -> memref<10240x128xf32, #tpu.memory_space<hbm>>
        tpu.wait_indirect_dma semaphore(%arg10 : memref<!tpu.dma_semaphore, #tpu.memory_space<semaphore_mem>>) src(%dma_wait3A_110 : memref<10240x128xf32, #tpu.memory_space<hbm>>) dst(%dma_wait3A_104 : memref<128x128xf32, #tpu.memory_space<vmem>>)
        %dma_start3A_111 = arith.constant 0 : i32
        %dma_start3A_112 = arith.constant 0 : i32
        %dma_start3A_113 = arith.constant 0 : i32
        %dma_start3A_114 = arith.constant 0 : i32
        %dma_start3A_115 = tpu.memref_slice %arg8[%dma_start3A_111, %dma_start3A_113, %dma_start3A_114] : memref<2x128x128xf32, #tpu.memory_space<vmem>> -> memref<1x128x128xf32, #tpu.memory_space<vmem>>
        %dma_start3A_116 = tpu.memref_squeeze %dma_start3A_115 : memref<1x128x128xf32, #tpu.memory_space<vmem>> -> memref<128x128xf32, #tpu.memory_space<vmem>>
        %dma_start3A_117 = arith.constant 0 : i32
        %dma_start3A_118 = tpu.memref_slice %arg7[%select_n3A_85, %dma_start3A_112, %dma_start3A_117] : memref<2x8x128xi32, #tpu.memory_space<vmem>> -> memref<1x1x128xi32, #tpu.memory_space<vmem>>
        %dma_start3A_119 = tpu.memref_squeeze %dma_start3A_118 : memref<1x1x128xi32, #tpu.memory_space<vmem>> -> memref<128xi32, #tpu.memory_space<vmem>>
        %dma_start3A_120 = arith.constant 0 : i32
        %dma_start3A_121 = arith.constant 0 : i32
        %dma_start3A_122 = tpu.memref_slice %arg9[%dma_start3A_120, %dma_start3A_121] : memref<10240x128xf32, #tpu.memory_space<vmem_shared>> -> memref<10240x128xf32, #tpu.memory_space<vmem_shared>>
        tpu.enqueue_indirect_dma source(%dma_start3A_116 : memref<128x128xf32, #tpu.memory_space<vmem>>) target(%dma_start3A_122 : memref<10240x128xf32, #tpu.memory_space<vmem_shared>>) offsets(%dma_start3A_119 : memref<128xi32, #tpu.memory_space<vmem>>) semaphore(%arg12 : memref<!tpu.dma_semaphore, #tpu.memory_space<semaphore_mem>>) {add = true}
        %dma_wait3A_123 = arith.constant 0 : i32
        %dma_wait3A_124 = arith.constant 0 : i32
        %dma_wait3A_125 = arith.constant 1 : i32
        %dma_wait3A_126 = arith.constant 0 : i32
        %dma_wait3A_127 = arith.constant 0 : i32
        %dma_wait3A_128 = tpu.memref_slice %arg8[%dma_wait3A_125, %dma_wait3A_126, %dma_wait3A_127] : memref<2x128x128xf32, #tpu.memory_space<vmem>> -> memref<1x128x128xf32, #tpu.memory_space<vmem>>
        %dma_wait3A_129 = tpu.memref_squeeze %dma_wait3A_128 : memref<1x128x128xf32, #tpu.memory_space<vmem>> -> memref<128x128xf32, #tpu.memory_space<vmem>>
        %dma_wait3A_130 = arith.constant 0 : i32
        %dma_wait3A_131 = tpu.memref_slice %arg6[%dma_wait3A_123, %dma_wait3A_124, %dma_wait3A_130] : memref<2x8x128xi32, #tpu.memory_space<vmem>> -> memref<1x1x128xi32, #tpu.memory_space<vmem>>
        %dma_wait3A_132 = tpu.memref_squeeze %dma_wait3A_131 : memref<1x1x128xi32, #tpu.memory_space<vmem>> -> memref<128xi32, #tpu.memory_space<vmem>>
        %dma_wait3A_133 = arith.constant 0 : i32
        %dma_wait3A_134 = arith.constant 0 : i32
        %dma_wait3A_135 = tpu.memref_slice %arg2[%dma_wait3A_133, %dma_wait3A_134] : memref<10240x128xf32, #tpu.memory_space<hbm>> -> memref<10240x128xf32, #tpu.memory_space<hbm>>
        tpu.wait_indirect_dma semaphore(%arg11 : memref<!tpu.dma_semaphore, #tpu.memory_space<semaphore_mem>>) src(%dma_wait3A_135 : memref<10240x128xf32, #tpu.memory_space<hbm>>) dst(%dma_wait3A_129 : memref<128x128xf32, #tpu.memory_space<vmem>>)
        %dma_start3A_136 = arith.constant 1 : i32
        %dma_start3A_137 = arith.constant 1 : i32
        %dma_start3A_138 = arith.constant 0 : i32
        %dma_start3A_139 = arith.constant 0 : i32
        %dma_start3A_140 = tpu.memref_slice %arg8[%dma_start3A_136, %dma_start3A_138, %dma_start3A_139] : memref<2x128x128xf32, #tpu.memory_space<vmem>> -> memref<1x128x128xf32, #tpu.memory_space<vmem>>
        %dma_start3A_141 = tpu.memref_squeeze %dma_start3A_140 : memref<1x128x128xf32, #tpu.memory_space<vmem>> -> memref<128x128xf32, #tpu.memory_space<vmem>>
        %dma_start3A_142 = arith.constant 0 : i32
        %dma_start3A_143 = tpu.memref_slice %arg7[%select_n3A_85, %dma_start3A_137, %dma_start3A_142] : memref<2x8x128xi32, #tpu.memory_space<vmem>> -> memref<1x1x128xi32, #tpu.memory_space<vmem>>
        %dma_start3A_144 = tpu.memref_squeeze %dma_start3A_143 : memref<1x1x128xi32, #tpu.memory_space<vmem>> -> memref<128xi32, #tpu.memory_space<vmem>>
        %dma_start3A_145 = arith.constant 0 : i32
        %dma_start3A_146 = arith.constant 0 : i32
        %dma_start3A_147 = tpu.memref_slice %arg9[%dma_start3A_145, %dma_start3A_146] : memref<10240x128xf32, #tpu.memory_space<vmem_shared>> -> memref<10240x128xf32, #tpu.memory_space<vmem_shared>>
        tpu.enqueue_indirect_dma source(%dma_start3A_141 : memref<128x128xf32, #tpu.memory_space<vmem>>) target(%dma_start3A_147 : memref<10240x128xf32, #tpu.memory_space<vmem_shared>>) offsets(%dma_start3A_144 : memref<128xi32, #tpu.memory_space<vmem>>) semaphore(%arg13 : memref<!tpu.dma_semaphore, #tpu.memory_space<semaphore_mem>>) {add = true}
        %dma_wait3A_148 = arith.constant 0 : i32
        %dma_wait3A_149 = arith.constant 0 : i32
        %dma_wait3A_150 = arith.constant 0 : i32
        %dma_wait3A_151 = arith.constant 0 : i32
        %dma_wait3A_152 = arith.constant 0 : i32
        %dma_wait3A_153 = tpu.memref_slice %arg8[%dma_wait3A_148, %dma_wait3A_151, %dma_wait3A_152] : memref<2x128x128xf32, #tpu.memory_space<vmem>> -> memref<1x128x128xf32, #tpu.memory_space<vmem>>
        %dma_wait3A_154 = tpu.memref_squeeze %dma_wait3A_153 : memref<1x128x128xf32, #tpu.memory_space<vmem>> -> memref<128x128xf32, #tpu.memory_space<vmem>>
        %dma_wait3A_155 = arith.constant 0 : i32
        %dma_wait3A_156 = tpu.memref_slice %arg7[%dma_wait3A_149, %dma_wait3A_150, %dma_wait3A_155] : memref<2x8x128xi32, #tpu.memory_space<vmem>> -> memref<1x1x128xi32, #tpu.memory_space<vmem>>
        %dma_wait3A_157 = tpu.memref_squeeze %dma_wait3A_156 : memref<1x1x128xi32, #tpu.memory_space<vmem>> -> memref<128xi32, #tpu.memory_space<vmem>>
        %dma_wait3A_158 = arith.constant 0 : i32
        %dma_wait3A_159 = arith.constant 0 : i32
        %dma_wait3A_160 = tpu.memref_slice %arg9[%dma_wait3A_158, %dma_wait3A_159] : memref<10240x128xf32, #tpu.memory_space<vmem_shared>> -> memref<10240x128xf32, #tpu.memory_space<vmem_shared>>
        tpu.wait_indirect_dma semaphore(%arg12 : memref<!tpu.dma_semaphore, #tpu.memory_space<semaphore_mem>>) src(%dma_wait3A_154 : memref<128x128xf32, #tpu.memory_space<vmem>>) dst(%dma_wait3A_160 : memref<10240x128xf32, #tpu.memory_space<vmem_shared>>)
        %dma_start3A_161 = arith.constant 2 : i32
        %dma_start3A_162 = arith.constant 0 : i32
        %dma_start3A_163 = arith.constant 0 : i32
        %dma_start3A_164 = arith.constant 0 : i32
        %dma_start3A_165 = tpu.memref_slice %arg8[%dma_start3A_162, %dma_start3A_163, %dma_start3A_164] : memref<2x128x128xf32, #tpu.memory_space<vmem>> -> memref<1x128x128xf32, #tpu.memory_space<vmem>>
        %dma_start3A_166 = tpu.memref_squeeze %dma_start3A_165 : memref<1x128x128xf32, #tpu.memory_space<vmem>> -> memref<128x128xf32, #tpu.memory_space<vmem>>
        %dma_start3A_167 = arith.constant 0 : i32
        %dma_start3A_168 = tpu.memref_slice %arg6[%select_n3A_85, %dma_start3A_161, %dma_start3A_167] : memref<2x8x128xi32, #tpu.memory_space<vmem>> -> memref<1x1x128xi32, #tpu.memory_space<vmem>>
        %dma_start3A_169 = tpu.memref_squeeze %dma_start3A_168 : memref<1x1x128xi32, #tpu.memory_space<vmem>> -> memref<128xi32, #tpu.memory_space<vmem>>
        %dma_start3A_170 = arith.constant 0 : i32
        %dma_start3A_171 = arith.constant 0 : i32
        %dma_start3A_172 = tpu.memref_slice %arg2[%dma_start3A_170, %dma_start3A_171] : memref<10240x128xf32, #tpu.memory_space<hbm>> -> memref<10240x128xf32, #tpu.memory_space<hbm>>
        tpu.enqueue_indirect_dma source(%dma_start3A_172 : memref<10240x128xf32, #tpu.memory_space<hbm>>) target(%dma_start3A_166 : memref<128x128xf32, #tpu.memory_space<vmem>>) offsets(%dma_start3A_169 : memref<128xi32, #tpu.memory_space<vmem>>) semaphore(%arg10 : memref<!tpu.dma_semaphore, #tpu.memory_space<semaphore_mem>>)
        %dma_wait3A_173 = arith.constant 1 : i32
        %dma_wait3A_174 = arith.constant 0 : i32
        %dma_wait3A_175 = arith.constant 0 : i32
        %dma_wait3A_176 = arith.constant 0 : i32
        %dma_wait3A_177 = arith.constant 0 : i32
        %dma_wait3A_178 = tpu.memref_slice %arg8[%dma_wait3A_173, %dma_wait3A_176, %dma_wait3A_177] : memref<2x128x128xf32, #tpu.memory_space<vmem>> -> memref<1x128x128xf32, #tpu.memory_space<vmem>>
        %dma_wait3A_179 = tpu.memref_squeeze %dma_wait3A_178 : memref<1x128x128xf32, #tpu.memory_space<vmem>> -> memref<128x128xf32, #tpu.memory_space<vmem>>
        %dma_wait3A_180 = arith.constant 0 : i32
        %dma_wait3A_181 = tpu.memref_slice %arg7[%dma_wait3A_174, %dma_wait3A_175, %dma_wait3A_180] : memref<2x8x128xi32, #tpu.memory_space<vmem>> -> memref<1x1x128xi32, #tpu.memory_space<vmem>>
        %dma_wait3A_182 = tpu.memref_squeeze %dma_wait3A_181 : memref<1x1x128xi32, #tpu.memory_space<vmem>> -> memref<128xi32, #tpu.memory_space<vmem>>
        %dma_wait3A_183 = arith.constant 0 : i32
        %dma_wait3A_184 = arith.constant 0 : i32
        %dma_wait3A_185 = tpu.memref_slice %arg9[%dma_wait3A_183, %dma_wait3A_184] : memref<10240x128xf32, #tpu.memory_space<vmem_shared>> -> memref<10240x128xf32, #tpu.memory_space<vmem_shared>>
        tpu.wait_indirect_dma semaphore(%arg13 : memref<!tpu.dma_semaphore, #tpu.memory_space<semaphore_mem>>) src(%dma_wait3A_179 : memref<128x128xf32, #tpu.memory_space<vmem>>) dst(%dma_wait3A_185 : memref<10240x128xf32, #tpu.memory_space<vmem_shared>>)
        %dma_start3A_186 = arith.constant 3 : i32
        %dma_start3A_187 = arith.constant 1 : i32
        %dma_start3A_188 = arith.constant 0 : i32
        %dma_start3A_189 = arith.constant 0 : i32
        %dma_start3A_190 = tpu.memref_slice %arg8[%dma_start3A_187, %dma_start3A_188, %dma_start3A_189] : memref<2x128x128xf32, #tpu.memory_space<vmem>> -> memref<1x128x128xf32, #tpu.memory_space<vmem>>
        %dma_start3A_191 = tpu.memref_squeeze %dma_start3A_190 : memref<1x128x128xf32, #tpu.memory_space<vmem>> -> memref<128x128xf32, #tpu.memory_space<vmem>>
        %dma_start3A_192 = arith.constant 0 : i32
        %dma_start3A_193 = tpu.memref_slice %arg6[%select_n3A_85, %dma_start3A_186, %dma_start3A_192] : memref<2x8x128xi32, #tpu.memory_space<vmem>> -> memref<1x1x128xi32, #tpu.memory_space<vmem>>
        %dma_start3A_194 = tpu.memref_squeeze %dma_start3A_193 : memref<1x1x128xi32, #tpu.memory_space<vmem>> -> memref<128xi32, #tpu.memory_space<vmem>>
        %dma_start3A_195 = arith.constant 0 : i32
        %dma_start3A_196 = arith.constant 0 : i32
        %dma_start3A_197 = tpu.memref_slice %arg2[%dma_start3A_195, %dma_start3A_196] : memref<10240x128xf32, #tpu.memory_space<hbm>> -> memref<10240x128xf32, #tpu.memory_space<hbm>>
        tpu.enqueue_indirect_dma source(%dma_start3A_197 : memref<10240x128xf32, #tpu.memory_space<hbm>>) target(%dma_start3A_191 : memref<128x128xf32, #tpu.memory_space<vmem>>) offsets(%dma_start3A_194 : memref<128xi32, #tpu.memory_space<vmem>>) semaphore(%arg11 : memref<!tpu.dma_semaphore, #tpu.memory_space<semaphore_mem>>)
        %dma_wait3A_198 = arith.constant 0 : i32
        %dma_wait3A_199 = arith.constant 0 : i32
        %dma_wait3A_200 = arith.constant 0 : i32
        %dma_wait3A_201 = arith.constant 0 : i32
        %dma_wait3A_202 = arith.constant 0 : i32
        %dma_wait3A_203 = tpu.memref_slice %arg8[%dma_wait3A_200, %dma_wait3A_201, %dma_wait3A_202] : memref<2x128x128xf32, #tpu.memory_space<vmem>> -> memref<1x128x128xf32, #tpu.memory_space<vmem>>
        %dma_wait3A_204 = tpu.memref_squeeze %dma_wait3A_203 : memref<1x128x128xf32, #tpu.memory_space<vmem>> -> memref<128x128xf32, #tpu.memory_space<vmem>>
        %dma_wait3A_205 = arith.constant 0 : i32
        %dma_wait3A_206 = tpu.memref_slice %arg6[%dma_wait3A_198, %dma_wait3A_199, %dma_wait3A_205] : memref<2x8x128xi32, #tpu.memory_space<vmem>> -> memref<1x1x128xi32, #tpu.memory_space<vmem>>
        %dma_wait3A_207 = tpu.memref_squeeze %dma_wait3A_206 : memref<1x1x128xi32, #tpu.memory_space<vmem>> -> memref<128xi32, #tpu.memory_space<vmem>>
        %dma_wait3A_208 = arith.constant 0 : i32
        %dma_wait3A_209 = arith.constant 0 : i32
        %dma_wait3A_210 = tpu.memref_slice %arg2[%dma_wait3A_208, %dma_wait3A_209] : memref<10240x128xf32, #tpu.memory_space<hbm>> -> memref<10240x128xf32, #tpu.memory_space<hbm>>
        tpu.wait_indirect_dma semaphore(%arg10 : memref<!tpu.dma_semaphore, #tpu.memory_space<semaphore_mem>>) src(%dma_wait3A_210 : memref<10240x128xf32, #tpu.memory_space<hbm>>) dst(%dma_wait3A_204 : memref<128x128xf32, #tpu.memory_space<vmem>>)
        %dma_start3A_211 = arith.constant 0 : i32
        %dma_start3A_212 = arith.constant 2 : i32
        %dma_start3A_213 = arith.constant 0 : i32
        %dma_start3A_214 = arith.constant 0 : i32
        %dma_start3A_215 = tpu.memref_slice %arg8[%dma_start3A_211, %dma_start3A_213, %dma_start3A_214] : memref<2x128x128xf32, #tpu.memory_space<vmem>> -> memref<1x128x128xf32, #tpu.memory_space<vmem>>
        %dma_start3A_216 = tpu.memref_squeeze %dma_start3A_215 : memref<1x128x128xf32, #tpu.memory_space<vmem>> -> memref<128x128xf32, #tpu.memory_space<vmem>>
        %dma_start3A_217 = arith.constant 0 : i32
        %dma_start3A_218 = tpu.memref_slice %arg7[%select_n3A_85, %dma_start3A_212, %dma_start3A_217] : memref<2x8x128xi32, #tpu.memory_space<vmem>> -> memref<1x1x128xi32, #tpu.memory_space<vmem>>
        %dma_start3A_219 = tpu.memref_squeeze %dma_start3A_218 : memref<1x1x128xi32, #tpu.memory_space<vmem>> -> memref<128xi32, #tpu.memory_space<vmem>>
        %dma_start3A_220 = arith.constant 0 : i32
        %dma_start3A_221 = arith.constant 0 : i32
        %dma_start3A_222 = tpu.memref_slice %arg9[%dma_start3A_220, %dma_start3A_221] : memref<10240x128xf32, #tpu.memory_space<vmem_shared>> -> memref<10240x128xf32, #tpu.memory_space<vmem_shared>>
        tpu.enqueue_indirect_dma source(%dma_start3A_216 : memref<128x128xf32, #tpu.memory_space<vmem>>) target(%dma_start3A_222 : memref<10240x128xf32, #tpu.memory_space<vmem_shared>>) offsets(%dma_start3A_219 : memref<128xi32, #tpu.memory_space<vmem>>) semaphore(%arg12 : memref<!tpu.dma_semaphore, #tpu.memory_space<semaphore_mem>>) {add = true}
        %dma_wait3A_223 = arith.constant 0 : i32
        %dma_wait3A_224 = arith.constant 0 : i32
        %dma_wait3A_225 = arith.constant 1 : i32
        %dma_wait3A_226 = arith.constant 0 : i32
        %dma_wait3A_227 = arith.constant 0 : i32
        %dma_wait3A_228 = tpu.memref_slice %arg8[%dma_wait3A_225, %dma_wait3A_226, %dma_wait3A_227] : memref<2x128x128xf32, #tpu.memory_space<vmem>> -> memref<1x128x128xf32, #tpu.memory_space<vmem>>
        %dma_wait3A_229 = tpu.memref_squeeze %dma_wait3A_228 : memref<1x128x128xf32, #tpu.memory_space<vmem>> -> memref<128x128xf32, #tpu.memory_space<vmem>>
        %dma_wait3A_230 = arith.constant 0 : i32
        %dma_wait3A_231 = tpu.memref_slice %arg6[%dma_wait3A_223, %dma_wait3A_224, %dma_wait3A_230] : memref<2x8x128xi32, #tpu.memory_space<vmem>> -> memref<1x1x128xi32, #tpu.memory_space<vmem>>
        %dma_wait3A_232 = tpu.memref_squeeze %dma_wait3A_231 : memref<1x1x128xi32, #tpu.memory_space<vmem>> -> memref<128xi32, #tpu.memory_space<vmem>>
        %dma_wait3A_233 = arith.constant 0 : i32
        %dma_wait3A_234 = arith.constant 0 : i32
        %dma_wait3A_235 = tpu.memref_slice %arg2[%dma_wait3A_233, %dma_wait3A_234] : memref<10240x128xf32, #tpu.memory_space<hbm>> -> memref<10240x128xf32, #tpu.memory_space<hbm>>
        tpu.wait_indirect_dma semaphore(%arg11 : memref<!tpu.dma_semaphore, #tpu.memory_space<semaphore_mem>>) src(%dma_wait3A_235 : memref<10240x128xf32, #tpu.memory_space<hbm>>) dst(%dma_wait3A_229 : memref<128x128xf32, #tpu.memory_space<vmem>>)
        %dma_start3A_236 = arith.constant 1 : i32
        %dma_start3A_237 = arith.constant 3 : i32
        %dma_start3A_238 = arith.constant 0 : i32
        %dma_start3A_239 = arith.constant 0 : i32
        %dma_start3A_240 = tpu.memref_slice %arg8[%dma_start3A_236, %dma_start3A_238, %dma_start3A_239] : memref<2x128x128xf32, #tpu.memory_space<vmem>> -> memref<1x128x128xf32, #tpu.memory_space<vmem>>
        %dma_start3A_241 = tpu.memref_squeeze %dma_start3A_240 : memref<1x128x128xf32, #tpu.memory_space<vmem>> -> memref<128x128xf32, #tpu.memory_space<vmem>>
        %dma_start3A_242 = arith.constant 0 : i32
        %dma_start3A_243 = tpu.memref_slice %arg7[%select_n3A_85, %dma_start3A_237, %dma_start3A_242] : memref<2x8x128xi32, #tpu.memory_space<vmem>> -> memref<1x1x128xi32, #tpu.memory_space<vmem>>
        %dma_start3A_244 = tpu.memref_squeeze %dma_start3A_243 : memref<1x1x128xi32, #tpu.memory_space<vmem>> -> memref<128xi32, #tpu.memory_space<vmem>>
        %dma_start3A_245 = arith.constant 0 : i32
        %dma_start3A_246 = arith.constant 0 : i32
        %dma_start3A_247 = tpu.memref_slice %arg9[%dma_start3A_245, %dma_start3A_246] : memref<10240x128xf32, #tpu.memory_space<vmem_shared>> -> memref<10240x128xf32, #tpu.memory_space<vmem_shared>>
        tpu.enqueue_indirect_dma source(%dma_start3A_241 : memref<128x128xf32, #tpu.memory_space<vmem>>) target(%dma_start3A_247 : memref<10240x128xf32, #tpu.memory_space<vmem_shared>>) offsets(%dma_start3A_244 : memref<128xi32, #tpu.memory_space<vmem>>) semaphore(%arg13 : memref<!tpu.dma_semaphore, #tpu.memory_space<semaphore_mem>>) {add = true}
        %dma_wait3A_248 = arith.constant 0 : i32
        %dma_wait3A_249 = arith.constant 0 : i32
        %dma_wait3A_250 = arith.constant 0 : i32
        %dma_wait3A_251 = arith.constant 0 : i32
        %dma_wait3A_252 = arith.constant 0 : i32
        %dma_wait3A_253 = tpu.memref_slice %arg8[%dma_wait3A_248, %dma_wait3A_251, %dma_wait3A_252] : memref<2x128x128xf32, #tpu.memory_space<vmem>> -> memref<1x128x128xf32, #tpu.memory_space<vmem>>
        %dma_wait3A_254 = tpu.memref_squeeze %dma_wait3A_253 : memref<1x128x128xf32, #tpu.memory_space<vmem>> -> memref<128x128xf32, #tpu.memory_space<vmem>>
        %dma_wait3A_255 = arith.constant 0 : i32
        %dma_wait3A_256 = tpu.memref_slice %arg7[%dma_wait3A_249, %dma_wait3A_250, %dma_wait3A_255] : memref<2x8x128xi32, #tpu.memory_space<vmem>> -> memref<1x1x128xi32, #tpu.memory_space<vmem>>
        %dma_wait3A_257 = tpu.memref_squeeze %dma_wait3A_256 : memref<1x1x128xi32, #tpu.memory_space<vmem>> -> memref<128xi32, #tpu.memory_space<vmem>>
        %dma_wait3A_258 = arith.constant 0 : i32
        %dma_wait3A_259 = arith.constant 0 : i32
        %dma_wait3A_260 = tpu.memref_slice %arg9[%dma_wait3A_258, %dma_wait3A_259] : memref<10240x128xf32, #tpu.memory_space<vmem_shared>> -> memref<10240x128xf32, #tpu.memory_space<vmem_shared>>
        tpu.wait_indirect_dma semaphore(%arg12 : memref<!tpu.dma_semaphore, #tpu.memory_space<semaphore_mem>>) src(%dma_wait3A_254 : memref<128x128xf32, #tpu.memory_space<vmem>>) dst(%dma_wait3A_260 : memref<10240x128xf32, #tpu.memory_space<vmem_shared>>)
        %dma_start3A_261 = arith.constant 4 : i32
        %dma_start3A_262 = arith.constant 0 : i32
        %dma_start3A_263 = arith.constant 0 : i32
        %dma_start3A_264 = arith.constant 0 : i32
        %dma_start3A_265 = tpu.memref_slice %arg8[%dma_start3A_262, %dma_start3A_263, %dma_start3A_264] : memref<2x128x128xf32, #tpu.memory_space<vmem>> -> memref<1x128x128xf32, #tpu.memory_space<vmem>>
        %dma_start3A_266 = tpu.memref_squeeze %dma_start3A_265 : memref<1x128x128xf32, #tpu.memory_space<vmem>> -> memref<128x128xf32, #tpu.memory_space<vmem>>
        %dma_start3A_267 = arith.constant 0 : i32
        %dma_start3A_268 = tpu.memref_slice %arg6[%select_n3A_85, %dma_start3A_261, %dma_start3A_267] : memref<2x8x128xi32, #tpu.memory_space<vmem>> -> memref<1x1x128xi32, #tpu.memory_space<vmem>>
        %dma_start3A_269 = tpu.memref_squeeze %dma_start3A_268 : memref<1x1x128xi32, #tpu.memory_space<vmem>> -> memref<128xi32, #tpu.memory_space<vmem>>
        %dma_start3A_270 = arith.constant 0 : i32
        %dma_start3A_271 = arith.constant 0 : i32
        %dma_start3A_272 = tpu.memref_slice %arg2[%dma_start3A_270, %dma_start3A_271] : memref<10240x128xf32, #tpu.memory_space<hbm>> -> memref<10240x128xf32, #tpu.memory_space<hbm>>
        tpu.enqueue_indirect_dma source(%dma_start3A_272 : memref<10240x128xf32, #tpu.memory_space<hbm>>) target(%dma_start3A_266 : memref<128x128xf32, #tpu.memory_space<vmem>>) offsets(%dma_start3A_269 : memref<128xi32, #tpu.memory_space<vmem>>) semaphore(%arg10 : memref<!tpu.dma_semaphore, #tpu.memory_space<semaphore_mem>>)
        %dma_wait3A_273 = arith.constant 1 : i32
        %dma_wait3A_274 = arith.constant 0 : i32
        %dma_wait3A_275 = arith.constant 0 : i32
        %dma_wait3A_276 = arith.constant 0 : i32
        %dma_wait3A_277 = arith.constant 0 : i32
        %dma_wait3A_278 = tpu.memref_slice %arg8[%dma_wait3A_273, %dma_wait3A_276, %dma_wait3A_277] : memref<2x128x128xf32, #tpu.memory_space<vmem>> -> memref<1x128x128xf32, #tpu.memory_space<vmem>>
        %dma_wait3A_279 = tpu.memref_squeeze %dma_wait3A_278 : memref<1x128x128xf32, #tpu.memory_space<vmem>> -> memref<128x128xf32, #tpu.memory_space<vmem>>
        %dma_wait3A_280 = arith.constant 0 : i32
        %dma_wait3A_281 = tpu.memref_slice %arg7[%dma_wait3A_274, %dma_wait3A_275, %dma_wait3A_280] : memref<2x8x128xi32, #tpu.memory_space<vmem>> -> memref<1x1x128xi32, #tpu.memory_space<vmem>>
        %dma_wait3A_282 = tpu.memref_squeeze %dma_wait3A_281 : memref<1x1x128xi32, #tpu.memory_space<vmem>> -> memref<128xi32, #tpu.memory_space<vmem>>
        %dma_wait3A_283 = arith.constant 0 : i32
        %dma_wait3A_284 = arith.constant 0 : i32
        %dma_wait3A_285 = tpu.memref_slice %arg9[%dma_wait3A_283, %dma_wait3A_284] : memref<10240x128xf32, #tpu.memory_space<vmem_shared>> -> memref<10240x128xf32, #tpu.memory_space<vmem_shared>>
        tpu.wait_indirect_dma semaphore(%arg13 : memref<!tpu.dma_semaphore, #tpu.memory_space<semaphore_mem>>) src(%dma_wait3A_279 : memref<128x128xf32, #tpu.memory_space<vmem>>) dst(%dma_wait3A_285 : memref<10240x128xf32, #tpu.memory_space<vmem_shared>>)
        %dma_start3A_286 = arith.constant 5 : i32
        %dma_start3A_287 = arith.constant 1 : i32
        %dma_start3A_288 = arith.constant 0 : i32
        %dma_start3A_289 = arith.constant 0 : i32
        %dma_start3A_290 = tpu.memref_slice %arg8[%dma_start3A_287, %dma_start3A_288, %dma_start3A_289] : memref<2x128x128xf32, #tpu.memory_space<vmem>> -> memref<1x128x128xf32, #tpu.memory_space<vmem>>
        %dma_start3A_291 = tpu.memref_squeeze %dma_start3A_290 : memref<1x128x128xf32, #tpu.memory_space<vmem>> -> memref<128x128xf32, #tpu.memory_space<vmem>>
        %dma_start3A_292 = arith.constant 0 : i32
        %dma_start3A_293 = tpu.memref_slice %arg6[%select_n3A_85, %dma_start3A_286, %dma_start3A_292] : memref<2x8x128xi32, #tpu.memory_space<vmem>> -> memref<1x1x128xi32, #tpu.memory_space<vmem>>
        %dma_start3A_294 = tpu.memref_squeeze %dma_start3A_293 : memref<1x1x128xi32, #tpu.memory_space<vmem>> -> memref<128xi32, #tpu.memory_space<vmem>>
        %dma_start3A_295 = arith.constant 0 : i32
        %dma_start3A_296 = arith.constant 0 : i32
        %dma_start3A_297 = tpu.memref_slice %arg2[%dma_start3A_295, %dma_start3A_296] : memref<10240x128xf32, #tpu.memory_space<hbm>> -> memref<10240x128xf32, #tpu.memory_space<hbm>>
        tpu.enqueue_indirect_dma source(%dma_start3A_297 : memref<10240x128xf32, #tpu.memory_space<hbm>>) target(%dma_start3A_291 : memref<128x128xf32, #tpu.memory_space<vmem>>) offsets(%dma_start3A_294 : memref<128xi32, #tpu.memory_space<vmem>>) semaphore(%arg11 : memref<!tpu.dma_semaphore, #tpu.memory_space<semaphore_mem>>)
        %dma_wait3A_298 = arith.constant 0 : i32
        %dma_wait3A_299 = arith.constant 0 : i32
        %dma_wait3A_300 = arith.constant 0 : i32
        %dma_wait3A_301 = arith.constant 0 : i32
        %dma_wait3A_302 = arith.constant 0 : i32
        %dma_wait3A_303 = tpu.memref_slice %arg8[%dma_wait3A_300, %dma_wait3A_301, %dma_wait3A_302] : memref<2x128x128xf32, #tpu.memory_space<vmem>> -> memref<1x128x128xf32, #tpu.memory_space<vmem>>
        %dma_wait3A_304 = tpu.memref_squeeze %dma_wait3A_303 : memref<1x128x128xf32, #tpu.memory_space<vmem>> -> memref<128x128xf32, #tpu.memory_space<vmem>>
        %dma_wait3A_305 = arith.constant 0 : i32
        %dma_wait3A_306 = tpu.memref_slice %arg6[%dma_wait3A_298, %dma_wait3A_299, %dma_wait3A_305] : memref<2x8x128xi32, #tpu.memory_space<vmem>> -> memref<1x1x128xi32, #tpu.memory_space<vmem>>
        %dma_wait3A_307 = tpu.memref_squeeze %dma_wait3A_306 : memref<1x1x128xi32, #tpu.memory_space<vmem>> -> memref<128xi32, #tpu.memory_space<vmem>>
        %dma_wait3A_308 = arith.constant 0 : i32
        %dma_wait3A_309 = arith.constant 0 : i32
        %dma_wait3A_310 = tpu.memref_slice %arg2[%dma_wait3A_308, %dma_wait3A_309] : memref<10240x128xf32, #tpu.memory_space<hbm>> -> memref<10240x128xf32, #tpu.memory_space<hbm>>
        tpu.wait_indirect_dma semaphore(%arg10 : memref<!tpu.dma_semaphore, #tpu.memory_space<semaphore_mem>>) src(%dma_wait3A_310 : memref<10240x128xf32, #tpu.memory_space<hbm>>) dst(%dma_wait3A_304 : memref<128x128xf32, #tpu.memory_space<vmem>>)
        %dma_start3A_311 = arith.constant 0 : i32
        %dma_start3A_312 = arith.constant 4 : i32
        %dma_start3A_313 = arith.constant 0 : i32
        %dma_start3A_314 = arith.constant 0 : i32
        %dma_start3A_315 = tpu.memref_slice %arg8[%dma_start3A_311, %dma_start3A_313, %dma_start3A_314] : memref<2x128x128xf32, #tpu.memory_space<vmem>> -> memref<1x128x128xf32, #tpu.memory_space<vmem>>
        %dma_start3A_316 = tpu.memref_squeeze %dma_start3A_315 : memref<1x128x128xf32, #tpu.memory_space<vmem>> -> memref<128x128xf32, #tpu.memory_space<vmem>>
        %dma_start3A_317 = arith.constant 0 : i32
        %dma_start3A_318 = tpu.memref_slice %arg7[%select_n3A_85, %dma_start3A_312, %dma_start3A_317] : memref<2x8x128xi32, #tpu.memory_space<vmem>> -> memref<1x1x128xi32, #tpu.memory_space<vmem>>
        %dma_start3A_319 = tpu.memref_squeeze %dma_start3A_318 : memref<1x1x128xi32, #tpu.memory_space<vmem>> -> memref<128xi32, #tpu.memory_space<vmem>>
        %dma_start3A_320 = arith.constant 0 : i32
        %dma_start3A_321 = arith.constant 0 : i32
        %dma_start3A_322 = tpu.memref_slice %arg9[%dma_start3A_320, %dma_start3A_321] : memref<10240x128xf32, #tpu.memory_space<vmem_shared>> -> memref<10240x128xf32, #tpu.memory_space<vmem_shared>>
        tpu.enqueue_indirect_dma source(%dma_start3A_316 : memref<128x128xf32, #tpu.memory_space<vmem>>) target(%dma_start3A_322 : memref<10240x128xf32, #tpu.memory_space<vmem_shared>>) offsets(%dma_start3A_319 : memref<128xi32, #tpu.memory_space<vmem>>) semaphore(%arg12 : memref<!tpu.dma_semaphore, #tpu.memory_space<semaphore_mem>>) {add = true}
        %dma_wait3A_323 = arith.constant 0 : i32
        %dma_wait3A_324 = arith.constant 0 : i32
        %dma_wait3A_325 = arith.constant 1 : i32
        %dma_wait3A_326 = arith.constant 0 : i32
        %dma_wait3A_327 = arith.constant 0 : i32
        %dma_wait3A_328 = tpu.memref_slice %arg8[%dma_wait3A_325, %dma_wait3A_326, %dma_wait3A_327] : memref<2x128x128xf32, #tpu.memory_space<vmem>> -> memref<1x128x128xf32, #tpu.memory_space<vmem>>
        %dma_wait3A_329 = tpu.memref_squeeze %dma_wait3A_328 : memref<1x128x128xf32, #tpu.memory_space<vmem>> -> memref<128x128xf32, #tpu.memory_space<vmem>>
        %dma_wait3A_330 = arith.constant 0 : i32
        %dma_wait3A_331 = tpu.memref_slice %arg6[%dma_wait3A_323, %dma_wait3A_324, %dma_wait3A_330] : memref<2x8x128xi32, #tpu.memory_space<vmem>> -> memref<1x1x128xi32, #tpu.memory_space<vmem>>
        %dma_wait3A_332 = tpu.memref_squeeze %dma_wait3A_331 : memref<1x1x128xi32, #tpu.memory_space<vmem>> -> memref<128xi32, #tpu.memory_space<vmem>>
        %dma_wait3A_333 = arith.constant 0 : i32
        %dma_wait3A_334 = arith.constant 0 : i32
        %dma_wait3A_335 = tpu.memref_slice %arg2[%dma_wait3A_333, %dma_wait3A_334] : memref<10240x128xf32, #tpu.memory_space<hbm>> -> memref<10240x128xf32, #tpu.memory_space<hbm>>
        tpu.wait_indirect_dma semaphore(%arg11 : memref<!tpu.dma_semaphore, #tpu.memory_space<semaphore_mem>>) src(%dma_wait3A_335 : memref<10240x128xf32, #tpu.memory_space<hbm>>) dst(%dma_wait3A_329 : memref<128x128xf32, #tpu.memory_space<vmem>>)
        %dma_start3A_336 = arith.constant 1 : i32
        %dma_start3A_337 = arith.constant 5 : i32
        %dma_start3A_338 = arith.constant 0 : i32
        %dma_start3A_339 = arith.constant 0 : i32
        %dma_start3A_340 = tpu.memref_slice %arg8[%dma_start3A_336, %dma_start3A_338, %dma_start3A_339] : memref<2x128x128xf32, #tpu.memory_space<vmem>> -> memref<1x128x128xf32, #tpu.memory_space<vmem>>
        %dma_start3A_341 = tpu.memref_squeeze %dma_start3A_340 : memref<1x128x128xf32, #tpu.memory_space<vmem>> -> memref<128x128xf32, #tpu.memory_space<vmem>>
        %dma_start3A_342 = arith.constant 0 : i32
        %dma_start3A_343 = tpu.memref_slice %arg7[%select_n3A_85, %dma_start3A_337, %dma_start3A_342] : memref<2x8x128xi32, #tpu.memory_space<vmem>> -> memref<1x1x128xi32, #tpu.memory_space<vmem>>
        %dma_start3A_344 = tpu.memref_squeeze %dma_start3A_343 : memref<1x1x128xi32, #tpu.memory_space<vmem>> -> memref<128xi32, #tpu.memory_space<vmem>>
        %dma_start3A_345 = arith.constant 0 : i32
        %dma_start3A_346 = arith.constant 0 : i32
        %dma_start3A_347 = tpu.memref_slice %arg9[%dma_start3A_345, %dma_start3A_346] : memref<10240x128xf32, #tpu.memory_space<vmem_shared>> -> memref<10240x128xf32, #tpu.memory_space<vmem_shared>>
        tpu.enqueue_indirect_dma source(%dma_start3A_341 : memref<128x128xf32, #tpu.memory_space<vmem>>) target(%dma_start3A_347 : memref<10240x128xf32, #tpu.memory_space<vmem_shared>>) offsets(%dma_start3A_344 : memref<128xi32, #tpu.memory_space<vmem>>) semaphore(%arg13 : memref<!tpu.dma_semaphore, #tpu.memory_space<semaphore_mem>>) {add = true}
        %dma_wait3A_348 = arith.constant 0 : i32
        %dma_wait3A_349 = arith.constant 0 : i32
        %dma_wait3A_350 = arith.constant 0 : i32
        %dma_wait3A_351 = arith.constant 0 : i32
        %dma_wait3A_352 = arith.constant 0 : i32
        %dma_wait3A_353 = tpu.memref_slice %arg8[%dma_wait3A_348, %dma_wait3A_351, %dma_wait3A_352] : memref<2x128x128xf32, #tpu.memory_space<vmem>> -> memref<1x128x128xf32, #tpu.memory_space<vmem>>
        %dma_wait3A_354 = tpu.memref_squeeze %dma_wait3A_353 : memref<1x128x128xf32, #tpu.memory_space<vmem>> -> memref<128x128xf32, #tpu.memory_space<vmem>>
        %dma_wait3A_355 = arith.constant 0 : i32
        %dma_wait3A_356 = tpu.memref_slice %arg7[%dma_wait3A_349, %dma_wait3A_350, %dma_wait3A_355] : memref<2x8x128xi32, #tpu.memory_space<vmem>> -> memref<1x1x128xi32, #tpu.memory_space<vmem>>
        %dma_wait3A_357 = tpu.memref_squeeze %dma_wait3A_356 : memref<1x1x128xi32, #tpu.memory_space<vmem>> -> memref<128xi32, #tpu.memory_space<vmem>>
        %dma_wait3A_358 = arith.constant 0 : i32
        %dma_wait3A_359 = arith.constant 0 : i32
        %dma_wait3A_360 = tpu.memref_slice %arg9[%dma_wait3A_358, %dma_wait3A_359] : memref<10240x128xf32, #tpu.memory_space<vmem_shared>> -> memref<10240x128xf32, #tpu.memory_space<vmem_shared>>
        tpu.wait_indirect_dma semaphore(%arg12 : memref<!tpu.dma_semaphore, #tpu.memory_space<semaphore_mem>>) src(%dma_wait3A_354 : memref<128x128xf32, #tpu.memory_space<vmem>>) dst(%dma_wait3A_360 : memref<10240x128xf32, #tpu.memory_space<vmem_shared>>)
        %dma_start3A_361 = arith.constant 6 : i32
        %dma_start3A_362 = arith.constant 0 : i32
        %dma_start3A_363 = arith.constant 0 : i32
        %dma_start3A_364 = arith.constant 0 : i32
        %dma_start3A_365 = tpu.memref_slice %arg8[%dma_start3A_362, %dma_start3A_363, %dma_start3A_364] : memref<2x128x128xf32, #tpu.memory_space<vmem>> -> memref<1x128x128xf32, #tpu.memory_space<vmem>>
        %dma_start3A_366 = tpu.memref_squeeze %dma_start3A_365 : memref<1x128x128xf32, #tpu.memory_space<vmem>> -> memref<128x128xf32, #tpu.memory_space<vmem>>
        %dma_start3A_367 = arith.constant 0 : i32
        %dma_start3A_368 = tpu.memref_slice %arg6[%select_n3A_85, %dma_start3A_361, %dma_start3A_367] : memref<2x8x128xi32, #tpu.memory_space<vmem>> -> memref<1x1x128xi32, #tpu.memory_space<vmem>>
        %dma_start3A_369 = tpu.memref_squeeze %dma_start3A_368 : memref<1x1x128xi32, #tpu.memory_space<vmem>> -> memref<128xi32, #tpu.memory_space<vmem>>
        %dma_start3A_370 = arith.constant 0 : i32
        %dma_start3A_371 = arith.constant 0 : i32
        %dma_start3A_372 = tpu.memref_slice %arg2[%dma_start3A_370, %dma_start3A_371] : memref<10240x128xf32, #tpu.memory_space<hbm>> -> memref<10240x128xf32, #tpu.memory_space<hbm>>
        tpu.enqueue_indirect_dma source(%dma_start3A_372 : memref<10240x128xf32, #tpu.memory_space<hbm>>) target(%dma_start3A_366 : memref<128x128xf32, #tpu.memory_space<vmem>>) offsets(%dma_start3A_369 : memref<128xi32, #tpu.memory_space<vmem>>) semaphore(%arg10 : memref<!tpu.dma_semaphore, #tpu.memory_space<semaphore_mem>>)
        %dma_wait3A_373 = arith.constant 1 : i32
        %dma_wait3A_374 = arith.constant 0 : i32
        %dma_wait3A_375 = arith.constant 0 : i32
        %dma_wait3A_376 = arith.constant 0 : i32
        %dma_wait3A_377 = arith.constant 0 : i32
        %dma_wait3A_378 = tpu.memref_slice %arg8[%dma_wait3A_373, %dma_wait3A_376, %dma_wait3A_377] : memref<2x128x128xf32, #tpu.memory_space<vmem>> -> memref<1x128x128xf32, #tpu.memory_space<vmem>>
        %dma_wait3A_379 = tpu.memref_squeeze %dma_wait3A_378 : memref<1x128x128xf32, #tpu.memory_space<vmem>> -> memref<128x128xf32, #tpu.memory_space<vmem>>
        %dma_wait3A_380 = arith.constant 0 : i32
        %dma_wait3A_381 = tpu.memref_slice %arg7[%dma_wait3A_374, %dma_wait3A_375, %dma_wait3A_380] : memref<2x8x128xi32, #tpu.memory_space<vmem>> -> memref<1x1x128xi32, #tpu.memory_space<vmem>>
        %dma_wait3A_382 = tpu.memref_squeeze %dma_wait3A_381 : memref<1x1x128xi32, #tpu.memory_space<vmem>> -> memref<128xi32, #tpu.memory_space<vmem>>
        %dma_wait3A_383 = arith.constant 0 : i32
        %dma_wait3A_384 = arith.constant 0 : i32
        %dma_wait3A_385 = tpu.memref_slice %arg9[%dma_wait3A_383, %dma_wait3A_384] : memref<10240x128xf32, #tpu.memory_space<vmem_shared>> -> memref<10240x128xf32, #tpu.memory_space<vmem_shared>>
        tpu.wait_indirect_dma semaphore(%arg13 : memref<!tpu.dma_semaphore, #tpu.memory_space<semaphore_mem>>) src(%dma_wait3A_379 : memref<128x128xf32, #tpu.memory_space<vmem>>) dst(%dma_wait3A_385 : memref<10240x128xf32, #tpu.memory_space<vmem_shared>>)
        %dma_start3A_386 = arith.constant 7 : i32
        %dma_start3A_387 = arith.constant 1 : i32
        %dma_start3A_388 = arith.constant 0 : i32
        %dma_start3A_389 = arith.constant 0 : i32
        %dma_start3A_390 = tpu.memref_slice %arg8[%dma_start3A_387, %dma_start3A_388, %dma_start3A_389] : memref<2x128x128xf32, #tpu.memory_space<vmem>> -> memref<1x128x128xf32, #tpu.memory_space<vmem>>
        %dma_start3A_391 = tpu.memref_squeeze %dma_start3A_390 : memref<1x128x128xf32, #tpu.memory_space<vmem>> -> memref<128x128xf32, #tpu.memory_space<vmem>>
        %dma_start3A_392 = arith.constant 0 : i32
        %dma_start3A_393 = tpu.memref_slice %arg6[%select_n3A_85, %dma_start3A_386, %dma_start3A_392] : memref<2x8x128xi32, #tpu.memory_space<vmem>> -> memref<1x1x128xi32, #tpu.memory_space<vmem>>
        %dma_start3A_394 = tpu.memref_squeeze %dma_start3A_393 : memref<1x1x128xi32, #tpu.memory_space<vmem>> -> memref<128xi32, #tpu.memory_space<vmem>>
        %dma_start3A_395 = arith.constant 0 : i32
        %dma_start3A_396 = arith.constant 0 : i32
        %dma_start3A_397 = tpu.memref_slice %arg2[%dma_start3A_395, %dma_start3A_396] : memref<10240x128xf32, #tpu.memory_space<hbm>> -> memref<10240x128xf32, #tpu.memory_space<hbm>>
        tpu.enqueue_indirect_dma source(%dma_start3A_397 : memref<10240x128xf32, #tpu.memory_space<hbm>>) target(%dma_start3A_391 : memref<128x128xf32, #tpu.memory_space<vmem>>) offsets(%dma_start3A_394 : memref<128xi32, #tpu.memory_space<vmem>>) semaphore(%arg11 : memref<!tpu.dma_semaphore, #tpu.memory_space<semaphore_mem>>)
        %dma_wait3A_398 = arith.constant 0 : i32
        %dma_wait3A_399 = arith.constant 0 : i32
        %dma_wait3A_400 = arith.constant 0 : i32
        %dma_wait3A_401 = arith.constant 0 : i32
        %dma_wait3A_402 = arith.constant 0 : i32
        %dma_wait3A_403 = tpu.memref_slice %arg8[%dma_wait3A_400, %dma_wait3A_401, %dma_wait3A_402] : memref<2x128x128xf32, #tpu.memory_space<vmem>> -> memref<1x128x128xf32, #tpu.memory_space<vmem>>
        %dma_wait3A_404 = tpu.memref_squeeze %dma_wait3A_403 : memref<1x128x128xf32, #tpu.memory_space<vmem>> -> memref<128x128xf32, #tpu.memory_space<vmem>>
        %dma_wait3A_405 = arith.constant 0 : i32
        %dma_wait3A_406 = tpu.memref_slice %arg6[%dma_wait3A_398, %dma_wait3A_399, %dma_wait3A_405] : memref<2x8x128xi32, #tpu.memory_space<vmem>> -> memref<1x1x128xi32, #tpu.memory_space<vmem>>
        %dma_wait3A_407 = tpu.memref_squeeze %dma_wait3A_406 : memref<1x1x128xi32, #tpu.memory_space<vmem>> -> memref<128xi32, #tpu.memory_space<vmem>>
        %dma_wait3A_408 = arith.constant 0 : i32
        %dma_wait3A_409 = arith.constant 0 : i32
        %dma_wait3A_410 = tpu.memref_slice %arg2[%dma_wait3A_408, %dma_wait3A_409] : memref<10240x128xf32, #tpu.memory_space<hbm>> -> memref<10240x128xf32, #tpu.memory_space<hbm>>
        tpu.wait_indirect_dma semaphore(%arg10 : memref<!tpu.dma_semaphore, #tpu.memory_space<semaphore_mem>>) src(%dma_wait3A_410 : memref<10240x128xf32, #tpu.memory_space<hbm>>) dst(%dma_wait3A_404 : memref<128x128xf32, #tpu.memory_space<vmem>>)
        %dma_start3A_411 = arith.constant 0 : i32
        %dma_start3A_412 = arith.constant 6 : i32
        %dma_start3A_413 = arith.constant 0 : i32
        %dma_start3A_414 = arith.constant 0 : i32
        %dma_start3A_415 = tpu.memref_slice %arg8[%dma_start3A_411, %dma_start3A_413, %dma_start3A_414] : memref<2x128x128xf32, #tpu.memory_space<vmem>> -> memref<1x128x128xf32, #tpu.memory_space<vmem>>
        %dma_start3A_416 = tpu.memref_squeeze %dma_start3A_415 : memref<1x128x128xf32, #tpu.memory_space<vmem>> -> memref<128x128xf32, #tpu.memory_space<vmem>>
        %dma_start3A_417 = arith.constant 0 : i32
        %dma_start3A_418 = tpu.memref_slice %arg7[%select_n3A_85, %dma_start3A_412, %dma_start3A_417] : memref<2x8x128xi32, #tpu.memory_space<vmem>> -> memref<1x1x128xi32, #tpu.memory_space<vmem>>
        %dma_start3A_419 = tpu.memref_squeeze %dma_start3A_418 : memref<1x1x128xi32, #tpu.memory_space<vmem>> -> memref<128xi32, #tpu.memory_space<vmem>>
        %dma_start3A_420 = arith.constant 0 : i32
        %dma_start3A_421 = arith.constant 0 : i32
        %dma_start3A_422 = tpu.memref_slice %arg9[%dma_start3A_420, %dma_start3A_421] : memref<10240x128xf32, #tpu.memory_space<vmem_shared>> -> memref<10240x128xf32, #tpu.memory_space<vmem_shared>>
        tpu.enqueue_indirect_dma source(%dma_start3A_416 : memref<128x128xf32, #tpu.memory_space<vmem>>) target(%dma_start3A_422 : memref<10240x128xf32, #tpu.memory_space<vmem_shared>>) offsets(%dma_start3A_419 : memref<128xi32, #tpu.memory_space<vmem>>) semaphore(%arg12 : memref<!tpu.dma_semaphore, #tpu.memory_space<semaphore_mem>>) {add = true}
        %dma_wait3A_423 = arith.constant 0 : i32
        %dma_wait3A_424 = arith.constant 0 : i32
        %dma_wait3A_425 = arith.constant 1 : i32
        %dma_wait3A_426 = arith.constant 0 : i32
        %dma_wait3A_427 = arith.constant 0 : i32
        %dma_wait3A_428 = tpu.memref_slice %arg8[%dma_wait3A_425, %dma_wait3A_426, %dma_wait3A_427] : memref<2x128x128xf32, #tpu.memory_space<vmem>> -> memref<1x128x128xf32, #tpu.memory_space<vmem>>
        %dma_wait3A_429 = tpu.memref_squeeze %dma_wait3A_428 : memref<1x128x128xf32, #tpu.memory_space<vmem>> -> memref<128x128xf32, #tpu.memory_space<vmem>>
        %dma_wait3A_430 = arith.constant 0 : i32
        %dma_wait3A_431 = tpu.memref_slice %arg6[%dma_wait3A_423, %dma_wait3A_424, %dma_wait3A_430] : memref<2x8x128xi32, #tpu.memory_space<vmem>> -> memref<1x1x128xi32, #tpu.memory_space<vmem>>
        %dma_wait3A_432 = tpu.memref_squeeze %dma_wait3A_431 : memref<1x1x128xi32, #tpu.memory_space<vmem>> -> memref<128xi32, #tpu.memory_space<vmem>>
        %dma_wait3A_433 = arith.constant 0 : i32
        %dma_wait3A_434 = arith.constant 0 : i32
        %dma_wait3A_435 = tpu.memref_slice %arg2[%dma_wait3A_433, %dma_wait3A_434] : memref<10240x128xf32, #tpu.memory_space<hbm>> -> memref<10240x128xf32, #tpu.memory_space<hbm>>
        tpu.wait_indirect_dma semaphore(%arg11 : memref<!tpu.dma_semaphore, #tpu.memory_space<semaphore_mem>>) src(%dma_wait3A_435 : memref<10240x128xf32, #tpu.memory_space<hbm>>) dst(%dma_wait3A_429 : memref<128x128xf32, #tpu.memory_space<vmem>>)
        %dma_start3A_436 = arith.constant 1 : i32
        %dma_start3A_437 = arith.constant 7 : i32
        %dma_start3A_438 = arith.constant 0 : i32
        %dma_start3A_439 = arith.constant 0 : i32
        %dma_start3A_440 = tpu.memref_slice %arg8[%dma_start3A_436, %dma_start3A_438, %dma_start3A_439] : memref<2x128x128xf32, #tpu.memory_space<vmem>> -> memref<1x128x128xf32, #tpu.memory_space<vmem>>
        %dma_start3A_441 = tpu.memref_squeeze %dma_start3A_440 : memref<1x128x128xf32, #tpu.memory_space<vmem>> -> memref<128x128xf32, #tpu.memory_space<vmem>>
        %dma_start3A_442 = arith.constant 0 : i32
        %dma_start3A_443 = tpu.memref_slice %arg7[%select_n3A_85, %dma_start3A_437, %dma_start3A_442] : memref<2x8x128xi32, #tpu.memory_space<vmem>> -> memref<1x1x128xi32, #tpu.memory_space<vmem>>
        %dma_start3A_444 = tpu.memref_squeeze %dma_start3A_443 : memref<1x1x128xi32, #tpu.memory_space<vmem>> -> memref<128xi32, #tpu.memory_space<vmem>>
        %dma_start3A_445 = arith.constant 0 : i32
        %dma_start3A_446 = arith.constant 0 : i32
        %dma_start3A_447 = tpu.memref_slice %arg9[%dma_start3A_445, %dma_start3A_446] : memref<10240x128xf32, #tpu.memory_space<vmem_shared>> -> memref<10240x128xf32, #tpu.memory_space<vmem_shared>>
        tpu.enqueue_indirect_dma source(%dma_start3A_441 : memref<128x128xf32, #tpu.memory_space<vmem>>) target(%dma_start3A_447 : memref<10240x128xf32, #tpu.memory_space<vmem_shared>>) offsets(%dma_start3A_444 : memref<128xi32, #tpu.memory_space<vmem>>) semaphore(%arg13 : memref<!tpu.dma_semaphore, #tpu.memory_space<semaphore_mem>>) {add = true}
        %dma_wait3A_448 = arith.constant 0 : i32
        %dma_wait3A_449 = arith.constant 0 : i32
        %dma_wait3A_450 = arith.constant 0 : i32
        %dma_wait3A_451 = arith.constant 0 : i32
        %dma_wait3A_452 = arith.constant 0 : i32
        %dma_wait3A_453 = tpu.memref_slice %arg8[%dma_wait3A_448, %dma_wait3A_451, %dma_wait3A_452] : memref<2x128x128xf32, #tpu.memory_space<vmem>> -> memref<1x128x128xf32, #tpu.memory_space<vmem>>
        %dma_wait3A_454 = tpu.memref_squeeze %dma_wait3A_453 : memref<1x128x128xf32, #tpu.memory_space<vmem>> -> memref<128x128xf32, #tpu.memory_space<vmem>>
        %dma_wait3A_455 = arith.constant 0 : i32
        %dma_wait3A_456 = tpu.memref_slice %arg7[%dma_wait3A_449, %dma_wait3A_450, %dma_wait3A_455] : memref<2x8x128xi32, #tpu.memory_space<vmem>> -> memref<1x1x128xi32, #tpu.memory_space<vmem>>
        %dma_wait3A_457 = tpu.memref_squeeze %dma_wait3A_456 : memref<1x1x128xi32, #tpu.memory_space<vmem>> -> memref<128xi32, #tpu.memory_space<vmem>>
        %dma_wait3A_458 = arith.constant 0 : i32
        %dma_wait3A_459 = arith.constant 0 : i32
        %dma_wait3A_460 = tpu.memref_slice %arg9[%dma_wait3A_458, %dma_wait3A_459] : memref<10240x128xf32, #tpu.memory_space<vmem_shared>> -> memref<10240x128xf32, #tpu.memory_space<vmem_shared>>
        tpu.wait_indirect_dma semaphore(%arg12 : memref<!tpu.dma_semaphore, #tpu.memory_space<semaphore_mem>>) src(%dma_wait3A_454 : memref<128x128xf32, #tpu.memory_space<vmem>>) dst(%dma_wait3A_460 : memref<10240x128xf32, #tpu.memory_space<vmem_shared>>)
        %convert_element_type3A_461 = arith.extui %lt3A_90 : i1 to i32
        %cond3A_462 = arith.constant 0 : i32
        %cond3A_463 = arith.cmpi ne, %convert_element_type3A_461, %cond3A_462 : i32
        scf.if %cond3A_463 {
          %dma_wait3A_480 = arith.constant 0 : i32
          %dma_wait3A_481 = arith.constant 0 : i32
          %dma_wait3A_482 = tpu.memref_slice %arg6[%sub3A_87, %dma_wait3A_480, %dma_wait3A_481] : memref<2x8x128xi32, #tpu.memory_space<vmem>> -> memref<1x8x128xi32, #tpu.memory_space<vmem>>
          %dma_wait3A_483 = tpu.memref_squeeze %dma_wait3A_482 : memref<1x8x128xi32, #tpu.memory_space<vmem>> -> memref<8x128xi32, #tpu.memory_space<vmem>>
          %dma_wait3A_484 = arith.constant 0 : i32
          %dma_wait3A_485 = tpu.memref_slice %arg3[%add3A_95, %dma_wait3A_484] : memref<2560x128xi32, #tpu.memory_space<hbm>> -> memref<8x128xi32, #tpu.memory_space<hbm>>
          %dma_wait3A_486 = arith.constant 0 : i32
          %dma_wait3A_487 = arith.constant 0 : i32
          %dma_wait3A_488 = tpu.memref_slice %arg6[%sub3A_87, %dma_wait3A_486, %dma_wait3A_487] : memref<2x8x128xi32, #tpu.memory_space<vmem>> -> memref<1x8x128xi32, #tpu.memory_space<vmem>>
          %dma_wait3A_489 = tpu.memref_squeeze %dma_wait3A_488 : memref<1x8x128xi32, #tpu.memory_space<vmem>> -> memref<8x128xi32, #tpu.memory_space<vmem>>
          %dma_wait3A_490 = arith.constant 0 : i32
          %dma_wait3A_491 = tpu.memref_slice %arg3[%add3A_95, %dma_wait3A_490] : memref<2560x128xi32, #tpu.memory_space<hbm>> -> memref<8x128xi32, #tpu.memory_space<hbm>>
          tpu.wait_dma2 semaphore(%arg14 : memref<!tpu.dma_semaphore, #tpu.memory_space<semaphore_mem>>) src(%dma_wait3A_491 : memref<8x128xi32, #tpu.memory_space<hbm>>) dst(%dma_wait3A_489 : memref<8x128xi32, #tpu.memory_space<vmem>>)
          %dma_wait3A_492 = arith.constant 0 : i32
          %dma_wait3A_493 = arith.constant 0 : i32
          %dma_wait3A_494 = tpu.memref_slice %arg7[%sub3A_87, %dma_wait3A_492, %dma_wait3A_493] : memref<2x8x128xi32, #tpu.memory_space<vmem>> -> memref<1x8x128xi32, #tpu.memory_space<vmem>>
          %dma_wait3A_495 = tpu.memref_squeeze %dma_wait3A_494 : memref<1x8x128xi32, #tpu.memory_space<vmem>> -> memref<8x128xi32, #tpu.memory_space<vmem>>
          %dma_wait3A_496 = arith.constant 0 : i32
          %dma_wait3A_497 = tpu.memref_slice %arg4[%add3A_95, %dma_wait3A_496] : memref<2560x128xi32, #tpu.memory_space<hbm>> -> memref<8x128xi32, #tpu.memory_space<hbm>>
          %dma_wait3A_498 = arith.constant 0 : i32
          %dma_wait3A_499 = arith.constant 0 : i32
          %dma_wait3A_500 = tpu.memref_slice %arg7[%sub3A_87, %dma_wait3A_498, %dma_wait3A_499] : memref<2x8x128xi32, #tpu.memory_space<vmem>> -> memref<1x8x128xi32, #tpu.memory_space<vmem>>
          %dma_wait3A_501 = tpu.memref_squeeze %dma_wait3A_500 : memref<1x8x128xi32, #tpu.memory_space<vmem>> -> memref<8x128xi32, #tpu.memory_space<vmem>>
          %dma_wait3A_502 = arith.constant 0 : i32
          %dma_wait3A_503 = tpu.memref_slice %arg4[%add3A_95, %dma_wait3A_502] : memref<2560x128xi32, #tpu.memory_space<hbm>> -> memref<8x128xi32, #tpu.memory_space<hbm>>
          tpu.wait_dma2 semaphore(%arg15 : memref<!tpu.dma_semaphore, #tpu.memory_space<semaphore_mem>>) src(%dma_wait3A_503 : memref<8x128xi32, #tpu.memory_space<hbm>>) dst(%dma_wait3A_501 : memref<8x128xi32, #tpu.memory_space<vmem>>)
          %dma_start3A_504 = arith.constant 0 : i32
          %dma_start3A_505 = arith.constant 0 : i32
          %dma_start3A_506 = arith.constant 0 : i32
          %dma_start3A_507 = arith.constant 0 : i32
          %dma_start3A_508 = tpu.memref_slice %arg8[%dma_start3A_505, %dma_start3A_506, %dma_start3A_507] : memref<2x128x128xf32, #tpu.memory_space<vmem>> -> memref<1x128x128xf32, #tpu.memory_space<vmem>>
          %dma_start3A_509 = tpu.memref_squeeze %dma_start3A_508 : memref<1x128x128xf32, #tpu.memory_space<vmem>> -> memref<128x128xf32, #tpu.memory_space<vmem>>
          %dma_start3A_510 = arith.constant 0 : i32
          %dma_start3A_511 = tpu.memref_slice %arg6[%sub3A_87, %dma_start3A_504, %dma_start3A_510] : memref<2x8x128xi32, #tpu.memory_space<vmem>> -> memref<1x1x128xi32, #tpu.memory_space<vmem>>
          %dma_start3A_512 = tpu.memref_squeeze %dma_start3A_511 : memref<1x1x128xi32, #tpu.memory_space<vmem>> -> memref<128xi32, #tpu.memory_space<vmem>>
          %dma_start3A_513 = arith.constant 0 : i32
          %dma_start3A_514 = arith.constant 0 : i32
          %dma_start3A_515 = tpu.memref_slice %arg2[%dma_start3A_513, %dma_start3A_514] : memref<10240x128xf32, #tpu.memory_space<hbm>> -> memref<10240x128xf32, #tpu.memory_space<hbm>>
          tpu.enqueue_indirect_dma source(%dma_start3A_515 : memref<10240x128xf32, #tpu.memory_space<hbm>>) target(%dma_start3A_509 : memref<128x128xf32, #tpu.memory_space<vmem>>) offsets(%dma_start3A_512 : memref<128xi32, #tpu.memory_space<vmem>>) semaphore(%arg10 : memref<!tpu.dma_semaphore, #tpu.memory_space<semaphore_mem>>)
        } else {
        }
        %dma_wait3A_464 = arith.constant 1 : i32
        %dma_wait3A_465 = arith.constant 0 : i32
        %dma_wait3A_466 = arith.constant 0 : i32
        %dma_wait3A_467 = arith.constant 0 : i32
        %dma_wait3A_468 = arith.constant 0 : i32
        %dma_wait3A_469 = tpu.memref_slice %arg8[%dma_wait3A_464, %dma_wait3A_467, %dma_wait3A_468] : memref<2x128x128xf32, #tpu.memory_space<vmem>> -> memref<1x128x128xf32, #tpu.memory_space<vmem>>
        %dma_wait3A_470 = tpu.memref_squeeze %dma_wait3A_469 : memref<1x128x128xf32, #tpu.memory_space<vmem>> -> memref<128x128xf32, #tpu.memory_space<vmem>>
        %dma_wait3A_471 = arith.constant 0 : i32
        %dma_wait3A_472 = tpu.memref_slice %arg7[%dma_wait3A_465, %dma_wait3A_466, %dma_wait3A_471] : memref<2x8x128xi32, #tpu.memory_space<vmem>> -> memref<1x1x128xi32, #tpu.memory_space<vmem>>
        %dma_wait3A_473 = tpu.memref_squeeze %dma_wait3A_472 : memref<1x1x128xi32, #tpu.memory_space<vmem>> -> memref<128xi32, #tpu.memory_space<vmem>>
        %dma_wait3A_474 = arith.constant 0 : i32
        %dma_wait3A_475 = arith.constant 0 : i32
        %dma_wait3A_476 = tpu.memref_slice %arg9[%dma_wait3A_474, %dma_wait3A_475] : memref<10240x128xf32, #tpu.memory_space<vmem_shared>> -> memref<10240x128xf32, #tpu.memory_space<vmem_shared>>
        tpu.wait_indirect_dma semaphore(%arg13 : memref<!tpu.dma_semaphore, #tpu.memory_space<semaphore_mem>>) src(%dma_wait3A_470 : memref<128x128xf32, #tpu.memory_space<vmem>>) dst(%dma_wait3A_476 : memref<10240x128xf32, #tpu.memory_space<vmem_shared>>)
        %convert_element_type3A_477 = arith.extui %lt3A_90 : i1 to i32
        %cond3A_478 = arith.constant 0 : i32
        %cond3A_479 = arith.cmpi ne, %convert_element_type3A_477, %cond3A_478 : i32
        scf.if %cond3A_479 {
          %dma_start3A_480 = arith.constant 1 : i32
          %dma_start3A_481 = arith.constant 1 : i32
          %dma_start3A_482 = arith.constant 0 : i32
          %dma_start3A_483 = arith.constant 0 : i32
          %dma_start3A_484 = tpu.memref_slice %arg8[%dma_start3A_481, %dma_start3A_482, %dma_start3A_483] : memref<2x128x128xf32, #tpu.memory_space<vmem>> -> memref<1x128x128xf32, #tpu.memory_space<vmem>>
          %dma_start3A_485 = tpu.memref_squeeze %dma_start3A_484 : memref<1x128x128xf32, #tpu.memory_space<vmem>> -> memref<128x128xf32, #tpu.memory_space<vmem>>
          %dma_start3A_486 = arith.constant 0 : i32
          %dma_start3A_487 = tpu.memref_slice %arg6[%sub3A_87, %dma_start3A_480, %dma_start3A_486] : memref<2x8x128xi32, #tpu.memory_space<vmem>> -> memref<1x1x128xi32, #tpu.memory_space<vmem>>
          %dma_start3A_488 = tpu.memref_squeeze %dma_start3A_487 : memref<1x1x128xi32, #tpu.memory_space<vmem>> -> memref<128xi32, #tpu.memory_space<vmem>>
          %dma_start3A_489 = arith.constant 0 : i32
          %dma_start3A_490 = arith.constant 0 : i32
          %dma_start3A_491 = tpu.memref_slice %arg2[%dma_start3A_489, %dma_start3A_490] : memref<10240x128xf32, #tpu.memory_space<hbm>> -> memref<10240x128xf32, #tpu.memory_space<hbm>>
          tpu.enqueue_indirect_dma source(%dma_start3A_491 : memref<10240x128xf32, #tpu.memory_space<hbm>>) target(%dma_start3A_485 : memref<128x128xf32, #tpu.memory_space<vmem>>) offsets(%dma_start3A_488 : memref<128xi32, #tpu.memory_space<vmem>>) semaphore(%arg11 : memref<!tpu.dma_semaphore, #tpu.memory_space<semaphore_mem>>)
        } else {
        }
      }
      %while3A_61 = arith.constant 1 : i32
      scf.for %while3A_70 = %while3A_59 to %while3A_55 step %while3A_61  : i32 {
        %mul3A_71 = arith.muli %while3A_70, %while3A : i32
        %add3A_72 = arith.addi %while3A_52, %mul3A_71 : i32
        %jit3A_73 = arith.constant 2 : i32
        %eq3A_74 = arith.constant 0 : i32
        %eq3A_75 = arith.cmpi eq, %jit3A_73, %eq3A_74 : i32
        %jit3A_76 = arith.constant 1 : i32
        %select_n3A_77 = arith.select %eq3A_75, %jit3A_76, %jit3A_73 : i32
        %rem3A = arith.remsi %add3A_72, %select_n3A_77 : i32
        %ne3A = arith.constant 0 : i32
        %ne3A_78 = arith.cmpi ne, %rem3A, %ne3A : i32
        %lt3A_79 = arith.constant 0 : i32
        %lt3A_80 = arith.cmpi slt, %rem3A, %lt3A_79 : i32
        %lt3A_81 = arith.constant 0 : i32
        %lt3A_82 = arith.cmpi slt, %select_n3A_77, %lt3A_81 : i32
        %ne3A_83 = arith.xori %lt3A_80, %lt3A_82 : i1
        %and3A = arith.andi %ne3A_83, %ne3A_78 : i1
        %add3A_84 = arith.addi %rem3A, %select_n3A_77 : i32
        %select_n3A_85 = arith.select %and3A, %add3A_84, %rem3A : i32
        %sub3A_86 = arith.constant 1 : i32
        %sub3A_87 = arith.subi %sub3A_86, %select_n3A_85 : i32
        %sub3A_88 = arith.constant 1 : i32
        %sub3A_89 = arith.subi %select_n3A, %sub3A_88 : i32
        %lt3A_90 = arith.cmpi slt, %add3A_72, %sub3A_89 : i32
        %add3A_91 = arith.constant 1 : i32
        %add3A_92 = arith.addi %add3A_72, %add3A_91 : i32
        %mul3A_93 = arith.constant 8 : i32
        %mul3A_94 = arith.muli %add3A_92, %mul3A_93 : i32
        %add3A_95 = arith.addi %select_n3A_19, %mul3A_94 : i32
        %convert_element_type3A_96 = arith.extui %lt3A_90 : i1 to i32
        %cond3A_97 = arith.constant 0 : i32
        %cond3A_98 = arith.cmpi ne, %convert_element_type3A_96, %cond3A_97 : i32
        scf.if %cond3A_98 {
          %dma_start3A_480 = arith.constant 0 : i32
          %dma_start3A_481 = arith.constant 0 : i32
          %dma_start3A_482 = tpu.memref_slice %arg6[%sub3A_87, %dma_start3A_480, %dma_start3A_481] : memref<2x8x128xi32, #tpu.memory_space<vmem>> -> memref<1x8x128xi32, #tpu.memory_space<vmem>>
          %dma_start3A_483 = tpu.memref_squeeze %dma_start3A_482 : memref<1x8x128xi32, #tpu.memory_space<vmem>> -> memref<8x128xi32, #tpu.memory_space<vmem>>
          %dma_start3A_484 = arith.constant 0 : i32
          %dma_start3A_485 = tpu.memref_slice %arg3[%add3A_95, %dma_start3A_484] : memref<2560x128xi32, #tpu.memory_space<hbm>> -> memref<8x128xi32, #tpu.memory_space<hbm>>
          %dma_start3A_486 = arith.constant 0 : i32
          %dma_start3A_487 = arith.constant 0 : i32
          %dma_start3A_488 = tpu.memref_slice %arg6[%sub3A_87, %dma_start3A_486, %dma_start3A_487] : memref<2x8x128xi32, #tpu.memory_space<vmem>> -> memref<1x8x128xi32, #tpu.memory_space<vmem>>
          %dma_start3A_489 = tpu.memref_squeeze %dma_start3A_488 : memref<1x8x128xi32, #tpu.memory_space<vmem>> -> memref<8x128xi32, #tpu.memory_space<vmem>>
          %dma_start3A_490 = arith.constant 0 : i32
          %dma_start3A_491 = tpu.memref_slice %arg3[%add3A_95, %dma_start3A_490] : memref<2560x128xi32, #tpu.memory_space<hbm>> -> memref<8x128xi32, #tpu.memory_space<hbm>>
          tpu.enqueue_dma source(%dma_start3A_491 : memref<8x128xi32, #tpu.memory_space<hbm>>) target(%dma_start3A_489 : memref<8x128xi32, #tpu.memory_space<vmem>>) target_semaphore(%arg14 : memref<!tpu.dma_semaphore, #tpu.memory_space<semaphore_mem>>)
          %dma_start3A_492 = arith.constant 0 : i32
          %dma_start3A_493 = arith.constant 0 : i32
          %dma_start3A_494 = tpu.memref_slice %arg7[%sub3A_87, %dma_start3A_492, %dma_start3A_493] : memref<2x8x128xi32, #tpu.memory_space<vmem>> -> memref<1x8x128xi32, #tpu.memory_space<vmem>>
          %dma_start3A_495 = tpu.memref_squeeze %dma_start3A_494 : memref<1x8x128xi32, #tpu.memory_space<vmem>> -> memref<8x128xi32, #tpu.memory_space<vmem>>
          %dma_start3A_496 = arith.constant 0 : i32
          %dma_start3A_497 = tpu.memref_slice %arg4[%add3A_95, %dma_start3A_496] : memref<2560x128xi32, #tpu.memory_space<hbm>> -> memref<8x128xi32, #tpu.memory_space<hbm>>
          %dma_start3A_498 = arith.constant 0 : i32
          %dma_start3A_499 = arith.constant 0 : i32
          %dma_start3A_500 = tpu.memref_slice %arg7[%sub3A_87, %dma_start3A_498, %dma_start3A_499] : memref<2x8x128xi32, #tpu.memory_space<vmem>> -> memref<1x8x128xi32, #tpu.memory_space<vmem>>
          %dma_start3A_501 = tpu.memref_squeeze %dma_start3A_500 : memref<1x8x128xi32, #tpu.memory_space<vmem>> -> memref<8x128xi32, #tpu.memory_space<vmem>>
          %dma_start3A_502 = arith.constant 0 : i32
          %dma_start3A_503 = tpu.memref_slice %arg4[%add3A_95, %dma_start3A_502] : memref<2560x128xi32, #tpu.memory_space<hbm>> -> memref<8x128xi32, #tpu.memory_space<hbm>>
          tpu.enqueue_dma source(%dma_start3A_503 : memref<8x128xi32, #tpu.memory_space<hbm>>) target(%dma_start3A_501 : memref<8x128xi32, #tpu.memory_space<vmem>>) target_semaphore(%arg15 : memref<!tpu.dma_semaphore, #tpu.memory_space<semaphore_mem>>)
        } else {
        }
        %dma_wait3A = arith.constant 0 : i32
        %dma_wait3A_99 = arith.constant 0 : i32
        %dma_wait3A_100 = arith.constant 0 : i32
        %dma_wait3A_101 = arith.constant 0 : i32
        %dma_wait3A_102 = arith.constant 0 : i32
        %dma_wait3A_103 = tpu.memref_slice %arg8[%dma_wait3A_100, %dma_wait3A_101, %dma_wait3A_102] : memref<2x128x128xf32, #tpu.memory_space<vmem>> -> memref<1x128x128xf32, #tpu.memory_space<vmem>>
        %dma_wait3A_104 = tpu.memref_squeeze %dma_wait3A_103 : memref<1x128x128xf32, #tpu.memory_space<vmem>> -> memref<128x128xf32, #tpu.memory_space<vmem>>
        %dma_wait3A_105 = arith.constant 0 : i32
        %dma_wait3A_106 = tpu.memref_slice %arg6[%dma_wait3A, %dma_wait3A_99, %dma_wait3A_105] : memref<2x8x128xi32, #tpu.memory_space<vmem>> -> memref<1x1x128xi32, #tpu.memory_space<vmem>>
        %dma_wait3A_107 = tpu.memref_squeeze %dma_wait3A_106 : memref<1x1x128xi32, #tpu.memory_space<vmem>> -> memref<128xi32, #tpu.memory_space<vmem>>
        %dma_wait3A_108 = arith.constant 0 : i32
        %dma_wait3A_109 = arith.constant 0 : i32
        %dma_wait3A_110 = tpu.memref_slice %arg2[%dma_wait3A_108, %dma_wait3A_109] : memref<10240x128xf32, #tpu.memory_space<hbm>> -> memref<10240x128xf32, #tpu.memory_space<hbm>>
        tpu.wait_indirect_dma semaphore(%arg10 : memref<!tpu.dma_semaphore, #tpu.memory_space<semaphore_mem>>) src(%dma_wait3A_110 : memref<10240x128xf32, #tpu.memory_space<hbm>>) dst(%dma_wait3A_104 : memref<128x128xf32, #tpu.memory_space<vmem>>)
        %dma_start3A_111 = arith.constant 0 : i32
        %dma_start3A_112 = arith.constant 0 : i32
        %dma_start3A_113 = arith.constant 0 : i32
        %dma_start3A_114 = arith.constant 0 : i32
        %dma_start3A_115 = tpu.memref_slice %arg8[%dma_start3A_111, %dma_start3A_113, %dma_start3A_114] : memref<2x128x128xf32, #tpu.memory_space<vmem>> -> memref<1x128x128xf32, #tpu.memory_space<vmem>>
        %dma_start3A_116 = tpu.memref_squeeze %dma_start3A_115 : memref<1x128x128xf32, #tpu.memory_space<vmem>> -> memref<128x128xf32, #tpu.memory_space<vmem>>
        %dma_start3A_117 = arith.constant 0 : i32
        %dma_start3A_118 = tpu.memref_slice %arg7[%select_n3A_85, %dma_start3A_112, %dma_start3A_117] : memref<2x8x128xi32, #tpu.memory_space<vmem>> -> memref<1x1x128xi32, #tpu.memory_space<vmem>>
        %dma_start3A_119 = tpu.memref_squeeze %dma_start3A_118 : memref<1x1x128xi32, #tpu.memory_space<vmem>> -> memref<128xi32, #tpu.memory_space<vmem>>
        %dma_start3A_120 = arith.constant 0 : i32
        %dma_start3A_121 = arith.constant 0 : i32
        %dma_start3A_122 = tpu.memref_slice %arg9[%dma_start3A_120, %dma_start3A_121] : memref<10240x128xf32, #tpu.memory_space<vmem_shared>> -> memref<10240x128xf32, #tpu.memory_space<vmem_shared>>
        tpu.enqueue_indirect_dma source(%dma_start3A_116 : memref<128x128xf32, #tpu.memory_space<vmem>>) target(%dma_start3A_122 : memref<10240x128xf32, #tpu.memory_space<vmem_shared>>) offsets(%dma_start3A_119 : memref<128xi32, #tpu.memory_space<vmem>>) semaphore(%arg12 : memref<!tpu.dma_semaphore, #tpu.memory_space<semaphore_mem>>) {add = true}
        %dma_wait3A_123 = arith.constant 0 : i32
        %dma_wait3A_124 = arith.constant 0 : i32
        %dma_wait3A_125 = arith.constant 1 : i32
        %dma_wait3A_126 = arith.constant 0 : i32
        %dma_wait3A_127 = arith.constant 0 : i32
        %dma_wait3A_128 = tpu.memref_slice %arg8[%dma_wait3A_125, %dma_wait3A_126, %dma_wait3A_127] : memref<2x128x128xf32, #tpu.memory_space<vmem>> -> memref<1x128x128xf32, #tpu.memory_space<vmem>>
        %dma_wait3A_129 = tpu.memref_squeeze %dma_wait3A_128 : memref<1x128x128xf32, #tpu.memory_space<vmem>> -> memref<128x128xf32, #tpu.memory_space<vmem>>
        %dma_wait3A_130 = arith.constant 0 : i32
        %dma_wait3A_131 = tpu.memref_slice %arg6[%dma_wait3A_123, %dma_wait3A_124, %dma_wait3A_130] : memref<2x8x128xi32, #tpu.memory_space<vmem>> -> memref<1x1x128xi32, #tpu.memory_space<vmem>>
        %dma_wait3A_132 = tpu.memref_squeeze %dma_wait3A_131 : memref<1x1x128xi32, #tpu.memory_space<vmem>> -> memref<128xi32, #tpu.memory_space<vmem>>
        %dma_wait3A_133 = arith.constant 0 : i32
        %dma_wait3A_134 = arith.constant 0 : i32
        %dma_wait3A_135 = tpu.memref_slice %arg2[%dma_wait3A_133, %dma_wait3A_134] : memref<10240x128xf32, #tpu.memory_space<hbm>> -> memref<10240x128xf32, #tpu.memory_space<hbm>>
        tpu.wait_indirect_dma semaphore(%arg11 : memref<!tpu.dma_semaphore, #tpu.memory_space<semaphore_mem>>) src(%dma_wait3A_135 : memref<10240x128xf32, #tpu.memory_space<hbm>>) dst(%dma_wait3A_129 : memref<128x128xf32, #tpu.memory_space<vmem>>)
        %dma_start3A_136 = arith.constant 1 : i32
        %dma_start3A_137 = arith.constant 1 : i32
        %dma_start3A_138 = arith.constant 0 : i32
        %dma_start3A_139 = arith.constant 0 : i32
        %dma_start3A_140 = tpu.memref_slice %arg8[%dma_start3A_136, %dma_start3A_138, %dma_start3A_139] : memref<2x128x128xf32, #tpu.memory_space<vmem>> -> memref<1x128x128xf32, #tpu.memory_space<vmem>>
        %dma_start3A_141 = tpu.memref_squeeze %dma_start3A_140 : memref<1x128x128xf32, #tpu.memory_space<vmem>> -> memref<128x128xf32, #tpu.memory_space<vmem>>
        %dma_start3A_142 = arith.constant 0 : i32
        %dma_start3A_143 = tpu.memref_slice %arg7[%select_n3A_85, %dma_start3A_137, %dma_start3A_142] : memref<2x8x128xi32, #tpu.memory_space<vmem>> -> memref<1x1x128xi32, #tpu.memory_space<vmem>>
        %dma_start3A_144 = tpu.memref_squeeze %dma_start3A_143 : memref<1x1x128xi32, #tpu.memory_space<vmem>> -> memref<128xi32, #tpu.memory_space<vmem>>
        %dma_start3A_145 = arith.constant 0 : i32
        %dma_start3A_146 = arith.constant 0 : i32
        %dma_start3A_147 = tpu.memref_slice %arg9[%dma_start3A_145, %dma_start3A_146] : memref<10240x128xf32, #tpu.memory_space<vmem_shared>> -> memref<10240x128xf32, #tpu.memory_space<vmem_shared>>
        tpu.enqueue_indirect_dma source(%dma_start3A_141 : memref<128x128xf32, #tpu.memory_space<vmem>>) target(%dma_start3A_147 : memref<10240x128xf32, #tpu.memory_space<vmem_shared>>) offsets(%dma_start3A_144 : memref<128xi32, #tpu.memory_space<vmem>>) semaphore(%arg13 : memref<!tpu.dma_semaphore, #tpu.memory_space<semaphore_mem>>) {add = true}
        %dma_wait3A_148 = arith.constant 0 : i32
        %dma_wait3A_149 = arith.constant 0 : i32
        %dma_wait3A_150 = arith.constant 0 : i32
        %dma_wait3A_151 = arith.constant 0 : i32
        %dma_wait3A_152 = arith.constant 0 : i32
        %dma_wait3A_153 = tpu.memref_slice %arg8[%dma_wait3A_148, %dma_wait3A_151, %dma_wait3A_152] : memref<2x128x128xf32, #tpu.memory_space<vmem>> -> memref<1x128x128xf32, #tpu.memory_space<vmem>>
        %dma_wait3A_154 = tpu.memref_squeeze %dma_wait3A_153 : memref<1x128x128xf32, #tpu.memory_space<vmem>> -> memref<128x128xf32, #tpu.memory_space<vmem>>
        %dma_wait3A_155 = arith.constant 0 : i32
        %dma_wait3A_156 = tpu.memref_slice %arg7[%dma_wait3A_149, %dma_wait3A_150, %dma_wait3A_155] : memref<2x8x128xi32, #tpu.memory_space<vmem>> -> memref<1x1x128xi32, #tpu.memory_space<vmem>>
        %dma_wait3A_157 = tpu.memref_squeeze %dma_wait3A_156 : memref<1x1x128xi32, #tpu.memory_space<vmem>> -> memref<128xi32, #tpu.memory_space<vmem>>
        %dma_wait3A_158 = arith.constant 0 : i32
        %dma_wait3A_159 = arith.constant 0 : i32
        %dma_wait3A_160 = tpu.memref_slice %arg9[%dma_wait3A_158, %dma_wait3A_159] : memref<10240x128xf32, #tpu.memory_space<vmem_shared>> -> memref<10240x128xf32, #tpu.memory_space<vmem_shared>>
        tpu.wait_indirect_dma semaphore(%arg12 : memref<!tpu.dma_semaphore, #tpu.memory_space<semaphore_mem>>) src(%dma_wait3A_154 : memref<128x128xf32, #tpu.memory_space<vmem>>) dst(%dma_wait3A_160 : memref<10240x128xf32, #tpu.memory_space<vmem_shared>>)
        %dma_start3A_161 = arith.constant 2 : i32
        %dma_start3A_162 = arith.constant 0 : i32
        %dma_start3A_163 = arith.constant 0 : i32
        %dma_start3A_164 = arith.constant 0 : i32
        %dma_start3A_165 = tpu.memref_slice %arg8[%dma_start3A_162, %dma_start3A_163, %dma_start3A_164] : memref<2x128x128xf32, #tpu.memory_space<vmem>> -> memref<1x128x128xf32, #tpu.memory_space<vmem>>
        %dma_start3A_166 = tpu.memref_squeeze %dma_start3A_165 : memref<1x128x128xf32, #tpu.memory_space<vmem>> -> memref<128x128xf32, #tpu.memory_space<vmem>>
        %dma_start3A_167 = arith.constant 0 : i32
        %dma_start3A_168 = tpu.memref_slice %arg6[%select_n3A_85, %dma_start3A_161, %dma_start3A_167] : memref<2x8x128xi32, #tpu.memory_space<vmem>> -> memref<1x1x128xi32, #tpu.memory_space<vmem>>
        %dma_start3A_169 = tpu.memref_squeeze %dma_start3A_168 : memref<1x1x128xi32, #tpu.memory_space<vmem>> -> memref<128xi32, #tpu.memory_space<vmem>>
        %dma_start3A_170 = arith.constant 0 : i32
        %dma_start3A_171 = arith.constant 0 : i32
        %dma_start3A_172 = tpu.memref_slice %arg2[%dma_start3A_170, %dma_start3A_171] : memref<10240x128xf32, #tpu.memory_space<hbm>> -> memref<10240x128xf32, #tpu.memory_space<hbm>>
        tpu.enqueue_indirect_dma source(%dma_start3A_172 : memref<10240x128xf32, #tpu.memory_space<hbm>>) target(%dma_start3A_166 : memref<128x128xf32, #tpu.memory_space<vmem>>) offsets(%dma_start3A_169 : memref<128xi32, #tpu.memory_space<vmem>>) semaphore(%arg10 : memref<!tpu.dma_semaphore, #tpu.memory_space<semaphore_mem>>)
        %dma_wait3A_173 = arith.constant 1 : i32
        %dma_wait3A_174 = arith.constant 0 : i32
        %dma_wait3A_175 = arith.constant 0 : i32
        %dma_wait3A_176 = arith.constant 0 : i32
        %dma_wait3A_177 = arith.constant 0 : i32
        %dma_wait3A_178 = tpu.memref_slice %arg8[%dma_wait3A_173, %dma_wait3A_176, %dma_wait3A_177] : memref<2x128x128xf32, #tpu.memory_space<vmem>> -> memref<1x128x128xf32, #tpu.memory_space<vmem>>
        %dma_wait3A_179 = tpu.memref_squeeze %dma_wait3A_178 : memref<1x128x128xf32, #tpu.memory_space<vmem>> -> memref<128x128xf32, #tpu.memory_space<vmem>>
        %dma_wait3A_180 = arith.constant 0 : i32
        %dma_wait3A_181 = tpu.memref_slice %arg7[%dma_wait3A_174, %dma_wait3A_175, %dma_wait3A_180] : memref<2x8x128xi32, #tpu.memory_space<vmem>> -> memref<1x1x128xi32, #tpu.memory_space<vmem>>
        %dma_wait3A_182 = tpu.memref_squeeze %dma_wait3A_181 : memref<1x1x128xi32, #tpu.memory_space<vmem>> -> memref<128xi32, #tpu.memory_space<vmem>>
        %dma_wait3A_183 = arith.constant 0 : i32
        %dma_wait3A_184 = arith.constant 0 : i32
        %dma_wait3A_185 = tpu.memref_slice %arg9[%dma_wait3A_183, %dma_wait3A_184] : memref<10240x128xf32, #tpu.memory_space<vmem_shared>> -> memref<10240x128xf32, #tpu.memory_space<vmem_shared>>
        tpu.wait_indirect_dma semaphore(%arg13 : memref<!tpu.dma_semaphore, #tpu.memory_space<semaphore_mem>>) src(%dma_wait3A_179 : memref<128x128xf32, #tpu.memory_space<vmem>>) dst(%dma_wait3A_185 : memref<10240x128xf32, #tpu.memory_space<vmem_shared>>)
        %dma_start3A_186 = arith.constant 3 : i32
        %dma_start3A_187 = arith.constant 1 : i32
        %dma_start3A_188 = arith.constant 0 : i32
        %dma_start3A_189 = arith.constant 0 : i32
        %dma_start3A_190 = tpu.memref_slice %arg8[%dma_start3A_187, %dma_start3A_188, %dma_start3A_189] : memref<2x128x128xf32, #tpu.memory_space<vmem>> -> memref<1x128x128xf32, #tpu.memory_space<vmem>>
        %dma_start3A_191 = tpu.memref_squeeze %dma_start3A_190 : memref<1x128x128xf32, #tpu.memory_space<vmem>> -> memref<128x128xf32, #tpu.memory_space<vmem>>
        %dma_start3A_192 = arith.constant 0 : i32
        %dma_start3A_193 = tpu.memref_slice %arg6[%select_n3A_85, %dma_start3A_186, %dma_start3A_192] : memref<2x8x128xi32, #tpu.memory_space<vmem>> -> memref<1x1x128xi32, #tpu.memory_space<vmem>>
        %dma_start3A_194 = tpu.memref_squeeze %dma_start3A_193 : memref<1x1x128xi32, #tpu.memory_space<vmem>> -> memref<128xi32, #tpu.memory_space<vmem>>
        %dma_start3A_195 = arith.constant 0 : i32
        %dma_start3A_196 = arith.constant 0 : i32
        %dma_start3A_197 = tpu.memref_slice %arg2[%dma_start3A_195, %dma_start3A_196] : memref<10240x128xf32, #tpu.memory_space<hbm>> -> memref<10240x128xf32, #tpu.memory_space<hbm>>
        tpu.enqueue_indirect_dma source(%dma_start3A_197 : memref<10240x128xf32, #tpu.memory_space<hbm>>) target(%dma_start3A_191 : memref<128x128xf32, #tpu.memory_space<vmem>>) offsets(%dma_start3A_194 : memref<128xi32, #tpu.memory_space<vmem>>) semaphore(%arg11 : memref<!tpu.dma_semaphore, #tpu.memory_space<semaphore_mem>>)
        %dma_wait3A_198 = arith.constant 0 : i32
        %dma_wait3A_199 = arith.constant 0 : i32
        %dma_wait3A_200 = arith.constant 0 : i32
        %dma_wait3A_201 = arith.constant 0 : i32
        %dma_wait3A_202 = arith.constant 0 : i32
        %dma_wait3A_203 = tpu.memref_slice %arg8[%dma_wait3A_200, %dma_wait3A_201, %dma_wait3A_202] : memref<2x128x128xf32, #tpu.memory_space<vmem>> -> memref<1x128x128xf32, #tpu.memory_space<vmem>>
        %dma_wait3A_204 = tpu.memref_squeeze %dma_wait3A_203 : memref<1x128x128xf32, #tpu.memory_space<vmem>> -> memref<128x128xf32, #tpu.memory_space<vmem>>
        %dma_wait3A_205 = arith.constant 0 : i32
        %dma_wait3A_206 = tpu.memref_slice %arg6[%dma_wait3A_198, %dma_wait3A_199, %dma_wait3A_205] : memref<2x8x128xi32, #tpu.memory_space<vmem>> -> memref<1x1x128xi32, #tpu.memory_space<vmem>>
        %dma_wait3A_207 = tpu.memref_squeeze %dma_wait3A_206 : memref<1x1x128xi32, #tpu.memory_space<vmem>> -> memref<128xi32, #tpu.memory_space<vmem>>
        %dma_wait3A_208 = arith.constant 0 : i32
        %dma_wait3A_209 = arith.constant 0 : i32
        %dma_wait3A_210 = tpu.memref_slice %arg2[%dma_wait3A_208, %dma_wait3A_209] : memref<10240x128xf32, #tpu.memory_space<hbm>> -> memref<10240x128xf32, #tpu.memory_space<hbm>>
        tpu.wait_indirect_dma semaphore(%arg10 : memref<!tpu.dma_semaphore, #tpu.memory_space<semaphore_mem>>) src(%dma_wait3A_210 : memref<10240x128xf32, #tpu.memory_space<hbm>>) dst(%dma_wait3A_204 : memref<128x128xf32, #tpu.memory_space<vmem>>)
        %dma_start3A_211 = arith.constant 0 : i32
        %dma_start3A_212 = arith.constant 2 : i32
        %dma_start3A_213 = arith.constant 0 : i32
        %dma_start3A_214 = arith.constant 0 : i32
        %dma_start3A_215 = tpu.memref_slice %arg8[%dma_start3A_211, %dma_start3A_213, %dma_start3A_214] : memref<2x128x128xf32, #tpu.memory_space<vmem>> -> memref<1x128x128xf32, #tpu.memory_space<vmem>>
        %dma_start3A_216 = tpu.memref_squeeze %dma_start3A_215 : memref<1x128x128xf32, #tpu.memory_space<vmem>> -> memref<128x128xf32, #tpu.memory_space<vmem>>
        %dma_start3A_217 = arith.constant 0 : i32
        %dma_start3A_218 = tpu.memref_slice %arg7[%select_n3A_85, %dma_start3A_212, %dma_start3A_217] : memref<2x8x128xi32, #tpu.memory_space<vmem>> -> memref<1x1x128xi32, #tpu.memory_space<vmem>>
        %dma_start3A_219 = tpu.memref_squeeze %dma_start3A_218 : memref<1x1x128xi32, #tpu.memory_space<vmem>> -> memref<128xi32, #tpu.memory_space<vmem>>
        %dma_start3A_220 = arith.constant 0 : i32
        %dma_start3A_221 = arith.constant 0 : i32
        %dma_start3A_222 = tpu.memref_slice %arg9[%dma_start3A_220, %dma_start3A_221] : memref<10240x128xf32, #tpu.memory_space<vmem_shared>> -> memref<10240x128xf32, #tpu.memory_space<vmem_shared>>
        tpu.enqueue_indirect_dma source(%dma_start3A_216 : memref<128x128xf32, #tpu.memory_space<vmem>>) target(%dma_start3A_222 : memref<10240x128xf32, #tpu.memory_space<vmem_shared>>) offsets(%dma_start3A_219 : memref<128xi32, #tpu.memory_space<vmem>>) semaphore(%arg12 : memref<!tpu.dma_semaphore, #tpu.memory_space<semaphore_mem>>) {add = true}
        %dma_wait3A_223 = arith.constant 0 : i32
        %dma_wait3A_224 = arith.constant 0 : i32
        %dma_wait3A_225 = arith.constant 1 : i32
        %dma_wait3A_226 = arith.constant 0 : i32
        %dma_wait3A_227 = arith.constant 0 : i32
        %dma_wait3A_228 = tpu.memref_slice %arg8[%dma_wait3A_225, %dma_wait3A_226, %dma_wait3A_227] : memref<2x128x128xf32, #tpu.memory_space<vmem>> -> memref<1x128x128xf32, #tpu.memory_space<vmem>>
        %dma_wait3A_229 = tpu.memref_squeeze %dma_wait3A_228 : memref<1x128x128xf32, #tpu.memory_space<vmem>> -> memref<128x128xf32, #tpu.memory_space<vmem>>
        %dma_wait3A_230 = arith.constant 0 : i32
        %dma_wait3A_231 = tpu.memref_slice %arg6[%dma_wait3A_223, %dma_wait3A_224, %dma_wait3A_230] : memref<2x8x128xi32, #tpu.memory_space<vmem>> -> memref<1x1x128xi32, #tpu.memory_space<vmem>>
        %dma_wait3A_232 = tpu.memref_squeeze %dma_wait3A_231 : memref<1x1x128xi32, #tpu.memory_space<vmem>> -> memref<128xi32, #tpu.memory_space<vmem>>
        %dma_wait3A_233 = arith.constant 0 : i32
        %dma_wait3A_234 = arith.constant 0 : i32
        %dma_wait3A_235 = tpu.memref_slice %arg2[%dma_wait3A_233, %dma_wait3A_234] : memref<10240x128xf32, #tpu.memory_space<hbm>> -> memref<10240x128xf32, #tpu.memory_space<hbm>>
        tpu.wait_indirect_dma semaphore(%arg11 : memref<!tpu.dma_semaphore, #tpu.memory_space<semaphore_mem>>) src(%dma_wait3A_235 : memref<10240x128xf32, #tpu.memory_space<hbm>>) dst(%dma_wait3A_229 : memref<128x128xf32, #tpu.memory_space<vmem>>)
        %dma_start3A_236 = arith.constant 1 : i32
        %dma_start3A_237 = arith.constant 3 : i32
        %dma_start3A_238 = arith.constant 0 : i32
        %dma_start3A_239 = arith.constant 0 : i32
        %dma_start3A_240 = tpu.memref_slice %arg8[%dma_start3A_236, %dma_start3A_238, %dma_start3A_239] : memref<2x128x128xf32, #tpu.memory_space<vmem>> -> memref<1x128x128xf32, #tpu.memory_space<vmem>>
        %dma_start3A_241 = tpu.memref_squeeze %dma_start3A_240 : memref<1x128x128xf32, #tpu.memory_space<vmem>> -> memref<128x128xf32, #tpu.memory_space<vmem>>
        %dma_start3A_242 = arith.constant 0 : i32
        %dma_start3A_243 = tpu.memref_slice %arg7[%select_n3A_85, %dma_start3A_237, %dma_start3A_242] : memref<2x8x128xi32, #tpu.memory_space<vmem>> -> memref<1x1x128xi32, #tpu.memory_space<vmem>>
        %dma_start3A_244 = tpu.memref_squeeze %dma_start3A_243 : memref<1x1x128xi32, #tpu.memory_space<vmem>> -> memref<128xi32, #tpu.memory_space<vmem>>
        %dma_start3A_245 = arith.constant 0 : i32
        %dma_start3A_246 = arith.constant 0 : i32
        %dma_start3A_247 = tpu.memref_slice %arg9[%dma_start3A_245, %dma_start3A_246] : memref<10240x128xf32, #tpu.memory_space<vmem_shared>> -> memref<10240x128xf32, #tpu.memory_space<vmem_shared>>
        tpu.enqueue_indirect_dma source(%dma_start3A_241 : memref<128x128xf32, #tpu.memory_space<vmem>>) target(%dma_start3A_247 : memref<10240x128xf32, #tpu.memory_space<vmem_shared>>) offsets(%dma_start3A_244 : memref<128xi32, #tpu.memory_space<vmem>>) semaphore(%arg13 : memref<!tpu.dma_semaphore, #tpu.memory_space<semaphore_mem>>) {add = true}
        %dma_wait3A_248 = arith.constant 0 : i32
        %dma_wait3A_249 = arith.constant 0 : i32
        %dma_wait3A_250 = arith.constant 0 : i32
        %dma_wait3A_251 = arith.constant 0 : i32
        %dma_wait3A_252 = arith.constant 0 : i32
        %dma_wait3A_253 = tpu.memref_slice %arg8[%dma_wait3A_248, %dma_wait3A_251, %dma_wait3A_252] : memref<2x128x128xf32, #tpu.memory_space<vmem>> -> memref<1x128x128xf32, #tpu.memory_space<vmem>>
        %dma_wait3A_254 = tpu.memref_squeeze %dma_wait3A_253 : memref<1x128x128xf32, #tpu.memory_space<vmem>> -> memref<128x128xf32, #tpu.memory_space<vmem>>
        %dma_wait3A_255 = arith.constant 0 : i32
        %dma_wait3A_256 = tpu.memref_slice %arg7[%dma_wait3A_249, %dma_wait3A_250, %dma_wait3A_255] : memref<2x8x128xi32, #tpu.memory_space<vmem>> -> memref<1x1x128xi32, #tpu.memory_space<vmem>>
        %dma_wait3A_257 = tpu.memref_squeeze %dma_wait3A_256 : memref<1x1x128xi32, #tpu.memory_space<vmem>> -> memref<128xi32, #tpu.memory_space<vmem>>
        %dma_wait3A_258 = arith.constant 0 : i32
        %dma_wait3A_259 = arith.constant 0 : i32
        %dma_wait3A_260 = tpu.memref_slice %arg9[%dma_wait3A_258, %dma_wait3A_259] : memref<10240x128xf32, #tpu.memory_space<vmem_shared>> -> memref<10240x128xf32, #tpu.memory_space<vmem_shared>>
        tpu.wait_indirect_dma semaphore(%arg12 : memref<!tpu.dma_semaphore, #tpu.memory_space<semaphore_mem>>) src(%dma_wait3A_254 : memref<128x128xf32, #tpu.memory_space<vmem>>) dst(%dma_wait3A_260 : memref<10240x128xf32, #tpu.memory_space<vmem_shared>>)
        %dma_start3A_261 = arith.constant 4 : i32
        %dma_start3A_262 = arith.constant 0 : i32
        %dma_start3A_263 = arith.constant 0 : i32
        %dma_start3A_264 = arith.constant 0 : i32
        %dma_start3A_265 = tpu.memref_slice %arg8[%dma_start3A_262, %dma_start3A_263, %dma_start3A_264] : memref<2x128x128xf32, #tpu.memory_space<vmem>> -> memref<1x128x128xf32, #tpu.memory_space<vmem>>
        %dma_start3A_266 = tpu.memref_squeeze %dma_start3A_265 : memref<1x128x128xf32, #tpu.memory_space<vmem>> -> memref<128x128xf32, #tpu.memory_space<vmem>>
        %dma_start3A_267 = arith.constant 0 : i32
        %dma_start3A_268 = tpu.memref_slice %arg6[%select_n3A_85, %dma_start3A_261, %dma_start3A_267] : memref<2x8x128xi32, #tpu.memory_space<vmem>> -> memref<1x1x128xi32, #tpu.memory_space<vmem>>
        %dma_start3A_269 = tpu.memref_squeeze %dma_start3A_268 : memref<1x1x128xi32, #tpu.memory_space<vmem>> -> memref<128xi32, #tpu.memory_space<vmem>>
        %dma_start3A_270 = arith.constant 0 : i32
        %dma_start3A_271 = arith.constant 0 : i32
        %dma_start3A_272 = tpu.memref_slice %arg2[%dma_start3A_270, %dma_start3A_271] : memref<10240x128xf32, #tpu.memory_space<hbm>> -> memref<10240x128xf32, #tpu.memory_space<hbm>>
        tpu.enqueue_indirect_dma source(%dma_start3A_272 : memref<10240x128xf32, #tpu.memory_space<hbm>>) target(%dma_start3A_266 : memref<128x128xf32, #tpu.memory_space<vmem>>) offsets(%dma_start3A_269 : memref<128xi32, #tpu.memory_space<vmem>>) semaphore(%arg10 : memref<!tpu.dma_semaphore, #tpu.memory_space<semaphore_mem>>)
        %dma_wait3A_273 = arith.constant 1 : i32
        %dma_wait3A_274 = arith.constant 0 : i32
        %dma_wait3A_275 = arith.constant 0 : i32
        %dma_wait3A_276 = arith.constant 0 : i32
        %dma_wait3A_277 = arith.constant 0 : i32
        %dma_wait3A_278 = tpu.memref_slice %arg8[%dma_wait3A_273, %dma_wait3A_276, %dma_wait3A_277] : memref<2x128x128xf32, #tpu.memory_space<vmem>> -> memref<1x128x128xf32, #tpu.memory_space<vmem>>
        %dma_wait3A_279 = tpu.memref_squeeze %dma_wait3A_278 : memref<1x128x128xf32, #tpu.memory_space<vmem>> -> memref<128x128xf32, #tpu.memory_space<vmem>>
        %dma_wait3A_280 = arith.constant 0 : i32
        %dma_wait3A_281 = tpu.memref_slice %arg7[%dma_wait3A_274, %dma_wait3A_275, %dma_wait3A_280] : memref<2x8x128xi32, #tpu.memory_space<vmem>> -> memref<1x1x128xi32, #tpu.memory_space<vmem>>
        %dma_wait3A_282 = tpu.memref_squeeze %dma_wait3A_281 : memref<1x1x128xi32, #tpu.memory_space<vmem>> -> memref<128xi32, #tpu.memory_space<vmem>>
        %dma_wait3A_283 = arith.constant 0 : i32
        %dma_wait3A_284 = arith.constant 0 : i32
        %dma_wait3A_285 = tpu.memref_slice %arg9[%dma_wait3A_283, %dma_wait3A_284] : memref<10240x128xf32, #tpu.memory_space<vmem_shared>> -> memref<10240x128xf32, #tpu.memory_space<vmem_shared>>
        tpu.wait_indirect_dma semaphore(%arg13 : memref<!tpu.dma_semaphore, #tpu.memory_space<semaphore_mem>>) src(%dma_wait3A_279 : memref<128x128xf32, #tpu.memory_space<vmem>>) dst(%dma_wait3A_285 : memref<10240x128xf32, #tpu.memory_space<vmem_shared>>)
        %dma_start3A_286 = arith.constant 5 : i32
        %dma_start3A_287 = arith.constant 1 : i32
        %dma_start3A_288 = arith.constant 0 : i32
        %dma_start3A_289 = arith.constant 0 : i32
        %dma_start3A_290 = tpu.memref_slice %arg8[%dma_start3A_287, %dma_start3A_288, %dma_start3A_289] : memref<2x128x128xf32, #tpu.memory_space<vmem>> -> memref<1x128x128xf32, #tpu.memory_space<vmem>>
        %dma_start3A_291 = tpu.memref_squeeze %dma_start3A_290 : memref<1x128x128xf32, #tpu.memory_space<vmem>> -> memref<128x128xf32, #tpu.memory_space<vmem>>
        %dma_start3A_292 = arith.constant 0 : i32
        %dma_start3A_293 = tpu.memref_slice %arg6[%select_n3A_85, %dma_start3A_286, %dma_start3A_292] : memref<2x8x128xi32, #tpu.memory_space<vmem>> -> memref<1x1x128xi32, #tpu.memory_space<vmem>>
        %dma_start3A_294 = tpu.memref_squeeze %dma_start3A_293 : memref<1x1x128xi32, #tpu.memory_space<vmem>> -> memref<128xi32, #tpu.memory_space<vmem>>
        %dma_start3A_295 = arith.constant 0 : i32
        %dma_start3A_296 = arith.constant 0 : i32
        %dma_start3A_297 = tpu.memref_slice %arg2[%dma_start3A_295, %dma_start3A_296] : memref<10240x128xf32, #tpu.memory_space<hbm>> -> memref<10240x128xf32, #tpu.memory_space<hbm>>
        tpu.enqueue_indirect_dma source(%dma_start3A_297 : memref<10240x128xf32, #tpu.memory_space<hbm>>) target(%dma_start3A_291 : memref<128x128xf32, #tpu.memory_space<vmem>>) offsets(%dma_start3A_294 : memref<128xi32, #tpu.memory_space<vmem>>) semaphore(%arg11 : memref<!tpu.dma_semaphore, #tpu.memory_space<semaphore_mem>>)
        %dma_wait3A_298 = arith.constant 0 : i32
        %dma_wait3A_299 = arith.constant 0 : i32
        %dma_wait3A_300 = arith.constant 0 : i32
        %dma_wait3A_301 = arith.constant 0 : i32
        %dma_wait3A_302 = arith.constant 0 : i32
        %dma_wait3A_303 = tpu.memref_slice %arg8[%dma_wait3A_300, %dma_wait3A_301, %dma_wait3A_302] : memref<2x128x128xf32, #tpu.memory_space<vmem>> -> memref<1x128x128xf32, #tpu.memory_space<vmem>>
        %dma_wait3A_304 = tpu.memref_squeeze %dma_wait3A_303 : memref<1x128x128xf32, #tpu.memory_space<vmem>> -> memref<128x128xf32, #tpu.memory_space<vmem>>
        %dma_wait3A_305 = arith.constant 0 : i32
        %dma_wait3A_306 = tpu.memref_slice %arg6[%dma_wait3A_298, %dma_wait3A_299, %dma_wait3A_305] : memref<2x8x128xi32, #tpu.memory_space<vmem>> -> memref<1x1x128xi32, #tpu.memory_space<vmem>>
        %dma_wait3A_307 = tpu.memref_squeeze %dma_wait3A_306 : memref<1x1x128xi32, #tpu.memory_space<vmem>> -> memref<128xi32, #tpu.memory_space<vmem>>
        %dma_wait3A_308 = arith.constant 0 : i32
        %dma_wait3A_309 = arith.constant 0 : i32
        %dma_wait3A_310 = tpu.memref_slice %arg2[%dma_wait3A_308, %dma_wait3A_309] : memref<10240x128xf32, #tpu.memory_space<hbm>> -> memref<10240x128xf32, #tpu.memory_space<hbm>>
        tpu.wait_indirect_dma semaphore(%arg10 : memref<!tpu.dma_semaphore, #tpu.memory_space<semaphore_mem>>) src(%dma_wait3A_310 : memref<10240x128xf32, #tpu.memory_space<hbm>>) dst(%dma_wait3A_304 : memref<128x128xf32, #tpu.memory_space<vmem>>)
        %dma_start3A_311 = arith.constant 0 : i32
        %dma_start3A_312 = arith.constant 4 : i32
        %dma_start3A_313 = arith.constant 0 : i32
        %dma_start3A_314 = arith.constant 0 : i32
        %dma_start3A_315 = tpu.memref_slice %arg8[%dma_start3A_311, %dma_start3A_313, %dma_start3A_314] : memref<2x128x128xf32, #tpu.memory_space<vmem>> -> memref<1x128x128xf32, #tpu.memory_space<vmem>>
        %dma_start3A_316 = tpu.memref_squeeze %dma_start3A_315 : memref<1x128x128xf32, #tpu.memory_space<vmem>> -> memref<128x128xf32, #tpu.memory_space<vmem>>
        %dma_start3A_317 = arith.constant 0 : i32
        %dma_start3A_318 = tpu.memref_slice %arg7[%select_n3A_85, %dma_start3A_312, %dma_start3A_317] : memref<2x8x128xi32, #tpu.memory_space<vmem>> -> memref<1x1x128xi32, #tpu.memory_space<vmem>>
        %dma_start3A_319 = tpu.memref_squeeze %dma_start3A_318 : memref<1x1x128xi32, #tpu.memory_space<vmem>> -> memref<128xi32, #tpu.memory_space<vmem>>
        %dma_start3A_320 = arith.constant 0 : i32
        %dma_start3A_321 = arith.constant 0 : i32
        %dma_start3A_322 = tpu.memref_slice %arg9[%dma_start3A_320, %dma_start3A_321] : memref<10240x128xf32, #tpu.memory_space<vmem_shared>> -> memref<10240x128xf32, #tpu.memory_space<vmem_shared>>
        tpu.enqueue_indirect_dma source(%dma_start3A_316 : memref<128x128xf32, #tpu.memory_space<vmem>>) target(%dma_start3A_322 : memref<10240x128xf32, #tpu.memory_space<vmem_shared>>) offsets(%dma_start3A_319 : memref<128xi32, #tpu.memory_space<vmem>>) semaphore(%arg12 : memref<!tpu.dma_semaphore, #tpu.memory_space<semaphore_mem>>) {add = true}
        %dma_wait3A_323 = arith.constant 0 : i32
        %dma_wait3A_324 = arith.constant 0 : i32
        %dma_wait3A_325 = arith.constant 1 : i32
        %dma_wait3A_326 = arith.constant 0 : i32
        %dma_wait3A_327 = arith.constant 0 : i32
        %dma_wait3A_328 = tpu.memref_slice %arg8[%dma_wait3A_325, %dma_wait3A_326, %dma_wait3A_327] : memref<2x128x128xf32, #tpu.memory_space<vmem>> -> memref<1x128x128xf32, #tpu.memory_space<vmem>>
        %dma_wait3A_329 = tpu.memref_squeeze %dma_wait3A_328 : memref<1x128x128xf32, #tpu.memory_space<vmem>> -> memref<128x128xf32, #tpu.memory_space<vmem>>
        %dma_wait3A_330 = arith.constant 0 : i32
        %dma_wait3A_331 = tpu.memref_slice %arg6[%dma_wait3A_323, %dma_wait3A_324, %dma_wait3A_330] : memref<2x8x128xi32, #tpu.memory_space<vmem>> -> memref<1x1x128xi32, #tpu.memory_space<vmem>>
        %dma_wait3A_332 = tpu.memref_squeeze %dma_wait3A_331 : memref<1x1x128xi32, #tpu.memory_space<vmem>> -> memref<128xi32, #tpu.memory_space<vmem>>
        %dma_wait3A_333 = arith.constant 0 : i32
        %dma_wait3A_334 = arith.constant 0 : i32
        %dma_wait3A_335 = tpu.memref_slice %arg2[%dma_wait3A_333, %dma_wait3A_334] : memref<10240x128xf32, #tpu.memory_space<hbm>> -> memref<10240x128xf32, #tpu.memory_space<hbm>>
        tpu.wait_indirect_dma semaphore(%arg11 : memref<!tpu.dma_semaphore, #tpu.memory_space<semaphore_mem>>) src(%dma_wait3A_335 : memref<10240x128xf32, #tpu.memory_space<hbm>>) dst(%dma_wait3A_329 : memref<128x128xf32, #tpu.memory_space<vmem>>)
        %dma_start3A_336 = arith.constant 1 : i32
        %dma_start3A_337 = arith.constant 5 : i32
        %dma_start3A_338 = arith.constant 0 : i32
        %dma_start3A_339 = arith.constant 0 : i32
        %dma_start3A_340 = tpu.memref_slice %arg8[%dma_start3A_336, %dma_start3A_338, %dma_start3A_339] : memref<2x128x128xf32, #tpu.memory_space<vmem>> -> memref<1x128x128xf32, #tpu.memory_space<vmem>>
        %dma_start3A_341 = tpu.memref_squeeze %dma_start3A_340 : memref<1x128x128xf32, #tpu.memory_space<vmem>> -> memref<128x128xf32, #tpu.memory_space<vmem>>
        %dma_start3A_342 = arith.constant 0 : i32
        %dma_start3A_343 = tpu.memref_slice %arg7[%select_n3A_85, %dma_start3A_337, %dma_start3A_342] : memref<2x8x128xi32, #tpu.memory_space<vmem>> -> memref<1x1x128xi32, #tpu.memory_space<vmem>>
        %dma_start3A_344 = tpu.memref_squeeze %dma_start3A_343 : memref<1x1x128xi32, #tpu.memory_space<vmem>> -> memref<128xi32, #tpu.memory_space<vmem>>
        %dma_start3A_345 = arith.constant 0 : i32
        %dma_start3A_346 = arith.constant 0 : i32
        %dma_start3A_347 = tpu.memref_slice %arg9[%dma_start3A_345, %dma_start3A_346] : memref<10240x128xf32, #tpu.memory_space<vmem_shared>> -> memref<10240x128xf32, #tpu.memory_space<vmem_shared>>
        tpu.enqueue_indirect_dma source(%dma_start3A_341 : memref<128x128xf32, #tpu.memory_space<vmem>>) target(%dma_start3A_347 : memref<10240x128xf32, #tpu.memory_space<vmem_shared>>) offsets(%dma_start3A_344 : memref<128xi32, #tpu.memory_space<vmem>>) semaphore(%arg13 : memref<!tpu.dma_semaphore, #tpu.memory_space<semaphore_mem>>) {add = true}
        %dma_wait3A_348 = arith.constant 0 : i32
        %dma_wait3A_349 = arith.constant 0 : i32
        %dma_wait3A_350 = arith.constant 0 : i32
        %dma_wait3A_351 = arith.constant 0 : i32
        %dma_wait3A_352 = arith.constant 0 : i32
        %dma_wait3A_353 = tpu.memref_slice %arg8[%dma_wait3A_348, %dma_wait3A_351, %dma_wait3A_352] : memref<2x128x128xf32, #tpu.memory_space<vmem>> -> memref<1x128x128xf32, #tpu.memory_space<vmem>>
        %dma_wait3A_354 = tpu.memref_squeeze %dma_wait3A_353 : memref<1x128x128xf32, #tpu.memory_space<vmem>> -> memref<128x128xf32, #tpu.memory_space<vmem>>
        %dma_wait3A_355 = arith.constant 0 : i32
        %dma_wait3A_356 = tpu.memref_slice %arg7[%dma_wait3A_349, %dma_wait3A_350, %dma_wait3A_355] : memref<2x8x128xi32, #tpu.memory_space<vmem>> -> memref<1x1x128xi32, #tpu.memory_space<vmem>>
        %dma_wait3A_357 = tpu.memref_squeeze %dma_wait3A_356 : memref<1x1x128xi32, #tpu.memory_space<vmem>> -> memref<128xi32, #tpu.memory_space<vmem>>
        %dma_wait3A_358 = arith.constant 0 : i32
        %dma_wait3A_359 = arith.constant 0 : i32
        %dma_wait3A_360 = tpu.memref_slice %arg9[%dma_wait3A_358, %dma_wait3A_359] : memref<10240x128xf32, #tpu.memory_space<vmem_shared>> -> memref<10240x128xf32, #tpu.memory_space<vmem_shared>>
        tpu.wait_indirect_dma semaphore(%arg12 : memref<!tpu.dma_semaphore, #tpu.memory_space<semaphore_mem>>) src(%dma_wait3A_354 : memref<128x128xf32, #tpu.memory_space<vmem>>) dst(%dma_wait3A_360 : memref<10240x128xf32, #tpu.memory_space<vmem_shared>>)
        %dma_start3A_361 = arith.constant 6 : i32
        %dma_start3A_362 = arith.constant 0 : i32
        %dma_start3A_363 = arith.constant 0 : i32
        %dma_start3A_364 = arith.constant 0 : i32
        %dma_start3A_365 = tpu.memref_slice %arg8[%dma_start3A_362, %dma_start3A_363, %dma_start3A_364] : memref<2x128x128xf32, #tpu.memory_space<vmem>> -> memref<1x128x128xf32, #tpu.memory_space<vmem>>
        %dma_start3A_366 = tpu.memref_squeeze %dma_start3A_365 : memref<1x128x128xf32, #tpu.memory_space<vmem>> -> memref<128x128xf32, #tpu.memory_space<vmem>>
        %dma_start3A_367 = arith.constant 0 : i32
        %dma_start3A_368 = tpu.memref_slice %arg6[%select_n3A_85, %dma_start3A_361, %dma_start3A_367] : memref<2x8x128xi32, #tpu.memory_space<vmem>> -> memref<1x1x128xi32, #tpu.memory_space<vmem>>
        %dma_start3A_369 = tpu.memref_squeeze %dma_start3A_368 : memref<1x1x128xi32, #tpu.memory_space<vmem>> -> memref<128xi32, #tpu.memory_space<vmem>>
        %dma_start3A_370 = arith.constant 0 : i32
        %dma_start3A_371 = arith.constant 0 : i32
        %dma_start3A_372 = tpu.memref_slice %arg2[%dma_start3A_370, %dma_start3A_371] : memref<10240x128xf32, #tpu.memory_space<hbm>> -> memref<10240x128xf32, #tpu.memory_space<hbm>>
        tpu.enqueue_indirect_dma source(%dma_start3A_372 : memref<10240x128xf32, #tpu.memory_space<hbm>>) target(%dma_start3A_366 : memref<128x128xf32, #tpu.memory_space<vmem>>) offsets(%dma_start3A_369 : memref<128xi32, #tpu.memory_space<vmem>>) semaphore(%arg10 : memref<!tpu.dma_semaphore, #tpu.memory_space<semaphore_mem>>)
        %dma_wait3A_373 = arith.constant 1 : i32
        %dma_wait3A_374 = arith.constant 0 : i32
        %dma_wait3A_375 = arith.constant 0 : i32
        %dma_wait3A_376 = arith.constant 0 : i32
        %dma_wait3A_377 = arith.constant 0 : i32
        %dma_wait3A_378 = tpu.memref_slice %arg8[%dma_wait3A_373, %dma_wait3A_376, %dma_wait3A_377] : memref<2x128x128xf32, #tpu.memory_space<vmem>> -> memref<1x128x128xf32, #tpu.memory_space<vmem>>
        %dma_wait3A_379 = tpu.memref_squeeze %dma_wait3A_378 : memref<1x128x128xf32, #tpu.memory_space<vmem>> -> memref<128x128xf32, #tpu.memory_space<vmem>>
        %dma_wait3A_380 = arith.constant 0 : i32
        %dma_wait3A_381 = tpu.memref_slice %arg7[%dma_wait3A_374, %dma_wait3A_375, %dma_wait3A_380] : memref<2x8x128xi32, #tpu.memory_space<vmem>> -> memref<1x1x128xi32, #tpu.memory_space<vmem>>
        %dma_wait3A_382 = tpu.memref_squeeze %dma_wait3A_381 : memref<1x1x128xi32, #tpu.memory_space<vmem>> -> memref<128xi32, #tpu.memory_space<vmem>>
        %dma_wait3A_383 = arith.constant 0 : i32
        %dma_wait3A_384 = arith.constant 0 : i32
        %dma_wait3A_385 = tpu.memref_slice %arg9[%dma_wait3A_383, %dma_wait3A_384] : memref<10240x128xf32, #tpu.memory_space<vmem_shared>> -> memref<10240x128xf32, #tpu.memory_space<vmem_shared>>
        tpu.wait_indirect_dma semaphore(%arg13 : memref<!tpu.dma_semaphore, #tpu.memory_space<semaphore_mem>>) src(%dma_wait3A_379 : memref<128x128xf32, #tpu.memory_space<vmem>>) dst(%dma_wait3A_385 : memref<10240x128xf32, #tpu.memory_space<vmem_shared>>)
        %dma_start3A_386 = arith.constant 7 : i32
        %dma_start3A_387 = arith.constant 1 : i32
        %dma_start3A_388 = arith.constant 0 : i32
        %dma_start3A_389 = arith.constant 0 : i32
        %dma_start3A_390 = tpu.memref_slice %arg8[%dma_start3A_387, %dma_start3A_388, %dma_start3A_389] : memref<2x128x128xf32, #tpu.memory_space<vmem>> -> memref<1x128x128xf32, #tpu.memory_space<vmem>>
        %dma_start3A_391 = tpu.memref_squeeze %dma_start3A_390 : memref<1x128x128xf32, #tpu.memory_space<vmem>> -> memref<128x128xf32, #tpu.memory_space<vmem>>
        %dma_start3A_392 = arith.constant 0 : i32
        %dma_start3A_393 = tpu.memref_slice %arg6[%select_n3A_85, %dma_start3A_386, %dma_start3A_392] : memref<2x8x128xi32, #tpu.memory_space<vmem>> -> memref<1x1x128xi32, #tpu.memory_space<vmem>>
        %dma_start3A_394 = tpu.memref_squeeze %dma_start3A_393 : memref<1x1x128xi32, #tpu.memory_space<vmem>> -> memref<128xi32, #tpu.memory_space<vmem>>
        %dma_start3A_395 = arith.constant 0 : i32
        %dma_start3A_396 = arith.constant 0 : i32
        %dma_start3A_397 = tpu.memref_slice %arg2[%dma_start3A_395, %dma_start3A_396] : memref<10240x128xf32, #tpu.memory_space<hbm>> -> memref<10240x128xf32, #tpu.memory_space<hbm>>
        tpu.enqueue_indirect_dma source(%dma_start3A_397 : memref<10240x128xf32, #tpu.memory_space<hbm>>) target(%dma_start3A_391 : memref<128x128xf32, #tpu.memory_space<vmem>>) offsets(%dma_start3A_394 : memref<128xi32, #tpu.memory_space<vmem>>) semaphore(%arg11 : memref<!tpu.dma_semaphore, #tpu.memory_space<semaphore_mem>>)
        %dma_wait3A_398 = arith.constant 0 : i32
        %dma_wait3A_399 = arith.constant 0 : i32
        %dma_wait3A_400 = arith.constant 0 : i32
        %dma_wait3A_401 = arith.constant 0 : i32
        %dma_wait3A_402 = arith.constant 0 : i32
        %dma_wait3A_403 = tpu.memref_slice %arg8[%dma_wait3A_400, %dma_wait3A_401, %dma_wait3A_402] : memref<2x128x128xf32, #tpu.memory_space<vmem>> -> memref<1x128x128xf32, #tpu.memory_space<vmem>>
        %dma_wait3A_404 = tpu.memref_squeeze %dma_wait3A_403 : memref<1x128x128xf32, #tpu.memory_space<vmem>> -> memref<128x128xf32, #tpu.memory_space<vmem>>
        %dma_wait3A_405 = arith.constant 0 : i32
        %dma_wait3A_406 = tpu.memref_slice %arg6[%dma_wait3A_398, %dma_wait3A_399, %dma_wait3A_405] : memref<2x8x128xi32, #tpu.memory_space<vmem>> -> memref<1x1x128xi32, #tpu.memory_space<vmem>>
        %dma_wait3A_407 = tpu.memref_squeeze %dma_wait3A_406 : memref<1x1x128xi32, #tpu.memory_space<vmem>> -> memref<128xi32, #tpu.memory_space<vmem>>
        %dma_wait3A_408 = arith.constant 0 : i32
        %dma_wait3A_409 = arith.constant 0 : i32
        %dma_wait3A_410 = tpu.memref_slice %arg2[%dma_wait3A_408, %dma_wait3A_409] : memref<10240x128xf32, #tpu.memory_space<hbm>> -> memref<10240x128xf32, #tpu.memory_space<hbm>>
        tpu.wait_indirect_dma semaphore(%arg10 : memref<!tpu.dma_semaphore, #tpu.memory_space<semaphore_mem>>) src(%dma_wait3A_410 : memref<10240x128xf32, #tpu.memory_space<hbm>>) dst(%dma_wait3A_404 : memref<128x128xf32, #tpu.memory_space<vmem>>)
        %dma_start3A_411 = arith.constant 0 : i32
        %dma_start3A_412 = arith.constant 6 : i32
        %dma_start3A_413 = arith.constant 0 : i32
        %dma_start3A_414 = arith.constant 0 : i32
        %dma_start3A_415 = tpu.memref_slice %arg8[%dma_start3A_411, %dma_start3A_413, %dma_start3A_414] : memref<2x128x128xf32, #tpu.memory_space<vmem>> -> memref<1x128x128xf32, #tpu.memory_space<vmem>>
        %dma_start3A_416 = tpu.memref_squeeze %dma_start3A_415 : memref<1x128x128xf32, #tpu.memory_space<vmem>> -> memref<128x128xf32, #tpu.memory_space<vmem>>
        %dma_start3A_417 = arith.constant 0 : i32
        %dma_start3A_418 = tpu.memref_slice %arg7[%select_n3A_85, %dma_start3A_412, %dma_start3A_417] : memref<2x8x128xi32, #tpu.memory_space<vmem>> -> memref<1x1x128xi32, #tpu.memory_space<vmem>>
        %dma_start3A_419 = tpu.memref_squeeze %dma_start3A_418 : memref<1x1x128xi32, #tpu.memory_space<vmem>> -> memref<128xi32, #tpu.memory_space<vmem>>
        %dma_start3A_420 = arith.constant 0 : i32
        %dma_start3A_421 = arith.constant 0 : i32
        %dma_start3A_422 = tpu.memref_slice %arg9[%dma_start3A_420, %dma_start3A_421] : memref<10240x128xf32, #tpu.memory_space<vmem_shared>> -> memref<10240x128xf32, #tpu.memory_space<vmem_shared>>
        tpu.enqueue_indirect_dma source(%dma_start3A_416 : memref<128x128xf32, #tpu.memory_space<vmem>>) target(%dma_start3A_422 : memref<10240x128xf32, #tpu.memory_space<vmem_shared>>) offsets(%dma_start3A_419 : memref<128xi32, #tpu.memory_space<vmem>>) semaphore(%arg12 : memref<!tpu.dma_semaphore, #tpu.memory_space<semaphore_mem>>) {add = true}
        %dma_wait3A_423 = arith.constant 0 : i32
        %dma_wait3A_424 = arith.constant 0 : i32
        %dma_wait3A_425 = arith.constant 1 : i32
        %dma_wait3A_426 = arith.constant 0 : i32
        %dma_wait3A_427 = arith.constant 0 : i32
        %dma_wait3A_428 = tpu.memref_slice %arg8[%dma_wait3A_425, %dma_wait3A_426, %dma_wait3A_427] : memref<2x128x128xf32, #tpu.memory_space<vmem>> -> memref<1x128x128xf32, #tpu.memory_space<vmem>>
        %dma_wait3A_429 = tpu.memref_squeeze %dma_wait3A_428 : memref<1x128x128xf32, #tpu.memory_space<vmem>> -> memref<128x128xf32, #tpu.memory_space<vmem>>
        %dma_wait3A_430 = arith.constant 0 : i32
        %dma_wait3A_431 = tpu.memref_slice %arg6[%dma_wait3A_423, %dma_wait3A_424, %dma_wait3A_430] : memref<2x8x128xi32, #tpu.memory_space<vmem>> -> memref<1x1x128xi32, #tpu.memory_space<vmem>>
        %dma_wait3A_432 = tpu.memref_squeeze %dma_wait3A_431 : memref<1x1x128xi32, #tpu.memory_space<vmem>> -> memref<128xi32, #tpu.memory_space<vmem>>
        %dma_wait3A_433 = arith.constant 0 : i32
        %dma_wait3A_434 = arith.constant 0 : i32
        %dma_wait3A_435 = tpu.memref_slice %arg2[%dma_wait3A_433, %dma_wait3A_434] : memref<10240x128xf32, #tpu.memory_space<hbm>> -> memref<10240x128xf32, #tpu.memory_space<hbm>>
        tpu.wait_indirect_dma semaphore(%arg11 : memref<!tpu.dma_semaphore, #tpu.memory_space<semaphore_mem>>) src(%dma_wait3A_435 : memref<10240x128xf32, #tpu.memory_space<hbm>>) dst(%dma_wait3A_429 : memref<128x128xf32, #tpu.memory_space<vmem>>)
        %dma_start3A_436 = arith.constant 1 : i32
        %dma_start3A_437 = arith.constant 7 : i32
        %dma_start3A_438 = arith.constant 0 : i32
        %dma_start3A_439 = arith.constant 0 : i32
        %dma_start3A_440 = tpu.memref_slice %arg8[%dma_start3A_436, %dma_start3A_438, %dma_start3A_439] : memref<2x128x128xf32, #tpu.memory_space<vmem>> -> memref<1x128x128xf32, #tpu.memory_space<vmem>>
        %dma_start3A_441 = tpu.memref_squeeze %dma_start3A_440 : memref<1x128x128xf32, #tpu.memory_space<vmem>> -> memref<128x128xf32, #tpu.memory_space<vmem>>
        %dma_start3A_442 = arith.constant 0 : i32
        %dma_start3A_443 = tpu.memref_slice %arg7[%select_n3A_85, %dma_start3A_437, %dma_start3A_442] : memref<2x8x128xi32, #tpu.memory_space<vmem>> -> memref<1x1x128xi32, #tpu.memory_space<vmem>>
        %dma_start3A_444 = tpu.memref_squeeze %dma_start3A_443 : memref<1x1x128xi32, #tpu.memory_space<vmem>> -> memref<128xi32, #tpu.memory_space<vmem>>
        %dma_start3A_445 = arith.constant 0 : i32
        %dma_start3A_446 = arith.constant 0 : i32
        %dma_start3A_447 = tpu.memref_slice %arg9[%dma_start3A_445, %dma_start3A_446] : memref<10240x128xf32, #tpu.memory_space<vmem_shared>> -> memref<10240x128xf32, #tpu.memory_space<vmem_shared>>
        tpu.enqueue_indirect_dma source(%dma_start3A_441 : memref<128x128xf32, #tpu.memory_space<vmem>>) target(%dma_start3A_447 : memref<10240x128xf32, #tpu.memory_space<vmem_shared>>) offsets(%dma_start3A_444 : memref<128xi32, #tpu.memory_space<vmem>>) semaphore(%arg13 : memref<!tpu.dma_semaphore, #tpu.memory_space<semaphore_mem>>) {add = true}
        %dma_wait3A_448 = arith.constant 0 : i32
        %dma_wait3A_449 = arith.constant 0 : i32
        %dma_wait3A_450 = arith.constant 0 : i32
        %dma_wait3A_451 = arith.constant 0 : i32
        %dma_wait3A_452 = arith.constant 0 : i32
        %dma_wait3A_453 = tpu.memref_slice %arg8[%dma_wait3A_448, %dma_wait3A_451, %dma_wait3A_452] : memref<2x128x128xf32, #tpu.memory_space<vmem>> -> memref<1x128x128xf32, #tpu.memory_space<vmem>>
        %dma_wait3A_454 = tpu.memref_squeeze %dma_wait3A_453 : memref<1x128x128xf32, #tpu.memory_space<vmem>> -> memref<128x128xf32, #tpu.memory_space<vmem>>
        %dma_wait3A_455 = arith.constant 0 : i32
        %dma_wait3A_456 = tpu.memref_slice %arg7[%dma_wait3A_449, %dma_wait3A_450, %dma_wait3A_455] : memref<2x8x128xi32, #tpu.memory_space<vmem>> -> memref<1x1x128xi32, #tpu.memory_space<vmem>>
        %dma_wait3A_457 = tpu.memref_squeeze %dma_wait3A_456 : memref<1x1x128xi32, #tpu.memory_space<vmem>> -> memref<128xi32, #tpu.memory_space<vmem>>
        %dma_wait3A_458 = arith.constant 0 : i32
        %dma_wait3A_459 = arith.constant 0 : i32
        %dma_wait3A_460 = tpu.memref_slice %arg9[%dma_wait3A_458, %dma_wait3A_459] : memref<10240x128xf32, #tpu.memory_space<vmem_shared>> -> memref<10240x128xf32, #tpu.memory_space<vmem_shared>>
        tpu.wait_indirect_dma semaphore(%arg12 : memref<!tpu.dma_semaphore, #tpu.memory_space<semaphore_mem>>) src(%dma_wait3A_454 : memref<128x128xf32, #tpu.memory_space<vmem>>) dst(%dma_wait3A_460 : memref<10240x128xf32, #tpu.memory_space<vmem_shared>>)
        %convert_element_type3A_461 = arith.extui %lt3A_90 : i1 to i32
        %cond3A_462 = arith.constant 0 : i32
        %cond3A_463 = arith.cmpi ne, %convert_element_type3A_461, %cond3A_462 : i32
        scf.if %cond3A_463 {
          %dma_wait3A_480 = arith.constant 0 : i32
          %dma_wait3A_481 = arith.constant 0 : i32
          %dma_wait3A_482 = tpu.memref_slice %arg6[%sub3A_87, %dma_wait3A_480, %dma_wait3A_481] : memref<2x8x128xi32, #tpu.memory_space<vmem>> -> memref<1x8x128xi32, #tpu.memory_space<vmem>>
          %dma_wait3A_483 = tpu.memref_squeeze %dma_wait3A_482 : memref<1x8x128xi32, #tpu.memory_space<vmem>> -> memref<8x128xi32, #tpu.memory_space<vmem>>
          %dma_wait3A_484 = arith.constant 0 : i32
          %dma_wait3A_485 = tpu.memref_slice %arg3[%add3A_95, %dma_wait3A_484] : memref<2560x128xi32, #tpu.memory_space<hbm>> -> memref<8x128xi32, #tpu.memory_space<hbm>>
          %dma_wait3A_486 = arith.constant 0 : i32
          %dma_wait3A_487 = arith.constant 0 : i32
          %dma_wait3A_488 = tpu.memref_slice %arg6[%sub3A_87, %dma_wait3A_486, %dma_wait3A_487] : memref<2x8x128xi32, #tpu.memory_space<vmem>> -> memref<1x8x128xi32, #tpu.memory_space<vmem>>
          %dma_wait3A_489 = tpu.memref_squeeze %dma_wait3A_488 : memref<1x8x128xi32, #tpu.memory_space<vmem>> -> memref<8x128xi32, #tpu.memory_space<vmem>>
          %dma_wait3A_490 = arith.constant 0 : i32
          %dma_wait3A_491 = tpu.memref_slice %arg3[%add3A_95, %dma_wait3A_490] : memref<2560x128xi32, #tpu.memory_space<hbm>> -> memref<8x128xi32, #tpu.memory_space<hbm>>
          tpu.wait_dma2 semaphore(%arg14 : memref<!tpu.dma_semaphore, #tpu.memory_space<semaphore_mem>>) src(%dma_wait3A_491 : memref<8x128xi32, #tpu.memory_space<hbm>>) dst(%dma_wait3A_489 : memref<8x128xi32, #tpu.memory_space<vmem>>)
          %dma_wait3A_492 = arith.constant 0 : i32
          %dma_wait3A_493 = arith.constant 0 : i32
          %dma_wait3A_494 = tpu.memref_slice %arg7[%sub3A_87, %dma_wait3A_492, %dma_wait3A_493] : memref<2x8x128xi32, #tpu.memory_space<vmem>> -> memref<1x8x128xi32, #tpu.memory_space<vmem>>
          %dma_wait3A_495 = tpu.memref_squeeze %dma_wait3A_494 : memref<1x8x128xi32, #tpu.memory_space<vmem>> -> memref<8x128xi32, #tpu.memory_space<vmem>>
          %dma_wait3A_496 = arith.constant 0 : i32
          %dma_wait3A_497 = tpu.memref_slice %arg4[%add3A_95, %dma_wait3A_496] : memref<2560x128xi32, #tpu.memory_space<hbm>> -> memref<8x128xi32, #tpu.memory_space<hbm>>
          %dma_wait3A_498 = arith.constant 0 : i32
          %dma_wait3A_499 = arith.constant 0 : i32
          %dma_wait3A_500 = tpu.memref_slice %arg7[%sub3A_87, %dma_wait3A_498, %dma_wait3A_499] : memref<2x8x128xi32, #tpu.memory_space<vmem>> -> memref<1x8x128xi32, #tpu.memory_space<vmem>>
          %dma_wait3A_501 = tpu.memref_squeeze %dma_wait3A_500 : memref<1x8x128xi32, #tpu.memory_space<vmem>> -> memref<8x128xi32, #tpu.memory_space<vmem>>
          %dma_wait3A_502 = arith.constant 0 : i32
          %dma_wait3A_503 = tpu.memref_slice %arg4[%add3A_95, %dma_wait3A_502] : memref<2560x128xi32, #tpu.memory_space<hbm>> -> memref<8x128xi32, #tpu.memory_space<hbm>>
          tpu.wait_dma2 semaphore(%arg15 : memref<!tpu.dma_semaphore, #tpu.memory_space<semaphore_mem>>) src(%dma_wait3A_503 : memref<8x128xi32, #tpu.memory_space<hbm>>) dst(%dma_wait3A_501 : memref<8x128xi32, #tpu.memory_space<vmem>>)
          %dma_start3A_504 = arith.constant 0 : i32
          %dma_start3A_505 = arith.constant 0 : i32
          %dma_start3A_506 = arith.constant 0 : i32
          %dma_start3A_507 = arith.constant 0 : i32
          %dma_start3A_508 = tpu.memref_slice %arg8[%dma_start3A_505, %dma_start3A_506, %dma_start3A_507] : memref<2x128x128xf32, #tpu.memory_space<vmem>> -> memref<1x128x128xf32, #tpu.memory_space<vmem>>
          %dma_start3A_509 = tpu.memref_squeeze %dma_start3A_508 : memref<1x128x128xf32, #tpu.memory_space<vmem>> -> memref<128x128xf32, #tpu.memory_space<vmem>>
          %dma_start3A_510 = arith.constant 0 : i32
          %dma_start3A_511 = tpu.memref_slice %arg6[%sub3A_87, %dma_start3A_504, %dma_start3A_510] : memref<2x8x128xi32, #tpu.memory_space<vmem>> -> memref<1x1x128xi32, #tpu.memory_space<vmem>>
          %dma_start3A_512 = tpu.memref_squeeze %dma_start3A_511 : memref<1x1x128xi32, #tpu.memory_space<vmem>> -> memref<128xi32, #tpu.memory_space<vmem>>
          %dma_start3A_513 = arith.constant 0 : i32
          %dma_start3A_514 = arith.constant 0 : i32
          %dma_start3A_515 = tpu.memref_slice %arg2[%dma_start3A_513, %dma_start3A_514] : memref<10240x128xf32, #tpu.memory_space<hbm>> -> memref<10240x128xf32, #tpu.memory_space<hbm>>
          tpu.enqueue_indirect_dma source(%dma_start3A_515 : memref<10240x128xf32, #tpu.memory_space<hbm>>) target(%dma_start3A_509 : memref<128x128xf32, #tpu.memory_space<vmem>>) offsets(%dma_start3A_512 : memref<128xi32, #tpu.memory_space<vmem>>) semaphore(%arg10 : memref<!tpu.dma_semaphore, #tpu.memory_space<semaphore_mem>>)
        } else {
        }
        %dma_wait3A_464 = arith.constant 1 : i32
        %dma_wait3A_465 = arith.constant 0 : i32
        %dma_wait3A_466 = arith.constant 0 : i32
        %dma_wait3A_467 = arith.constant 0 : i32
        %dma_wait3A_468 = arith.constant 0 : i32
        %dma_wait3A_469 = tpu.memref_slice %arg8[%dma_wait3A_464, %dma_wait3A_467, %dma_wait3A_468] : memref<2x128x128xf32, #tpu.memory_space<vmem>> -> memref<1x128x128xf32, #tpu.memory_space<vmem>>
        %dma_wait3A_470 = tpu.memref_squeeze %dma_wait3A_469 : memref<1x128x128xf32, #tpu.memory_space<vmem>> -> memref<128x128xf32, #tpu.memory_space<vmem>>
        %dma_wait3A_471 = arith.constant 0 : i32
        %dma_wait3A_472 = tpu.memref_slice %arg7[%dma_wait3A_465, %dma_wait3A_466, %dma_wait3A_471] : memref<2x8x128xi32, #tpu.memory_space<vmem>> -> memref<1x1x128xi32, #tpu.memory_space<vmem>>
        %dma_wait3A_473 = tpu.memref_squeeze %dma_wait3A_472 : memref<1x1x128xi32, #tpu.memory_space<vmem>> -> memref<128xi32, #tpu.memory_space<vmem>>
        %dma_wait3A_474 = arith.constant 0 : i32
        %dma_wait3A_475 = arith.constant 0 : i32
        %dma_wait3A_476 = tpu.memref_slice %arg9[%dma_wait3A_474, %dma_wait3A_475] : memref<10240x128xf32, #tpu.memory_space<vmem_shared>> -> memref<10240x128xf32, #tpu.memory_space<vmem_shared>>
        tpu.wait_indirect_dma semaphore(%arg13 : memref<!tpu.dma_semaphore, #tpu.memory_space<semaphore_mem>>) src(%dma_wait3A_470 : memref<128x128xf32, #tpu.memory_space<vmem>>) dst(%dma_wait3A_476 : memref<10240x128xf32, #tpu.memory_space<vmem_shared>>)
        %convert_element_type3A_477 = arith.extui %lt3A_90 : i1 to i32
        %cond3A_478 = arith.constant 0 : i32
        %cond3A_479 = arith.cmpi ne, %convert_element_type3A_477, %cond3A_478 : i32
        scf.if %cond3A_479 {
          %dma_start3A_480 = arith.constant 1 : i32
          %dma_start3A_481 = arith.constant 1 : i32
          %dma_start3A_482 = arith.constant 0 : i32
          %dma_start3A_483 = arith.constant 0 : i32
          %dma_start3A_484 = tpu.memref_slice %arg8[%dma_start3A_481, %dma_start3A_482, %dma_start3A_483] : memref<2x128x128xf32, #tpu.memory_space<vmem>> -> memref<1x128x128xf32, #tpu.memory_space<vmem>>
          %dma_start3A_485 = tpu.memref_squeeze %dma_start3A_484 : memref<1x128x128xf32, #tpu.memory_space<vmem>> -> memref<128x128xf32, #tpu.memory_space<vmem>>
          %dma_start3A_486 = arith.constant 0 : i32
          %dma_start3A_487 = tpu.memref_slice %arg6[%sub3A_87, %dma_start3A_480, %dma_start3A_486] : memref<2x8x128xi32, #tpu.memory_space<vmem>> -> memref<1x1x128xi32, #tpu.memory_space<vmem>>
          %dma_start3A_488 = tpu.memref_squeeze %dma_start3A_487 : memref<1x1x128xi32, #tpu.memory_space<vmem>> -> memref<128xi32, #tpu.memory_space<vmem>>
          %dma_start3A_489 = arith.constant 0 : i32
          %dma_start3A_490 = arith.constant 0 : i32
          %dma_start3A_491 = tpu.memref_slice %arg2[%dma_start3A_489, %dma_start3A_490] : memref<10240x128xf32, #tpu.memory_space<hbm>> -> memref<10240x128xf32, #tpu.memory_space<hbm>>
          tpu.enqueue_indirect_dma source(%dma_start3A_491 : memref<10240x128xf32, #tpu.memory_space<hbm>>) target(%dma_start3A_485 : memref<128x128xf32, #tpu.memory_space<vmem>>) offsets(%dma_start3A_488 : memref<128xi32, #tpu.memory_space<vmem>>) semaphore(%arg11 : memref<!tpu.dma_semaphore, #tpu.memory_space<semaphore_mem>>)
        } else {
        }
      }
      %barrier3A_62 = arith.constant 0 : index
      tpu.barrier barrier_id(%barrier3A_62)
      %mul3A_63 = arith.constant 640 : i32
      %mul3A_64 = arith.muli %arg1, %mul3A_63 : i32
      %mul3A_65 = arith.constant 10240 : i32
      %mul3A_66 = arith.muli %arg0, %mul3A_65 : i32
      %mul3A_67 = arith.constant 640 : i32
      %mul3A_68 = arith.muli %arg1, %mul3A_67 : i32
      %add3A_69 = arith.addi %mul3A_66, %mul3A_68 : i32
      "tpu.region"() ({
        %run_scoped3A_70 = tpu.sem_alloc : memref<!tpu.dma_semaphore, #tpu.memory_space<semaphore_mem>>
        %dma_start3A_71 = arith.constant 0 : i32
        %dma_start3A_72 = tpu.memref_slice %arg5[%add3A_69, %dma_start3A_71] : memref<20480x128xf32, #tpu.memory_space<hbm>> -> memref<640x128xf32, #tpu.memory_space<hbm>>
        %dma_start3A_73 = arith.constant 0 : i32
        %dma_start3A_74 = tpu.memref_slice %arg9[%mul3A_64, %dma_start3A_73] : memref<10240x128xf32, #tpu.memory_space<vmem_shared>> -> memref<640x128xf32, #tpu.memory_space<vmem_shared>>
        tpu.enqueue_dma source(%dma_start3A_74 : memref<640x128xf32, #tpu.memory_space<vmem_shared>>) target(%dma_start3A_72 : memref<640x128xf32, #tpu.memory_space<hbm>>) target_semaphore(%run_scoped3A_70 : memref<!tpu.dma_semaphore, #tpu.memory_space<semaphore_mem>>)
        %dma_wait3A = arith.constant 0 : i32
        %dma_wait3A_75 = tpu.memref_slice %arg5[%add3A_69, %dma_wait3A] : memref<20480x128xf32, #tpu.memory_space<hbm>> -> memref<640x128xf32, #tpu.memory_space<hbm>>
        %dma_wait3A_76 = arith.constant 0 : i32
        %dma_wait3A_77 = tpu.memref_slice %arg9[%mul3A_64, %dma_wait3A_76] : memref<10240x128xf32, #tpu.memory_space<vmem_shared>> -> memref<640x128xf32, #tpu.memory_space<vmem_shared>>
        tpu.wait_dma2 semaphore(%run_scoped3A_70 : memref<!tpu.dma_semaphore, #tpu.memory_space<semaphore_mem>>) src(%dma_wait3A_77 : memref<640x128xf32, #tpu.memory_space<vmem_shared>>) dst(%dma_wait3A_75 : memref<640x128xf32, #tpu.memory_space<hbm>>)
        tpu.yield
      }) : () -> ()
    } else {
    }
    return
  }
}

#map = affine_map<(d0, d1) -> (0, 0)>
module attributes {stable_mosaic.version = 14 : i64} {
  func.func @round_kernel(%arg0: i32, %arg1: i32, %arg2: memref<10240x16xf32, #tpu.memory_space<hbm>>, %arg3: memref<2560x128xi32, #tpu.memory_space<hbm>>, %arg4: memref<2560x128xi32, #tpu.memory_space<hbm>>, %arg5: memref<20480x16xf32, #tpu.memory_space<hbm>>, %arg6: memref<2x8x128xi32, #tpu.memory_space<vmem>>, %arg7: memref<2x8x128xi32, #tpu.memory_space<vmem>>, %arg8: memref<2x128x16xf32, #tpu.memory_space<vmem>>, %arg9: memref<10240x16xf32, #tpu.memory_space<vmem_shared>>, %arg10: memref<!tpu.dma_semaphore, #tpu.memory_space<semaphore_mem>>, %arg11: memref<!tpu.dma_semaphore, #tpu.memory_space<semaphore_mem>>, %arg12: memref<!tpu.dma_semaphore, #tpu.memory_space<semaphore_mem>>, %arg13: memref<!tpu.dma_semaphore, #tpu.memory_space<semaphore_mem>>, %arg14: memref<!tpu.dma_semaphore, #tpu.memory_space<semaphore_mem>>, %arg15: memref<!tpu.dma_semaphore, #tpu.memory_space<semaphore_mem>>) attributes {dimension_semantics = [#tpu.dimension_semantics<core_parallel>, #tpu.dimension_semantics<subcore_parallel>], iteration_bounds = array<i64: 2, 16>, scalar_prefetch = 0 : i64, scratch_operands = 10 : i64, tpu.core_type = #tpu.core_type<sc_vector_subcore>, window_params = [{transform_indices = #map}, {transform_indices = #map}, {transform_indices = #map}, {transform_indices = #map}]} {
    %lt3A = arith.constant 2 : i32
    %lt3A_0 = arith.cmpi slt, %arg0, %lt3A : i32
    %convert_element_type3A = arith.extui %lt3A_0 : i1 to i32
    %cond3A = arith.constant 0 : i32
    %cond3A_1 = arith.cmpi ne, %convert_element_type3A, %cond3A : i32
    scf.if %cond3A_1 {
      %scan3A = arith.constant 0 : i32
      %scan3A_2 = arith.constant 128 : i32
      %scan3A_3 = arith.addi %scan3A, %scan3A_2 : i32
      %scan3A_4 = arith.constant 1 : i32
      scf.for %scan3A_70 = %scan3A to %scan3A_3 step %scan3A_4  : i32 {
        %mul3A_71 = arith.constant 1 : i32
        %mul3A_72 = arith.muli %scan3A_70, %mul3A_71 : i32
        %add3A_73 = arith.constant 0 : i32
        %add3A_74 = arith.addi %add3A_73, %mul3A_72 : i32
        %scan3A_75 = arith.constant 0 : i32
        %mul3A_76 = arith.constant 16 : i32
        %mul3A_77 = arith.muli %scan3A_75, %mul3A_76 : i32
        %add3A_78 = arith.constant 0 : i32
        %add3A_79 = arith.addi %add3A_78, %mul3A_77 : i32
        %broadcast_in_dim3A = arith.constant 0.000000e+00 : f32
        %broadcast_in_dim3A_80 = vector.broadcast %broadcast_in_dim3A : f32 to vector<16xf32>
        %swap3A = arith.constant 0 : i32
        %swap3A_81 = arith.index_cast %swap3A : i32 to index
        %swap3A_82 = arith.index_cast %add3A_74 : i32 to index
        %swap3A_83 = arith.index_cast %add3A_79 : i32 to index
        %swap3A_84 = tpu.vector_load %arg8[%swap3A_81, %swap3A_82, %swap3A_83] {strides = array<i32>} : memref<2x128x16xf32, #tpu.memory_space<vmem>>, vector<1x1x16xf32>,
        %swap3A_85 = vector.shape_cast %swap3A_84 : vector<1x1x16xf32> to vector<16xf32>
        %swap3A_86 = vector.shape_cast %broadcast_in_dim3A_80 : vector<16xf32> to vector<1x1x16xf32>
        tpu.vector_store %arg8[%swap3A_81, %swap3A_82, %swap3A_83], %swap3A_86 {strides = array<i32>} : memref<2x128x16xf32, #tpu.memory_space<vmem>>, vector<1x1x16xf32>,
        %scan3A_87 = arith.constant 1 : i32
      }
      %scan3A_5 = arith.constant 128 : i32
      %scan3A_6 = arith.constant 0 : i32
      %scan3A_7 = arith.constant 5 : i32
      %scan3A_8 = arith.addi %scan3A_6, %scan3A_7 : i32
      %scan3A_9 = arith.constant 1 : i32
      scf.for %scan3A_70 = %scan3A_6 to %scan3A_8 step %scan3A_9  : i32 {
        %mul3A_71 = arith.constant 1 : i32
        %mul3A_72 = arith.muli %scan3A_70, %mul3A_71 : i32
        %add3A_73 = arith.constant 0 : i32
        %add3A_74 = arith.addi %add3A_73, %mul3A_72 : i32
        %mul3A_75 = arith.constant 640 : i32
        %mul3A_76 = arith.muli %arg1, %mul3A_75 : i32
        %mul3A_77 = arith.constant 128 : i32
        %mul3A_78 = arith.muli %add3A_74, %mul3A_77 : i32
        %add3A_79 = arith.addi %mul3A_76, %mul3A_78 : i32
        %run_scoped3A_80 = arith.constant 0 : i32
        "tpu.region"() ({
          %run_scoped3A_81 = tpu.sem_alloc : memref<!tpu.dma_semaphore, #tpu.memory_space<semaphore_mem>>
          %dma_start3A_82 = arith.constant 0 : i32
          %dma_start3A_83 = arith.constant 0 : i32
          %dma_start3A_84 = tpu.memref_slice %arg8[%run_scoped3A_80, %dma_start3A_82, %dma_start3A_83] : memref<2x128x16xf32, #tpu.memory_space<vmem>> -> memref<1x128x16xf32, #tpu.memory_space<vmem>>
          %dma_start3A_85 = tpu.memref_squeeze %dma_start3A_84 : memref<1x128x16xf32, #tpu.memory_space<vmem>> -> memref<128x16xf32, #tpu.memory_space<vmem>>
          %dma_start3A_86 = arith.constant 0 : i32
          %dma_start3A_87 = tpu.memref_slice %arg9[%add3A_79, %dma_start3A_86] : memref<10240x16xf32, #tpu.memory_space<vmem_shared>> -> memref<128x16xf32, #tpu.memory_space<vmem_shared>>
          %dma_start3A_88 = arith.constant 0 : i32
          %dma_start3A_89 = tpu.memref_slice %arg9[%add3A_79, %dma_start3A_88] : memref<10240x16xf32, #tpu.memory_space<vmem_shared>> -> memref<128x16xf32, #tpu.memory_space<vmem_shared>>
          %dma_start3A_90 = arith.constant 0 : i32
          %dma_start3A_91 = arith.constant 0 : i32
          %dma_start3A_92 = tpu.memref_slice %arg8[%run_scoped3A_80, %dma_start3A_90, %dma_start3A_91] : memref<2x128x16xf32, #tpu.memory_space<vmem>> -> memref<1x128x16xf32, #tpu.memory_space<vmem>>
          %dma_start3A_93 = tpu.memref_squeeze %dma_start3A_92 : memref<1x128x16xf32, #tpu.memory_space<vmem>> -> memref<128x16xf32, #tpu.memory_space<vmem>>
          tpu.enqueue_dma source(%dma_start3A_93 : memref<128x16xf32, #tpu.memory_space<vmem>>) target(%dma_start3A_89 : memref<128x16xf32, #tpu.memory_space<vmem_shared>>) target_semaphore(%run_scoped3A_81 : memref<!tpu.dma_semaphore, #tpu.memory_space<semaphore_mem>>)
          %dma_wait3A = arith.constant 0 : i32
          %dma_wait3A_94 = arith.constant 0 : i32
          %dma_wait3A_95 = tpu.memref_slice %arg8[%run_scoped3A_80, %dma_wait3A, %dma_wait3A_94] : memref<2x128x16xf32, #tpu.memory_space<vmem>> -> memref<1x128x16xf32, #tpu.memory_space<vmem>>
          %dma_wait3A_96 = tpu.memref_squeeze %dma_wait3A_95 : memref<1x128x16xf32, #tpu.memory_space<vmem>> -> memref<128x16xf32, #tpu.memory_space<vmem>>
          %dma_wait3A_97 = arith.constant 0 : i32
          %dma_wait3A_98 = tpu.memref_slice %arg9[%add3A_79, %dma_wait3A_97] : memref<10240x16xf32, #tpu.memory_space<vmem_shared>> -> memref<128x16xf32, #tpu.memory_space<vmem_shared>>
          %dma_wait3A_99 = arith.constant 0 : i32
          %dma_wait3A_100 = tpu.memref_slice %arg9[%add3A_79, %dma_wait3A_99] : memref<10240x16xf32, #tpu.memory_space<vmem_shared>> -> memref<128x16xf32, #tpu.memory_space<vmem_shared>>
          %dma_wait3A_101 = arith.constant 0 : i32
          %dma_wait3A_102 = arith.constant 0 : i32
          %dma_wait3A_103 = tpu.memref_slice %arg8[%run_scoped3A_80, %dma_wait3A_101, %dma_wait3A_102] : memref<2x128x16xf32, #tpu.memory_space<vmem>> -> memref<1x128x16xf32, #tpu.memory_space<vmem>>
          %dma_wait3A_104 = tpu.memref_squeeze %dma_wait3A_103 : memref<1x128x16xf32, #tpu.memory_space<vmem>> -> memref<128x16xf32, #tpu.memory_space<vmem>>
          tpu.wait_dma2 semaphore(%run_scoped3A_81 : memref<!tpu.dma_semaphore, #tpu.memory_space<semaphore_mem>>) src(%dma_wait3A_104 : memref<128x16xf32, #tpu.memory_space<vmem>>) dst(%dma_wait3A_100 : memref<128x16xf32, #tpu.memory_space<vmem_shared>>)
          tpu.yield
        }) : () -> ()
      }
      %scan3A_10 = arith.constant 5 : i32
      %barrier3A = arith.constant 0 : index
      tpu.barrier barrier_id(%barrier3A)
      %eq3A = arith.constant 0 : i32
      %eq3A_11 = arith.cmpi eq, %arg0, %eq3A : i32
      %jit3A = arith.constant 10 : i32
      %jit3A_12 = arith.constant 10 : i32
      %select_n3A = arith.select %eq3A_11, %jit3A, %jit3A_12 : i32
      %eq3A_13 = arith.constant 0 : i32
      %eq3A_14 = arith.cmpi eq, %arg0, %eq3A_13 : i32
      %mul3A = arith.constant 80 : i32
      %mul3A_15 = arith.muli %arg1, %mul3A : i32
      %mul3A_16 = arith.constant 80 : i32
      %mul3A_17 = arith.muli %arg1, %mul3A_16 : i32
      %add3A = arith.constant 1280 : i32
      %add3A_18 = arith.addi %add3A, %mul3A_17 : i32
      %select_n3A_19 = arith.select %eq3A_14, %mul3A_15, %add3A_18 : i32
      %run_scoped3A = arith.constant 0 : i32
      "tpu.region"() ({
        %run_scoped3A_70 = tpu.sem_alloc : memref<!tpu.dma_semaphore, #tpu.memory_space<semaphore_mem>>
        %dma_start3A_71 = arith.constant 0 : i32
        %dma_start3A_72 = arith.constant 0 : i32
        %dma_start3A_73 = tpu.memref_slice %arg6[%run_scoped3A, %dma_start3A_71, %dma_start3A_72] : memref<2x8x128xi32, #tpu.memory_space<vmem>> -> memref<1x8x128xi32, #tpu.memory_space<vmem>>
        %dma_start3A_74 = tpu.memref_squeeze %dma_start3A_73 : memref<1x8x128xi32, #tpu.memory_space<vmem>> -> memref<8x128xi32, #tpu.memory_space<vmem>>
        %dma_start3A_75 = arith.constant 0 : i32
        %dma_start3A_76 = tpu.memref_slice %arg3[%select_n3A_19, %dma_start3A_75] : memref<2560x128xi32, #tpu.memory_space<hbm>> -> memref<8x128xi32, #tpu.memory_space<hbm>>
        %dma_start3A_77 = arith.constant 0 : i32
        %dma_start3A_78 = arith.constant 0 : i32
        %dma_start3A_79 = tpu.memref_slice %arg6[%run_scoped3A, %dma_start3A_77, %dma_start3A_78] : memref<2x8x128xi32, #tpu.memory_space<vmem>> -> memref<1x8x128xi32, #tpu.memory_space<vmem>>
        %dma_start3A_80 = tpu.memref_squeeze %dma_start3A_79 : memref<1x8x128xi32, #tpu.memory_space<vmem>> -> memref<8x128xi32, #tpu.memory_space<vmem>>
        %dma_start3A_81 = arith.constant 0 : i32
        %dma_start3A_82 = tpu.memref_slice %arg3[%select_n3A_19, %dma_start3A_81] : memref<2560x128xi32, #tpu.memory_space<hbm>> -> memref<8x128xi32, #tpu.memory_space<hbm>>
        tpu.enqueue_dma source(%dma_start3A_82 : memref<8x128xi32, #tpu.memory_space<hbm>>) target(%dma_start3A_80 : memref<8x128xi32, #tpu.memory_space<vmem>>) target_semaphore(%run_scoped3A_70 : memref<!tpu.dma_semaphore, #tpu.memory_space<semaphore_mem>>)
        %dma_wait3A = arith.constant 0 : i32
        %dma_wait3A_83 = arith.constant 0 : i32
        %dma_wait3A_84 = tpu.memref_slice %arg6[%run_scoped3A, %dma_wait3A, %dma_wait3A_83] : memref<2x8x128xi32, #tpu.memory_space<vmem>> -> memref<1x8x128xi32, #tpu.memory_space<vmem>>
        %dma_wait3A_85 = tpu.memref_squeeze %dma_wait3A_84 : memref<1x8x128xi32, #tpu.memory_space<vmem>> -> memref<8x128xi32, #tpu.memory_space<vmem>>
        %dma_wait3A_86 = arith.constant 0 : i32
        %dma_wait3A_87 = tpu.memref_slice %arg3[%select_n3A_19, %dma_wait3A_86] : memref<2560x128xi32, #tpu.memory_space<hbm>> -> memref<8x128xi32, #tpu.memory_space<hbm>>
        %dma_wait3A_88 = arith.constant 0 : i32
        %dma_wait3A_89 = arith.constant 0 : i32
        %dma_wait3A_90 = tpu.memref_slice %arg6[%run_scoped3A, %dma_wait3A_88, %dma_wait3A_89] : memref<2x8x128xi32, #tpu.memory_space<vmem>> -> memref<1x8x128xi32, #tpu.memory_space<vmem>>
        %dma_wait3A_91 = tpu.memref_squeeze %dma_wait3A_90 : memref<1x8x128xi32, #tpu.memory_space<vmem>> -> memref<8x128xi32, #tpu.memory_space<vmem>>
        %dma_wait3A_92 = arith.constant 0 : i32
        %dma_wait3A_93 = tpu.memref_slice %arg3[%select_n3A_19, %dma_wait3A_92] : memref<2560x128xi32, #tpu.memory_space<hbm>> -> memref<8x128xi32, #tpu.memory_space<hbm>>
        tpu.wait_dma2 semaphore(%run_scoped3A_70 : memref<!tpu.dma_semaphore, #tpu.memory_space<semaphore_mem>>) src(%dma_wait3A_93 : memref<8x128xi32, #tpu.memory_space<hbm>>) dst(%dma_wait3A_91 : memref<8x128xi32, #tpu.memory_space<vmem>>)
        tpu.yield
      }) : () -> ()
      %run_scoped3A_20 = arith.constant 0 : i32
      "tpu.region"() ({
        %run_scoped3A_70 = tpu.sem_alloc : memref<!tpu.dma_semaphore, #tpu.memory_space<semaphore_mem>>
        %dma_start3A_71 = arith.constant 0 : i32
        %dma_start3A_72 = arith.constant 0 : i32
        %dma_start3A_73 = tpu.memref_slice %arg7[%run_scoped3A_20, %dma_start3A_71, %dma_start3A_72] : memref<2x8x128xi32, #tpu.memory_space<vmem>> -> memref<1x8x128xi32, #tpu.memory_space<vmem>>
        %dma_start3A_74 = tpu.memref_squeeze %dma_start3A_73 : memref<1x8x128xi32, #tpu.memory_space<vmem>> -> memref<8x128xi32, #tpu.memory_space<vmem>>
        %dma_start3A_75 = arith.constant 0 : i32
        %dma_start3A_76 = tpu.memref_slice %arg4[%select_n3A_19, %dma_start3A_75] : memref<2560x128xi32, #tpu.memory_space<hbm>> -> memref<8x128xi32, #tpu.memory_space<hbm>>
        %dma_start3A_77 = arith.constant 0 : i32
        %dma_start3A_78 = arith.constant 0 : i32
        %dma_start3A_79 = tpu.memref_slice %arg7[%run_scoped3A_20, %dma_start3A_77, %dma_start3A_78] : memref<2x8x128xi32, #tpu.memory_space<vmem>> -> memref<1x8x128xi32, #tpu.memory_space<vmem>>
        %dma_start3A_80 = tpu.memref_squeeze %dma_start3A_79 : memref<1x8x128xi32, #tpu.memory_space<vmem>> -> memref<8x128xi32, #tpu.memory_space<vmem>>
        %dma_start3A_81 = arith.constant 0 : i32
        %dma_start3A_82 = tpu.memref_slice %arg4[%select_n3A_19, %dma_start3A_81] : memref<2560x128xi32, #tpu.memory_space<hbm>> -> memref<8x128xi32, #tpu.memory_space<hbm>>
        tpu.enqueue_dma source(%dma_start3A_82 : memref<8x128xi32, #tpu.memory_space<hbm>>) target(%dma_start3A_80 : memref<8x128xi32, #tpu.memory_space<vmem>>) target_semaphore(%run_scoped3A_70 : memref<!tpu.dma_semaphore, #tpu.memory_space<semaphore_mem>>)
        %dma_wait3A = arith.constant 0 : i32
        %dma_wait3A_83 = arith.constant 0 : i32
        %dma_wait3A_84 = tpu.memref_slice %arg7[%run_scoped3A_20, %dma_wait3A, %dma_wait3A_83] : memref<2x8x128xi32, #tpu.memory_space<vmem>> -> memref<1x8x128xi32, #tpu.memory_space<vmem>>
        %dma_wait3A_85 = tpu.memref_squeeze %dma_wait3A_84 : memref<1x8x128xi32, #tpu.memory_space<vmem>> -> memref<8x128xi32, #tpu.memory_space<vmem>>
        %dma_wait3A_86 = arith.constant 0 : i32
        %dma_wait3A_87 = tpu.memref_slice %arg4[%select_n3A_19, %dma_wait3A_86] : memref<2560x128xi32, #tpu.memory_space<hbm>> -> memref<8x128xi32, #tpu.memory_space<hbm>>
        %dma_wait3A_88 = arith.constant 0 : i32
        %dma_wait3A_89 = arith.constant 0 : i32
        %dma_wait3A_90 = tpu.memref_slice %arg7[%run_scoped3A_20, %dma_wait3A_88, %dma_wait3A_89] : memref<2x8x128xi32, #tpu.memory_space<vmem>> -> memref<1x8x128xi32, #tpu.memory_space<vmem>>
        %dma_wait3A_91 = tpu.memref_squeeze %dma_wait3A_90 : memref<1x8x128xi32, #tpu.memory_space<vmem>> -> memref<8x128xi32, #tpu.memory_space<vmem>>
        %dma_wait3A_92 = arith.constant 0 : i32
        %dma_wait3A_93 = tpu.memref_slice %arg4[%select_n3A_19, %dma_wait3A_92] : memref<2560x128xi32, #tpu.memory_space<hbm>> -> memref<8x128xi32, #tpu.memory_space<hbm>>
        tpu.wait_dma2 semaphore(%run_scoped3A_70 : memref<!tpu.dma_semaphore, #tpu.memory_space<semaphore_mem>>) src(%dma_wait3A_93 : memref<8x128xi32, #tpu.memory_space<hbm>>) dst(%dma_wait3A_91 : memref<8x128xi32, #tpu.memory_space<vmem>>)
        tpu.yield
      }) : () -> ()
      %dma_start3A = arith.constant 0 : i32
      %dma_start3A_21 = arith.constant 0 : i32
      %dma_start3A_22 = arith.constant 0 : i32
      %dma_start3A_23 = arith.constant 0 : i32
      %dma_start3A_24 = arith.constant 0 : i32
      %dma_start3A_25 = tpu.memref_slice %arg8[%dma_start3A_22, %dma_start3A_23, %dma_start3A_24] : memref<2x128x16xf32, #tpu.memory_space<vmem>> -> memref<1x128x16xf32, #tpu.memory_space<vmem>>
      %dma_start3A_26 = tpu.memref_squeeze %dma_start3A_25 : memref<1x128x16xf32, #tpu.memory_space<vmem>> -> memref<128x16xf32, #tpu.memory_space<vmem>>
      %dma_start3A_27 = arith.constant 0 : i32
      %dma_start3A_28 = tpu.memref_slice %arg6[%dma_start3A, %dma_start3A_21, %dma_start3A_27] : memref<2x8x128xi32, #tpu.memory_space<vmem>> -> memref<1x1x128xi32, #tpu.memory_space<vmem>>
      %dma_start3A_29 = tpu.memref_squeeze %dma_start3A_28 : memref<1x1x128xi32, #tpu.memory_space<vmem>> -> memref<128xi32, #tpu.memory_space<vmem>>
      %dma_start3A_30 = arith.constant 0 : i32
      %dma_start3A_31 = arith.constant 0 : i32
      %dma_start3A_32 = tpu.memref_slice %arg2[%dma_start3A_30, %dma_start3A_31] : memref<10240x16xf32, #tpu.memory_space<hbm>> -> memref<10240x16xf32, #tpu.memory_space<hbm>>
      tpu.enqueue_indirect_dma source(%dma_start3A_32 : memref<10240x16xf32, #tpu.memory_space<hbm>>) target(%dma_start3A_26 : memref<128x16xf32, #tpu.memory_space<vmem>>) offsets(%dma_start3A_29 : memref<128xi32, #tpu.memory_space<vmem>>) semaphore(%arg10 : memref<!tpu.dma_semaphore, #tpu.memory_space<semaphore_mem>>)
      %dma_start3A_33 = arith.constant 0 : i32
      %dma_start3A_34 = arith.constant 1 : i32
      %dma_start3A_35 = arith.constant 1 : i32
      %dma_start3A_36 = arith.constant 0 : i32
      %dma_start3A_37 = arith.constant 0 : i32
      %dma_start3A_38 = tpu.memref_slice %arg8[%dma_start3A_35, %dma_start3A_36, %dma_start3A_37] : memref<2x128x16xf32, #tpu.memory_space<vmem>> -> memref<1x128x16xf32, #tpu.memory_space<vmem>>
      %dma_start3A_39 = tpu.memref_squeeze %dma_start3A_38 : memref<1x128x16xf32, #tpu.memory_space<vmem>> -> memref<128x16xf32, #tpu.memory_space<vmem>>
      %dma_start3A_40 = arith.constant 0 : i32
      %dma_start3A_41 = tpu.memref_slice %arg6[%dma_start3A_33, %dma_start3A_34, %dma_start3A_40] : memref<2x8x128xi32, #tpu.memory_space<vmem>> -> memref<1x1x128xi32, #tpu.memory_space<vmem>>
      %dma_start3A_42 = tpu.memref_squeeze %dma_start3A_41 : memref<1x1x128xi32, #tpu.memory_space<vmem>> -> memref<128xi32, #tpu.memory_space<vmem>>
      %dma_start3A_43 = arith.constant 0 : i32
      %dma_start3A_44 = arith.constant 0 : i32
      %dma_start3A_45 = tpu.memref_slice %arg2[%dma_start3A_43, %dma_start3A_44] : memref<10240x16xf32, #tpu.memory_space<hbm>> -> memref<10240x16xf32, #tpu.memory_space<hbm>>
      tpu.enqueue_indirect_dma source(%dma_start3A_45 : memref<10240x16xf32, #tpu.memory_space<hbm>>) target(%dma_start3A_39 : memref<128x16xf32, #tpu.memory_space<vmem>>) offsets(%dma_start3A_42 : memref<128xi32, #tpu.memory_space<vmem>>) semaphore(%arg11 : memref<!tpu.dma_semaphore, #tpu.memory_space<semaphore_mem>>)
      %sub3A = arith.constant 0 : i32
      %sub3A_46 = arith.subi %select_n3A, %sub3A : i32
      %sub3A_47 = arith.constant 1 : i32
      %sub3A_48 = arith.constant 1 : i32
      %sub3A_49 = arith.subi %sub3A_47, %sub3A_48 : i32
      %add3A_50 = arith.addi %sub3A_46, %sub3A_49 : i32
      %div3A = arith.constant 1 : i32
      %div3A_51 = arith.divsi %add3A_50, %div3A : i32
      %while3A = arith.constant 1 : i32
      %while3A_52 = arith.constant 0 : i32
      %while3A_53 = arith.constant 0 : i32
      %while3A_54 = arith.subi %div3A_51, %while3A_53 : i32
      %while3A_55 = arith.addi %while3A_53, %while3A_54 : i32
      %while3A_56 = arith.constant 1 : i32
      %while3A_57 = arith.divsi %while3A_54, %while3A_56 : i32
      %while3A_58 = arith.muli %while3A_57, %while3A_56 : i32
      %while3A_59 = arith.addi %while3A_53, %while3A_58 : i32
      %while3A_60 = arith.constant 1 : i32
      scf.for %while3A_70 = %while3A_53 to %while3A_59 step %while3A_60  : i32 {
        %mul3A_71 = arith.muli %while3A_70, %while3A : i32
        %add3A_72 = arith.addi %while3A_52, %mul3A_71 : i32
        %jit3A_73 = arith.constant 2 : i32
        %eq3A_74 = arith.constant 0 : i32
        %eq3A_75 = arith.cmpi eq, %jit3A_73, %eq3A_74 : i32
        %jit3A_76 = arith.constant 1 : i32
        %select_n3A_77 = arith.select %eq3A_75, %jit3A_76, %jit3A_73 : i32
        %rem3A = arith.remsi %add3A_72, %select_n3A_77 : i32
        %ne3A = arith.constant 0 : i32
        %ne3A_78 = arith.cmpi ne, %rem3A, %ne3A : i32
        %lt3A_79 = arith.constant 0 : i32
        %lt3A_80 = arith.cmpi slt, %rem3A, %lt3A_79 : i32
        %lt3A_81 = arith.constant 0 : i32
        %lt3A_82 = arith.cmpi slt, %select_n3A_77, %lt3A_81 : i32
        %ne3A_83 = arith.xori %lt3A_80, %lt3A_82 : i1
        %and3A = arith.andi %ne3A_83, %ne3A_78 : i1
        %add3A_84 = arith.addi %rem3A, %select_n3A_77 : i32
        %select_n3A_85 = arith.select %and3A, %add3A_84, %rem3A : i32
        %sub3A_86 = arith.constant 1 : i32
        %sub3A_87 = arith.subi %sub3A_86, %select_n3A_85 : i32
        %sub3A_88 = arith.constant 1 : i32
        %sub3A_89 = arith.subi %select_n3A, %sub3A_88 : i32
        %lt3A_90 = arith.cmpi slt, %add3A_72, %sub3A_89 : i32
        %add3A_91 = arith.constant 1 : i32
        %add3A_92 = arith.addi %add3A_72, %add3A_91 : i32
        %mul3A_93 = arith.constant 8 : i32
        %mul3A_94 = arith.muli %add3A_92, %mul3A_93 : i32
        %add3A_95 = arith.addi %select_n3A_19, %mul3A_94 : i32
        %convert_element_type3A_96 = arith.extui %lt3A_90 : i1 to i32
        %cond3A_97 = arith.constant 0 : i32
        %cond3A_98 = arith.cmpi ne, %convert_element_type3A_96, %cond3A_97 : i32
        scf.if %cond3A_98 {
          %dma_start3A_480 = arith.constant 0 : i32
          %dma_start3A_481 = arith.constant 0 : i32
          %dma_start3A_482 = tpu.memref_slice %arg6[%sub3A_87, %dma_start3A_480, %dma_start3A_481] : memref<2x8x128xi32, #tpu.memory_space<vmem>> -> memref<1x8x128xi32, #tpu.memory_space<vmem>>
          %dma_start3A_483 = tpu.memref_squeeze %dma_start3A_482 : memref<1x8x128xi32, #tpu.memory_space<vmem>> -> memref<8x128xi32, #tpu.memory_space<vmem>>
          %dma_start3A_484 = arith.constant 0 : i32
          %dma_start3A_485 = tpu.memref_slice %arg3[%add3A_95, %dma_start3A_484] : memref<2560x128xi32, #tpu.memory_space<hbm>> -> memref<8x128xi32, #tpu.memory_space<hbm>>
          %dma_start3A_486 = arith.constant 0 : i32
          %dma_start3A_487 = arith.constant 0 : i32
          %dma_start3A_488 = tpu.memref_slice %arg6[%sub3A_87, %dma_start3A_486, %dma_start3A_487] : memref<2x8x128xi32, #tpu.memory_space<vmem>> -> memref<1x8x128xi32, #tpu.memory_space<vmem>>
          %dma_start3A_489 = tpu.memref_squeeze %dma_start3A_488 : memref<1x8x128xi32, #tpu.memory_space<vmem>> -> memref<8x128xi32, #tpu.memory_space<vmem>>
          %dma_start3A_490 = arith.constant 0 : i32
          %dma_start3A_491 = tpu.memref_slice %arg3[%add3A_95, %dma_start3A_490] : memref<2560x128xi32, #tpu.memory_space<hbm>> -> memref<8x128xi32, #tpu.memory_space<hbm>>
          tpu.enqueue_dma source(%dma_start3A_491 : memref<8x128xi32, #tpu.memory_space<hbm>>) target(%dma_start3A_489 : memref<8x128xi32, #tpu.memory_space<vmem>>) target_semaphore(%arg14 : memref<!tpu.dma_semaphore, #tpu.memory_space<semaphore_mem>>)
          %dma_start3A_492 = arith.constant 0 : i32
          %dma_start3A_493 = arith.constant 0 : i32
          %dma_start3A_494 = tpu.memref_slice %arg7[%sub3A_87, %dma_start3A_492, %dma_start3A_493] : memref<2x8x128xi32, #tpu.memory_space<vmem>> -> memref<1x8x128xi32, #tpu.memory_space<vmem>>
          %dma_start3A_495 = tpu.memref_squeeze %dma_start3A_494 : memref<1x8x128xi32, #tpu.memory_space<vmem>> -> memref<8x128xi32, #tpu.memory_space<vmem>>
          %dma_start3A_496 = arith.constant 0 : i32
          %dma_start3A_497 = tpu.memref_slice %arg4[%add3A_95, %dma_start3A_496] : memref<2560x128xi32, #tpu.memory_space<hbm>> -> memref<8x128xi32, #tpu.memory_space<hbm>>
          %dma_start3A_498 = arith.constant 0 : i32
          %dma_start3A_499 = arith.constant 0 : i32
          %dma_start3A_500 = tpu.memref_slice %arg7[%sub3A_87, %dma_start3A_498, %dma_start3A_499] : memref<2x8x128xi32, #tpu.memory_space<vmem>> -> memref<1x8x128xi32, #tpu.memory_space<vmem>>
          %dma_start3A_501 = tpu.memref_squeeze %dma_start3A_500 : memref<1x8x128xi32, #tpu.memory_space<vmem>> -> memref<8x128xi32, #tpu.memory_space<vmem>>
          %dma_start3A_502 = arith.constant 0 : i32
          %dma_start3A_503 = tpu.memref_slice %arg4[%add3A_95, %dma_start3A_502] : memref<2560x128xi32, #tpu.memory_space<hbm>> -> memref<8x128xi32, #tpu.memory_space<hbm>>
          tpu.enqueue_dma source(%dma_start3A_503 : memref<8x128xi32, #tpu.memory_space<hbm>>) target(%dma_start3A_501 : memref<8x128xi32, #tpu.memory_space<vmem>>) target_semaphore(%arg15 : memref<!tpu.dma_semaphore, #tpu.memory_space<semaphore_mem>>)
        } else {
        }
        %dma_wait3A = arith.constant 0 : i32
        %dma_wait3A_99 = arith.constant 0 : i32
        %dma_wait3A_100 = arith.constant 0 : i32
        %dma_wait3A_101 = arith.constant 0 : i32
        %dma_wait3A_102 = arith.constant 0 : i32
        %dma_wait3A_103 = tpu.memref_slice %arg8[%dma_wait3A_100, %dma_wait3A_101, %dma_wait3A_102] : memref<2x128x16xf32, #tpu.memory_space<vmem>> -> memref<1x128x16xf32, #tpu.memory_space<vmem>>
        %dma_wait3A_104 = tpu.memref_squeeze %dma_wait3A_103 : memref<1x128x16xf32, #tpu.memory_space<vmem>> -> memref<128x16xf32, #tpu.memory_space<vmem>>
        %dma_wait3A_105 = arith.constant 0 : i32
        %dma_wait3A_106 = tpu.memref_slice %arg6[%dma_wait3A, %dma_wait3A_99, %dma_wait3A_105] : memref<2x8x128xi32, #tpu.memory_space<vmem>> -> memref<1x1x128xi32, #tpu.memory_space<vmem>>
        %dma_wait3A_107 = tpu.memref_squeeze %dma_wait3A_106 : memref<1x1x128xi32, #tpu.memory_space<vmem>> -> memref<128xi32, #tpu.memory_space<vmem>>
        %dma_wait3A_108 = arith.constant 0 : i32
        %dma_wait3A_109 = arith.constant 0 : i32
        %dma_wait3A_110 = tpu.memref_slice %arg2[%dma_wait3A_108, %dma_wait3A_109] : memref<10240x16xf32, #tpu.memory_space<hbm>> -> memref<10240x16xf32, #tpu.memory_space<hbm>>
        tpu.wait_indirect_dma semaphore(%arg10 : memref<!tpu.dma_semaphore, #tpu.memory_space<semaphore_mem>>) src(%dma_wait3A_110 : memref<10240x16xf32, #tpu.memory_space<hbm>>) dst(%dma_wait3A_104 : memref<128x16xf32, #tpu.memory_space<vmem>>)
        %dma_start3A_111 = arith.constant 0 : i32
        %dma_start3A_112 = arith.constant 0 : i32
        %dma_start3A_113 = arith.constant 0 : i32
        %dma_start3A_114 = arith.constant 0 : i32
        %dma_start3A_115 = tpu.memref_slice %arg8[%dma_start3A_111, %dma_start3A_113, %dma_start3A_114] : memref<2x128x16xf32, #tpu.memory_space<vmem>> -> memref<1x128x16xf32, #tpu.memory_space<vmem>>
        %dma_start3A_116 = tpu.memref_squeeze %dma_start3A_115 : memref<1x128x16xf32, #tpu.memory_space<vmem>> -> memref<128x16xf32, #tpu.memory_space<vmem>>
        %dma_start3A_117 = arith.constant 0 : i32
        %dma_start3A_118 = tpu.memref_slice %arg7[%select_n3A_85, %dma_start3A_112, %dma_start3A_117] : memref<2x8x128xi32, #tpu.memory_space<vmem>> -> memref<1x1x128xi32, #tpu.memory_space<vmem>>
        %dma_start3A_119 = tpu.memref_squeeze %dma_start3A_118 : memref<1x1x128xi32, #tpu.memory_space<vmem>> -> memref<128xi32, #tpu.memory_space<vmem>>
        %dma_start3A_120 = arith.constant 0 : i32
        %dma_start3A_121 = arith.constant 0 : i32
        %dma_start3A_122 = tpu.memref_slice %arg9[%dma_start3A_120, %dma_start3A_121] : memref<10240x16xf32, #tpu.memory_space<vmem_shared>> -> memref<10240x16xf32, #tpu.memory_space<vmem_shared>>
        tpu.enqueue_indirect_dma source(%dma_start3A_116 : memref<128x16xf32, #tpu.memory_space<vmem>>) target(%dma_start3A_122 : memref<10240x16xf32, #tpu.memory_space<vmem_shared>>) offsets(%dma_start3A_119 : memref<128xi32, #tpu.memory_space<vmem>>) semaphore(%arg12 : memref<!tpu.dma_semaphore, #tpu.memory_space<semaphore_mem>>) {add = true}
        %dma_wait3A_123 = arith.constant 0 : i32
        %dma_wait3A_124 = arith.constant 0 : i32
        %dma_wait3A_125 = arith.constant 1 : i32
        %dma_wait3A_126 = arith.constant 0 : i32
        %dma_wait3A_127 = arith.constant 0 : i32
        %dma_wait3A_128 = tpu.memref_slice %arg8[%dma_wait3A_125, %dma_wait3A_126, %dma_wait3A_127] : memref<2x128x16xf32, #tpu.memory_space<vmem>> -> memref<1x128x16xf32, #tpu.memory_space<vmem>>
        %dma_wait3A_129 = tpu.memref_squeeze %dma_wait3A_128 : memref<1x128x16xf32, #tpu.memory_space<vmem>> -> memref<128x16xf32, #tpu.memory_space<vmem>>
        %dma_wait3A_130 = arith.constant 0 : i32
        %dma_wait3A_131 = tpu.memref_slice %arg6[%dma_wait3A_123, %dma_wait3A_124, %dma_wait3A_130] : memref<2x8x128xi32, #tpu.memory_space<vmem>> -> memref<1x1x128xi32, #tpu.memory_space<vmem>>
        %dma_wait3A_132 = tpu.memref_squeeze %dma_wait3A_131 : memref<1x1x128xi32, #tpu.memory_space<vmem>> -> memref<128xi32, #tpu.memory_space<vmem>>
        %dma_wait3A_133 = arith.constant 0 : i32
        %dma_wait3A_134 = arith.constant 0 : i32
        %dma_wait3A_135 = tpu.memref_slice %arg2[%dma_wait3A_133, %dma_wait3A_134] : memref<10240x16xf32, #tpu.memory_space<hbm>> -> memref<10240x16xf32, #tpu.memory_space<hbm>>
        tpu.wait_indirect_dma semaphore(%arg11 : memref<!tpu.dma_semaphore, #tpu.memory_space<semaphore_mem>>) src(%dma_wait3A_135 : memref<10240x16xf32, #tpu.memory_space<hbm>>) dst(%dma_wait3A_129 : memref<128x16xf32, #tpu.memory_space<vmem>>)
        %dma_start3A_136 = arith.constant 1 : i32
        %dma_start3A_137 = arith.constant 1 : i32
        %dma_start3A_138 = arith.constant 0 : i32
        %dma_start3A_139 = arith.constant 0 : i32
        %dma_start3A_140 = tpu.memref_slice %arg8[%dma_start3A_136, %dma_start3A_138, %dma_start3A_139] : memref<2x128x16xf32, #tpu.memory_space<vmem>> -> memref<1x128x16xf32, #tpu.memory_space<vmem>>
        %dma_start3A_141 = tpu.memref_squeeze %dma_start3A_140 : memref<1x128x16xf32, #tpu.memory_space<vmem>> -> memref<128x16xf32, #tpu.memory_space<vmem>>
        %dma_start3A_142 = arith.constant 0 : i32
        %dma_start3A_143 = tpu.memref_slice %arg7[%select_n3A_85, %dma_start3A_137, %dma_start3A_142] : memref<2x8x128xi32, #tpu.memory_space<vmem>> -> memref<1x1x128xi32, #tpu.memory_space<vmem>>
        %dma_start3A_144 = tpu.memref_squeeze %dma_start3A_143 : memref<1x1x128xi32, #tpu.memory_space<vmem>> -> memref<128xi32, #tpu.memory_space<vmem>>
        %dma_start3A_145 = arith.constant 0 : i32
        %dma_start3A_146 = arith.constant 0 : i32
        %dma_start3A_147 = tpu.memref_slice %arg9[%dma_start3A_145, %dma_start3A_146] : memref<10240x16xf32, #tpu.memory_space<vmem_shared>> -> memref<10240x16xf32, #tpu.memory_space<vmem_shared>>
        tpu.enqueue_indirect_dma source(%dma_start3A_141 : memref<128x16xf32, #tpu.memory_space<vmem>>) target(%dma_start3A_147 : memref<10240x16xf32, #tpu.memory_space<vmem_shared>>) offsets(%dma_start3A_144 : memref<128xi32, #tpu.memory_space<vmem>>) semaphore(%arg13 : memref<!tpu.dma_semaphore, #tpu.memory_space<semaphore_mem>>) {add = true}
        %dma_wait3A_148 = arith.constant 0 : i32
        %dma_wait3A_149 = arith.constant 0 : i32
        %dma_wait3A_150 = arith.constant 0 : i32
        %dma_wait3A_151 = arith.constant 0 : i32
        %dma_wait3A_152 = arith.constant 0 : i32
        %dma_wait3A_153 = tpu.memref_slice %arg8[%dma_wait3A_148, %dma_wait3A_151, %dma_wait3A_152] : memref<2x128x16xf32, #tpu.memory_space<vmem>> -> memref<1x128x16xf32, #tpu.memory_space<vmem>>
        %dma_wait3A_154 = tpu.memref_squeeze %dma_wait3A_153 : memref<1x128x16xf32, #tpu.memory_space<vmem>> -> memref<128x16xf32, #tpu.memory_space<vmem>>
        %dma_wait3A_155 = arith.constant 0 : i32
        %dma_wait3A_156 = tpu.memref_slice %arg7[%dma_wait3A_149, %dma_wait3A_150, %dma_wait3A_155] : memref<2x8x128xi32, #tpu.memory_space<vmem>> -> memref<1x1x128xi32, #tpu.memory_space<vmem>>
        %dma_wait3A_157 = tpu.memref_squeeze %dma_wait3A_156 : memref<1x1x128xi32, #tpu.memory_space<vmem>> -> memref<128xi32, #tpu.memory_space<vmem>>
        %dma_wait3A_158 = arith.constant 0 : i32
        %dma_wait3A_159 = arith.constant 0 : i32
        %dma_wait3A_160 = tpu.memref_slice %arg9[%dma_wait3A_158, %dma_wait3A_159] : memref<10240x16xf32, #tpu.memory_space<vmem_shared>> -> memref<10240x16xf32, #tpu.memory_space<vmem_shared>>
        tpu.wait_indirect_dma semaphore(%arg12 : memref<!tpu.dma_semaphore, #tpu.memory_space<semaphore_mem>>) src(%dma_wait3A_154 : memref<128x16xf32, #tpu.memory_space<vmem>>) dst(%dma_wait3A_160 : memref<10240x16xf32, #tpu.memory_space<vmem_shared>>)
        %dma_start3A_161 = arith.constant 2 : i32
        %dma_start3A_162 = arith.constant 0 : i32
        %dma_start3A_163 = arith.constant 0 : i32
        %dma_start3A_164 = arith.constant 0 : i32
        %dma_start3A_165 = tpu.memref_slice %arg8[%dma_start3A_162, %dma_start3A_163, %dma_start3A_164] : memref<2x128x16xf32, #tpu.memory_space<vmem>> -> memref<1x128x16xf32, #tpu.memory_space<vmem>>
        %dma_start3A_166 = tpu.memref_squeeze %dma_start3A_165 : memref<1x128x16xf32, #tpu.memory_space<vmem>> -> memref<128x16xf32, #tpu.memory_space<vmem>>
        %dma_start3A_167 = arith.constant 0 : i32
        %dma_start3A_168 = tpu.memref_slice %arg6[%select_n3A_85, %dma_start3A_161, %dma_start3A_167] : memref<2x8x128xi32, #tpu.memory_space<vmem>> -> memref<1x1x128xi32, #tpu.memory_space<vmem>>
        %dma_start3A_169 = tpu.memref_squeeze %dma_start3A_168 : memref<1x1x128xi32, #tpu.memory_space<vmem>> -> memref<128xi32, #tpu.memory_space<vmem>>
        %dma_start3A_170 = arith.constant 0 : i32
        %dma_start3A_171 = arith.constant 0 : i32
        %dma_start3A_172 = tpu.memref_slice %arg2[%dma_start3A_170, %dma_start3A_171] : memref<10240x16xf32, #tpu.memory_space<hbm>> -> memref<10240x16xf32, #tpu.memory_space<hbm>>
        tpu.enqueue_indirect_dma source(%dma_start3A_172 : memref<10240x16xf32, #tpu.memory_space<hbm>>) target(%dma_start3A_166 : memref<128x16xf32, #tpu.memory_space<vmem>>) offsets(%dma_start3A_169 : memref<128xi32, #tpu.memory_space<vmem>>) semaphore(%arg10 : memref<!tpu.dma_semaphore, #tpu.memory_space<semaphore_mem>>)
        %dma_wait3A_173 = arith.constant 1 : i32
        %dma_wait3A_174 = arith.constant 0 : i32
        %dma_wait3A_175 = arith.constant 0 : i32
        %dma_wait3A_176 = arith.constant 0 : i32
        %dma_wait3A_177 = arith.constant 0 : i32
        %dma_wait3A_178 = tpu.memref_slice %arg8[%dma_wait3A_173, %dma_wait3A_176, %dma_wait3A_177] : memref<2x128x16xf32, #tpu.memory_space<vmem>> -> memref<1x128x16xf32, #tpu.memory_space<vmem>>
        %dma_wait3A_179 = tpu.memref_squeeze %dma_wait3A_178 : memref<1x128x16xf32, #tpu.memory_space<vmem>> -> memref<128x16xf32, #tpu.memory_space<vmem>>
        %dma_wait3A_180 = arith.constant 0 : i32
        %dma_wait3A_181 = tpu.memref_slice %arg7[%dma_wait3A_174, %dma_wait3A_175, %dma_wait3A_180] : memref<2x8x128xi32, #tpu.memory_space<vmem>> -> memref<1x1x128xi32, #tpu.memory_space<vmem>>
        %dma_wait3A_182 = tpu.memref_squeeze %dma_wait3A_181 : memref<1x1x128xi32, #tpu.memory_space<vmem>> -> memref<128xi32, #tpu.memory_space<vmem>>
        %dma_wait3A_183 = arith.constant 0 : i32
        %dma_wait3A_184 = arith.constant 0 : i32
        %dma_wait3A_185 = tpu.memref_slice %arg9[%dma_wait3A_183, %dma_wait3A_184] : memref<10240x16xf32, #tpu.memory_space<vmem_shared>> -> memref<10240x16xf32, #tpu.memory_space<vmem_shared>>
        tpu.wait_indirect_dma semaphore(%arg13 : memref<!tpu.dma_semaphore, #tpu.memory_space<semaphore_mem>>) src(%dma_wait3A_179 : memref<128x16xf32, #tpu.memory_space<vmem>>) dst(%dma_wait3A_185 : memref<10240x16xf32, #tpu.memory_space<vmem_shared>>)
        %dma_start3A_186 = arith.constant 3 : i32
        %dma_start3A_187 = arith.constant 1 : i32
        %dma_start3A_188 = arith.constant 0 : i32
        %dma_start3A_189 = arith.constant 0 : i32
        %dma_start3A_190 = tpu.memref_slice %arg8[%dma_start3A_187, %dma_start3A_188, %dma_start3A_189] : memref<2x128x16xf32, #tpu.memory_space<vmem>> -> memref<1x128x16xf32, #tpu.memory_space<vmem>>
        %dma_start3A_191 = tpu.memref_squeeze %dma_start3A_190 : memref<1x128x16xf32, #tpu.memory_space<vmem>> -> memref<128x16xf32, #tpu.memory_space<vmem>>
        %dma_start3A_192 = arith.constant 0 : i32
        %dma_start3A_193 = tpu.memref_slice %arg6[%select_n3A_85, %dma_start3A_186, %dma_start3A_192] : memref<2x8x128xi32, #tpu.memory_space<vmem>> -> memref<1x1x128xi32, #tpu.memory_space<vmem>>
        %dma_start3A_194 = tpu.memref_squeeze %dma_start3A_193 : memref<1x1x128xi32, #tpu.memory_space<vmem>> -> memref<128xi32, #tpu.memory_space<vmem>>
        %dma_start3A_195 = arith.constant 0 : i32
        %dma_start3A_196 = arith.constant 0 : i32
        %dma_start3A_197 = tpu.memref_slice %arg2[%dma_start3A_195, %dma_start3A_196] : memref<10240x16xf32, #tpu.memory_space<hbm>> -> memref<10240x16xf32, #tpu.memory_space<hbm>>
        tpu.enqueue_indirect_dma source(%dma_start3A_197 : memref<10240x16xf32, #tpu.memory_space<hbm>>) target(%dma_start3A_191 : memref<128x16xf32, #tpu.memory_space<vmem>>) offsets(%dma_start3A_194 : memref<128xi32, #tpu.memory_space<vmem>>) semaphore(%arg11 : memref<!tpu.dma_semaphore, #tpu.memory_space<semaphore_mem>>)
        %dma_wait3A_198 = arith.constant 0 : i32
        %dma_wait3A_199 = arith.constant 0 : i32
        %dma_wait3A_200 = arith.constant 0 : i32
        %dma_wait3A_201 = arith.constant 0 : i32
        %dma_wait3A_202 = arith.constant 0 : i32
        %dma_wait3A_203 = tpu.memref_slice %arg8[%dma_wait3A_200, %dma_wait3A_201, %dma_wait3A_202] : memref<2x128x16xf32, #tpu.memory_space<vmem>> -> memref<1x128x16xf32, #tpu.memory_space<vmem>>
        %dma_wait3A_204 = tpu.memref_squeeze %dma_wait3A_203 : memref<1x128x16xf32, #tpu.memory_space<vmem>> -> memref<128x16xf32, #tpu.memory_space<vmem>>
        %dma_wait3A_205 = arith.constant 0 : i32
        %dma_wait3A_206 = tpu.memref_slice %arg6[%dma_wait3A_198, %dma_wait3A_199, %dma_wait3A_205] : memref<2x8x128xi32, #tpu.memory_space<vmem>> -> memref<1x1x128xi32, #tpu.memory_space<vmem>>
        %dma_wait3A_207 = tpu.memref_squeeze %dma_wait3A_206 : memref<1x1x128xi32, #tpu.memory_space<vmem>> -> memref<128xi32, #tpu.memory_space<vmem>>
        %dma_wait3A_208 = arith.constant 0 : i32
        %dma_wait3A_209 = arith.constant 0 : i32
        %dma_wait3A_210 = tpu.memref_slice %arg2[%dma_wait3A_208, %dma_wait3A_209] : memref<10240x16xf32, #tpu.memory_space<hbm>> -> memref<10240x16xf32, #tpu.memory_space<hbm>>
        tpu.wait_indirect_dma semaphore(%arg10 : memref<!tpu.dma_semaphore, #tpu.memory_space<semaphore_mem>>) src(%dma_wait3A_210 : memref<10240x16xf32, #tpu.memory_space<hbm>>) dst(%dma_wait3A_204 : memref<128x16xf32, #tpu.memory_space<vmem>>)
        %dma_start3A_211 = arith.constant 0 : i32
        %dma_start3A_212 = arith.constant 2 : i32
        %dma_start3A_213 = arith.constant 0 : i32
        %dma_start3A_214 = arith.constant 0 : i32
        %dma_start3A_215 = tpu.memref_slice %arg8[%dma_start3A_211, %dma_start3A_213, %dma_start3A_214] : memref<2x128x16xf32, #tpu.memory_space<vmem>> -> memref<1x128x16xf32, #tpu.memory_space<vmem>>
        %dma_start3A_216 = tpu.memref_squeeze %dma_start3A_215 : memref<1x128x16xf32, #tpu.memory_space<vmem>> -> memref<128x16xf32, #tpu.memory_space<vmem>>
        %dma_start3A_217 = arith.constant 0 : i32
        %dma_start3A_218 = tpu.memref_slice %arg7[%select_n3A_85, %dma_start3A_212, %dma_start3A_217] : memref<2x8x128xi32, #tpu.memory_space<vmem>> -> memref<1x1x128xi32, #tpu.memory_space<vmem>>
        %dma_start3A_219 = tpu.memref_squeeze %dma_start3A_218 : memref<1x1x128xi32, #tpu.memory_space<vmem>> -> memref<128xi32, #tpu.memory_space<vmem>>
        %dma_start3A_220 = arith.constant 0 : i32
        %dma_start3A_221 = arith.constant 0 : i32
        %dma_start3A_222 = tpu.memref_slice %arg9[%dma_start3A_220, %dma_start3A_221] : memref<10240x16xf32, #tpu.memory_space<vmem_shared>> -> memref<10240x16xf32, #tpu.memory_space<vmem_shared>>
        tpu.enqueue_indirect_dma source(%dma_start3A_216 : memref<128x16xf32, #tpu.memory_space<vmem>>) target(%dma_start3A_222 : memref<10240x16xf32, #tpu.memory_space<vmem_shared>>) offsets(%dma_start3A_219 : memref<128xi32, #tpu.memory_space<vmem>>) semaphore(%arg12 : memref<!tpu.dma_semaphore, #tpu.memory_space<semaphore_mem>>) {add = true}
        %dma_wait3A_223 = arith.constant 0 : i32
        %dma_wait3A_224 = arith.constant 0 : i32
        %dma_wait3A_225 = arith.constant 1 : i32
        %dma_wait3A_226 = arith.constant 0 : i32
        %dma_wait3A_227 = arith.constant 0 : i32
        %dma_wait3A_228 = tpu.memref_slice %arg8[%dma_wait3A_225, %dma_wait3A_226, %dma_wait3A_227] : memref<2x128x16xf32, #tpu.memory_space<vmem>> -> memref<1x128x16xf32, #tpu.memory_space<vmem>>
        %dma_wait3A_229 = tpu.memref_squeeze %dma_wait3A_228 : memref<1x128x16xf32, #tpu.memory_space<vmem>> -> memref<128x16xf32, #tpu.memory_space<vmem>>
        %dma_wait3A_230 = arith.constant 0 : i32
        %dma_wait3A_231 = tpu.memref_slice %arg6[%dma_wait3A_223, %dma_wait3A_224, %dma_wait3A_230] : memref<2x8x128xi32, #tpu.memory_space<vmem>> -> memref<1x1x128xi32, #tpu.memory_space<vmem>>
        %dma_wait3A_232 = tpu.memref_squeeze %dma_wait3A_231 : memref<1x1x128xi32, #tpu.memory_space<vmem>> -> memref<128xi32, #tpu.memory_space<vmem>>
        %dma_wait3A_233 = arith.constant 0 : i32
        %dma_wait3A_234 = arith.constant 0 : i32
        %dma_wait3A_235 = tpu.memref_slice %arg2[%dma_wait3A_233, %dma_wait3A_234] : memref<10240x16xf32, #tpu.memory_space<hbm>> -> memref<10240x16xf32, #tpu.memory_space<hbm>>
        tpu.wait_indirect_dma semaphore(%arg11 : memref<!tpu.dma_semaphore, #tpu.memory_space<semaphore_mem>>) src(%dma_wait3A_235 : memref<10240x16xf32, #tpu.memory_space<hbm>>) dst(%dma_wait3A_229 : memref<128x16xf32, #tpu.memory_space<vmem>>)
        %dma_start3A_236 = arith.constant 1 : i32
        %dma_start3A_237 = arith.constant 3 : i32
        %dma_start3A_238 = arith.constant 0 : i32
        %dma_start3A_239 = arith.constant 0 : i32
        %dma_start3A_240 = tpu.memref_slice %arg8[%dma_start3A_236, %dma_start3A_238, %dma_start3A_239] : memref<2x128x16xf32, #tpu.memory_space<vmem>> -> memref<1x128x16xf32, #tpu.memory_space<vmem>>
        %dma_start3A_241 = tpu.memref_squeeze %dma_start3A_240 : memref<1x128x16xf32, #tpu.memory_space<vmem>> -> memref<128x16xf32, #tpu.memory_space<vmem>>
        %dma_start3A_242 = arith.constant 0 : i32
        %dma_start3A_243 = tpu.memref_slice %arg7[%select_n3A_85, %dma_start3A_237, %dma_start3A_242] : memref<2x8x128xi32, #tpu.memory_space<vmem>> -> memref<1x1x128xi32, #tpu.memory_space<vmem>>
        %dma_start3A_244 = tpu.memref_squeeze %dma_start3A_243 : memref<1x1x128xi32, #tpu.memory_space<vmem>> -> memref<128xi32, #tpu.memory_space<vmem>>
        %dma_start3A_245 = arith.constant 0 : i32
        %dma_start3A_246 = arith.constant 0 : i32
        %dma_start3A_247 = tpu.memref_slice %arg9[%dma_start3A_245, %dma_start3A_246] : memref<10240x16xf32, #tpu.memory_space<vmem_shared>> -> memref<10240x16xf32, #tpu.memory_space<vmem_shared>>
        tpu.enqueue_indirect_dma source(%dma_start3A_241 : memref<128x16xf32, #tpu.memory_space<vmem>>) target(%dma_start3A_247 : memref<10240x16xf32, #tpu.memory_space<vmem_shared>>) offsets(%dma_start3A_244 : memref<128xi32, #tpu.memory_space<vmem>>) semaphore(%arg13 : memref<!tpu.dma_semaphore, #tpu.memory_space<semaphore_mem>>) {add = true}
        %dma_wait3A_248 = arith.constant 0 : i32
        %dma_wait3A_249 = arith.constant 0 : i32
        %dma_wait3A_250 = arith.constant 0 : i32
        %dma_wait3A_251 = arith.constant 0 : i32
        %dma_wait3A_252 = arith.constant 0 : i32
        %dma_wait3A_253 = tpu.memref_slice %arg8[%dma_wait3A_248, %dma_wait3A_251, %dma_wait3A_252] : memref<2x128x16xf32, #tpu.memory_space<vmem>> -> memref<1x128x16xf32, #tpu.memory_space<vmem>>
        %dma_wait3A_254 = tpu.memref_squeeze %dma_wait3A_253 : memref<1x128x16xf32, #tpu.memory_space<vmem>> -> memref<128x16xf32, #tpu.memory_space<vmem>>
        %dma_wait3A_255 = arith.constant 0 : i32
        %dma_wait3A_256 = tpu.memref_slice %arg7[%dma_wait3A_249, %dma_wait3A_250, %dma_wait3A_255] : memref<2x8x128xi32, #tpu.memory_space<vmem>> -> memref<1x1x128xi32, #tpu.memory_space<vmem>>
        %dma_wait3A_257 = tpu.memref_squeeze %dma_wait3A_256 : memref<1x1x128xi32, #tpu.memory_space<vmem>> -> memref<128xi32, #tpu.memory_space<vmem>>
        %dma_wait3A_258 = arith.constant 0 : i32
        %dma_wait3A_259 = arith.constant 0 : i32
        %dma_wait3A_260 = tpu.memref_slice %arg9[%dma_wait3A_258, %dma_wait3A_259] : memref<10240x16xf32, #tpu.memory_space<vmem_shared>> -> memref<10240x16xf32, #tpu.memory_space<vmem_shared>>
        tpu.wait_indirect_dma semaphore(%arg12 : memref<!tpu.dma_semaphore, #tpu.memory_space<semaphore_mem>>) src(%dma_wait3A_254 : memref<128x16xf32, #tpu.memory_space<vmem>>) dst(%dma_wait3A_260 : memref<10240x16xf32, #tpu.memory_space<vmem_shared>>)
        %dma_start3A_261 = arith.constant 4 : i32
        %dma_start3A_262 = arith.constant 0 : i32
        %dma_start3A_263 = arith.constant 0 : i32
        %dma_start3A_264 = arith.constant 0 : i32
        %dma_start3A_265 = tpu.memref_slice %arg8[%dma_start3A_262, %dma_start3A_263, %dma_start3A_264] : memref<2x128x16xf32, #tpu.memory_space<vmem>> -> memref<1x128x16xf32, #tpu.memory_space<vmem>>
        %dma_start3A_266 = tpu.memref_squeeze %dma_start3A_265 : memref<1x128x16xf32, #tpu.memory_space<vmem>> -> memref<128x16xf32, #tpu.memory_space<vmem>>
        %dma_start3A_267 = arith.constant 0 : i32
        %dma_start3A_268 = tpu.memref_slice %arg6[%select_n3A_85, %dma_start3A_261, %dma_start3A_267] : memref<2x8x128xi32, #tpu.memory_space<vmem>> -> memref<1x1x128xi32, #tpu.memory_space<vmem>>
        %dma_start3A_269 = tpu.memref_squeeze %dma_start3A_268 : memref<1x1x128xi32, #tpu.memory_space<vmem>> -> memref<128xi32, #tpu.memory_space<vmem>>
        %dma_start3A_270 = arith.constant 0 : i32
        %dma_start3A_271 = arith.constant 0 : i32
        %dma_start3A_272 = tpu.memref_slice %arg2[%dma_start3A_270, %dma_start3A_271] : memref<10240x16xf32, #tpu.memory_space<hbm>> -> memref<10240x16xf32, #tpu.memory_space<hbm>>
        tpu.enqueue_indirect_dma source(%dma_start3A_272 : memref<10240x16xf32, #tpu.memory_space<hbm>>) target(%dma_start3A_266 : memref<128x16xf32, #tpu.memory_space<vmem>>) offsets(%dma_start3A_269 : memref<128xi32, #tpu.memory_space<vmem>>) semaphore(%arg10 : memref<!tpu.dma_semaphore, #tpu.memory_space<semaphore_mem>>)
        %dma_wait3A_273 = arith.constant 1 : i32
        %dma_wait3A_274 = arith.constant 0 : i32
        %dma_wait3A_275 = arith.constant 0 : i32
        %dma_wait3A_276 = arith.constant 0 : i32
        %dma_wait3A_277 = arith.constant 0 : i32
        %dma_wait3A_278 = tpu.memref_slice %arg8[%dma_wait3A_273, %dma_wait3A_276, %dma_wait3A_277] : memref<2x128x16xf32, #tpu.memory_space<vmem>> -> memref<1x128x16xf32, #tpu.memory_space<vmem>>
        %dma_wait3A_279 = tpu.memref_squeeze %dma_wait3A_278 : memref<1x128x16xf32, #tpu.memory_space<vmem>> -> memref<128x16xf32, #tpu.memory_space<vmem>>
        %dma_wait3A_280 = arith.constant 0 : i32
        %dma_wait3A_281 = tpu.memref_slice %arg7[%dma_wait3A_274, %dma_wait3A_275, %dma_wait3A_280] : memref<2x8x128xi32, #tpu.memory_space<vmem>> -> memref<1x1x128xi32, #tpu.memory_space<vmem>>
        %dma_wait3A_282 = tpu.memref_squeeze %dma_wait3A_281 : memref<1x1x128xi32, #tpu.memory_space<vmem>> -> memref<128xi32, #tpu.memory_space<vmem>>
        %dma_wait3A_283 = arith.constant 0 : i32
        %dma_wait3A_284 = arith.constant 0 : i32
        %dma_wait3A_285 = tpu.memref_slice %arg9[%dma_wait3A_283, %dma_wait3A_284] : memref<10240x16xf32, #tpu.memory_space<vmem_shared>> -> memref<10240x16xf32, #tpu.memory_space<vmem_shared>>
        tpu.wait_indirect_dma semaphore(%arg13 : memref<!tpu.dma_semaphore, #tpu.memory_space<semaphore_mem>>) src(%dma_wait3A_279 : memref<128x16xf32, #tpu.memory_space<vmem>>) dst(%dma_wait3A_285 : memref<10240x16xf32, #tpu.memory_space<vmem_shared>>)
        %dma_start3A_286 = arith.constant 5 : i32
        %dma_start3A_287 = arith.constant 1 : i32
        %dma_start3A_288 = arith.constant 0 : i32
        %dma_start3A_289 = arith.constant 0 : i32
        %dma_start3A_290 = tpu.memref_slice %arg8[%dma_start3A_287, %dma_start3A_288, %dma_start3A_289] : memref<2x128x16xf32, #tpu.memory_space<vmem>> -> memref<1x128x16xf32, #tpu.memory_space<vmem>>
        %dma_start3A_291 = tpu.memref_squeeze %dma_start3A_290 : memref<1x128x16xf32, #tpu.memory_space<vmem>> -> memref<128x16xf32, #tpu.memory_space<vmem>>
        %dma_start3A_292 = arith.constant 0 : i32
        %dma_start3A_293 = tpu.memref_slice %arg6[%select_n3A_85, %dma_start3A_286, %dma_start3A_292] : memref<2x8x128xi32, #tpu.memory_space<vmem>> -> memref<1x1x128xi32, #tpu.memory_space<vmem>>
        %dma_start3A_294 = tpu.memref_squeeze %dma_start3A_293 : memref<1x1x128xi32, #tpu.memory_space<vmem>> -> memref<128xi32, #tpu.memory_space<vmem>>
        %dma_start3A_295 = arith.constant 0 : i32
        %dma_start3A_296 = arith.constant 0 : i32
        %dma_start3A_297 = tpu.memref_slice %arg2[%dma_start3A_295, %dma_start3A_296] : memref<10240x16xf32, #tpu.memory_space<hbm>> -> memref<10240x16xf32, #tpu.memory_space<hbm>>
        tpu.enqueue_indirect_dma source(%dma_start3A_297 : memref<10240x16xf32, #tpu.memory_space<hbm>>) target(%dma_start3A_291 : memref<128x16xf32, #tpu.memory_space<vmem>>) offsets(%dma_start3A_294 : memref<128xi32, #tpu.memory_space<vmem>>) semaphore(%arg11 : memref<!tpu.dma_semaphore, #tpu.memory_space<semaphore_mem>>)
        %dma_wait3A_298 = arith.constant 0 : i32
        %dma_wait3A_299 = arith.constant 0 : i32
        %dma_wait3A_300 = arith.constant 0 : i32
        %dma_wait3A_301 = arith.constant 0 : i32
        %dma_wait3A_302 = arith.constant 0 : i32
        %dma_wait3A_303 = tpu.memref_slice %arg8[%dma_wait3A_300, %dma_wait3A_301, %dma_wait3A_302] : memref<2x128x16xf32, #tpu.memory_space<vmem>> -> memref<1x128x16xf32, #tpu.memory_space<vmem>>
        %dma_wait3A_304 = tpu.memref_squeeze %dma_wait3A_303 : memref<1x128x16xf32, #tpu.memory_space<vmem>> -> memref<128x16xf32, #tpu.memory_space<vmem>>
        %dma_wait3A_305 = arith.constant 0 : i32
        %dma_wait3A_306 = tpu.memref_slice %arg6[%dma_wait3A_298, %dma_wait3A_299, %dma_wait3A_305] : memref<2x8x128xi32, #tpu.memory_space<vmem>> -> memref<1x1x128xi32, #tpu.memory_space<vmem>>
        %dma_wait3A_307 = tpu.memref_squeeze %dma_wait3A_306 : memref<1x1x128xi32, #tpu.memory_space<vmem>> -> memref<128xi32, #tpu.memory_space<vmem>>
        %dma_wait3A_308 = arith.constant 0 : i32
        %dma_wait3A_309 = arith.constant 0 : i32
        %dma_wait3A_310 = tpu.memref_slice %arg2[%dma_wait3A_308, %dma_wait3A_309] : memref<10240x16xf32, #tpu.memory_space<hbm>> -> memref<10240x16xf32, #tpu.memory_space<hbm>>
        tpu.wait_indirect_dma semaphore(%arg10 : memref<!tpu.dma_semaphore, #tpu.memory_space<semaphore_mem>>) src(%dma_wait3A_310 : memref<10240x16xf32, #tpu.memory_space<hbm>>) dst(%dma_wait3A_304 : memref<128x16xf32, #tpu.memory_space<vmem>>)
        %dma_start3A_311 = arith.constant 0 : i32
        %dma_start3A_312 = arith.constant 4 : i32
        %dma_start3A_313 = arith.constant 0 : i32
        %dma_start3A_314 = arith.constant 0 : i32
        %dma_start3A_315 = tpu.memref_slice %arg8[%dma_start3A_311, %dma_start3A_313, %dma_start3A_314] : memref<2x128x16xf32, #tpu.memory_space<vmem>> -> memref<1x128x16xf32, #tpu.memory_space<vmem>>
        %dma_start3A_316 = tpu.memref_squeeze %dma_start3A_315 : memref<1x128x16xf32, #tpu.memory_space<vmem>> -> memref<128x16xf32, #tpu.memory_space<vmem>>
        %dma_start3A_317 = arith.constant 0 : i32
        %dma_start3A_318 = tpu.memref_slice %arg7[%select_n3A_85, %dma_start3A_312, %dma_start3A_317] : memref<2x8x128xi32, #tpu.memory_space<vmem>> -> memref<1x1x128xi32, #tpu.memory_space<vmem>>
        %dma_start3A_319 = tpu.memref_squeeze %dma_start3A_318 : memref<1x1x128xi32, #tpu.memory_space<vmem>> -> memref<128xi32, #tpu.memory_space<vmem>>
        %dma_start3A_320 = arith.constant 0 : i32
        %dma_start3A_321 = arith.constant 0 : i32
        %dma_start3A_322 = tpu.memref_slice %arg9[%dma_start3A_320, %dma_start3A_321] : memref<10240x16xf32, #tpu.memory_space<vmem_shared>> -> memref<10240x16xf32, #tpu.memory_space<vmem_shared>>
        tpu.enqueue_indirect_dma source(%dma_start3A_316 : memref<128x16xf32, #tpu.memory_space<vmem>>) target(%dma_start3A_322 : memref<10240x16xf32, #tpu.memory_space<vmem_shared>>) offsets(%dma_start3A_319 : memref<128xi32, #tpu.memory_space<vmem>>) semaphore(%arg12 : memref<!tpu.dma_semaphore, #tpu.memory_space<semaphore_mem>>) {add = true}
        %dma_wait3A_323 = arith.constant 0 : i32
        %dma_wait3A_324 = arith.constant 0 : i32
        %dma_wait3A_325 = arith.constant 1 : i32
        %dma_wait3A_326 = arith.constant 0 : i32
        %dma_wait3A_327 = arith.constant 0 : i32
        %dma_wait3A_328 = tpu.memref_slice %arg8[%dma_wait3A_325, %dma_wait3A_326, %dma_wait3A_327] : memref<2x128x16xf32, #tpu.memory_space<vmem>> -> memref<1x128x16xf32, #tpu.memory_space<vmem>>
        %dma_wait3A_329 = tpu.memref_squeeze %dma_wait3A_328 : memref<1x128x16xf32, #tpu.memory_space<vmem>> -> memref<128x16xf32, #tpu.memory_space<vmem>>
        %dma_wait3A_330 = arith.constant 0 : i32
        %dma_wait3A_331 = tpu.memref_slice %arg6[%dma_wait3A_323, %dma_wait3A_324, %dma_wait3A_330] : memref<2x8x128xi32, #tpu.memory_space<vmem>> -> memref<1x1x128xi32, #tpu.memory_space<vmem>>
        %dma_wait3A_332 = tpu.memref_squeeze %dma_wait3A_331 : memref<1x1x128xi32, #tpu.memory_space<vmem>> -> memref<128xi32, #tpu.memory_space<vmem>>
        %dma_wait3A_333 = arith.constant 0 : i32
        %dma_wait3A_334 = arith.constant 0 : i32
        %dma_wait3A_335 = tpu.memref_slice %arg2[%dma_wait3A_333, %dma_wait3A_334] : memref<10240x16xf32, #tpu.memory_space<hbm>> -> memref<10240x16xf32, #tpu.memory_space<hbm>>
        tpu.wait_indirect_dma semaphore(%arg11 : memref<!tpu.dma_semaphore, #tpu.memory_space<semaphore_mem>>) src(%dma_wait3A_335 : memref<10240x16xf32, #tpu.memory_space<hbm>>) dst(%dma_wait3A_329 : memref<128x16xf32, #tpu.memory_space<vmem>>)
        %dma_start3A_336 = arith.constant 1 : i32
        %dma_start3A_337 = arith.constant 5 : i32
        %dma_start3A_338 = arith.constant 0 : i32
        %dma_start3A_339 = arith.constant 0 : i32
        %dma_start3A_340 = tpu.memref_slice %arg8[%dma_start3A_336, %dma_start3A_338, %dma_start3A_339] : memref<2x128x16xf32, #tpu.memory_space<vmem>> -> memref<1x128x16xf32, #tpu.memory_space<vmem>>
        %dma_start3A_341 = tpu.memref_squeeze %dma_start3A_340 : memref<1x128x16xf32, #tpu.memory_space<vmem>> -> memref<128x16xf32, #tpu.memory_space<vmem>>
        %dma_start3A_342 = arith.constant 0 : i32
        %dma_start3A_343 = tpu.memref_slice %arg7[%select_n3A_85, %dma_start3A_337, %dma_start3A_342] : memref<2x8x128xi32, #tpu.memory_space<vmem>> -> memref<1x1x128xi32, #tpu.memory_space<vmem>>
        %dma_start3A_344 = tpu.memref_squeeze %dma_start3A_343 : memref<1x1x128xi32, #tpu.memory_space<vmem>> -> memref<128xi32, #tpu.memory_space<vmem>>
        %dma_start3A_345 = arith.constant 0 : i32
        %dma_start3A_346 = arith.constant 0 : i32
        %dma_start3A_347 = tpu.memref_slice %arg9[%dma_start3A_345, %dma_start3A_346] : memref<10240x16xf32, #tpu.memory_space<vmem_shared>> -> memref<10240x16xf32, #tpu.memory_space<vmem_shared>>
        tpu.enqueue_indirect_dma source(%dma_start3A_341 : memref<128x16xf32, #tpu.memory_space<vmem>>) target(%dma_start3A_347 : memref<10240x16xf32, #tpu.memory_space<vmem_shared>>) offsets(%dma_start3A_344 : memref<128xi32, #tpu.memory_space<vmem>>) semaphore(%arg13 : memref<!tpu.dma_semaphore, #tpu.memory_space<semaphore_mem>>) {add = true}
        %dma_wait3A_348 = arith.constant 0 : i32
        %dma_wait3A_349 = arith.constant 0 : i32
        %dma_wait3A_350 = arith.constant 0 : i32
        %dma_wait3A_351 = arith.constant 0 : i32
        %dma_wait3A_352 = arith.constant 0 : i32
        %dma_wait3A_353 = tpu.memref_slice %arg8[%dma_wait3A_348, %dma_wait3A_351, %dma_wait3A_352] : memref<2x128x16xf32, #tpu.memory_space<vmem>> -> memref<1x128x16xf32, #tpu.memory_space<vmem>>
        %dma_wait3A_354 = tpu.memref_squeeze %dma_wait3A_353 : memref<1x128x16xf32, #tpu.memory_space<vmem>> -> memref<128x16xf32, #tpu.memory_space<vmem>>
        %dma_wait3A_355 = arith.constant 0 : i32
        %dma_wait3A_356 = tpu.memref_slice %arg7[%dma_wait3A_349, %dma_wait3A_350, %dma_wait3A_355] : memref<2x8x128xi32, #tpu.memory_space<vmem>> -> memref<1x1x128xi32, #tpu.memory_space<vmem>>
        %dma_wait3A_357 = tpu.memref_squeeze %dma_wait3A_356 : memref<1x1x128xi32, #tpu.memory_space<vmem>> -> memref<128xi32, #tpu.memory_space<vmem>>
        %dma_wait3A_358 = arith.constant 0 : i32
        %dma_wait3A_359 = arith.constant 0 : i32
        %dma_wait3A_360 = tpu.memref_slice %arg9[%dma_wait3A_358, %dma_wait3A_359] : memref<10240x16xf32, #tpu.memory_space<vmem_shared>> -> memref<10240x16xf32, #tpu.memory_space<vmem_shared>>
        tpu.wait_indirect_dma semaphore(%arg12 : memref<!tpu.dma_semaphore, #tpu.memory_space<semaphore_mem>>) src(%dma_wait3A_354 : memref<128x16xf32, #tpu.memory_space<vmem>>) dst(%dma_wait3A_360 : memref<10240x16xf32, #tpu.memory_space<vmem_shared>>)
        %dma_start3A_361 = arith.constant 6 : i32
        %dma_start3A_362 = arith.constant 0 : i32
        %dma_start3A_363 = arith.constant 0 : i32
        %dma_start3A_364 = arith.constant 0 : i32
        %dma_start3A_365 = tpu.memref_slice %arg8[%dma_start3A_362, %dma_start3A_363, %dma_start3A_364] : memref<2x128x16xf32, #tpu.memory_space<vmem>> -> memref<1x128x16xf32, #tpu.memory_space<vmem>>
        %dma_start3A_366 = tpu.memref_squeeze %dma_start3A_365 : memref<1x128x16xf32, #tpu.memory_space<vmem>> -> memref<128x16xf32, #tpu.memory_space<vmem>>
        %dma_start3A_367 = arith.constant 0 : i32
        %dma_start3A_368 = tpu.memref_slice %arg6[%select_n3A_85, %dma_start3A_361, %dma_start3A_367] : memref<2x8x128xi32, #tpu.memory_space<vmem>> -> memref<1x1x128xi32, #tpu.memory_space<vmem>>
        %dma_start3A_369 = tpu.memref_squeeze %dma_start3A_368 : memref<1x1x128xi32, #tpu.memory_space<vmem>> -> memref<128xi32, #tpu.memory_space<vmem>>
        %dma_start3A_370 = arith.constant 0 : i32
        %dma_start3A_371 = arith.constant 0 : i32
        %dma_start3A_372 = tpu.memref_slice %arg2[%dma_start3A_370, %dma_start3A_371] : memref<10240x16xf32, #tpu.memory_space<hbm>> -> memref<10240x16xf32, #tpu.memory_space<hbm>>
        tpu.enqueue_indirect_dma source(%dma_start3A_372 : memref<10240x16xf32, #tpu.memory_space<hbm>>) target(%dma_start3A_366 : memref<128x16xf32, #tpu.memory_space<vmem>>) offsets(%dma_start3A_369 : memref<128xi32, #tpu.memory_space<vmem>>) semaphore(%arg10 : memref<!tpu.dma_semaphore, #tpu.memory_space<semaphore_mem>>)
        %dma_wait3A_373 = arith.constant 1 : i32
        %dma_wait3A_374 = arith.constant 0 : i32
        %dma_wait3A_375 = arith.constant 0 : i32
        %dma_wait3A_376 = arith.constant 0 : i32
        %dma_wait3A_377 = arith.constant 0 : i32
        %dma_wait3A_378 = tpu.memref_slice %arg8[%dma_wait3A_373, %dma_wait3A_376, %dma_wait3A_377] : memref<2x128x16xf32, #tpu.memory_space<vmem>> -> memref<1x128x16xf32, #tpu.memory_space<vmem>>
        %dma_wait3A_379 = tpu.memref_squeeze %dma_wait3A_378 : memref<1x128x16xf32, #tpu.memory_space<vmem>> -> memref<128x16xf32, #tpu.memory_space<vmem>>
        %dma_wait3A_380 = arith.constant 0 : i32
        %dma_wait3A_381 = tpu.memref_slice %arg7[%dma_wait3A_374, %dma_wait3A_375, %dma_wait3A_380] : memref<2x8x128xi32, #tpu.memory_space<vmem>> -> memref<1x1x128xi32, #tpu.memory_space<vmem>>
        %dma_wait3A_382 = tpu.memref_squeeze %dma_wait3A_381 : memref<1x1x128xi32, #tpu.memory_space<vmem>> -> memref<128xi32, #tpu.memory_space<vmem>>
        %dma_wait3A_383 = arith.constant 0 : i32
        %dma_wait3A_384 = arith.constant 0 : i32
        %dma_wait3A_385 = tpu.memref_slice %arg9[%dma_wait3A_383, %dma_wait3A_384] : memref<10240x16xf32, #tpu.memory_space<vmem_shared>> -> memref<10240x16xf32, #tpu.memory_space<vmem_shared>>
        tpu.wait_indirect_dma semaphore(%arg13 : memref<!tpu.dma_semaphore, #tpu.memory_space<semaphore_mem>>) src(%dma_wait3A_379 : memref<128x16xf32, #tpu.memory_space<vmem>>) dst(%dma_wait3A_385 : memref<10240x16xf32, #tpu.memory_space<vmem_shared>>)
        %dma_start3A_386 = arith.constant 7 : i32
        %dma_start3A_387 = arith.constant 1 : i32
        %dma_start3A_388 = arith.constant 0 : i32
        %dma_start3A_389 = arith.constant 0 : i32
        %dma_start3A_390 = tpu.memref_slice %arg8[%dma_start3A_387, %dma_start3A_388, %dma_start3A_389] : memref<2x128x16xf32, #tpu.memory_space<vmem>> -> memref<1x128x16xf32, #tpu.memory_space<vmem>>
        %dma_start3A_391 = tpu.memref_squeeze %dma_start3A_390 : memref<1x128x16xf32, #tpu.memory_space<vmem>> -> memref<128x16xf32, #tpu.memory_space<vmem>>
        %dma_start3A_392 = arith.constant 0 : i32
        %dma_start3A_393 = tpu.memref_slice %arg6[%select_n3A_85, %dma_start3A_386, %dma_start3A_392] : memref<2x8x128xi32, #tpu.memory_space<vmem>> -> memref<1x1x128xi32, #tpu.memory_space<vmem>>
        %dma_start3A_394 = tpu.memref_squeeze %dma_start3A_393 : memref<1x1x128xi32, #tpu.memory_space<vmem>> -> memref<128xi32, #tpu.memory_space<vmem>>
        %dma_start3A_395 = arith.constant 0 : i32
        %dma_start3A_396 = arith.constant 0 : i32
        %dma_start3A_397 = tpu.memref_slice %arg2[%dma_start3A_395, %dma_start3A_396] : memref<10240x16xf32, #tpu.memory_space<hbm>> -> memref<10240x16xf32, #tpu.memory_space<hbm>>
        tpu.enqueue_indirect_dma source(%dma_start3A_397 : memref<10240x16xf32, #tpu.memory_space<hbm>>) target(%dma_start3A_391 : memref<128x16xf32, #tpu.memory_space<vmem>>) offsets(%dma_start3A_394 : memref<128xi32, #tpu.memory_space<vmem>>) semaphore(%arg11 : memref<!tpu.dma_semaphore, #tpu.memory_space<semaphore_mem>>)
        %dma_wait3A_398 = arith.constant 0 : i32
        %dma_wait3A_399 = arith.constant 0 : i32
        %dma_wait3A_400 = arith.constant 0 : i32
        %dma_wait3A_401 = arith.constant 0 : i32
        %dma_wait3A_402 = arith.constant 0 : i32
        %dma_wait3A_403 = tpu.memref_slice %arg8[%dma_wait3A_400, %dma_wait3A_401, %dma_wait3A_402] : memref<2x128x16xf32, #tpu.memory_space<vmem>> -> memref<1x128x16xf32, #tpu.memory_space<vmem>>
        %dma_wait3A_404 = tpu.memref_squeeze %dma_wait3A_403 : memref<1x128x16xf32, #tpu.memory_space<vmem>> -> memref<128x16xf32, #tpu.memory_space<vmem>>
        %dma_wait3A_405 = arith.constant 0 : i32
        %dma_wait3A_406 = tpu.memref_slice %arg6[%dma_wait3A_398, %dma_wait3A_399, %dma_wait3A_405] : memref<2x8x128xi32, #tpu.memory_space<vmem>> -> memref<1x1x128xi32, #tpu.memory_space<vmem>>
        %dma_wait3A_407 = tpu.memref_squeeze %dma_wait3A_406 : memref<1x1x128xi32, #tpu.memory_space<vmem>> -> memref<128xi32, #tpu.memory_space<vmem>>
        %dma_wait3A_408 = arith.constant 0 : i32
        %dma_wait3A_409 = arith.constant 0 : i32
        %dma_wait3A_410 = tpu.memref_slice %arg2[%dma_wait3A_408, %dma_wait3A_409] : memref<10240x16xf32, #tpu.memory_space<hbm>> -> memref<10240x16xf32, #tpu.memory_space<hbm>>
        tpu.wait_indirect_dma semaphore(%arg10 : memref<!tpu.dma_semaphore, #tpu.memory_space<semaphore_mem>>) src(%dma_wait3A_410 : memref<10240x16xf32, #tpu.memory_space<hbm>>) dst(%dma_wait3A_404 : memref<128x16xf32, #tpu.memory_space<vmem>>)
        %dma_start3A_411 = arith.constant 0 : i32
        %dma_start3A_412 = arith.constant 6 : i32
        %dma_start3A_413 = arith.constant 0 : i32
        %dma_start3A_414 = arith.constant 0 : i32
        %dma_start3A_415 = tpu.memref_slice %arg8[%dma_start3A_411, %dma_start3A_413, %dma_start3A_414] : memref<2x128x16xf32, #tpu.memory_space<vmem>> -> memref<1x128x16xf32, #tpu.memory_space<vmem>>
        %dma_start3A_416 = tpu.memref_squeeze %dma_start3A_415 : memref<1x128x16xf32, #tpu.memory_space<vmem>> -> memref<128x16xf32, #tpu.memory_space<vmem>>
        %dma_start3A_417 = arith.constant 0 : i32
        %dma_start3A_418 = tpu.memref_slice %arg7[%select_n3A_85, %dma_start3A_412, %dma_start3A_417] : memref<2x8x128xi32, #tpu.memory_space<vmem>> -> memref<1x1x128xi32, #tpu.memory_space<vmem>>
        %dma_start3A_419 = tpu.memref_squeeze %dma_start3A_418 : memref<1x1x128xi32, #tpu.memory_space<vmem>> -> memref<128xi32, #tpu.memory_space<vmem>>
        %dma_start3A_420 = arith.constant 0 : i32
        %dma_start3A_421 = arith.constant 0 : i32
        %dma_start3A_422 = tpu.memref_slice %arg9[%dma_start3A_420, %dma_start3A_421] : memref<10240x16xf32, #tpu.memory_space<vmem_shared>> -> memref<10240x16xf32, #tpu.memory_space<vmem_shared>>
        tpu.enqueue_indirect_dma source(%dma_start3A_416 : memref<128x16xf32, #tpu.memory_space<vmem>>) target(%dma_start3A_422 : memref<10240x16xf32, #tpu.memory_space<vmem_shared>>) offsets(%dma_start3A_419 : memref<128xi32, #tpu.memory_space<vmem>>) semaphore(%arg12 : memref<!tpu.dma_semaphore, #tpu.memory_space<semaphore_mem>>) {add = true}
        %dma_wait3A_423 = arith.constant 0 : i32
        %dma_wait3A_424 = arith.constant 0 : i32
        %dma_wait3A_425 = arith.constant 1 : i32
        %dma_wait3A_426 = arith.constant 0 : i32
        %dma_wait3A_427 = arith.constant 0 : i32
        %dma_wait3A_428 = tpu.memref_slice %arg8[%dma_wait3A_425, %dma_wait3A_426, %dma_wait3A_427] : memref<2x128x16xf32, #tpu.memory_space<vmem>> -> memref<1x128x16xf32, #tpu.memory_space<vmem>>
        %dma_wait3A_429 = tpu.memref_squeeze %dma_wait3A_428 : memref<1x128x16xf32, #tpu.memory_space<vmem>> -> memref<128x16xf32, #tpu.memory_space<vmem>>
        %dma_wait3A_430 = arith.constant 0 : i32
        %dma_wait3A_431 = tpu.memref_slice %arg6[%dma_wait3A_423, %dma_wait3A_424, %dma_wait3A_430] : memref<2x8x128xi32, #tpu.memory_space<vmem>> -> memref<1x1x128xi32, #tpu.memory_space<vmem>>
        %dma_wait3A_432 = tpu.memref_squeeze %dma_wait3A_431 : memref<1x1x128xi32, #tpu.memory_space<vmem>> -> memref<128xi32, #tpu.memory_space<vmem>>
        %dma_wait3A_433 = arith.constant 0 : i32
        %dma_wait3A_434 = arith.constant 0 : i32
        %dma_wait3A_435 = tpu.memref_slice %arg2[%dma_wait3A_433, %dma_wait3A_434] : memref<10240x16xf32, #tpu.memory_space<hbm>> -> memref<10240x16xf32, #tpu.memory_space<hbm>>
        tpu.wait_indirect_dma semaphore(%arg11 : memref<!tpu.dma_semaphore, #tpu.memory_space<semaphore_mem>>) src(%dma_wait3A_435 : memref<10240x16xf32, #tpu.memory_space<hbm>>) dst(%dma_wait3A_429 : memref<128x16xf32, #tpu.memory_space<vmem>>)
        %dma_start3A_436 = arith.constant 1 : i32
        %dma_start3A_437 = arith.constant 7 : i32
        %dma_start3A_438 = arith.constant 0 : i32
        %dma_start3A_439 = arith.constant 0 : i32
        %dma_start3A_440 = tpu.memref_slice %arg8[%dma_start3A_436, %dma_start3A_438, %dma_start3A_439] : memref<2x128x16xf32, #tpu.memory_space<vmem>> -> memref<1x128x16xf32, #tpu.memory_space<vmem>>
        %dma_start3A_441 = tpu.memref_squeeze %dma_start3A_440 : memref<1x128x16xf32, #tpu.memory_space<vmem>> -> memref<128x16xf32, #tpu.memory_space<vmem>>
        %dma_start3A_442 = arith.constant 0 : i32
        %dma_start3A_443 = tpu.memref_slice %arg7[%select_n3A_85, %dma_start3A_437, %dma_start3A_442] : memref<2x8x128xi32, #tpu.memory_space<vmem>> -> memref<1x1x128xi32, #tpu.memory_space<vmem>>
        %dma_start3A_444 = tpu.memref_squeeze %dma_start3A_443 : memref<1x1x128xi32, #tpu.memory_space<vmem>> -> memref<128xi32, #tpu.memory_space<vmem>>
        %dma_start3A_445 = arith.constant 0 : i32
        %dma_start3A_446 = arith.constant 0 : i32
        %dma_start3A_447 = tpu.memref_slice %arg9[%dma_start3A_445, %dma_start3A_446] : memref<10240x16xf32, #tpu.memory_space<vmem_shared>> -> memref<10240x16xf32, #tpu.memory_space<vmem_shared>>
        tpu.enqueue_indirect_dma source(%dma_start3A_441 : memref<128x16xf32, #tpu.memory_space<vmem>>) target(%dma_start3A_447 : memref<10240x16xf32, #tpu.memory_space<vmem_shared>>) offsets(%dma_start3A_444 : memref<128xi32, #tpu.memory_space<vmem>>) semaphore(%arg13 : memref<!tpu.dma_semaphore, #tpu.memory_space<semaphore_mem>>) {add = true}
        %dma_wait3A_448 = arith.constant 0 : i32
        %dma_wait3A_449 = arith.constant 0 : i32
        %dma_wait3A_450 = arith.constant 0 : i32
        %dma_wait3A_451 = arith.constant 0 : i32
        %dma_wait3A_452 = arith.constant 0 : i32
        %dma_wait3A_453 = tpu.memref_slice %arg8[%dma_wait3A_448, %dma_wait3A_451, %dma_wait3A_452] : memref<2x128x16xf32, #tpu.memory_space<vmem>> -> memref<1x128x16xf32, #tpu.memory_space<vmem>>
        %dma_wait3A_454 = tpu.memref_squeeze %dma_wait3A_453 : memref<1x128x16xf32, #tpu.memory_space<vmem>> -> memref<128x16xf32, #tpu.memory_space<vmem>>
        %dma_wait3A_455 = arith.constant 0 : i32
        %dma_wait3A_456 = tpu.memref_slice %arg7[%dma_wait3A_449, %dma_wait3A_450, %dma_wait3A_455] : memref<2x8x128xi32, #tpu.memory_space<vmem>> -> memref<1x1x128xi32, #tpu.memory_space<vmem>>
        %dma_wait3A_457 = tpu.memref_squeeze %dma_wait3A_456 : memref<1x1x128xi32, #tpu.memory_space<vmem>> -> memref<128xi32, #tpu.memory_space<vmem>>
        %dma_wait3A_458 = arith.constant 0 : i32
        %dma_wait3A_459 = arith.constant 0 : i32
        %dma_wait3A_460 = tpu.memref_slice %arg9[%dma_wait3A_458, %dma_wait3A_459] : memref<10240x16xf32, #tpu.memory_space<vmem_shared>> -> memref<10240x16xf32, #tpu.memory_space<vmem_shared>>
        tpu.wait_indirect_dma semaphore(%arg12 : memref<!tpu.dma_semaphore, #tpu.memory_space<semaphore_mem>>) src(%dma_wait3A_454 : memref<128x16xf32, #tpu.memory_space<vmem>>) dst(%dma_wait3A_460 : memref<10240x16xf32, #tpu.memory_space<vmem_shared>>)
        %convert_element_type3A_461 = arith.extui %lt3A_90 : i1 to i32
        %cond3A_462 = arith.constant 0 : i32
        %cond3A_463 = arith.cmpi ne, %convert_element_type3A_461, %cond3A_462 : i32
        scf.if %cond3A_463 {
          %dma_wait3A_480 = arith.constant 0 : i32
          %dma_wait3A_481 = arith.constant 0 : i32
          %dma_wait3A_482 = tpu.memref_slice %arg6[%sub3A_87, %dma_wait3A_480, %dma_wait3A_481] : memref<2x8x128xi32, #tpu.memory_space<vmem>> -> memref<1x8x128xi32, #tpu.memory_space<vmem>>
          %dma_wait3A_483 = tpu.memref_squeeze %dma_wait3A_482 : memref<1x8x128xi32, #tpu.memory_space<vmem>> -> memref<8x128xi32, #tpu.memory_space<vmem>>
          %dma_wait3A_484 = arith.constant 0 : i32
          %dma_wait3A_485 = tpu.memref_slice %arg3[%add3A_95, %dma_wait3A_484] : memref<2560x128xi32, #tpu.memory_space<hbm>> -> memref<8x128xi32, #tpu.memory_space<hbm>>
          %dma_wait3A_486 = arith.constant 0 : i32
          %dma_wait3A_487 = arith.constant 0 : i32
          %dma_wait3A_488 = tpu.memref_slice %arg6[%sub3A_87, %dma_wait3A_486, %dma_wait3A_487] : memref<2x8x128xi32, #tpu.memory_space<vmem>> -> memref<1x8x128xi32, #tpu.memory_space<vmem>>
          %dma_wait3A_489 = tpu.memref_squeeze %dma_wait3A_488 : memref<1x8x128xi32, #tpu.memory_space<vmem>> -> memref<8x128xi32, #tpu.memory_space<vmem>>
          %dma_wait3A_490 = arith.constant 0 : i32
          %dma_wait3A_491 = tpu.memref_slice %arg3[%add3A_95, %dma_wait3A_490] : memref<2560x128xi32, #tpu.memory_space<hbm>> -> memref<8x128xi32, #tpu.memory_space<hbm>>
          tpu.wait_dma2 semaphore(%arg14 : memref<!tpu.dma_semaphore, #tpu.memory_space<semaphore_mem>>) src(%dma_wait3A_491 : memref<8x128xi32, #tpu.memory_space<hbm>>) dst(%dma_wait3A_489 : memref<8x128xi32, #tpu.memory_space<vmem>>)
          %dma_wait3A_492 = arith.constant 0 : i32
          %dma_wait3A_493 = arith.constant 0 : i32
          %dma_wait3A_494 = tpu.memref_slice %arg7[%sub3A_87, %dma_wait3A_492, %dma_wait3A_493] : memref<2x8x128xi32, #tpu.memory_space<vmem>> -> memref<1x8x128xi32, #tpu.memory_space<vmem>>
          %dma_wait3A_495 = tpu.memref_squeeze %dma_wait3A_494 : memref<1x8x128xi32, #tpu.memory_space<vmem>> -> memref<8x128xi32, #tpu.memory_space<vmem>>
          %dma_wait3A_496 = arith.constant 0 : i32
          %dma_wait3A_497 = tpu.memref_slice %arg4[%add3A_95, %dma_wait3A_496] : memref<2560x128xi32, #tpu.memory_space<hbm>> -> memref<8x128xi32, #tpu.memory_space<hbm>>
          %dma_wait3A_498 = arith.constant 0 : i32
          %dma_wait3A_499 = arith.constant 0 : i32
          %dma_wait3A_500 = tpu.memref_slice %arg7[%sub3A_87, %dma_wait3A_498, %dma_wait3A_499] : memref<2x8x128xi32, #tpu.memory_space<vmem>> -> memref<1x8x128xi32, #tpu.memory_space<vmem>>
          %dma_wait3A_501 = tpu.memref_squeeze %dma_wait3A_500 : memref<1x8x128xi32, #tpu.memory_space<vmem>> -> memref<8x128xi32, #tpu.memory_space<vmem>>
          %dma_wait3A_502 = arith.constant 0 : i32
          %dma_wait3A_503 = tpu.memref_slice %arg4[%add3A_95, %dma_wait3A_502] : memref<2560x128xi32, #tpu.memory_space<hbm>> -> memref<8x128xi32, #tpu.memory_space<hbm>>
          tpu.wait_dma2 semaphore(%arg15 : memref<!tpu.dma_semaphore, #tpu.memory_space<semaphore_mem>>) src(%dma_wait3A_503 : memref<8x128xi32, #tpu.memory_space<hbm>>) dst(%dma_wait3A_501 : memref<8x128xi32, #tpu.memory_space<vmem>>)
          %dma_start3A_504 = arith.constant 0 : i32
          %dma_start3A_505 = arith.constant 0 : i32
          %dma_start3A_506 = arith.constant 0 : i32
          %dma_start3A_507 = arith.constant 0 : i32
          %dma_start3A_508 = tpu.memref_slice %arg8[%dma_start3A_505, %dma_start3A_506, %dma_start3A_507] : memref<2x128x16xf32, #tpu.memory_space<vmem>> -> memref<1x128x16xf32, #tpu.memory_space<vmem>>
          %dma_start3A_509 = tpu.memref_squeeze %dma_start3A_508 : memref<1x128x16xf32, #tpu.memory_space<vmem>> -> memref<128x16xf32, #tpu.memory_space<vmem>>
          %dma_start3A_510 = arith.constant 0 : i32
          %dma_start3A_511 = tpu.memref_slice %arg6[%sub3A_87, %dma_start3A_504, %dma_start3A_510] : memref<2x8x128xi32, #tpu.memory_space<vmem>> -> memref<1x1x128xi32, #tpu.memory_space<vmem>>
          %dma_start3A_512 = tpu.memref_squeeze %dma_start3A_511 : memref<1x1x128xi32, #tpu.memory_space<vmem>> -> memref<128xi32, #tpu.memory_space<vmem>>
          %dma_start3A_513 = arith.constant 0 : i32
          %dma_start3A_514 = arith.constant 0 : i32
          %dma_start3A_515 = tpu.memref_slice %arg2[%dma_start3A_513, %dma_start3A_514] : memref<10240x16xf32, #tpu.memory_space<hbm>> -> memref<10240x16xf32, #tpu.memory_space<hbm>>
          tpu.enqueue_indirect_dma source(%dma_start3A_515 : memref<10240x16xf32, #tpu.memory_space<hbm>>) target(%dma_start3A_509 : memref<128x16xf32, #tpu.memory_space<vmem>>) offsets(%dma_start3A_512 : memref<128xi32, #tpu.memory_space<vmem>>) semaphore(%arg10 : memref<!tpu.dma_semaphore, #tpu.memory_space<semaphore_mem>>)
        } else {
        }
        %dma_wait3A_464 = arith.constant 1 : i32
        %dma_wait3A_465 = arith.constant 0 : i32
        %dma_wait3A_466 = arith.constant 0 : i32
        %dma_wait3A_467 = arith.constant 0 : i32
        %dma_wait3A_468 = arith.constant 0 : i32
        %dma_wait3A_469 = tpu.memref_slice %arg8[%dma_wait3A_464, %dma_wait3A_467, %dma_wait3A_468] : memref<2x128x16xf32, #tpu.memory_space<vmem>> -> memref<1x128x16xf32, #tpu.memory_space<vmem>>
        %dma_wait3A_470 = tpu.memref_squeeze %dma_wait3A_469 : memref<1x128x16xf32, #tpu.memory_space<vmem>> -> memref<128x16xf32, #tpu.memory_space<vmem>>
        %dma_wait3A_471 = arith.constant 0 : i32
        %dma_wait3A_472 = tpu.memref_slice %arg7[%dma_wait3A_465, %dma_wait3A_466, %dma_wait3A_471] : memref<2x8x128xi32, #tpu.memory_space<vmem>> -> memref<1x1x128xi32, #tpu.memory_space<vmem>>
        %dma_wait3A_473 = tpu.memref_squeeze %dma_wait3A_472 : memref<1x1x128xi32, #tpu.memory_space<vmem>> -> memref<128xi32, #tpu.memory_space<vmem>>
        %dma_wait3A_474 = arith.constant 0 : i32
        %dma_wait3A_475 = arith.constant 0 : i32
        %dma_wait3A_476 = tpu.memref_slice %arg9[%dma_wait3A_474, %dma_wait3A_475] : memref<10240x16xf32, #tpu.memory_space<vmem_shared>> -> memref<10240x16xf32, #tpu.memory_space<vmem_shared>>
        tpu.wait_indirect_dma semaphore(%arg13 : memref<!tpu.dma_semaphore, #tpu.memory_space<semaphore_mem>>) src(%dma_wait3A_470 : memref<128x16xf32, #tpu.memory_space<vmem>>) dst(%dma_wait3A_476 : memref<10240x16xf32, #tpu.memory_space<vmem_shared>>)
        %convert_element_type3A_477 = arith.extui %lt3A_90 : i1 to i32
        %cond3A_478 = arith.constant 0 : i32
        %cond3A_479 = arith.cmpi ne, %convert_element_type3A_477, %cond3A_478 : i32
        scf.if %cond3A_479 {
          %dma_start3A_480 = arith.constant 1 : i32
          %dma_start3A_481 = arith.constant 1 : i32
          %dma_start3A_482 = arith.constant 0 : i32
          %dma_start3A_483 = arith.constant 0 : i32
          %dma_start3A_484 = tpu.memref_slice %arg8[%dma_start3A_481, %dma_start3A_482, %dma_start3A_483] : memref<2x128x16xf32, #tpu.memory_space<vmem>> -> memref<1x128x16xf32, #tpu.memory_space<vmem>>
          %dma_start3A_485 = tpu.memref_squeeze %dma_start3A_484 : memref<1x128x16xf32, #tpu.memory_space<vmem>> -> memref<128x16xf32, #tpu.memory_space<vmem>>
          %dma_start3A_486 = arith.constant 0 : i32
          %dma_start3A_487 = tpu.memref_slice %arg6[%sub3A_87, %dma_start3A_480, %dma_start3A_486] : memref<2x8x128xi32, #tpu.memory_space<vmem>> -> memref<1x1x128xi32, #tpu.memory_space<vmem>>
          %dma_start3A_488 = tpu.memref_squeeze %dma_start3A_487 : memref<1x1x128xi32, #tpu.memory_space<vmem>> -> memref<128xi32, #tpu.memory_space<vmem>>
          %dma_start3A_489 = arith.constant 0 : i32
          %dma_start3A_490 = arith.constant 0 : i32
          %dma_start3A_491 = tpu.memref_slice %arg2[%dma_start3A_489, %dma_start3A_490] : memref<10240x16xf32, #tpu.memory_space<hbm>> -> memref<10240x16xf32, #tpu.memory_space<hbm>>
          tpu.enqueue_indirect_dma source(%dma_start3A_491 : memref<10240x16xf32, #tpu.memory_space<hbm>>) target(%dma_start3A_485 : memref<128x16xf32, #tpu.memory_space<vmem>>) offsets(%dma_start3A_488 : memref<128xi32, #tpu.memory_space<vmem>>) semaphore(%arg11 : memref<!tpu.dma_semaphore, #tpu.memory_space<semaphore_mem>>)
        } else {
        }
      }
      %while3A_61 = arith.constant 1 : i32
      scf.for %while3A_70 = %while3A_59 to %while3A_55 step %while3A_61  : i32 {
        %mul3A_71 = arith.muli %while3A_70, %while3A : i32
        %add3A_72 = arith.addi %while3A_52, %mul3A_71 : i32
        %jit3A_73 = arith.constant 2 : i32
        %eq3A_74 = arith.constant 0 : i32
        %eq3A_75 = arith.cmpi eq, %jit3A_73, %eq3A_74 : i32
        %jit3A_76 = arith.constant 1 : i32
        %select_n3A_77 = arith.select %eq3A_75, %jit3A_76, %jit3A_73 : i32
        %rem3A = arith.remsi %add3A_72, %select_n3A_77 : i32
        %ne3A = arith.constant 0 : i32
        %ne3A_78 = arith.cmpi ne, %rem3A, %ne3A : i32
        %lt3A_79 = arith.constant 0 : i32
        %lt3A_80 = arith.cmpi slt, %rem3A, %lt3A_79 : i32
        %lt3A_81 = arith.constant 0 : i32
        %lt3A_82 = arith.cmpi slt, %select_n3A_77, %lt3A_81 : i32
        %ne3A_83 = arith.xori %lt3A_80, %lt3A_82 : i1
        %and3A = arith.andi %ne3A_83, %ne3A_78 : i1
        %add3A_84 = arith.addi %rem3A, %select_n3A_77 : i32
        %select_n3A_85 = arith.select %and3A, %add3A_84, %rem3A : i32
        %sub3A_86 = arith.constant 1 : i32
        %sub3A_87 = arith.subi %sub3A_86, %select_n3A_85 : i32
        %sub3A_88 = arith.constant 1 : i32
        %sub3A_89 = arith.subi %select_n3A, %sub3A_88 : i32
        %lt3A_90 = arith.cmpi slt, %add3A_72, %sub3A_89 : i32
        %add3A_91 = arith.constant 1 : i32
        %add3A_92 = arith.addi %add3A_72, %add3A_91 : i32
        %mul3A_93 = arith.constant 8 : i32
        %mul3A_94 = arith.muli %add3A_92, %mul3A_93 : i32
        %add3A_95 = arith.addi %select_n3A_19, %mul3A_94 : i32
        %convert_element_type3A_96 = arith.extui %lt3A_90 : i1 to i32
        %cond3A_97 = arith.constant 0 : i32
        %cond3A_98 = arith.cmpi ne, %convert_element_type3A_96, %cond3A_97 : i32
        scf.if %cond3A_98 {
          %dma_start3A_480 = arith.constant 0 : i32
          %dma_start3A_481 = arith.constant 0 : i32
          %dma_start3A_482 = tpu.memref_slice %arg6[%sub3A_87, %dma_start3A_480, %dma_start3A_481] : memref<2x8x128xi32, #tpu.memory_space<vmem>> -> memref<1x8x128xi32, #tpu.memory_space<vmem>>
          %dma_start3A_483 = tpu.memref_squeeze %dma_start3A_482 : memref<1x8x128xi32, #tpu.memory_space<vmem>> -> memref<8x128xi32, #tpu.memory_space<vmem>>
          %dma_start3A_484 = arith.constant 0 : i32
          %dma_start3A_485 = tpu.memref_slice %arg3[%add3A_95, %dma_start3A_484] : memref<2560x128xi32, #tpu.memory_space<hbm>> -> memref<8x128xi32, #tpu.memory_space<hbm>>
          %dma_start3A_486 = arith.constant 0 : i32
          %dma_start3A_487 = arith.constant 0 : i32
          %dma_start3A_488 = tpu.memref_slice %arg6[%sub3A_87, %dma_start3A_486, %dma_start3A_487] : memref<2x8x128xi32, #tpu.memory_space<vmem>> -> memref<1x8x128xi32, #tpu.memory_space<vmem>>
          %dma_start3A_489 = tpu.memref_squeeze %dma_start3A_488 : memref<1x8x128xi32, #tpu.memory_space<vmem>> -> memref<8x128xi32, #tpu.memory_space<vmem>>
          %dma_start3A_490 = arith.constant 0 : i32
          %dma_start3A_491 = tpu.memref_slice %arg3[%add3A_95, %dma_start3A_490] : memref<2560x128xi32, #tpu.memory_space<hbm>> -> memref<8x128xi32, #tpu.memory_space<hbm>>
          tpu.enqueue_dma source(%dma_start3A_491 : memref<8x128xi32, #tpu.memory_space<hbm>>) target(%dma_start3A_489 : memref<8x128xi32, #tpu.memory_space<vmem>>) target_semaphore(%arg14 : memref<!tpu.dma_semaphore, #tpu.memory_space<semaphore_mem>>)
          %dma_start3A_492 = arith.constant 0 : i32
          %dma_start3A_493 = arith.constant 0 : i32
          %dma_start3A_494 = tpu.memref_slice %arg7[%sub3A_87, %dma_start3A_492, %dma_start3A_493] : memref<2x8x128xi32, #tpu.memory_space<vmem>> -> memref<1x8x128xi32, #tpu.memory_space<vmem>>
          %dma_start3A_495 = tpu.memref_squeeze %dma_start3A_494 : memref<1x8x128xi32, #tpu.memory_space<vmem>> -> memref<8x128xi32, #tpu.memory_space<vmem>>
          %dma_start3A_496 = arith.constant 0 : i32
          %dma_start3A_497 = tpu.memref_slice %arg4[%add3A_95, %dma_start3A_496] : memref<2560x128xi32, #tpu.memory_space<hbm>> -> memref<8x128xi32, #tpu.memory_space<hbm>>
          %dma_start3A_498 = arith.constant 0 : i32
          %dma_start3A_499 = arith.constant 0 : i32
          %dma_start3A_500 = tpu.memref_slice %arg7[%sub3A_87, %dma_start3A_498, %dma_start3A_499] : memref<2x8x128xi32, #tpu.memory_space<vmem>> -> memref<1x8x128xi32, #tpu.memory_space<vmem>>
          %dma_start3A_501 = tpu.memref_squeeze %dma_start3A_500 : memref<1x8x128xi32, #tpu.memory_space<vmem>> -> memref<8x128xi32, #tpu.memory_space<vmem>>
          %dma_start3A_502 = arith.constant 0 : i32
          %dma_start3A_503 = tpu.memref_slice %arg4[%add3A_95, %dma_start3A_502] : memref<2560x128xi32, #tpu.memory_space<hbm>> -> memref<8x128xi32, #tpu.memory_space<hbm>>
          tpu.enqueue_dma source(%dma_start3A_503 : memref<8x128xi32, #tpu.memory_space<hbm>>) target(%dma_start3A_501 : memref<8x128xi32, #tpu.memory_space<vmem>>) target_semaphore(%arg15 : memref<!tpu.dma_semaphore, #tpu.memory_space<semaphore_mem>>)
        } else {
        }
        %dma_wait3A = arith.constant 0 : i32
        %dma_wait3A_99 = arith.constant 0 : i32
        %dma_wait3A_100 = arith.constant 0 : i32
        %dma_wait3A_101 = arith.constant 0 : i32
        %dma_wait3A_102 = arith.constant 0 : i32
        %dma_wait3A_103 = tpu.memref_slice %arg8[%dma_wait3A_100, %dma_wait3A_101, %dma_wait3A_102] : memref<2x128x16xf32, #tpu.memory_space<vmem>> -> memref<1x128x16xf32, #tpu.memory_space<vmem>>
        %dma_wait3A_104 = tpu.memref_squeeze %dma_wait3A_103 : memref<1x128x16xf32, #tpu.memory_space<vmem>> -> memref<128x16xf32, #tpu.memory_space<vmem>>
        %dma_wait3A_105 = arith.constant 0 : i32
        %dma_wait3A_106 = tpu.memref_slice %arg6[%dma_wait3A, %dma_wait3A_99, %dma_wait3A_105] : memref<2x8x128xi32, #tpu.memory_space<vmem>> -> memref<1x1x128xi32, #tpu.memory_space<vmem>>
        %dma_wait3A_107 = tpu.memref_squeeze %dma_wait3A_106 : memref<1x1x128xi32, #tpu.memory_space<vmem>> -> memref<128xi32, #tpu.memory_space<vmem>>
        %dma_wait3A_108 = arith.constant 0 : i32
        %dma_wait3A_109 = arith.constant 0 : i32
        %dma_wait3A_110 = tpu.memref_slice %arg2[%dma_wait3A_108, %dma_wait3A_109] : memref<10240x16xf32, #tpu.memory_space<hbm>> -> memref<10240x16xf32, #tpu.memory_space<hbm>>
        tpu.wait_indirect_dma semaphore(%arg10 : memref<!tpu.dma_semaphore, #tpu.memory_space<semaphore_mem>>) src(%dma_wait3A_110 : memref<10240x16xf32, #tpu.memory_space<hbm>>) dst(%dma_wait3A_104 : memref<128x16xf32, #tpu.memory_space<vmem>>)
        %dma_start3A_111 = arith.constant 0 : i32
        %dma_start3A_112 = arith.constant 0 : i32
        %dma_start3A_113 = arith.constant 0 : i32
        %dma_start3A_114 = arith.constant 0 : i32
        %dma_start3A_115 = tpu.memref_slice %arg8[%dma_start3A_111, %dma_start3A_113, %dma_start3A_114] : memref<2x128x16xf32, #tpu.memory_space<vmem>> -> memref<1x128x16xf32, #tpu.memory_space<vmem>>
        %dma_start3A_116 = tpu.memref_squeeze %dma_start3A_115 : memref<1x128x16xf32, #tpu.memory_space<vmem>> -> memref<128x16xf32, #tpu.memory_space<vmem>>
        %dma_start3A_117 = arith.constant 0 : i32
        %dma_start3A_118 = tpu.memref_slice %arg7[%select_n3A_85, %dma_start3A_112, %dma_start3A_117] : memref<2x8x128xi32, #tpu.memory_space<vmem>> -> memref<1x1x128xi32, #tpu.memory_space<vmem>>
        %dma_start3A_119 = tpu.memref_squeeze %dma_start3A_118 : memref<1x1x128xi32, #tpu.memory_space<vmem>> -> memref<128xi32, #tpu.memory_space<vmem>>
        %dma_start3A_120 = arith.constant 0 : i32
        %dma_start3A_121 = arith.constant 0 : i32
        %dma_start3A_122 = tpu.memref_slice %arg9[%dma_start3A_120, %dma_start3A_121] : memref<10240x16xf32, #tpu.memory_space<vmem_shared>> -> memref<10240x16xf32, #tpu.memory_space<vmem_shared>>
        tpu.enqueue_indirect_dma source(%dma_start3A_116 : memref<128x16xf32, #tpu.memory_space<vmem>>) target(%dma_start3A_122 : memref<10240x16xf32, #tpu.memory_space<vmem_shared>>) offsets(%dma_start3A_119 : memref<128xi32, #tpu.memory_space<vmem>>) semaphore(%arg12 : memref<!tpu.dma_semaphore, #tpu.memory_space<semaphore_mem>>) {add = true}
        %dma_wait3A_123 = arith.constant 0 : i32
        %dma_wait3A_124 = arith.constant 0 : i32
        %dma_wait3A_125 = arith.constant 1 : i32
        %dma_wait3A_126 = arith.constant 0 : i32
        %dma_wait3A_127 = arith.constant 0 : i32
        %dma_wait3A_128 = tpu.memref_slice %arg8[%dma_wait3A_125, %dma_wait3A_126, %dma_wait3A_127] : memref<2x128x16xf32, #tpu.memory_space<vmem>> -> memref<1x128x16xf32, #tpu.memory_space<vmem>>
        %dma_wait3A_129 = tpu.memref_squeeze %dma_wait3A_128 : memref<1x128x16xf32, #tpu.memory_space<vmem>> -> memref<128x16xf32, #tpu.memory_space<vmem>>
        %dma_wait3A_130 = arith.constant 0 : i32
        %dma_wait3A_131 = tpu.memref_slice %arg6[%dma_wait3A_123, %dma_wait3A_124, %dma_wait3A_130] : memref<2x8x128xi32, #tpu.memory_space<vmem>> -> memref<1x1x128xi32, #tpu.memory_space<vmem>>
        %dma_wait3A_132 = tpu.memref_squeeze %dma_wait3A_131 : memref<1x1x128xi32, #tpu.memory_space<vmem>> -> memref<128xi32, #tpu.memory_space<vmem>>
        %dma_wait3A_133 = arith.constant 0 : i32
        %dma_wait3A_134 = arith.constant 0 : i32
        %dma_wait3A_135 = tpu.memref_slice %arg2[%dma_wait3A_133, %dma_wait3A_134] : memref<10240x16xf32, #tpu.memory_space<hbm>> -> memref<10240x16xf32, #tpu.memory_space<hbm>>
        tpu.wait_indirect_dma semaphore(%arg11 : memref<!tpu.dma_semaphore, #tpu.memory_space<semaphore_mem>>) src(%dma_wait3A_135 : memref<10240x16xf32, #tpu.memory_space<hbm>>) dst(%dma_wait3A_129 : memref<128x16xf32, #tpu.memory_space<vmem>>)
        %dma_start3A_136 = arith.constant 1 : i32
        %dma_start3A_137 = arith.constant 1 : i32
        %dma_start3A_138 = arith.constant 0 : i32
        %dma_start3A_139 = arith.constant 0 : i32
        %dma_start3A_140 = tpu.memref_slice %arg8[%dma_start3A_136, %dma_start3A_138, %dma_start3A_139] : memref<2x128x16xf32, #tpu.memory_space<vmem>> -> memref<1x128x16xf32, #tpu.memory_space<vmem>>
        %dma_start3A_141 = tpu.memref_squeeze %dma_start3A_140 : memref<1x128x16xf32, #tpu.memory_space<vmem>> -> memref<128x16xf32, #tpu.memory_space<vmem>>
        %dma_start3A_142 = arith.constant 0 : i32
        %dma_start3A_143 = tpu.memref_slice %arg7[%select_n3A_85, %dma_start3A_137, %dma_start3A_142] : memref<2x8x128xi32, #tpu.memory_space<vmem>> -> memref<1x1x128xi32, #tpu.memory_space<vmem>>
        %dma_start3A_144 = tpu.memref_squeeze %dma_start3A_143 : memref<1x1x128xi32, #tpu.memory_space<vmem>> -> memref<128xi32, #tpu.memory_space<vmem>>
        %dma_start3A_145 = arith.constant 0 : i32
        %dma_start3A_146 = arith.constant 0 : i32
        %dma_start3A_147 = tpu.memref_slice %arg9[%dma_start3A_145, %dma_start3A_146] : memref<10240x16xf32, #tpu.memory_space<vmem_shared>> -> memref<10240x16xf32, #tpu.memory_space<vmem_shared>>
        tpu.enqueue_indirect_dma source(%dma_start3A_141 : memref<128x16xf32, #tpu.memory_space<vmem>>) target(%dma_start3A_147 : memref<10240x16xf32, #tpu.memory_space<vmem_shared>>) offsets(%dma_start3A_144 : memref<128xi32, #tpu.memory_space<vmem>>) semaphore(%arg13 : memref<!tpu.dma_semaphore, #tpu.memory_space<semaphore_mem>>) {add = true}
        %dma_wait3A_148 = arith.constant 0 : i32
        %dma_wait3A_149 = arith.constant 0 : i32
        %dma_wait3A_150 = arith.constant 0 : i32
        %dma_wait3A_151 = arith.constant 0 : i32
        %dma_wait3A_152 = arith.constant 0 : i32
        %dma_wait3A_153 = tpu.memref_slice %arg8[%dma_wait3A_148, %dma_wait3A_151, %dma_wait3A_152] : memref<2x128x16xf32, #tpu.memory_space<vmem>> -> memref<1x128x16xf32, #tpu.memory_space<vmem>>
        %dma_wait3A_154 = tpu.memref_squeeze %dma_wait3A_153 : memref<1x128x16xf32, #tpu.memory_space<vmem>> -> memref<128x16xf32, #tpu.memory_space<vmem>>
        %dma_wait3A_155 = arith.constant 0 : i32
        %dma_wait3A_156 = tpu.memref_slice %arg7[%dma_wait3A_149, %dma_wait3A_150, %dma_wait3A_155] : memref<2x8x128xi32, #tpu.memory_space<vmem>> -> memref<1x1x128xi32, #tpu.memory_space<vmem>>
        %dma_wait3A_157 = tpu.memref_squeeze %dma_wait3A_156 : memref<1x1x128xi32, #tpu.memory_space<vmem>> -> memref<128xi32, #tpu.memory_space<vmem>>
        %dma_wait3A_158 = arith.constant 0 : i32
        %dma_wait3A_159 = arith.constant 0 : i32
        %dma_wait3A_160 = tpu.memref_slice %arg9[%dma_wait3A_158, %dma_wait3A_159] : memref<10240x16xf32, #tpu.memory_space<vmem_shared>> -> memref<10240x16xf32, #tpu.memory_space<vmem_shared>>
        tpu.wait_indirect_dma semaphore(%arg12 : memref<!tpu.dma_semaphore, #tpu.memory_space<semaphore_mem>>) src(%dma_wait3A_154 : memref<128x16xf32, #tpu.memory_space<vmem>>) dst(%dma_wait3A_160 : memref<10240x16xf32, #tpu.memory_space<vmem_shared>>)
        %dma_start3A_161 = arith.constant 2 : i32
        %dma_start3A_162 = arith.constant 0 : i32
        %dma_start3A_163 = arith.constant 0 : i32
        %dma_start3A_164 = arith.constant 0 : i32
        %dma_start3A_165 = tpu.memref_slice %arg8[%dma_start3A_162, %dma_start3A_163, %dma_start3A_164] : memref<2x128x16xf32, #tpu.memory_space<vmem>> -> memref<1x128x16xf32, #tpu.memory_space<vmem>>
        %dma_start3A_166 = tpu.memref_squeeze %dma_start3A_165 : memref<1x128x16xf32, #tpu.memory_space<vmem>> -> memref<128x16xf32, #tpu.memory_space<vmem>>
        %dma_start3A_167 = arith.constant 0 : i32
        %dma_start3A_168 = tpu.memref_slice %arg6[%select_n3A_85, %dma_start3A_161, %dma_start3A_167] : memref<2x8x128xi32, #tpu.memory_space<vmem>> -> memref<1x1x128xi32, #tpu.memory_space<vmem>>
        %dma_start3A_169 = tpu.memref_squeeze %dma_start3A_168 : memref<1x1x128xi32, #tpu.memory_space<vmem>> -> memref<128xi32, #tpu.memory_space<vmem>>
        %dma_start3A_170 = arith.constant 0 : i32
        %dma_start3A_171 = arith.constant 0 : i32
        %dma_start3A_172 = tpu.memref_slice %arg2[%dma_start3A_170, %dma_start3A_171] : memref<10240x16xf32, #tpu.memory_space<hbm>> -> memref<10240x16xf32, #tpu.memory_space<hbm>>
        tpu.enqueue_indirect_dma source(%dma_start3A_172 : memref<10240x16xf32, #tpu.memory_space<hbm>>) target(%dma_start3A_166 : memref<128x16xf32, #tpu.memory_space<vmem>>) offsets(%dma_start3A_169 : memref<128xi32, #tpu.memory_space<vmem>>) semaphore(%arg10 : memref<!tpu.dma_semaphore, #tpu.memory_space<semaphore_mem>>)
        %dma_wait3A_173 = arith.constant 1 : i32
        %dma_wait3A_174 = arith.constant 0 : i32
        %dma_wait3A_175 = arith.constant 0 : i32
        %dma_wait3A_176 = arith.constant 0 : i32
        %dma_wait3A_177 = arith.constant 0 : i32
        %dma_wait3A_178 = tpu.memref_slice %arg8[%dma_wait3A_173, %dma_wait3A_176, %dma_wait3A_177] : memref<2x128x16xf32, #tpu.memory_space<vmem>> -> memref<1x128x16xf32, #tpu.memory_space<vmem>>
        %dma_wait3A_179 = tpu.memref_squeeze %dma_wait3A_178 : memref<1x128x16xf32, #tpu.memory_space<vmem>> -> memref<128x16xf32, #tpu.memory_space<vmem>>
        %dma_wait3A_180 = arith.constant 0 : i32
        %dma_wait3A_181 = tpu.memref_slice %arg7[%dma_wait3A_174, %dma_wait3A_175, %dma_wait3A_180] : memref<2x8x128xi32, #tpu.memory_space<vmem>> -> memref<1x1x128xi32, #tpu.memory_space<vmem>>
        %dma_wait3A_182 = tpu.memref_squeeze %dma_wait3A_181 : memref<1x1x128xi32, #tpu.memory_space<vmem>> -> memref<128xi32, #tpu.memory_space<vmem>>
        %dma_wait3A_183 = arith.constant 0 : i32
        %dma_wait3A_184 = arith.constant 0 : i32
        %dma_wait3A_185 = tpu.memref_slice %arg9[%dma_wait3A_183, %dma_wait3A_184] : memref<10240x16xf32, #tpu.memory_space<vmem_shared>> -> memref<10240x16xf32, #tpu.memory_space<vmem_shared>>
        tpu.wait_indirect_dma semaphore(%arg13 : memref<!tpu.dma_semaphore, #tpu.memory_space<semaphore_mem>>) src(%dma_wait3A_179 : memref<128x16xf32, #tpu.memory_space<vmem>>) dst(%dma_wait3A_185 : memref<10240x16xf32, #tpu.memory_space<vmem_shared>>)
        %dma_start3A_186 = arith.constant 3 : i32
        %dma_start3A_187 = arith.constant 1 : i32
        %dma_start3A_188 = arith.constant 0 : i32
        %dma_start3A_189 = arith.constant 0 : i32
        %dma_start3A_190 = tpu.memref_slice %arg8[%dma_start3A_187, %dma_start3A_188, %dma_start3A_189] : memref<2x128x16xf32, #tpu.memory_space<vmem>> -> memref<1x128x16xf32, #tpu.memory_space<vmem>>
        %dma_start3A_191 = tpu.memref_squeeze %dma_start3A_190 : memref<1x128x16xf32, #tpu.memory_space<vmem>> -> memref<128x16xf32, #tpu.memory_space<vmem>>
        %dma_start3A_192 = arith.constant 0 : i32
        %dma_start3A_193 = tpu.memref_slice %arg6[%select_n3A_85, %dma_start3A_186, %dma_start3A_192] : memref<2x8x128xi32, #tpu.memory_space<vmem>> -> memref<1x1x128xi32, #tpu.memory_space<vmem>>
        %dma_start3A_194 = tpu.memref_squeeze %dma_start3A_193 : memref<1x1x128xi32, #tpu.memory_space<vmem>> -> memref<128xi32, #tpu.memory_space<vmem>>
        %dma_start3A_195 = arith.constant 0 : i32
        %dma_start3A_196 = arith.constant 0 : i32
        %dma_start3A_197 = tpu.memref_slice %arg2[%dma_start3A_195, %dma_start3A_196] : memref<10240x16xf32, #tpu.memory_space<hbm>> -> memref<10240x16xf32, #tpu.memory_space<hbm>>
        tpu.enqueue_indirect_dma source(%dma_start3A_197 : memref<10240x16xf32, #tpu.memory_space<hbm>>) target(%dma_start3A_191 : memref<128x16xf32, #tpu.memory_space<vmem>>) offsets(%dma_start3A_194 : memref<128xi32, #tpu.memory_space<vmem>>) semaphore(%arg11 : memref<!tpu.dma_semaphore, #tpu.memory_space<semaphore_mem>>)
        %dma_wait3A_198 = arith.constant 0 : i32
        %dma_wait3A_199 = arith.constant 0 : i32
        %dma_wait3A_200 = arith.constant 0 : i32
        %dma_wait3A_201 = arith.constant 0 : i32
        %dma_wait3A_202 = arith.constant 0 : i32
        %dma_wait3A_203 = tpu.memref_slice %arg8[%dma_wait3A_200, %dma_wait3A_201, %dma_wait3A_202] : memref<2x128x16xf32, #tpu.memory_space<vmem>> -> memref<1x128x16xf32, #tpu.memory_space<vmem>>
        %dma_wait3A_204 = tpu.memref_squeeze %dma_wait3A_203 : memref<1x128x16xf32, #tpu.memory_space<vmem>> -> memref<128x16xf32, #tpu.memory_space<vmem>>
        %dma_wait3A_205 = arith.constant 0 : i32
        %dma_wait3A_206 = tpu.memref_slice %arg6[%dma_wait3A_198, %dma_wait3A_199, %dma_wait3A_205] : memref<2x8x128xi32, #tpu.memory_space<vmem>> -> memref<1x1x128xi32, #tpu.memory_space<vmem>>
        %dma_wait3A_207 = tpu.memref_squeeze %dma_wait3A_206 : memref<1x1x128xi32, #tpu.memory_space<vmem>> -> memref<128xi32, #tpu.memory_space<vmem>>
        %dma_wait3A_208 = arith.constant 0 : i32
        %dma_wait3A_209 = arith.constant 0 : i32
        %dma_wait3A_210 = tpu.memref_slice %arg2[%dma_wait3A_208, %dma_wait3A_209] : memref<10240x16xf32, #tpu.memory_space<hbm>> -> memref<10240x16xf32, #tpu.memory_space<hbm>>
        tpu.wait_indirect_dma semaphore(%arg10 : memref<!tpu.dma_semaphore, #tpu.memory_space<semaphore_mem>>) src(%dma_wait3A_210 : memref<10240x16xf32, #tpu.memory_space<hbm>>) dst(%dma_wait3A_204 : memref<128x16xf32, #tpu.memory_space<vmem>>)
        %dma_start3A_211 = arith.constant 0 : i32
        %dma_start3A_212 = arith.constant 2 : i32
        %dma_start3A_213 = arith.constant 0 : i32
        %dma_start3A_214 = arith.constant 0 : i32
        %dma_start3A_215 = tpu.memref_slice %arg8[%dma_start3A_211, %dma_start3A_213, %dma_start3A_214] : memref<2x128x16xf32, #tpu.memory_space<vmem>> -> memref<1x128x16xf32, #tpu.memory_space<vmem>>
        %dma_start3A_216 = tpu.memref_squeeze %dma_start3A_215 : memref<1x128x16xf32, #tpu.memory_space<vmem>> -> memref<128x16xf32, #tpu.memory_space<vmem>>
        %dma_start3A_217 = arith.constant 0 : i32
        %dma_start3A_218 = tpu.memref_slice %arg7[%select_n3A_85, %dma_start3A_212, %dma_start3A_217] : memref<2x8x128xi32, #tpu.memory_space<vmem>> -> memref<1x1x128xi32, #tpu.memory_space<vmem>>
        %dma_start3A_219 = tpu.memref_squeeze %dma_start3A_218 : memref<1x1x128xi32, #tpu.memory_space<vmem>> -> memref<128xi32, #tpu.memory_space<vmem>>
        %dma_start3A_220 = arith.constant 0 : i32
        %dma_start3A_221 = arith.constant 0 : i32
        %dma_start3A_222 = tpu.memref_slice %arg9[%dma_start3A_220, %dma_start3A_221] : memref<10240x16xf32, #tpu.memory_space<vmem_shared>> -> memref<10240x16xf32, #tpu.memory_space<vmem_shared>>
        tpu.enqueue_indirect_dma source(%dma_start3A_216 : memref<128x16xf32, #tpu.memory_space<vmem>>) target(%dma_start3A_222 : memref<10240x16xf32, #tpu.memory_space<vmem_shared>>) offsets(%dma_start3A_219 : memref<128xi32, #tpu.memory_space<vmem>>) semaphore(%arg12 : memref<!tpu.dma_semaphore, #tpu.memory_space<semaphore_mem>>) {add = true}
        %dma_wait3A_223 = arith.constant 0 : i32
        %dma_wait3A_224 = arith.constant 0 : i32
        %dma_wait3A_225 = arith.constant 1 : i32
        %dma_wait3A_226 = arith.constant 0 : i32
        %dma_wait3A_227 = arith.constant 0 : i32
        %dma_wait3A_228 = tpu.memref_slice %arg8[%dma_wait3A_225, %dma_wait3A_226, %dma_wait3A_227] : memref<2x128x16xf32, #tpu.memory_space<vmem>> -> memref<1x128x16xf32, #tpu.memory_space<vmem>>
        %dma_wait3A_229 = tpu.memref_squeeze %dma_wait3A_228 : memref<1x128x16xf32, #tpu.memory_space<vmem>> -> memref<128x16xf32, #tpu.memory_space<vmem>>
        %dma_wait3A_230 = arith.constant 0 : i32
        %dma_wait3A_231 = tpu.memref_slice %arg6[%dma_wait3A_223, %dma_wait3A_224, %dma_wait3A_230] : memref<2x8x128xi32, #tpu.memory_space<vmem>> -> memref<1x1x128xi32, #tpu.memory_space<vmem>>
        %dma_wait3A_232 = tpu.memref_squeeze %dma_wait3A_231 : memref<1x1x128xi32, #tpu.memory_space<vmem>> -> memref<128xi32, #tpu.memory_space<vmem>>
        %dma_wait3A_233 = arith.constant 0 : i32
        %dma_wait3A_234 = arith.constant 0 : i32
        %dma_wait3A_235 = tpu.memref_slice %arg2[%dma_wait3A_233, %dma_wait3A_234] : memref<10240x16xf32, #tpu.memory_space<hbm>> -> memref<10240x16xf32, #tpu.memory_space<hbm>>
        tpu.wait_indirect_dma semaphore(%arg11 : memref<!tpu.dma_semaphore, #tpu.memory_space<semaphore_mem>>) src(%dma_wait3A_235 : memref<10240x16xf32, #tpu.memory_space<hbm>>) dst(%dma_wait3A_229 : memref<128x16xf32, #tpu.memory_space<vmem>>)
        %dma_start3A_236 = arith.constant 1 : i32
        %dma_start3A_237 = arith.constant 3 : i32
        %dma_start3A_238 = arith.constant 0 : i32
        %dma_start3A_239 = arith.constant 0 : i32
        %dma_start3A_240 = tpu.memref_slice %arg8[%dma_start3A_236, %dma_start3A_238, %dma_start3A_239] : memref<2x128x16xf32, #tpu.memory_space<vmem>> -> memref<1x128x16xf32, #tpu.memory_space<vmem>>
        %dma_start3A_241 = tpu.memref_squeeze %dma_start3A_240 : memref<1x128x16xf32, #tpu.memory_space<vmem>> -> memref<128x16xf32, #tpu.memory_space<vmem>>
        %dma_start3A_242 = arith.constant 0 : i32
        %dma_start3A_243 = tpu.memref_slice %arg7[%select_n3A_85, %dma_start3A_237, %dma_start3A_242] : memref<2x8x128xi32, #tpu.memory_space<vmem>> -> memref<1x1x128xi32, #tpu.memory_space<vmem>>
        %dma_start3A_244 = tpu.memref_squeeze %dma_start3A_243 : memref<1x1x128xi32, #tpu.memory_space<vmem>> -> memref<128xi32, #tpu.memory_space<vmem>>
        %dma_start3A_245 = arith.constant 0 : i32
        %dma_start3A_246 = arith.constant 0 : i32
        %dma_start3A_247 = tpu.memref_slice %arg9[%dma_start3A_245, %dma_start3A_246] : memref<10240x16xf32, #tpu.memory_space<vmem_shared>> -> memref<10240x16xf32, #tpu.memory_space<vmem_shared>>
        tpu.enqueue_indirect_dma source(%dma_start3A_241 : memref<128x16xf32, #tpu.memory_space<vmem>>) target(%dma_start3A_247 : memref<10240x16xf32, #tpu.memory_space<vmem_shared>>) offsets(%dma_start3A_244 : memref<128xi32, #tpu.memory_space<vmem>>) semaphore(%arg13 : memref<!tpu.dma_semaphore, #tpu.memory_space<semaphore_mem>>) {add = true}
        %dma_wait3A_248 = arith.constant 0 : i32
        %dma_wait3A_249 = arith.constant 0 : i32
        %dma_wait3A_250 = arith.constant 0 : i32
        %dma_wait3A_251 = arith.constant 0 : i32
        %dma_wait3A_252 = arith.constant 0 : i32
        %dma_wait3A_253 = tpu.memref_slice %arg8[%dma_wait3A_248, %dma_wait3A_251, %dma_wait3A_252] : memref<2x128x16xf32, #tpu.memory_space<vmem>> -> memref<1x128x16xf32, #tpu.memory_space<vmem>>
        %dma_wait3A_254 = tpu.memref_squeeze %dma_wait3A_253 : memref<1x128x16xf32, #tpu.memory_space<vmem>> -> memref<128x16xf32, #tpu.memory_space<vmem>>
        %dma_wait3A_255 = arith.constant 0 : i32
        %dma_wait3A_256 = tpu.memref_slice %arg7[%dma_wait3A_249, %dma_wait3A_250, %dma_wait3A_255] : memref<2x8x128xi32, #tpu.memory_space<vmem>> -> memref<1x1x128xi32, #tpu.memory_space<vmem>>
        %dma_wait3A_257 = tpu.memref_squeeze %dma_wait3A_256 : memref<1x1x128xi32, #tpu.memory_space<vmem>> -> memref<128xi32, #tpu.memory_space<vmem>>
        %dma_wait3A_258 = arith.constant 0 : i32
        %dma_wait3A_259 = arith.constant 0 : i32
        %dma_wait3A_260 = tpu.memref_slice %arg9[%dma_wait3A_258, %dma_wait3A_259] : memref<10240x16xf32, #tpu.memory_space<vmem_shared>> -> memref<10240x16xf32, #tpu.memory_space<vmem_shared>>
        tpu.wait_indirect_dma semaphore(%arg12 : memref<!tpu.dma_semaphore, #tpu.memory_space<semaphore_mem>>) src(%dma_wait3A_254 : memref<128x16xf32, #tpu.memory_space<vmem>>) dst(%dma_wait3A_260 : memref<10240x16xf32, #tpu.memory_space<vmem_shared>>)
        %dma_start3A_261 = arith.constant 4 : i32
        %dma_start3A_262 = arith.constant 0 : i32
        %dma_start3A_263 = arith.constant 0 : i32
        %dma_start3A_264 = arith.constant 0 : i32
        %dma_start3A_265 = tpu.memref_slice %arg8[%dma_start3A_262, %dma_start3A_263, %dma_start3A_264] : memref<2x128x16xf32, #tpu.memory_space<vmem>> -> memref<1x128x16xf32, #tpu.memory_space<vmem>>
        %dma_start3A_266 = tpu.memref_squeeze %dma_start3A_265 : memref<1x128x16xf32, #tpu.memory_space<vmem>> -> memref<128x16xf32, #tpu.memory_space<vmem>>
        %dma_start3A_267 = arith.constant 0 : i32
        %dma_start3A_268 = tpu.memref_slice %arg6[%select_n3A_85, %dma_start3A_261, %dma_start3A_267] : memref<2x8x128xi32, #tpu.memory_space<vmem>> -> memref<1x1x128xi32, #tpu.memory_space<vmem>>
        %dma_start3A_269 = tpu.memref_squeeze %dma_start3A_268 : memref<1x1x128xi32, #tpu.memory_space<vmem>> -> memref<128xi32, #tpu.memory_space<vmem>>
        %dma_start3A_270 = arith.constant 0 : i32
        %dma_start3A_271 = arith.constant 0 : i32
        %dma_start3A_272 = tpu.memref_slice %arg2[%dma_start3A_270, %dma_start3A_271] : memref<10240x16xf32, #tpu.memory_space<hbm>> -> memref<10240x16xf32, #tpu.memory_space<hbm>>
        tpu.enqueue_indirect_dma source(%dma_start3A_272 : memref<10240x16xf32, #tpu.memory_space<hbm>>) target(%dma_start3A_266 : memref<128x16xf32, #tpu.memory_space<vmem>>) offsets(%dma_start3A_269 : memref<128xi32, #tpu.memory_space<vmem>>) semaphore(%arg10 : memref<!tpu.dma_semaphore, #tpu.memory_space<semaphore_mem>>)
        %dma_wait3A_273 = arith.constant 1 : i32
        %dma_wait3A_274 = arith.constant 0 : i32
        %dma_wait3A_275 = arith.constant 0 : i32
        %dma_wait3A_276 = arith.constant 0 : i32
        %dma_wait3A_277 = arith.constant 0 : i32
        %dma_wait3A_278 = tpu.memref_slice %arg8[%dma_wait3A_273, %dma_wait3A_276, %dma_wait3A_277] : memref<2x128x16xf32, #tpu.memory_space<vmem>> -> memref<1x128x16xf32, #tpu.memory_space<vmem>>
        %dma_wait3A_279 = tpu.memref_squeeze %dma_wait3A_278 : memref<1x128x16xf32, #tpu.memory_space<vmem>> -> memref<128x16xf32, #tpu.memory_space<vmem>>
        %dma_wait3A_280 = arith.constant 0 : i32
        %dma_wait3A_281 = tpu.memref_slice %arg7[%dma_wait3A_274, %dma_wait3A_275, %dma_wait3A_280] : memref<2x8x128xi32, #tpu.memory_space<vmem>> -> memref<1x1x128xi32, #tpu.memory_space<vmem>>
        %dma_wait3A_282 = tpu.memref_squeeze %dma_wait3A_281 : memref<1x1x128xi32, #tpu.memory_space<vmem>> -> memref<128xi32, #tpu.memory_space<vmem>>
        %dma_wait3A_283 = arith.constant 0 : i32
        %dma_wait3A_284 = arith.constant 0 : i32
        %dma_wait3A_285 = tpu.memref_slice %arg9[%dma_wait3A_283, %dma_wait3A_284] : memref<10240x16xf32, #tpu.memory_space<vmem_shared>> -> memref<10240x16xf32, #tpu.memory_space<vmem_shared>>
        tpu.wait_indirect_dma semaphore(%arg13 : memref<!tpu.dma_semaphore, #tpu.memory_space<semaphore_mem>>) src(%dma_wait3A_279 : memref<128x16xf32, #tpu.memory_space<vmem>>) dst(%dma_wait3A_285 : memref<10240x16xf32, #tpu.memory_space<vmem_shared>>)
        %dma_start3A_286 = arith.constant 5 : i32
        %dma_start3A_287 = arith.constant 1 : i32
        %dma_start3A_288 = arith.constant 0 : i32
        %dma_start3A_289 = arith.constant 0 : i32
        %dma_start3A_290 = tpu.memref_slice %arg8[%dma_start3A_287, %dma_start3A_288, %dma_start3A_289] : memref<2x128x16xf32, #tpu.memory_space<vmem>> -> memref<1x128x16xf32, #tpu.memory_space<vmem>>
        %dma_start3A_291 = tpu.memref_squeeze %dma_start3A_290 : memref<1x128x16xf32, #tpu.memory_space<vmem>> -> memref<128x16xf32, #tpu.memory_space<vmem>>
        %dma_start3A_292 = arith.constant 0 : i32
        %dma_start3A_293 = tpu.memref_slice %arg6[%select_n3A_85, %dma_start3A_286, %dma_start3A_292] : memref<2x8x128xi32, #tpu.memory_space<vmem>> -> memref<1x1x128xi32, #tpu.memory_space<vmem>>
        %dma_start3A_294 = tpu.memref_squeeze %dma_start3A_293 : memref<1x1x128xi32, #tpu.memory_space<vmem>> -> memref<128xi32, #tpu.memory_space<vmem>>
        %dma_start3A_295 = arith.constant 0 : i32
        %dma_start3A_296 = arith.constant 0 : i32
        %dma_start3A_297 = tpu.memref_slice %arg2[%dma_start3A_295, %dma_start3A_296] : memref<10240x16xf32, #tpu.memory_space<hbm>> -> memref<10240x16xf32, #tpu.memory_space<hbm>>
        tpu.enqueue_indirect_dma source(%dma_start3A_297 : memref<10240x16xf32, #tpu.memory_space<hbm>>) target(%dma_start3A_291 : memref<128x16xf32, #tpu.memory_space<vmem>>) offsets(%dma_start3A_294 : memref<128xi32, #tpu.memory_space<vmem>>) semaphore(%arg11 : memref<!tpu.dma_semaphore, #tpu.memory_space<semaphore_mem>>)
        %dma_wait3A_298 = arith.constant 0 : i32
        %dma_wait3A_299 = arith.constant 0 : i32
        %dma_wait3A_300 = arith.constant 0 : i32
        %dma_wait3A_301 = arith.constant 0 : i32
        %dma_wait3A_302 = arith.constant 0 : i32
        %dma_wait3A_303 = tpu.memref_slice %arg8[%dma_wait3A_300, %dma_wait3A_301, %dma_wait3A_302] : memref<2x128x16xf32, #tpu.memory_space<vmem>> -> memref<1x128x16xf32, #tpu.memory_space<vmem>>
        %dma_wait3A_304 = tpu.memref_squeeze %dma_wait3A_303 : memref<1x128x16xf32, #tpu.memory_space<vmem>> -> memref<128x16xf32, #tpu.memory_space<vmem>>
        %dma_wait3A_305 = arith.constant 0 : i32
        %dma_wait3A_306 = tpu.memref_slice %arg6[%dma_wait3A_298, %dma_wait3A_299, %dma_wait3A_305] : memref<2x8x128xi32, #tpu.memory_space<vmem>> -> memref<1x1x128xi32, #tpu.memory_space<vmem>>
        %dma_wait3A_307 = tpu.memref_squeeze %dma_wait3A_306 : memref<1x1x128xi32, #tpu.memory_space<vmem>> -> memref<128xi32, #tpu.memory_space<vmem>>
        %dma_wait3A_308 = arith.constant 0 : i32
        %dma_wait3A_309 = arith.constant 0 : i32
        %dma_wait3A_310 = tpu.memref_slice %arg2[%dma_wait3A_308, %dma_wait3A_309] : memref<10240x16xf32, #tpu.memory_space<hbm>> -> memref<10240x16xf32, #tpu.memory_space<hbm>>
        tpu.wait_indirect_dma semaphore(%arg10 : memref<!tpu.dma_semaphore, #tpu.memory_space<semaphore_mem>>) src(%dma_wait3A_310 : memref<10240x16xf32, #tpu.memory_space<hbm>>) dst(%dma_wait3A_304 : memref<128x16xf32, #tpu.memory_space<vmem>>)
        %dma_start3A_311 = arith.constant 0 : i32
        %dma_start3A_312 = arith.constant 4 : i32
        %dma_start3A_313 = arith.constant 0 : i32
        %dma_start3A_314 = arith.constant 0 : i32
        %dma_start3A_315 = tpu.memref_slice %arg8[%dma_start3A_311, %dma_start3A_313, %dma_start3A_314] : memref<2x128x16xf32, #tpu.memory_space<vmem>> -> memref<1x128x16xf32, #tpu.memory_space<vmem>>
        %dma_start3A_316 = tpu.memref_squeeze %dma_start3A_315 : memref<1x128x16xf32, #tpu.memory_space<vmem>> -> memref<128x16xf32, #tpu.memory_space<vmem>>
        %dma_start3A_317 = arith.constant 0 : i32
        %dma_start3A_318 = tpu.memref_slice %arg7[%select_n3A_85, %dma_start3A_312, %dma_start3A_317] : memref<2x8x128xi32, #tpu.memory_space<vmem>> -> memref<1x1x128xi32, #tpu.memory_space<vmem>>
        %dma_start3A_319 = tpu.memref_squeeze %dma_start3A_318 : memref<1x1x128xi32, #tpu.memory_space<vmem>> -> memref<128xi32, #tpu.memory_space<vmem>>
        %dma_start3A_320 = arith.constant 0 : i32
        %dma_start3A_321 = arith.constant 0 : i32
        %dma_start3A_322 = tpu.memref_slice %arg9[%dma_start3A_320, %dma_start3A_321] : memref<10240x16xf32, #tpu.memory_space<vmem_shared>> -> memref<10240x16xf32, #tpu.memory_space<vmem_shared>>
        tpu.enqueue_indirect_dma source(%dma_start3A_316 : memref<128x16xf32, #tpu.memory_space<vmem>>) target(%dma_start3A_322 : memref<10240x16xf32, #tpu.memory_space<vmem_shared>>) offsets(%dma_start3A_319 : memref<128xi32, #tpu.memory_space<vmem>>) semaphore(%arg12 : memref<!tpu.dma_semaphore, #tpu.memory_space<semaphore_mem>>) {add = true}
        %dma_wait3A_323 = arith.constant 0 : i32
        %dma_wait3A_324 = arith.constant 0 : i32
        %dma_wait3A_325 = arith.constant 1 : i32
        %dma_wait3A_326 = arith.constant 0 : i32
        %dma_wait3A_327 = arith.constant 0 : i32
        %dma_wait3A_328 = tpu.memref_slice %arg8[%dma_wait3A_325, %dma_wait3A_326, %dma_wait3A_327] : memref<2x128x16xf32, #tpu.memory_space<vmem>> -> memref<1x128x16xf32, #tpu.memory_space<vmem>>
        %dma_wait3A_329 = tpu.memref_squeeze %dma_wait3A_328 : memref<1x128x16xf32, #tpu.memory_space<vmem>> -> memref<128x16xf32, #tpu.memory_space<vmem>>
        %dma_wait3A_330 = arith.constant 0 : i32
        %dma_wait3A_331 = tpu.memref_slice %arg6[%dma_wait3A_323, %dma_wait3A_324, %dma_wait3A_330] : memref<2x8x128xi32, #tpu.memory_space<vmem>> -> memref<1x1x128xi32, #tpu.memory_space<vmem>>
        %dma_wait3A_332 = tpu.memref_squeeze %dma_wait3A_331 : memref<1x1x128xi32, #tpu.memory_space<vmem>> -> memref<128xi32, #tpu.memory_space<vmem>>
        %dma_wait3A_333 = arith.constant 0 : i32
        %dma_wait3A_334 = arith.constant 0 : i32
        %dma_wait3A_335 = tpu.memref_slice %arg2[%dma_wait3A_333, %dma_wait3A_334] : memref<10240x16xf32, #tpu.memory_space<hbm>> -> memref<10240x16xf32, #tpu.memory_space<hbm>>
        tpu.wait_indirect_dma semaphore(%arg11 : memref<!tpu.dma_semaphore, #tpu.memory_space<semaphore_mem>>) src(%dma_wait3A_335 : memref<10240x16xf32, #tpu.memory_space<hbm>>) dst(%dma_wait3A_329 : memref<128x16xf32, #tpu.memory_space<vmem>>)
        %dma_start3A_336 = arith.constant 1 : i32
        %dma_start3A_337 = arith.constant 5 : i32
        %dma_start3A_338 = arith.constant 0 : i32
        %dma_start3A_339 = arith.constant 0 : i32
        %dma_start3A_340 = tpu.memref_slice %arg8[%dma_start3A_336, %dma_start3A_338, %dma_start3A_339] : memref<2x128x16xf32, #tpu.memory_space<vmem>> -> memref<1x128x16xf32, #tpu.memory_space<vmem>>
        %dma_start3A_341 = tpu.memref_squeeze %dma_start3A_340 : memref<1x128x16xf32, #tpu.memory_space<vmem>> -> memref<128x16xf32, #tpu.memory_space<vmem>>
        %dma_start3A_342 = arith.constant 0 : i32
        %dma_start3A_343 = tpu.memref_slice %arg7[%select_n3A_85, %dma_start3A_337, %dma_start3A_342] : memref<2x8x128xi32, #tpu.memory_space<vmem>> -> memref<1x1x128xi32, #tpu.memory_space<vmem>>
        %dma_start3A_344 = tpu.memref_squeeze %dma_start3A_343 : memref<1x1x128xi32, #tpu.memory_space<vmem>> -> memref<128xi32, #tpu.memory_space<vmem>>
        %dma_start3A_345 = arith.constant 0 : i32
        %dma_start3A_346 = arith.constant 0 : i32
        %dma_start3A_347 = tpu.memref_slice %arg9[%dma_start3A_345, %dma_start3A_346] : memref<10240x16xf32, #tpu.memory_space<vmem_shared>> -> memref<10240x16xf32, #tpu.memory_space<vmem_shared>>
        tpu.enqueue_indirect_dma source(%dma_start3A_341 : memref<128x16xf32, #tpu.memory_space<vmem>>) target(%dma_start3A_347 : memref<10240x16xf32, #tpu.memory_space<vmem_shared>>) offsets(%dma_start3A_344 : memref<128xi32, #tpu.memory_space<vmem>>) semaphore(%arg13 : memref<!tpu.dma_semaphore, #tpu.memory_space<semaphore_mem>>) {add = true}
        %dma_wait3A_348 = arith.constant 0 : i32
        %dma_wait3A_349 = arith.constant 0 : i32
        %dma_wait3A_350 = arith.constant 0 : i32
        %dma_wait3A_351 = arith.constant 0 : i32
        %dma_wait3A_352 = arith.constant 0 : i32
        %dma_wait3A_353 = tpu.memref_slice %arg8[%dma_wait3A_348, %dma_wait3A_351, %dma_wait3A_352] : memref<2x128x16xf32, #tpu.memory_space<vmem>> -> memref<1x128x16xf32, #tpu.memory_space<vmem>>
        %dma_wait3A_354 = tpu.memref_squeeze %dma_wait3A_353 : memref<1x128x16xf32, #tpu.memory_space<vmem>> -> memref<128x16xf32, #tpu.memory_space<vmem>>
        %dma_wait3A_355 = arith.constant 0 : i32
        %dma_wait3A_356 = tpu.memref_slice %arg7[%dma_wait3A_349, %dma_wait3A_350, %dma_wait3A_355] : memref<2x8x128xi32, #tpu.memory_space<vmem>> -> memref<1x1x128xi32, #tpu.memory_space<vmem>>
        %dma_wait3A_357 = tpu.memref_squeeze %dma_wait3A_356 : memref<1x1x128xi32, #tpu.memory_space<vmem>> -> memref<128xi32, #tpu.memory_space<vmem>>
        %dma_wait3A_358 = arith.constant 0 : i32
        %dma_wait3A_359 = arith.constant 0 : i32
        %dma_wait3A_360 = tpu.memref_slice %arg9[%dma_wait3A_358, %dma_wait3A_359] : memref<10240x16xf32, #tpu.memory_space<vmem_shared>> -> memref<10240x16xf32, #tpu.memory_space<vmem_shared>>
        tpu.wait_indirect_dma semaphore(%arg12 : memref<!tpu.dma_semaphore, #tpu.memory_space<semaphore_mem>>) src(%dma_wait3A_354 : memref<128x16xf32, #tpu.memory_space<vmem>>) dst(%dma_wait3A_360 : memref<10240x16xf32, #tpu.memory_space<vmem_shared>>)
        %dma_start3A_361 = arith.constant 6 : i32
        %dma_start3A_362 = arith.constant 0 : i32
        %dma_start3A_363 = arith.constant 0 : i32
        %dma_start3A_364 = arith.constant 0 : i32
        %dma_start3A_365 = tpu.memref_slice %arg8[%dma_start3A_362, %dma_start3A_363, %dma_start3A_364] : memref<2x128x16xf32, #tpu.memory_space<vmem>> -> memref<1x128x16xf32, #tpu.memory_space<vmem>>
        %dma_start3A_366 = tpu.memref_squeeze %dma_start3A_365 : memref<1x128x16xf32, #tpu.memory_space<vmem>> -> memref<128x16xf32, #tpu.memory_space<vmem>>
        %dma_start3A_367 = arith.constant 0 : i32
        %dma_start3A_368 = tpu.memref_slice %arg6[%select_n3A_85, %dma_start3A_361, %dma_start3A_367] : memref<2x8x128xi32, #tpu.memory_space<vmem>> -> memref<1x1x128xi32, #tpu.memory_space<vmem>>
        %dma_start3A_369 = tpu.memref_squeeze %dma_start3A_368 : memref<1x1x128xi32, #tpu.memory_space<vmem>> -> memref<128xi32, #tpu.memory_space<vmem>>
        %dma_start3A_370 = arith.constant 0 : i32
        %dma_start3A_371 = arith.constant 0 : i32
        %dma_start3A_372 = tpu.memref_slice %arg2[%dma_start3A_370, %dma_start3A_371] : memref<10240x16xf32, #tpu.memory_space<hbm>> -> memref<10240x16xf32, #tpu.memory_space<hbm>>
        tpu.enqueue_indirect_dma source(%dma_start3A_372 : memref<10240x16xf32, #tpu.memory_space<hbm>>) target(%dma_start3A_366 : memref<128x16xf32, #tpu.memory_space<vmem>>) offsets(%dma_start3A_369 : memref<128xi32, #tpu.memory_space<vmem>>) semaphore(%arg10 : memref<!tpu.dma_semaphore, #tpu.memory_space<semaphore_mem>>)
        %dma_wait3A_373 = arith.constant 1 : i32
        %dma_wait3A_374 = arith.constant 0 : i32
        %dma_wait3A_375 = arith.constant 0 : i32
        %dma_wait3A_376 = arith.constant 0 : i32
        %dma_wait3A_377 = arith.constant 0 : i32
        %dma_wait3A_378 = tpu.memref_slice %arg8[%dma_wait3A_373, %dma_wait3A_376, %dma_wait3A_377] : memref<2x128x16xf32, #tpu.memory_space<vmem>> -> memref<1x128x16xf32, #tpu.memory_space<vmem>>
        %dma_wait3A_379 = tpu.memref_squeeze %dma_wait3A_378 : memref<1x128x16xf32, #tpu.memory_space<vmem>> -> memref<128x16xf32, #tpu.memory_space<vmem>>
        %dma_wait3A_380 = arith.constant 0 : i32
        %dma_wait3A_381 = tpu.memref_slice %arg7[%dma_wait3A_374, %dma_wait3A_375, %dma_wait3A_380] : memref<2x8x128xi32, #tpu.memory_space<vmem>> -> memref<1x1x128xi32, #tpu.memory_space<vmem>>
        %dma_wait3A_382 = tpu.memref_squeeze %dma_wait3A_381 : memref<1x1x128xi32, #tpu.memory_space<vmem>> -> memref<128xi32, #tpu.memory_space<vmem>>
        %dma_wait3A_383 = arith.constant 0 : i32
        %dma_wait3A_384 = arith.constant 0 : i32
        %dma_wait3A_385 = tpu.memref_slice %arg9[%dma_wait3A_383, %dma_wait3A_384] : memref<10240x16xf32, #tpu.memory_space<vmem_shared>> -> memref<10240x16xf32, #tpu.memory_space<vmem_shared>>
        tpu.wait_indirect_dma semaphore(%arg13 : memref<!tpu.dma_semaphore, #tpu.memory_space<semaphore_mem>>) src(%dma_wait3A_379 : memref<128x16xf32, #tpu.memory_space<vmem>>) dst(%dma_wait3A_385 : memref<10240x16xf32, #tpu.memory_space<vmem_shared>>)
        %dma_start3A_386 = arith.constant 7 : i32
        %dma_start3A_387 = arith.constant 1 : i32
        %dma_start3A_388 = arith.constant 0 : i32
        %dma_start3A_389 = arith.constant 0 : i32
        %dma_start3A_390 = tpu.memref_slice %arg8[%dma_start3A_387, %dma_start3A_388, %dma_start3A_389] : memref<2x128x16xf32, #tpu.memory_space<vmem>> -> memref<1x128x16xf32, #tpu.memory_space<vmem>>
        %dma_start3A_391 = tpu.memref_squeeze %dma_start3A_390 : memref<1x128x16xf32, #tpu.memory_space<vmem>> -> memref<128x16xf32, #tpu.memory_space<vmem>>
        %dma_start3A_392 = arith.constant 0 : i32
        %dma_start3A_393 = tpu.memref_slice %arg6[%select_n3A_85, %dma_start3A_386, %dma_start3A_392] : memref<2x8x128xi32, #tpu.memory_space<vmem>> -> memref<1x1x128xi32, #tpu.memory_space<vmem>>
        %dma_start3A_394 = tpu.memref_squeeze %dma_start3A_393 : memref<1x1x128xi32, #tpu.memory_space<vmem>> -> memref<128xi32, #tpu.memory_space<vmem>>
        %dma_start3A_395 = arith.constant 0 : i32
        %dma_start3A_396 = arith.constant 0 : i32
        %dma_start3A_397 = tpu.memref_slice %arg2[%dma_start3A_395, %dma_start3A_396] : memref<10240x16xf32, #tpu.memory_space<hbm>> -> memref<10240x16xf32, #tpu.memory_space<hbm>>
        tpu.enqueue_indirect_dma source(%dma_start3A_397 : memref<10240x16xf32, #tpu.memory_space<hbm>>) target(%dma_start3A_391 : memref<128x16xf32, #tpu.memory_space<vmem>>) offsets(%dma_start3A_394 : memref<128xi32, #tpu.memory_space<vmem>>) semaphore(%arg11 : memref<!tpu.dma_semaphore, #tpu.memory_space<semaphore_mem>>)
        %dma_wait3A_398 = arith.constant 0 : i32
        %dma_wait3A_399 = arith.constant 0 : i32
        %dma_wait3A_400 = arith.constant 0 : i32
        %dma_wait3A_401 = arith.constant 0 : i32
        %dma_wait3A_402 = arith.constant 0 : i32
        %dma_wait3A_403 = tpu.memref_slice %arg8[%dma_wait3A_400, %dma_wait3A_401, %dma_wait3A_402] : memref<2x128x16xf32, #tpu.memory_space<vmem>> -> memref<1x128x16xf32, #tpu.memory_space<vmem>>
        %dma_wait3A_404 = tpu.memref_squeeze %dma_wait3A_403 : memref<1x128x16xf32, #tpu.memory_space<vmem>> -> memref<128x16xf32, #tpu.memory_space<vmem>>
        %dma_wait3A_405 = arith.constant 0 : i32
        %dma_wait3A_406 = tpu.memref_slice %arg6[%dma_wait3A_398, %dma_wait3A_399, %dma_wait3A_405] : memref<2x8x128xi32, #tpu.memory_space<vmem>> -> memref<1x1x128xi32, #tpu.memory_space<vmem>>
        %dma_wait3A_407 = tpu.memref_squeeze %dma_wait3A_406 : memref<1x1x128xi32, #tpu.memory_space<vmem>> -> memref<128xi32, #tpu.memory_space<vmem>>
        %dma_wait3A_408 = arith.constant 0 : i32
        %dma_wait3A_409 = arith.constant 0 : i32
        %dma_wait3A_410 = tpu.memref_slice %arg2[%dma_wait3A_408, %dma_wait3A_409] : memref<10240x16xf32, #tpu.memory_space<hbm>> -> memref<10240x16xf32, #tpu.memory_space<hbm>>
        tpu.wait_indirect_dma semaphore(%arg10 : memref<!tpu.dma_semaphore, #tpu.memory_space<semaphore_mem>>) src(%dma_wait3A_410 : memref<10240x16xf32, #tpu.memory_space<hbm>>) dst(%dma_wait3A_404 : memref<128x16xf32, #tpu.memory_space<vmem>>)
        %dma_start3A_411 = arith.constant 0 : i32
        %dma_start3A_412 = arith.constant 6 : i32
        %dma_start3A_413 = arith.constant 0 : i32
        %dma_start3A_414 = arith.constant 0 : i32
        %dma_start3A_415 = tpu.memref_slice %arg8[%dma_start3A_411, %dma_start3A_413, %dma_start3A_414] : memref<2x128x16xf32, #tpu.memory_space<vmem>> -> memref<1x128x16xf32, #tpu.memory_space<vmem>>
        %dma_start3A_416 = tpu.memref_squeeze %dma_start3A_415 : memref<1x128x16xf32, #tpu.memory_space<vmem>> -> memref<128x16xf32, #tpu.memory_space<vmem>>
        %dma_start3A_417 = arith.constant 0 : i32
        %dma_start3A_418 = tpu.memref_slice %arg7[%select_n3A_85, %dma_start3A_412, %dma_start3A_417] : memref<2x8x128xi32, #tpu.memory_space<vmem>> -> memref<1x1x128xi32, #tpu.memory_space<vmem>>
        %dma_start3A_419 = tpu.memref_squeeze %dma_start3A_418 : memref<1x1x128xi32, #tpu.memory_space<vmem>> -> memref<128xi32, #tpu.memory_space<vmem>>
        %dma_start3A_420 = arith.constant 0 : i32
        %dma_start3A_421 = arith.constant 0 : i32
        %dma_start3A_422 = tpu.memref_slice %arg9[%dma_start3A_420, %dma_start3A_421] : memref<10240x16xf32, #tpu.memory_space<vmem_shared>> -> memref<10240x16xf32, #tpu.memory_space<vmem_shared>>
        tpu.enqueue_indirect_dma source(%dma_start3A_416 : memref<128x16xf32, #tpu.memory_space<vmem>>) target(%dma_start3A_422 : memref<10240x16xf32, #tpu.memory_space<vmem_shared>>) offsets(%dma_start3A_419 : memref<128xi32, #tpu.memory_space<vmem>>) semaphore(%arg12 : memref<!tpu.dma_semaphore, #tpu.memory_space<semaphore_mem>>) {add = true}
        %dma_wait3A_423 = arith.constant 0 : i32
        %dma_wait3A_424 = arith.constant 0 : i32
        %dma_wait3A_425 = arith.constant 1 : i32
        %dma_wait3A_426 = arith.constant 0 : i32
        %dma_wait3A_427 = arith.constant 0 : i32
        %dma_wait3A_428 = tpu.memref_slice %arg8[%dma_wait3A_425, %dma_wait3A_426, %dma_wait3A_427] : memref<2x128x16xf32, #tpu.memory_space<vmem>> -> memref<1x128x16xf32, #tpu.memory_space<vmem>>
        %dma_wait3A_429 = tpu.memref_squeeze %dma_wait3A_428 : memref<1x128x16xf32, #tpu.memory_space<vmem>> -> memref<128x16xf32, #tpu.memory_space<vmem>>
        %dma_wait3A_430 = arith.constant 0 : i32
        %dma_wait3A_431 = tpu.memref_slice %arg6[%dma_wait3A_423, %dma_wait3A_424, %dma_wait3A_430] : memref<2x8x128xi32, #tpu.memory_space<vmem>> -> memref<1x1x128xi32, #tpu.memory_space<vmem>>
        %dma_wait3A_432 = tpu.memref_squeeze %dma_wait3A_431 : memref<1x1x128xi32, #tpu.memory_space<vmem>> -> memref<128xi32, #tpu.memory_space<vmem>>
        %dma_wait3A_433 = arith.constant 0 : i32
        %dma_wait3A_434 = arith.constant 0 : i32
        %dma_wait3A_435 = tpu.memref_slice %arg2[%dma_wait3A_433, %dma_wait3A_434] : memref<10240x16xf32, #tpu.memory_space<hbm>> -> memref<10240x16xf32, #tpu.memory_space<hbm>>
        tpu.wait_indirect_dma semaphore(%arg11 : memref<!tpu.dma_semaphore, #tpu.memory_space<semaphore_mem>>) src(%dma_wait3A_435 : memref<10240x16xf32, #tpu.memory_space<hbm>>) dst(%dma_wait3A_429 : memref<128x16xf32, #tpu.memory_space<vmem>>)
        %dma_start3A_436 = arith.constant 1 : i32
        %dma_start3A_437 = arith.constant 7 : i32
        %dma_start3A_438 = arith.constant 0 : i32
        %dma_start3A_439 = arith.constant 0 : i32
        %dma_start3A_440 = tpu.memref_slice %arg8[%dma_start3A_436, %dma_start3A_438, %dma_start3A_439] : memref<2x128x16xf32, #tpu.memory_space<vmem>> -> memref<1x128x16xf32, #tpu.memory_space<vmem>>
        %dma_start3A_441 = tpu.memref_squeeze %dma_start3A_440 : memref<1x128x16xf32, #tpu.memory_space<vmem>> -> memref<128x16xf32, #tpu.memory_space<vmem>>
        %dma_start3A_442 = arith.constant 0 : i32
        %dma_start3A_443 = tpu.memref_slice %arg7[%select_n3A_85, %dma_start3A_437, %dma_start3A_442] : memref<2x8x128xi32, #tpu.memory_space<vmem>> -> memref<1x1x128xi32, #tpu.memory_space<vmem>>
        %dma_start3A_444 = tpu.memref_squeeze %dma_start3A_443 : memref<1x1x128xi32, #tpu.memory_space<vmem>> -> memref<128xi32, #tpu.memory_space<vmem>>
        %dma_start3A_445 = arith.constant 0 : i32
        %dma_start3A_446 = arith.constant 0 : i32
        %dma_start3A_447 = tpu.memref_slice %arg9[%dma_start3A_445, %dma_start3A_446] : memref<10240x16xf32, #tpu.memory_space<vmem_shared>> -> memref<10240x16xf32, #tpu.memory_space<vmem_shared>>
        tpu.enqueue_indirect_dma source(%dma_start3A_441 : memref<128x16xf32, #tpu.memory_space<vmem>>) target(%dma_start3A_447 : memref<10240x16xf32, #tpu.memory_space<vmem_shared>>) offsets(%dma_start3A_444 : memref<128xi32, #tpu.memory_space<vmem>>) semaphore(%arg13 : memref<!tpu.dma_semaphore, #tpu.memory_space<semaphore_mem>>) {add = true}
        %dma_wait3A_448 = arith.constant 0 : i32
        %dma_wait3A_449 = arith.constant 0 : i32
        %dma_wait3A_450 = arith.constant 0 : i32
        %dma_wait3A_451 = arith.constant 0 : i32
        %dma_wait3A_452 = arith.constant 0 : i32
        %dma_wait3A_453 = tpu.memref_slice %arg8[%dma_wait3A_448, %dma_wait3A_451, %dma_wait3A_452] : memref<2x128x16xf32, #tpu.memory_space<vmem>> -> memref<1x128x16xf32, #tpu.memory_space<vmem>>
        %dma_wait3A_454 = tpu.memref_squeeze %dma_wait3A_453 : memref<1x128x16xf32, #tpu.memory_space<vmem>> -> memref<128x16xf32, #tpu.memory_space<vmem>>
        %dma_wait3A_455 = arith.constant 0 : i32
        %dma_wait3A_456 = tpu.memref_slice %arg7[%dma_wait3A_449, %dma_wait3A_450, %dma_wait3A_455] : memref<2x8x128xi32, #tpu.memory_space<vmem>> -> memref<1x1x128xi32, #tpu.memory_space<vmem>>
        %dma_wait3A_457 = tpu.memref_squeeze %dma_wait3A_456 : memref<1x1x128xi32, #tpu.memory_space<vmem>> -> memref<128xi32, #tpu.memory_space<vmem>>
        %dma_wait3A_458 = arith.constant 0 : i32
        %dma_wait3A_459 = arith.constant 0 : i32
        %dma_wait3A_460 = tpu.memref_slice %arg9[%dma_wait3A_458, %dma_wait3A_459] : memref<10240x16xf32, #tpu.memory_space<vmem_shared>> -> memref<10240x16xf32, #tpu.memory_space<vmem_shared>>
        tpu.wait_indirect_dma semaphore(%arg12 : memref<!tpu.dma_semaphore, #tpu.memory_space<semaphore_mem>>) src(%dma_wait3A_454 : memref<128x16xf32, #tpu.memory_space<vmem>>) dst(%dma_wait3A_460 : memref<10240x16xf32, #tpu.memory_space<vmem_shared>>)
        %convert_element_type3A_461 = arith.extui %lt3A_90 : i1 to i32
        %cond3A_462 = arith.constant 0 : i32
        %cond3A_463 = arith.cmpi ne, %convert_element_type3A_461, %cond3A_462 : i32
        scf.if %cond3A_463 {
          %dma_wait3A_480 = arith.constant 0 : i32
          %dma_wait3A_481 = arith.constant 0 : i32
          %dma_wait3A_482 = tpu.memref_slice %arg6[%sub3A_87, %dma_wait3A_480, %dma_wait3A_481] : memref<2x8x128xi32, #tpu.memory_space<vmem>> -> memref<1x8x128xi32, #tpu.memory_space<vmem>>
          %dma_wait3A_483 = tpu.memref_squeeze %dma_wait3A_482 : memref<1x8x128xi32, #tpu.memory_space<vmem>> -> memref<8x128xi32, #tpu.memory_space<vmem>>
          %dma_wait3A_484 = arith.constant 0 : i32
          %dma_wait3A_485 = tpu.memref_slice %arg3[%add3A_95, %dma_wait3A_484] : memref<2560x128xi32, #tpu.memory_space<hbm>> -> memref<8x128xi32, #tpu.memory_space<hbm>>
          %dma_wait3A_486 = arith.constant 0 : i32
          %dma_wait3A_487 = arith.constant 0 : i32
          %dma_wait3A_488 = tpu.memref_slice %arg6[%sub3A_87, %dma_wait3A_486, %dma_wait3A_487] : memref<2x8x128xi32, #tpu.memory_space<vmem>> -> memref<1x8x128xi32, #tpu.memory_space<vmem>>
          %dma_wait3A_489 = tpu.memref_squeeze %dma_wait3A_488 : memref<1x8x128xi32, #tpu.memory_space<vmem>> -> memref<8x128xi32, #tpu.memory_space<vmem>>
          %dma_wait3A_490 = arith.constant 0 : i32
          %dma_wait3A_491 = tpu.memref_slice %arg3[%add3A_95, %dma_wait3A_490] : memref<2560x128xi32, #tpu.memory_space<hbm>> -> memref<8x128xi32, #tpu.memory_space<hbm>>
          tpu.wait_dma2 semaphore(%arg14 : memref<!tpu.dma_semaphore, #tpu.memory_space<semaphore_mem>>) src(%dma_wait3A_491 : memref<8x128xi32, #tpu.memory_space<hbm>>) dst(%dma_wait3A_489 : memref<8x128xi32, #tpu.memory_space<vmem>>)
          %dma_wait3A_492 = arith.constant 0 : i32
          %dma_wait3A_493 = arith.constant 0 : i32
          %dma_wait3A_494 = tpu.memref_slice %arg7[%sub3A_87, %dma_wait3A_492, %dma_wait3A_493] : memref<2x8x128xi32, #tpu.memory_space<vmem>> -> memref<1x8x128xi32, #tpu.memory_space<vmem>>
          %dma_wait3A_495 = tpu.memref_squeeze %dma_wait3A_494 : memref<1x8x128xi32, #tpu.memory_space<vmem>> -> memref<8x128xi32, #tpu.memory_space<vmem>>
          %dma_wait3A_496 = arith.constant 0 : i32
          %dma_wait3A_497 = tpu.memref_slice %arg4[%add3A_95, %dma_wait3A_496] : memref<2560x128xi32, #tpu.memory_space<hbm>> -> memref<8x128xi32, #tpu.memory_space<hbm>>
          %dma_wait3A_498 = arith.constant 0 : i32
          %dma_wait3A_499 = arith.constant 0 : i32
          %dma_wait3A_500 = tpu.memref_slice %arg7[%sub3A_87, %dma_wait3A_498, %dma_wait3A_499] : memref<2x8x128xi32, #tpu.memory_space<vmem>> -> memref<1x8x128xi32, #tpu.memory_space<vmem>>
          %dma_wait3A_501 = tpu.memref_squeeze %dma_wait3A_500 : memref<1x8x128xi32, #tpu.memory_space<vmem>> -> memref<8x128xi32, #tpu.memory_space<vmem>>
          %dma_wait3A_502 = arith.constant 0 : i32
          %dma_wait3A_503 = tpu.memref_slice %arg4[%add3A_95, %dma_wait3A_502] : memref<2560x128xi32, #tpu.memory_space<hbm>> -> memref<8x128xi32, #tpu.memory_space<hbm>>
          tpu.wait_dma2 semaphore(%arg15 : memref<!tpu.dma_semaphore, #tpu.memory_space<semaphore_mem>>) src(%dma_wait3A_503 : memref<8x128xi32, #tpu.memory_space<hbm>>) dst(%dma_wait3A_501 : memref<8x128xi32, #tpu.memory_space<vmem>>)
          %dma_start3A_504 = arith.constant 0 : i32
          %dma_start3A_505 = arith.constant 0 : i32
          %dma_start3A_506 = arith.constant 0 : i32
          %dma_start3A_507 = arith.constant 0 : i32
          %dma_start3A_508 = tpu.memref_slice %arg8[%dma_start3A_505, %dma_start3A_506, %dma_start3A_507] : memref<2x128x16xf32, #tpu.memory_space<vmem>> -> memref<1x128x16xf32, #tpu.memory_space<vmem>>
          %dma_start3A_509 = tpu.memref_squeeze %dma_start3A_508 : memref<1x128x16xf32, #tpu.memory_space<vmem>> -> memref<128x16xf32, #tpu.memory_space<vmem>>
          %dma_start3A_510 = arith.constant 0 : i32
          %dma_start3A_511 = tpu.memref_slice %arg6[%sub3A_87, %dma_start3A_504, %dma_start3A_510] : memref<2x8x128xi32, #tpu.memory_space<vmem>> -> memref<1x1x128xi32, #tpu.memory_space<vmem>>
          %dma_start3A_512 = tpu.memref_squeeze %dma_start3A_511 : memref<1x1x128xi32, #tpu.memory_space<vmem>> -> memref<128xi32, #tpu.memory_space<vmem>>
          %dma_start3A_513 = arith.constant 0 : i32
          %dma_start3A_514 = arith.constant 0 : i32
          %dma_start3A_515 = tpu.memref_slice %arg2[%dma_start3A_513, %dma_start3A_514] : memref<10240x16xf32, #tpu.memory_space<hbm>> -> memref<10240x16xf32, #tpu.memory_space<hbm>>
          tpu.enqueue_indirect_dma source(%dma_start3A_515 : memref<10240x16xf32, #tpu.memory_space<hbm>>) target(%dma_start3A_509 : memref<128x16xf32, #tpu.memory_space<vmem>>) offsets(%dma_start3A_512 : memref<128xi32, #tpu.memory_space<vmem>>) semaphore(%arg10 : memref<!tpu.dma_semaphore, #tpu.memory_space<semaphore_mem>>)
        } else {
        }
        %dma_wait3A_464 = arith.constant 1 : i32
        %dma_wait3A_465 = arith.constant 0 : i32
        %dma_wait3A_466 = arith.constant 0 : i32
        %dma_wait3A_467 = arith.constant 0 : i32
        %dma_wait3A_468 = arith.constant 0 : i32
        %dma_wait3A_469 = tpu.memref_slice %arg8[%dma_wait3A_464, %dma_wait3A_467, %dma_wait3A_468] : memref<2x128x16xf32, #tpu.memory_space<vmem>> -> memref<1x128x16xf32, #tpu.memory_space<vmem>>
        %dma_wait3A_470 = tpu.memref_squeeze %dma_wait3A_469 : memref<1x128x16xf32, #tpu.memory_space<vmem>> -> memref<128x16xf32, #tpu.memory_space<vmem>>
        %dma_wait3A_471 = arith.constant 0 : i32
        %dma_wait3A_472 = tpu.memref_slice %arg7[%dma_wait3A_465, %dma_wait3A_466, %dma_wait3A_471] : memref<2x8x128xi32, #tpu.memory_space<vmem>> -> memref<1x1x128xi32, #tpu.memory_space<vmem>>
        %dma_wait3A_473 = tpu.memref_squeeze %dma_wait3A_472 : memref<1x1x128xi32, #tpu.memory_space<vmem>> -> memref<128xi32, #tpu.memory_space<vmem>>
        %dma_wait3A_474 = arith.constant 0 : i32
        %dma_wait3A_475 = arith.constant 0 : i32
        %dma_wait3A_476 = tpu.memref_slice %arg9[%dma_wait3A_474, %dma_wait3A_475] : memref<10240x16xf32, #tpu.memory_space<vmem_shared>> -> memref<10240x16xf32, #tpu.memory_space<vmem_shared>>
        tpu.wait_indirect_dma semaphore(%arg13 : memref<!tpu.dma_semaphore, #tpu.memory_space<semaphore_mem>>) src(%dma_wait3A_470 : memref<128x16xf32, #tpu.memory_space<vmem>>) dst(%dma_wait3A_476 : memref<10240x16xf32, #tpu.memory_space<vmem_shared>>)
        %convert_element_type3A_477 = arith.extui %lt3A_90 : i1 to i32
        %cond3A_478 = arith.constant 0 : i32
        %cond3A_479 = arith.cmpi ne, %convert_element_type3A_477, %cond3A_478 : i32
        scf.if %cond3A_479 {
          %dma_start3A_480 = arith.constant 1 : i32
          %dma_start3A_481 = arith.constant 1 : i32
          %dma_start3A_482 = arith.constant 0 : i32
          %dma_start3A_483 = arith.constant 0 : i32
          %dma_start3A_484 = tpu.memref_slice %arg8[%dma_start3A_481, %dma_start3A_482, %dma_start3A_483] : memref<2x128x16xf32, #tpu.memory_space<vmem>> -> memref<1x128x16xf32, #tpu.memory_space<vmem>>
          %dma_start3A_485 = tpu.memref_squeeze %dma_start3A_484 : memref<1x128x16xf32, #tpu.memory_space<vmem>> -> memref<128x16xf32, #tpu.memory_space<vmem>>
          %dma_start3A_486 = arith.constant 0 : i32
          %dma_start3A_487 = tpu.memref_slice %arg6[%sub3A_87, %dma_start3A_480, %dma_start3A_486] : memref<2x8x128xi32, #tpu.memory_space<vmem>> -> memref<1x1x128xi32, #tpu.memory_space<vmem>>
          %dma_start3A_488 = tpu.memref_squeeze %dma_start3A_487 : memref<1x1x128xi32, #tpu.memory_space<vmem>> -> memref<128xi32, #tpu.memory_space<vmem>>
          %dma_start3A_489 = arith.constant 0 : i32
          %dma_start3A_490 = arith.constant 0 : i32
          %dma_start3A_491 = tpu.memref_slice %arg2[%dma_start3A_489, %dma_start3A_490] : memref<10240x16xf32, #tpu.memory_space<hbm>> -> memref<10240x16xf32, #tpu.memory_space<hbm>>
          tpu.enqueue_indirect_dma source(%dma_start3A_491 : memref<10240x16xf32, #tpu.memory_space<hbm>>) target(%dma_start3A_485 : memref<128x16xf32, #tpu.memory_space<vmem>>) offsets(%dma_start3A_488 : memref<128xi32, #tpu.memory_space<vmem>>) semaphore(%arg11 : memref<!tpu.dma_semaphore, #tpu.memory_space<semaphore_mem>>)
        } else {
        }
      }
      %barrier3A_62 = arith.constant 0 : index
      tpu.barrier barrier_id(%barrier3A_62)
      %mul3A_63 = arith.constant 640 : i32
      %mul3A_64 = arith.muli %arg1, %mul3A_63 : i32
      %mul3A_65 = arith.constant 10240 : i32
      %mul3A_66 = arith.muli %arg0, %mul3A_65 : i32
      %mul3A_67 = arith.constant 640 : i32
      %mul3A_68 = arith.muli %arg1, %mul3A_67 : i32
      %add3A_69 = arith.addi %mul3A_66, %mul3A_68 : i32
      "tpu.region"() ({
        %run_scoped3A_70 = tpu.sem_alloc : memref<!tpu.dma_semaphore, #tpu.memory_space<semaphore_mem>>
        %dma_start3A_71 = arith.constant 0 : i32
        %dma_start3A_72 = tpu.memref_slice %arg5[%add3A_69, %dma_start3A_71] : memref<20480x16xf32, #tpu.memory_space<hbm>> -> memref<640x16xf32, #tpu.memory_space<hbm>>
        %dma_start3A_73 = arith.constant 0 : i32
        %dma_start3A_74 = tpu.memref_slice %arg9[%mul3A_64, %dma_start3A_73] : memref<10240x16xf32, #tpu.memory_space<vmem_shared>> -> memref<640x16xf32, #tpu.memory_space<vmem_shared>>
        tpu.enqueue_dma source(%dma_start3A_74 : memref<640x16xf32, #tpu.memory_space<vmem_shared>>) target(%dma_start3A_72 : memref<640x16xf32, #tpu.memory_space<hbm>>) target_semaphore(%run_scoped3A_70 : memref<!tpu.dma_semaphore, #tpu.memory_space<semaphore_mem>>)
        %dma_wait3A = arith.constant 0 : i32
        %dma_wait3A_75 = tpu.memref_slice %arg5[%add3A_69, %dma_wait3A] : memref<20480x16xf32, #tpu.memory_space<hbm>> -> memref<640x16xf32, #tpu.memory_space<hbm>>
        %dma_wait3A_76 = arith.constant 0 : i32
        %dma_wait3A_77 = tpu.memref_slice %arg9[%mul3A_64, %dma_wait3A_76] : memref<10240x16xf32, #tpu.memory_space<vmem_shared>> -> memref<640x16xf32, #tpu.memory_space<vmem_shared>>
        tpu.wait_dma2 semaphore(%run_scoped3A_70 : memref<!tpu.dma_semaphore, #tpu.memory_space<semaphore_mem>>) src(%dma_wait3A_77 : memref<640x16xf32, #tpu.memory_space<vmem_shared>>) dst(%dma_wait3A_75 : memref<640x16xf32, #tpu.memory_space<hbm>>)
        tpu.yield
      }) : () -> ()
    } else {
    }
    return
  }
}

#map = affine_map<(d0, d1) -> (0, 0)>
module attributes {stable_mosaic.version = 14 : i64} {
  func.func @round_kernel(%arg0: i32, %arg1: i32, %arg2: memref<10240x128xf32, #tpu.memory_space<hbm>>, %arg3: memref<2560x128xi32, #tpu.memory_space<hbm>>, %arg4: memref<2560x128xi32, #tpu.memory_space<hbm>>, %arg5: memref<20480x128xf32, #tpu.memory_space<hbm>>, %arg6: memref<2x8x128xi32, #tpu.memory_space<vmem>>, %arg7: memref<2x8x128xi32, #tpu.memory_space<vmem>>, %arg8: memref<2x128x128xf32, #tpu.memory_space<vmem>>, %arg9: memref<10240x128xf32, #tpu.memory_space<vmem_shared>>, %arg10: memref<!tpu.dma_semaphore, #tpu.memory_space<semaphore_mem>>, %arg11: memref<!tpu.dma_semaphore, #tpu.memory_space<semaphore_mem>>, %arg12: memref<!tpu.dma_semaphore, #tpu.memory_space<semaphore_mem>>, %arg13: memref<!tpu.dma_semaphore, #tpu.memory_space<semaphore_mem>>, %arg14: memref<!tpu.dma_semaphore, #tpu.memory_space<semaphore_mem>>, %arg15: memref<!tpu.dma_semaphore, #tpu.memory_space<semaphore_mem>>) attributes {dimension_semantics = [#tpu.dimension_semantics<core_parallel>, #tpu.dimension_semantics<subcore_parallel>], iteration_bounds = array<i64: 2, 16>, scalar_prefetch = 0 : i64, scratch_operands = 10 : i64, tpu.core_type = #tpu.core_type<sc_vector_subcore>, window_params = [{transform_indices = #map}, {transform_indices = #map}, {transform_indices = #map}, {transform_indices = #map}]} {
    %lt3A = arith.constant 2 : i32
    %lt3A_0 = arith.cmpi slt, %arg0, %lt3A : i32
    %convert_element_type3A = arith.extui %lt3A_0 : i1 to i32
    %cond3A = arith.constant 0 : i32
    %cond3A_1 = arith.cmpi ne, %convert_element_type3A, %cond3A : i32
    scf.if %cond3A_1 {
      %scan3A = arith.constant 0 : i32
      %scan3A_2 = arith.constant 128 : i32
      %scan3A_3 = arith.addi %scan3A, %scan3A_2 : i32
      %scan3A_4 = arith.constant 1 : i32
      scf.for %scan3A_70 = %scan3A to %scan3A_3 step %scan3A_4  : i32 {
        %mul3A_71 = arith.constant 1 : i32
        %mul3A_72 = arith.muli %scan3A_70, %mul3A_71 : i32
        %add3A_73 = arith.constant 0 : i32
        %add3A_74 = arith.addi %add3A_73, %mul3A_72 : i32
        %scan3A_75 = arith.constant 0 : i32
        %scan3A_76 = arith.constant 8 : i32
        %scan3A_77 = arith.addi %scan3A_75, %scan3A_76 : i32
        %scan3A_78 = arith.constant 1 : i32
        scf.for %scan3A_80 = %scan3A_75 to %scan3A_77 step %scan3A_78  : i32 {
          %mul3A_81 = arith.constant 16 : i32
          %mul3A_82 = arith.muli %scan3A_80, %mul3A_81 : i32
          %add3A_83 = arith.constant 0 : i32
          %add3A_84 = arith.addi %add3A_83, %mul3A_82 : i32
          %broadcast_in_dim3A = arith.constant 0.000000e+00 : f32
          %broadcast_in_dim3A_85 = vector.broadcast %broadcast_in_dim3A : f32 to vector<16xf32>
          %swap3A = arith.constant 0 : i32
          %swap3A_86 = arith.index_cast %swap3A : i32 to index
          %swap3A_87 = arith.index_cast %add3A_74 : i32 to index
          %swap3A_88 = arith.index_cast %add3A_84 : i32 to index
          %swap3A_89 = tpu.vector_load %arg8[%swap3A_86, %swap3A_87, %swap3A_88] {strides = array<i32>} : memref<2x128x128xf32, #tpu.memory_space<vmem>>, vector<1x1x16xf32>,
          %swap3A_90 = vector.shape_cast %swap3A_89 : vector<1x1x16xf32> to vector<16xf32>
          %swap3A_91 = vector.shape_cast %broadcast_in_dim3A_85 : vector<16xf32> to vector<1x1x16xf32>
          tpu.vector_store %arg8[%swap3A_86, %swap3A_87, %swap3A_88], %swap3A_91 {strides = array<i32>} : memref<2x128x128xf32, #tpu.memory_space<vmem>>, vector<1x1x16xf32>,
        }
        %scan3A_79 = arith.constant 8 : i32
      }
      %scan3A_5 = arith.constant 128 : i32
      %scan3A_6 = arith.constant 0 : i32
      %scan3A_7 = arith.constant 5 : i32
      %scan3A_8 = arith.addi %scan3A_6, %scan3A_7 : i32
      %scan3A_9 = arith.constant 1 : i32
      scf.for %scan3A_70 = %scan3A_6 to %scan3A_8 step %scan3A_9  : i32 {
        %mul3A_71 = arith.constant 1 : i32
        %mul3A_72 = arith.muli %scan3A_70, %mul3A_71 : i32
        %add3A_73 = arith.constant 0 : i32
        %add3A_74 = arith.addi %add3A_73, %mul3A_72 : i32
        %mul3A_75 = arith.constant 640 : i32
        %mul3A_76 = arith.muli %arg1, %mul3A_75 : i32
        %mul3A_77 = arith.constant 128 : i32
        %mul3A_78 = arith.muli %add3A_74, %mul3A_77 : i32
        %add3A_79 = arith.addi %mul3A_76, %mul3A_78 : i32
        %run_scoped3A_80 = arith.constant 0 : i32
        "tpu.region"() ({
          %run_scoped3A_81 = tpu.sem_alloc : memref<!tpu.dma_semaphore, #tpu.memory_space<semaphore_mem>>
          %dma_start3A_82 = arith.constant 0 : i32
          %dma_start3A_83 = arith.constant 0 : i32
          %dma_start3A_84 = tpu.memref_slice %arg8[%run_scoped3A_80, %dma_start3A_82, %dma_start3A_83] : memref<2x128x128xf32, #tpu.memory_space<vmem>> -> memref<1x128x128xf32, #tpu.memory_space<vmem>>
          %dma_start3A_85 = tpu.memref_squeeze %dma_start3A_84 : memref<1x128x128xf32, #tpu.memory_space<vmem>> -> memref<128x128xf32, #tpu.memory_space<vmem>>
          %dma_start3A_86 = arith.constant 0 : i32
          %dma_start3A_87 = tpu.memref_slice %arg9[%add3A_79, %dma_start3A_86] : memref<10240x128xf32, #tpu.memory_space<vmem_shared>> -> memref<128x128xf32, #tpu.memory_space<vmem_shared>>
          %dma_start3A_88 = arith.constant 0 : i32
          %dma_start3A_89 = tpu.memref_slice %arg9[%add3A_79, %dma_start3A_88] : memref<10240x128xf32, #tpu.memory_space<vmem_shared>> -> memref<128x128xf32, #tpu.memory_space<vmem_shared>>
          %dma_start3A_90 = arith.constant 0 : i32
          %dma_start3A_91 = arith.constant 0 : i32
          %dma_start3A_92 = tpu.memref_slice %arg8[%run_scoped3A_80, %dma_start3A_90, %dma_start3A_91] : memref<2x128x128xf32, #tpu.memory_space<vmem>> -> memref<1x128x128xf32, #tpu.memory_space<vmem>>
          %dma_start3A_93 = tpu.memref_squeeze %dma_start3A_92 : memref<1x128x128xf32, #tpu.memory_space<vmem>> -> memref<128x128xf32, #tpu.memory_space<vmem>>
          tpu.enqueue_dma source(%dma_start3A_93 : memref<128x128xf32, #tpu.memory_space<vmem>>) target(%dma_start3A_89 : memref<128x128xf32, #tpu.memory_space<vmem_shared>>) target_semaphore(%run_scoped3A_81 : memref<!tpu.dma_semaphore, #tpu.memory_space<semaphore_mem>>)
          %dma_wait3A = arith.constant 0 : i32
          %dma_wait3A_94 = arith.constant 0 : i32
          %dma_wait3A_95 = tpu.memref_slice %arg8[%run_scoped3A_80, %dma_wait3A, %dma_wait3A_94] : memref<2x128x128xf32, #tpu.memory_space<vmem>> -> memref<1x128x128xf32, #tpu.memory_space<vmem>>
          %dma_wait3A_96 = tpu.memref_squeeze %dma_wait3A_95 : memref<1x128x128xf32, #tpu.memory_space<vmem>> -> memref<128x128xf32, #tpu.memory_space<vmem>>
          %dma_wait3A_97 = arith.constant 0 : i32
          %dma_wait3A_98 = tpu.memref_slice %arg9[%add3A_79, %dma_wait3A_97] : memref<10240x128xf32, #tpu.memory_space<vmem_shared>> -> memref<128x128xf32, #tpu.memory_space<vmem_shared>>
          %dma_wait3A_99 = arith.constant 0 : i32
          %dma_wait3A_100 = tpu.memref_slice %arg9[%add3A_79, %dma_wait3A_99] : memref<10240x128xf32, #tpu.memory_space<vmem_shared>> -> memref<128x128xf32, #tpu.memory_space<vmem_shared>>
          %dma_wait3A_101 = arith.constant 0 : i32
          %dma_wait3A_102 = arith.constant 0 : i32
          %dma_wait3A_103 = tpu.memref_slice %arg8[%run_scoped3A_80, %dma_wait3A_101, %dma_wait3A_102] : memref<2x128x128xf32, #tpu.memory_space<vmem>> -> memref<1x128x128xf32, #tpu.memory_space<vmem>>
          %dma_wait3A_104 = tpu.memref_squeeze %dma_wait3A_103 : memref<1x128x128xf32, #tpu.memory_space<vmem>> -> memref<128x128xf32, #tpu.memory_space<vmem>>
          tpu.wait_dma2 semaphore(%run_scoped3A_81 : memref<!tpu.dma_semaphore, #tpu.memory_space<semaphore_mem>>) src(%dma_wait3A_104 : memref<128x128xf32, #tpu.memory_space<vmem>>) dst(%dma_wait3A_100 : memref<128x128xf32, #tpu.memory_space<vmem_shared>>)
          tpu.yield
        }) : () -> ()
      }
      %scan3A_10 = arith.constant 5 : i32
      %barrier3A = arith.constant 0 : index
      tpu.barrier barrier_id(%barrier3A)
      %eq3A = arith.constant 0 : i32
      %eq3A_11 = arith.cmpi eq, %arg0, %eq3A : i32
      %jit3A = arith.constant 10 : i32
      %jit3A_12 = arith.constant 10 : i32
      %select_n3A = arith.select %eq3A_11, %jit3A, %jit3A_12 : i32
      %eq3A_13 = arith.constant 0 : i32
      %eq3A_14 = arith.cmpi eq, %arg0, %eq3A_13 : i32
      %mul3A = arith.constant 80 : i32
      %mul3A_15 = arith.muli %arg1, %mul3A : i32
      %mul3A_16 = arith.constant 80 : i32
      %mul3A_17 = arith.muli %arg1, %mul3A_16 : i32
      %add3A = arith.constant 1280 : i32
      %add3A_18 = arith.addi %add3A, %mul3A_17 : i32
      %select_n3A_19 = arith.select %eq3A_14, %mul3A_15, %add3A_18 : i32
      %run_scoped3A = arith.constant 0 : i32
      "tpu.region"() ({
        %run_scoped3A_70 = tpu.sem_alloc : memref<!tpu.dma_semaphore, #tpu.memory_space<semaphore_mem>>
        %dma_start3A_71 = arith.constant 0 : i32
        %dma_start3A_72 = arith.constant 0 : i32
        %dma_start3A_73 = tpu.memref_slice %arg6[%run_scoped3A, %dma_start3A_71, %dma_start3A_72] : memref<2x8x128xi32, #tpu.memory_space<vmem>> -> memref<1x8x128xi32, #tpu.memory_space<vmem>>
        %dma_start3A_74 = tpu.memref_squeeze %dma_start3A_73 : memref<1x8x128xi32, #tpu.memory_space<vmem>> -> memref<8x128xi32, #tpu.memory_space<vmem>>
        %dma_start3A_75 = arith.constant 0 : i32
        %dma_start3A_76 = tpu.memref_slice %arg3[%select_n3A_19, %dma_start3A_75] : memref<2560x128xi32, #tpu.memory_space<hbm>> -> memref<8x128xi32, #tpu.memory_space<hbm>>
        %dma_start3A_77 = arith.constant 0 : i32
        %dma_start3A_78 = arith.constant 0 : i32
        %dma_start3A_79 = tpu.memref_slice %arg6[%run_scoped3A, %dma_start3A_77, %dma_start3A_78] : memref<2x8x128xi32, #tpu.memory_space<vmem>> -> memref<1x8x128xi32, #tpu.memory_space<vmem>>
        %dma_start3A_80 = tpu.memref_squeeze %dma_start3A_79 : memref<1x8x128xi32, #tpu.memory_space<vmem>> -> memref<8x128xi32, #tpu.memory_space<vmem>>
        %dma_start3A_81 = arith.constant 0 : i32
        %dma_start3A_82 = tpu.memref_slice %arg3[%select_n3A_19, %dma_start3A_81] : memref<2560x128xi32, #tpu.memory_space<hbm>> -> memref<8x128xi32, #tpu.memory_space<hbm>>
        tpu.enqueue_dma source(%dma_start3A_82 : memref<8x128xi32, #tpu.memory_space<hbm>>) target(%dma_start3A_80 : memref<8x128xi32, #tpu.memory_space<vmem>>) target_semaphore(%run_scoped3A_70 : memref<!tpu.dma_semaphore, #tpu.memory_space<semaphore_mem>>)
        %dma_wait3A = arith.constant 0 : i32
        %dma_wait3A_83 = arith.constant 0 : i32
        %dma_wait3A_84 = tpu.memref_slice %arg6[%run_scoped3A, %dma_wait3A, %dma_wait3A_83] : memref<2x8x128xi32, #tpu.memory_space<vmem>> -> memref<1x8x128xi32, #tpu.memory_space<vmem>>
        %dma_wait3A_85 = tpu.memref_squeeze %dma_wait3A_84 : memref<1x8x128xi32, #tpu.memory_space<vmem>> -> memref<8x128xi32, #tpu.memory_space<vmem>>
        %dma_wait3A_86 = arith.constant 0 : i32
        %dma_wait3A_87 = tpu.memref_slice %arg3[%select_n3A_19, %dma_wait3A_86] : memref<2560x128xi32, #tpu.memory_space<hbm>> -> memref<8x128xi32, #tpu.memory_space<hbm>>
        %dma_wait3A_88 = arith.constant 0 : i32
        %dma_wait3A_89 = arith.constant 0 : i32
        %dma_wait3A_90 = tpu.memref_slice %arg6[%run_scoped3A, %dma_wait3A_88, %dma_wait3A_89] : memref<2x8x128xi32, #tpu.memory_space<vmem>> -> memref<1x8x128xi32, #tpu.memory_space<vmem>>
        %dma_wait3A_91 = tpu.memref_squeeze %dma_wait3A_90 : memref<1x8x128xi32, #tpu.memory_space<vmem>> -> memref<8x128xi32, #tpu.memory_space<vmem>>
        %dma_wait3A_92 = arith.constant 0 : i32
        %dma_wait3A_93 = tpu.memref_slice %arg3[%select_n3A_19, %dma_wait3A_92] : memref<2560x128xi32, #tpu.memory_space<hbm>> -> memref<8x128xi32, #tpu.memory_space<hbm>>
        tpu.wait_dma2 semaphore(%run_scoped3A_70 : memref<!tpu.dma_semaphore, #tpu.memory_space<semaphore_mem>>) src(%dma_wait3A_93 : memref<8x128xi32, #tpu.memory_space<hbm>>) dst(%dma_wait3A_91 : memref<8x128xi32, #tpu.memory_space<vmem>>)
        tpu.yield
      }) : () -> ()
      %run_scoped3A_20 = arith.constant 0 : i32
      "tpu.region"() ({
        %run_scoped3A_70 = tpu.sem_alloc : memref<!tpu.dma_semaphore, #tpu.memory_space<semaphore_mem>>
        %dma_start3A_71 = arith.constant 0 : i32
        %dma_start3A_72 = arith.constant 0 : i32
        %dma_start3A_73 = tpu.memref_slice %arg7[%run_scoped3A_20, %dma_start3A_71, %dma_start3A_72] : memref<2x8x128xi32, #tpu.memory_space<vmem>> -> memref<1x8x128xi32, #tpu.memory_space<vmem>>
        %dma_start3A_74 = tpu.memref_squeeze %dma_start3A_73 : memref<1x8x128xi32, #tpu.memory_space<vmem>> -> memref<8x128xi32, #tpu.memory_space<vmem>>
        %dma_start3A_75 = arith.constant 0 : i32
        %dma_start3A_76 = tpu.memref_slice %arg4[%select_n3A_19, %dma_start3A_75] : memref<2560x128xi32, #tpu.memory_space<hbm>> -> memref<8x128xi32, #tpu.memory_space<hbm>>
        %dma_start3A_77 = arith.constant 0 : i32
        %dma_start3A_78 = arith.constant 0 : i32
        %dma_start3A_79 = tpu.memref_slice %arg7[%run_scoped3A_20, %dma_start3A_77, %dma_start3A_78] : memref<2x8x128xi32, #tpu.memory_space<vmem>> -> memref<1x8x128xi32, #tpu.memory_space<vmem>>
        %dma_start3A_80 = tpu.memref_squeeze %dma_start3A_79 : memref<1x8x128xi32, #tpu.memory_space<vmem>> -> memref<8x128xi32, #tpu.memory_space<vmem>>
        %dma_start3A_81 = arith.constant 0 : i32
        %dma_start3A_82 = tpu.memref_slice %arg4[%select_n3A_19, %dma_start3A_81] : memref<2560x128xi32, #tpu.memory_space<hbm>> -> memref<8x128xi32, #tpu.memory_space<hbm>>
        tpu.enqueue_dma source(%dma_start3A_82 : memref<8x128xi32, #tpu.memory_space<hbm>>) target(%dma_start3A_80 : memref<8x128xi32, #tpu.memory_space<vmem>>) target_semaphore(%run_scoped3A_70 : memref<!tpu.dma_semaphore, #tpu.memory_space<semaphore_mem>>)
        %dma_wait3A = arith.constant 0 : i32
        %dma_wait3A_83 = arith.constant 0 : i32
        %dma_wait3A_84 = tpu.memref_slice %arg7[%run_scoped3A_20, %dma_wait3A, %dma_wait3A_83] : memref<2x8x128xi32, #tpu.memory_space<vmem>> -> memref<1x8x128xi32, #tpu.memory_space<vmem>>
        %dma_wait3A_85 = tpu.memref_squeeze %dma_wait3A_84 : memref<1x8x128xi32, #tpu.memory_space<vmem>> -> memref<8x128xi32, #tpu.memory_space<vmem>>
        %dma_wait3A_86 = arith.constant 0 : i32
        %dma_wait3A_87 = tpu.memref_slice %arg4[%select_n3A_19, %dma_wait3A_86] : memref<2560x128xi32, #tpu.memory_space<hbm>> -> memref<8x128xi32, #tpu.memory_space<hbm>>
        %dma_wait3A_88 = arith.constant 0 : i32
        %dma_wait3A_89 = arith.constant 0 : i32
        %dma_wait3A_90 = tpu.memref_slice %arg7[%run_scoped3A_20, %dma_wait3A_88, %dma_wait3A_89] : memref<2x8x128xi32, #tpu.memory_space<vmem>> -> memref<1x8x128xi32, #tpu.memory_space<vmem>>
        %dma_wait3A_91 = tpu.memref_squeeze %dma_wait3A_90 : memref<1x8x128xi32, #tpu.memory_space<vmem>> -> memref<8x128xi32, #tpu.memory_space<vmem>>
        %dma_wait3A_92 = arith.constant 0 : i32
        %dma_wait3A_93 = tpu.memref_slice %arg4[%select_n3A_19, %dma_wait3A_92] : memref<2560x128xi32, #tpu.memory_space<hbm>> -> memref<8x128xi32, #tpu.memory_space<hbm>>
        tpu.wait_dma2 semaphore(%run_scoped3A_70 : memref<!tpu.dma_semaphore, #tpu.memory_space<semaphore_mem>>) src(%dma_wait3A_93 : memref<8x128xi32, #tpu.memory_space<hbm>>) dst(%dma_wait3A_91 : memref<8x128xi32, #tpu.memory_space<vmem>>)
        tpu.yield
      }) : () -> ()
      %dma_start3A = arith.constant 0 : i32
      %dma_start3A_21 = arith.constant 0 : i32
      %dma_start3A_22 = arith.constant 0 : i32
      %dma_start3A_23 = arith.constant 0 : i32
      %dma_start3A_24 = arith.constant 0 : i32
      %dma_start3A_25 = tpu.memref_slice %arg8[%dma_start3A_22, %dma_start3A_23, %dma_start3A_24] : memref<2x128x128xf32, #tpu.memory_space<vmem>> -> memref<1x128x128xf32, #tpu.memory_space<vmem>>
      %dma_start3A_26 = tpu.memref_squeeze %dma_start3A_25 : memref<1x128x128xf32, #tpu.memory_space<vmem>> -> memref<128x128xf32, #tpu.memory_space<vmem>>
      %dma_start3A_27 = arith.constant 0 : i32
      %dma_start3A_28 = tpu.memref_slice %arg6[%dma_start3A, %dma_start3A_21, %dma_start3A_27] : memref<2x8x128xi32, #tpu.memory_space<vmem>> -> memref<1x1x128xi32, #tpu.memory_space<vmem>>
      %dma_start3A_29 = tpu.memref_squeeze %dma_start3A_28 : memref<1x1x128xi32, #tpu.memory_space<vmem>> -> memref<128xi32, #tpu.memory_space<vmem>>
      %dma_start3A_30 = arith.constant 0 : i32
      %dma_start3A_31 = arith.constant 0 : i32
      %dma_start3A_32 = tpu.memref_slice %arg2[%dma_start3A_30, %dma_start3A_31] : memref<10240x128xf32, #tpu.memory_space<hbm>> -> memref<10240x128xf32, #tpu.memory_space<hbm>>
      tpu.enqueue_indirect_dma source(%dma_start3A_32 : memref<10240x128xf32, #tpu.memory_space<hbm>>) target(%dma_start3A_26 : memref<128x128xf32, #tpu.memory_space<vmem>>) offsets(%dma_start3A_29 : memref<128xi32, #tpu.memory_space<vmem>>) semaphore(%arg10 : memref<!tpu.dma_semaphore, #tpu.memory_space<semaphore_mem>>)
      %dma_start3A_33 = arith.constant 0 : i32
      %dma_start3A_34 = arith.constant 1 : i32
      %dma_start3A_35 = arith.constant 1 : i32
      %dma_start3A_36 = arith.constant 0 : i32
      %dma_start3A_37 = arith.constant 0 : i32
      %dma_start3A_38 = tpu.memref_slice %arg8[%dma_start3A_35, %dma_start3A_36, %dma_start3A_37] : memref<2x128x128xf32, #tpu.memory_space<vmem>> -> memref<1x128x128xf32, #tpu.memory_space<vmem>>
      %dma_start3A_39 = tpu.memref_squeeze %dma_start3A_38 : memref<1x128x128xf32, #tpu.memory_space<vmem>> -> memref<128x128xf32, #tpu.memory_space<vmem>>
      %dma_start3A_40 = arith.constant 0 : i32
      %dma_start3A_41 = tpu.memref_slice %arg6[%dma_start3A_33, %dma_start3A_34, %dma_start3A_40] : memref<2x8x128xi32, #tpu.memory_space<vmem>> -> memref<1x1x128xi32, #tpu.memory_space<vmem>>
      %dma_start3A_42 = tpu.memref_squeeze %dma_start3A_41 : memref<1x1x128xi32, #tpu.memory_space<vmem>> -> memref<128xi32, #tpu.memory_space<vmem>>
      %dma_start3A_43 = arith.constant 0 : i32
      %dma_start3A_44 = arith.constant 0 : i32
      %dma_start3A_45 = tpu.memref_slice %arg2[%dma_start3A_43, %dma_start3A_44] : memref<10240x128xf32, #tpu.memory_space<hbm>> -> memref<10240x128xf32, #tpu.memory_space<hbm>>
      tpu.enqueue_indirect_dma source(%dma_start3A_45 : memref<10240x128xf32, #tpu.memory_space<hbm>>) target(%dma_start3A_39 : memref<128x128xf32, #tpu.memory_space<vmem>>) offsets(%dma_start3A_42 : memref<128xi32, #tpu.memory_space<vmem>>) semaphore(%arg11 : memref<!tpu.dma_semaphore, #tpu.memory_space<semaphore_mem>>)
      %sub3A = arith.constant 0 : i32
      %sub3A_46 = arith.subi %select_n3A, %sub3A : i32
      %sub3A_47 = arith.constant 1 : i32
      %sub3A_48 = arith.constant 1 : i32
      %sub3A_49 = arith.subi %sub3A_47, %sub3A_48 : i32
      %add3A_50 = arith.addi %sub3A_46, %sub3A_49 : i32
      %div3A = arith.constant 1 : i32
      %div3A_51 = arith.divsi %add3A_50, %div3A : i32
      %while3A = arith.constant 1 : i32
      %while3A_52 = arith.constant 0 : i32
      %while3A_53 = arith.constant 0 : i32
      %while3A_54 = arith.subi %div3A_51, %while3A_53 : i32
      %while3A_55 = arith.addi %while3A_53, %while3A_54 : i32
      %while3A_56 = arith.constant 1 : i32
      %while3A_57 = arith.divsi %while3A_54, %while3A_56 : i32
      %while3A_58 = arith.muli %while3A_57, %while3A_56 : i32
      %while3A_59 = arith.addi %while3A_53, %while3A_58 : i32
      %while3A_60 = arith.constant 1 : i32
      scf.for %while3A_70 = %while3A_53 to %while3A_59 step %while3A_60  : i32 {
        %mul3A_71 = arith.muli %while3A_70, %while3A : i32
        %add3A_72 = arith.addi %while3A_52, %mul3A_71 : i32
        %jit3A_73 = arith.constant 2 : i32
        %eq3A_74 = arith.constant 0 : i32
        %eq3A_75 = arith.cmpi eq, %jit3A_73, %eq3A_74 : i32
        %jit3A_76 = arith.constant 1 : i32
        %select_n3A_77 = arith.select %eq3A_75, %jit3A_76, %jit3A_73 : i32
        %rem3A = arith.remsi %add3A_72, %select_n3A_77 : i32
        %ne3A = arith.constant 0 : i32
        %ne3A_78 = arith.cmpi ne, %rem3A, %ne3A : i32
        %lt3A_79 = arith.constant 0 : i32
        %lt3A_80 = arith.cmpi slt, %rem3A, %lt3A_79 : i32
        %lt3A_81 = arith.constant 0 : i32
        %lt3A_82 = arith.cmpi slt, %select_n3A_77, %lt3A_81 : i32
        %ne3A_83 = arith.xori %lt3A_80, %lt3A_82 : i1
        %and3A = arith.andi %ne3A_83, %ne3A_78 : i1
        %add3A_84 = arith.addi %rem3A, %select_n3A_77 : i32
        %select_n3A_85 = arith.select %and3A, %add3A_84, %rem3A : i32
        %sub3A_86 = arith.constant 1 : i32
        %sub3A_87 = arith.subi %sub3A_86, %select_n3A_85 : i32
        %sub3A_88 = arith.constant 1 : i32
        %sub3A_89 = arith.subi %select_n3A, %sub3A_88 : i32
        %lt3A_90 = arith.cmpi slt, %add3A_72, %sub3A_89 : i32
        %add3A_91 = arith.constant 1 : i32
        %add3A_92 = arith.addi %add3A_72, %add3A_91 : i32
        %mul3A_93 = arith.constant 8 : i32
        %mul3A_94 = arith.muli %add3A_92, %mul3A_93 : i32
        %add3A_95 = arith.addi %select_n3A_19, %mul3A_94 : i32
        %convert_element_type3A_96 = arith.extui %lt3A_90 : i1 to i32
        %cond3A_97 = arith.constant 0 : i32
        %cond3A_98 = arith.cmpi ne, %convert_element_type3A_96, %cond3A_97 : i32
        scf.if %cond3A_98 {
          %dma_start3A_480 = arith.constant 0 : i32
          %dma_start3A_481 = arith.constant 0 : i32
          %dma_start3A_482 = tpu.memref_slice %arg6[%sub3A_87, %dma_start3A_480, %dma_start3A_481] : memref<2x8x128xi32, #tpu.memory_space<vmem>> -> memref<1x8x128xi32, #tpu.memory_space<vmem>>
          %dma_start3A_483 = tpu.memref_squeeze %dma_start3A_482 : memref<1x8x128xi32, #tpu.memory_space<vmem>> -> memref<8x128xi32, #tpu.memory_space<vmem>>
          %dma_start3A_484 = arith.constant 0 : i32
          %dma_start3A_485 = tpu.memref_slice %arg3[%add3A_95, %dma_start3A_484] : memref<2560x128xi32, #tpu.memory_space<hbm>> -> memref<8x128xi32, #tpu.memory_space<hbm>>
          %dma_start3A_486 = arith.constant 0 : i32
          %dma_start3A_487 = arith.constant 0 : i32
          %dma_start3A_488 = tpu.memref_slice %arg6[%sub3A_87, %dma_start3A_486, %dma_start3A_487] : memref<2x8x128xi32, #tpu.memory_space<vmem>> -> memref<1x8x128xi32, #tpu.memory_space<vmem>>
          %dma_start3A_489 = tpu.memref_squeeze %dma_start3A_488 : memref<1x8x128xi32, #tpu.memory_space<vmem>> -> memref<8x128xi32, #tpu.memory_space<vmem>>
          %dma_start3A_490 = arith.constant 0 : i32
          %dma_start3A_491 = tpu.memref_slice %arg3[%add3A_95, %dma_start3A_490] : memref<2560x128xi32, #tpu.memory_space<hbm>> -> memref<8x128xi32, #tpu.memory_space<hbm>>
          tpu.enqueue_dma source(%dma_start3A_491 : memref<8x128xi32, #tpu.memory_space<hbm>>) target(%dma_start3A_489 : memref<8x128xi32, #tpu.memory_space<vmem>>) target_semaphore(%arg14 : memref<!tpu.dma_semaphore, #tpu.memory_space<semaphore_mem>>)
          %dma_start3A_492 = arith.constant 0 : i32
          %dma_start3A_493 = arith.constant 0 : i32
          %dma_start3A_494 = tpu.memref_slice %arg7[%sub3A_87, %dma_start3A_492, %dma_start3A_493] : memref<2x8x128xi32, #tpu.memory_space<vmem>> -> memref<1x8x128xi32, #tpu.memory_space<vmem>>
          %dma_start3A_495 = tpu.memref_squeeze %dma_start3A_494 : memref<1x8x128xi32, #tpu.memory_space<vmem>> -> memref<8x128xi32, #tpu.memory_space<vmem>>
          %dma_start3A_496 = arith.constant 0 : i32
          %dma_start3A_497 = tpu.memref_slice %arg4[%add3A_95, %dma_start3A_496] : memref<2560x128xi32, #tpu.memory_space<hbm>> -> memref<8x128xi32, #tpu.memory_space<hbm>>
          %dma_start3A_498 = arith.constant 0 : i32
          %dma_start3A_499 = arith.constant 0 : i32
          %dma_start3A_500 = tpu.memref_slice %arg7[%sub3A_87, %dma_start3A_498, %dma_start3A_499] : memref<2x8x128xi32, #tpu.memory_space<vmem>> -> memref<1x8x128xi32, #tpu.memory_space<vmem>>
          %dma_start3A_501 = tpu.memref_squeeze %dma_start3A_500 : memref<1x8x128xi32, #tpu.memory_space<vmem>> -> memref<8x128xi32, #tpu.memory_space<vmem>>
          %dma_start3A_502 = arith.constant 0 : i32
          %dma_start3A_503 = tpu.memref_slice %arg4[%add3A_95, %dma_start3A_502] : memref<2560x128xi32, #tpu.memory_space<hbm>> -> memref<8x128xi32, #tpu.memory_space<hbm>>
          tpu.enqueue_dma source(%dma_start3A_503 : memref<8x128xi32, #tpu.memory_space<hbm>>) target(%dma_start3A_501 : memref<8x128xi32, #tpu.memory_space<vmem>>) target_semaphore(%arg15 : memref<!tpu.dma_semaphore, #tpu.memory_space<semaphore_mem>>)
        } else {
        }
        %dma_wait3A = arith.constant 0 : i32
        %dma_wait3A_99 = arith.constant 0 : i32
        %dma_wait3A_100 = arith.constant 0 : i32
        %dma_wait3A_101 = arith.constant 0 : i32
        %dma_wait3A_102 = arith.constant 0 : i32
        %dma_wait3A_103 = tpu.memref_slice %arg8[%dma_wait3A_100, %dma_wait3A_101, %dma_wait3A_102] : memref<2x128x128xf32, #tpu.memory_space<vmem>> -> memref<1x128x128xf32, #tpu.memory_space<vmem>>
        %dma_wait3A_104 = tpu.memref_squeeze %dma_wait3A_103 : memref<1x128x128xf32, #tpu.memory_space<vmem>> -> memref<128x128xf32, #tpu.memory_space<vmem>>
        %dma_wait3A_105 = arith.constant 0 : i32
        %dma_wait3A_106 = tpu.memref_slice %arg6[%dma_wait3A, %dma_wait3A_99, %dma_wait3A_105] : memref<2x8x128xi32, #tpu.memory_space<vmem>> -> memref<1x1x128xi32, #tpu.memory_space<vmem>>
        %dma_wait3A_107 = tpu.memref_squeeze %dma_wait3A_106 : memref<1x1x128xi32, #tpu.memory_space<vmem>> -> memref<128xi32, #tpu.memory_space<vmem>>
        %dma_wait3A_108 = arith.constant 0 : i32
        %dma_wait3A_109 = arith.constant 0 : i32
        %dma_wait3A_110 = tpu.memref_slice %arg2[%dma_wait3A_108, %dma_wait3A_109] : memref<10240x128xf32, #tpu.memory_space<hbm>> -> memref<10240x128xf32, #tpu.memory_space<hbm>>
        tpu.wait_indirect_dma semaphore(%arg10 : memref<!tpu.dma_semaphore, #tpu.memory_space<semaphore_mem>>) src(%dma_wait3A_110 : memref<10240x128xf32, #tpu.memory_space<hbm>>) dst(%dma_wait3A_104 : memref<128x128xf32, #tpu.memory_space<vmem>>)
        %dma_start3A_111 = arith.constant 0 : i32
        %dma_start3A_112 = arith.constant 0 : i32
        %dma_start3A_113 = arith.constant 0 : i32
        %dma_start3A_114 = arith.constant 0 : i32
        %dma_start3A_115 = tpu.memref_slice %arg8[%dma_start3A_111, %dma_start3A_113, %dma_start3A_114] : memref<2x128x128xf32, #tpu.memory_space<vmem>> -> memref<1x128x128xf32, #tpu.memory_space<vmem>>
        %dma_start3A_116 = tpu.memref_squeeze %dma_start3A_115 : memref<1x128x128xf32, #tpu.memory_space<vmem>> -> memref<128x128xf32, #tpu.memory_space<vmem>>
        %dma_start3A_117 = arith.constant 0 : i32
        %dma_start3A_118 = tpu.memref_slice %arg7[%select_n3A_85, %dma_start3A_112, %dma_start3A_117] : memref<2x8x128xi32, #tpu.memory_space<vmem>> -> memref<1x1x128xi32, #tpu.memory_space<vmem>>
        %dma_start3A_119 = tpu.memref_squeeze %dma_start3A_118 : memref<1x1x128xi32, #tpu.memory_space<vmem>> -> memref<128xi32, #tpu.memory_space<vmem>>
        %dma_start3A_120 = arith.constant 0 : i32
        %dma_start3A_121 = arith.constant 0 : i32
        %dma_start3A_122 = tpu.memref_slice %arg9[%dma_start3A_120, %dma_start3A_121] : memref<10240x128xf32, #tpu.memory_space<vmem_shared>> -> memref<10240x128xf32, #tpu.memory_space<vmem_shared>>
        tpu.enqueue_indirect_dma source(%dma_start3A_116 : memref<128x128xf32, #tpu.memory_space<vmem>>) target(%dma_start3A_122 : memref<10240x128xf32, #tpu.memory_space<vmem_shared>>) offsets(%dma_start3A_119 : memref<128xi32, #tpu.memory_space<vmem>>) semaphore(%arg12 : memref<!tpu.dma_semaphore, #tpu.memory_space<semaphore_mem>>) {add = true}
        %dma_wait3A_123 = arith.constant 0 : i32
        %dma_wait3A_124 = arith.constant 0 : i32
        %dma_wait3A_125 = arith.constant 1 : i32
        %dma_wait3A_126 = arith.constant 0 : i32
        %dma_wait3A_127 = arith.constant 0 : i32
        %dma_wait3A_128 = tpu.memref_slice %arg8[%dma_wait3A_125, %dma_wait3A_126, %dma_wait3A_127] : memref<2x128x128xf32, #tpu.memory_space<vmem>> -> memref<1x128x128xf32, #tpu.memory_space<vmem>>
        %dma_wait3A_129 = tpu.memref_squeeze %dma_wait3A_128 : memref<1x128x128xf32, #tpu.memory_space<vmem>> -> memref<128x128xf32, #tpu.memory_space<vmem>>
        %dma_wait3A_130 = arith.constant 0 : i32
        %dma_wait3A_131 = tpu.memref_slice %arg6[%dma_wait3A_123, %dma_wait3A_124, %dma_wait3A_130] : memref<2x8x128xi32, #tpu.memory_space<vmem>> -> memref<1x1x128xi32, #tpu.memory_space<vmem>>
        %dma_wait3A_132 = tpu.memref_squeeze %dma_wait3A_131 : memref<1x1x128xi32, #tpu.memory_space<vmem>> -> memref<128xi32, #tpu.memory_space<vmem>>
        %dma_wait3A_133 = arith.constant 0 : i32
        %dma_wait3A_134 = arith.constant 0 : i32
        %dma_wait3A_135 = tpu.memref_slice %arg2[%dma_wait3A_133, %dma_wait3A_134] : memref<10240x128xf32, #tpu.memory_space<hbm>> -> memref<10240x128xf32, #tpu.memory_space<hbm>>
        tpu.wait_indirect_dma semaphore(%arg11 : memref<!tpu.dma_semaphore, #tpu.memory_space<semaphore_mem>>) src(%dma_wait3A_135 : memref<10240x128xf32, #tpu.memory_space<hbm>>) dst(%dma_wait3A_129 : memref<128x128xf32, #tpu.memory_space<vmem>>)
        %dma_start3A_136 = arith.constant 1 : i32
        %dma_start3A_137 = arith.constant 1 : i32
        %dma_start3A_138 = arith.constant 0 : i32
        %dma_start3A_139 = arith.constant 0 : i32
        %dma_start3A_140 = tpu.memref_slice %arg8[%dma_start3A_136, %dma_start3A_138, %dma_start3A_139] : memref<2x128x128xf32, #tpu.memory_space<vmem>> -> memref<1x128x128xf32, #tpu.memory_space<vmem>>
        %dma_start3A_141 = tpu.memref_squeeze %dma_start3A_140 : memref<1x128x128xf32, #tpu.memory_space<vmem>> -> memref<128x128xf32, #tpu.memory_space<vmem>>
        %dma_start3A_142 = arith.constant 0 : i32
        %dma_start3A_143 = tpu.memref_slice %arg7[%select_n3A_85, %dma_start3A_137, %dma_start3A_142] : memref<2x8x128xi32, #tpu.memory_space<vmem>> -> memref<1x1x128xi32, #tpu.memory_space<vmem>>
        %dma_start3A_144 = tpu.memref_squeeze %dma_start3A_143 : memref<1x1x128xi32, #tpu.memory_space<vmem>> -> memref<128xi32, #tpu.memory_space<vmem>>
        %dma_start3A_145 = arith.constant 0 : i32
        %dma_start3A_146 = arith.constant 0 : i32
        %dma_start3A_147 = tpu.memref_slice %arg9[%dma_start3A_145, %dma_start3A_146] : memref<10240x128xf32, #tpu.memory_space<vmem_shared>> -> memref<10240x128xf32, #tpu.memory_space<vmem_shared>>
        tpu.enqueue_indirect_dma source(%dma_start3A_141 : memref<128x128xf32, #tpu.memory_space<vmem>>) target(%dma_start3A_147 : memref<10240x128xf32, #tpu.memory_space<vmem_shared>>) offsets(%dma_start3A_144 : memref<128xi32, #tpu.memory_space<vmem>>) semaphore(%arg13 : memref<!tpu.dma_semaphore, #tpu.memory_space<semaphore_mem>>) {add = true}
        %dma_wait3A_148 = arith.constant 0 : i32
        %dma_wait3A_149 = arith.constant 0 : i32
        %dma_wait3A_150 = arith.constant 0 : i32
        %dma_wait3A_151 = arith.constant 0 : i32
        %dma_wait3A_152 = arith.constant 0 : i32
        %dma_wait3A_153 = tpu.memref_slice %arg8[%dma_wait3A_148, %dma_wait3A_151, %dma_wait3A_152] : memref<2x128x128xf32, #tpu.memory_space<vmem>> -> memref<1x128x128xf32, #tpu.memory_space<vmem>>
        %dma_wait3A_154 = tpu.memref_squeeze %dma_wait3A_153 : memref<1x128x128xf32, #tpu.memory_space<vmem>> -> memref<128x128xf32, #tpu.memory_space<vmem>>
        %dma_wait3A_155 = arith.constant 0 : i32
        %dma_wait3A_156 = tpu.memref_slice %arg7[%dma_wait3A_149, %dma_wait3A_150, %dma_wait3A_155] : memref<2x8x128xi32, #tpu.memory_space<vmem>> -> memref<1x1x128xi32, #tpu.memory_space<vmem>>
        %dma_wait3A_157 = tpu.memref_squeeze %dma_wait3A_156 : memref<1x1x128xi32, #tpu.memory_space<vmem>> -> memref<128xi32, #tpu.memory_space<vmem>>
        %dma_wait3A_158 = arith.constant 0 : i32
        %dma_wait3A_159 = arith.constant 0 : i32
        %dma_wait3A_160 = tpu.memref_slice %arg9[%dma_wait3A_158, %dma_wait3A_159] : memref<10240x128xf32, #tpu.memory_space<vmem_shared>> -> memref<10240x128xf32, #tpu.memory_space<vmem_shared>>
        tpu.wait_indirect_dma semaphore(%arg12 : memref<!tpu.dma_semaphore, #tpu.memory_space<semaphore_mem>>) src(%dma_wait3A_154 : memref<128x128xf32, #tpu.memory_space<vmem>>) dst(%dma_wait3A_160 : memref<10240x128xf32, #tpu.memory_space<vmem_shared>>)
        %dma_start3A_161 = arith.constant 2 : i32
        %dma_start3A_162 = arith.constant 0 : i32
        %dma_start3A_163 = arith.constant 0 : i32
        %dma_start3A_164 = arith.constant 0 : i32
        %dma_start3A_165 = tpu.memref_slice %arg8[%dma_start3A_162, %dma_start3A_163, %dma_start3A_164] : memref<2x128x128xf32, #tpu.memory_space<vmem>> -> memref<1x128x128xf32, #tpu.memory_space<vmem>>
        %dma_start3A_166 = tpu.memref_squeeze %dma_start3A_165 : memref<1x128x128xf32, #tpu.memory_space<vmem>> -> memref<128x128xf32, #tpu.memory_space<vmem>>
        %dma_start3A_167 = arith.constant 0 : i32
        %dma_start3A_168 = tpu.memref_slice %arg6[%select_n3A_85, %dma_start3A_161, %dma_start3A_167] : memref<2x8x128xi32, #tpu.memory_space<vmem>> -> memref<1x1x128xi32, #tpu.memory_space<vmem>>
        %dma_start3A_169 = tpu.memref_squeeze %dma_start3A_168 : memref<1x1x128xi32, #tpu.memory_space<vmem>> -> memref<128xi32, #tpu.memory_space<vmem>>
        %dma_start3A_170 = arith.constant 0 : i32
        %dma_start3A_171 = arith.constant 0 : i32
        %dma_start3A_172 = tpu.memref_slice %arg2[%dma_start3A_170, %dma_start3A_171] : memref<10240x128xf32, #tpu.memory_space<hbm>> -> memref<10240x128xf32, #tpu.memory_space<hbm>>
        tpu.enqueue_indirect_dma source(%dma_start3A_172 : memref<10240x128xf32, #tpu.memory_space<hbm>>) target(%dma_start3A_166 : memref<128x128xf32, #tpu.memory_space<vmem>>) offsets(%dma_start3A_169 : memref<128xi32, #tpu.memory_space<vmem>>) semaphore(%arg10 : memref<!tpu.dma_semaphore, #tpu.memory_space<semaphore_mem>>)
        %dma_wait3A_173 = arith.constant 1 : i32
        %dma_wait3A_174 = arith.constant 0 : i32
        %dma_wait3A_175 = arith.constant 0 : i32
        %dma_wait3A_176 = arith.constant 0 : i32
        %dma_wait3A_177 = arith.constant 0 : i32
        %dma_wait3A_178 = tpu.memref_slice %arg8[%dma_wait3A_173, %dma_wait3A_176, %dma_wait3A_177] : memref<2x128x128xf32, #tpu.memory_space<vmem>> -> memref<1x128x128xf32, #tpu.memory_space<vmem>>
        %dma_wait3A_179 = tpu.memref_squeeze %dma_wait3A_178 : memref<1x128x128xf32, #tpu.memory_space<vmem>> -> memref<128x128xf32, #tpu.memory_space<vmem>>
        %dma_wait3A_180 = arith.constant 0 : i32
        %dma_wait3A_181 = tpu.memref_slice %arg7[%dma_wait3A_174, %dma_wait3A_175, %dma_wait3A_180] : memref<2x8x128xi32, #tpu.memory_space<vmem>> -> memref<1x1x128xi32, #tpu.memory_space<vmem>>
        %dma_wait3A_182 = tpu.memref_squeeze %dma_wait3A_181 : memref<1x1x128xi32, #tpu.memory_space<vmem>> -> memref<128xi32, #tpu.memory_space<vmem>>
        %dma_wait3A_183 = arith.constant 0 : i32
        %dma_wait3A_184 = arith.constant 0 : i32
        %dma_wait3A_185 = tpu.memref_slice %arg9[%dma_wait3A_183, %dma_wait3A_184] : memref<10240x128xf32, #tpu.memory_space<vmem_shared>> -> memref<10240x128xf32, #tpu.memory_space<vmem_shared>>
        tpu.wait_indirect_dma semaphore(%arg13 : memref<!tpu.dma_semaphore, #tpu.memory_space<semaphore_mem>>) src(%dma_wait3A_179 : memref<128x128xf32, #tpu.memory_space<vmem>>) dst(%dma_wait3A_185 : memref<10240x128xf32, #tpu.memory_space<vmem_shared>>)
        %dma_start3A_186 = arith.constant 3 : i32
        %dma_start3A_187 = arith.constant 1 : i32
        %dma_start3A_188 = arith.constant 0 : i32
        %dma_start3A_189 = arith.constant 0 : i32
        %dma_start3A_190 = tpu.memref_slice %arg8[%dma_start3A_187, %dma_start3A_188, %dma_start3A_189] : memref<2x128x128xf32, #tpu.memory_space<vmem>> -> memref<1x128x128xf32, #tpu.memory_space<vmem>>
        %dma_start3A_191 = tpu.memref_squeeze %dma_start3A_190 : memref<1x128x128xf32, #tpu.memory_space<vmem>> -> memref<128x128xf32, #tpu.memory_space<vmem>>
        %dma_start3A_192 = arith.constant 0 : i32
        %dma_start3A_193 = tpu.memref_slice %arg6[%select_n3A_85, %dma_start3A_186, %dma_start3A_192] : memref<2x8x128xi32, #tpu.memory_space<vmem>> -> memref<1x1x128xi32, #tpu.memory_space<vmem>>
        %dma_start3A_194 = tpu.memref_squeeze %dma_start3A_193 : memref<1x1x128xi32, #tpu.memory_space<vmem>> -> memref<128xi32, #tpu.memory_space<vmem>>
        %dma_start3A_195 = arith.constant 0 : i32
        %dma_start3A_196 = arith.constant 0 : i32
        %dma_start3A_197 = tpu.memref_slice %arg2[%dma_start3A_195, %dma_start3A_196] : memref<10240x128xf32, #tpu.memory_space<hbm>> -> memref<10240x128xf32, #tpu.memory_space<hbm>>
        tpu.enqueue_indirect_dma source(%dma_start3A_197 : memref<10240x128xf32, #tpu.memory_space<hbm>>) target(%dma_start3A_191 : memref<128x128xf32, #tpu.memory_space<vmem>>) offsets(%dma_start3A_194 : memref<128xi32, #tpu.memory_space<vmem>>) semaphore(%arg11 : memref<!tpu.dma_semaphore, #tpu.memory_space<semaphore_mem>>)
        %dma_wait3A_198 = arith.constant 0 : i32
        %dma_wait3A_199 = arith.constant 0 : i32
        %dma_wait3A_200 = arith.constant 0 : i32
        %dma_wait3A_201 = arith.constant 0 : i32
        %dma_wait3A_202 = arith.constant 0 : i32
        %dma_wait3A_203 = tpu.memref_slice %arg8[%dma_wait3A_200, %dma_wait3A_201, %dma_wait3A_202] : memref<2x128x128xf32, #tpu.memory_space<vmem>> -> memref<1x128x128xf32, #tpu.memory_space<vmem>>
        %dma_wait3A_204 = tpu.memref_squeeze %dma_wait3A_203 : memref<1x128x128xf32, #tpu.memory_space<vmem>> -> memref<128x128xf32, #tpu.memory_space<vmem>>
        %dma_wait3A_205 = arith.constant 0 : i32
        %dma_wait3A_206 = tpu.memref_slice %arg6[%dma_wait3A_198, %dma_wait3A_199, %dma_wait3A_205] : memref<2x8x128xi32, #tpu.memory_space<vmem>> -> memref<1x1x128xi32, #tpu.memory_space<vmem>>
        %dma_wait3A_207 = tpu.memref_squeeze %dma_wait3A_206 : memref<1x1x128xi32, #tpu.memory_space<vmem>> -> memref<128xi32, #tpu.memory_space<vmem>>
        %dma_wait3A_208 = arith.constant 0 : i32
        %dma_wait3A_209 = arith.constant 0 : i32
        %dma_wait3A_210 = tpu.memref_slice %arg2[%dma_wait3A_208, %dma_wait3A_209] : memref<10240x128xf32, #tpu.memory_space<hbm>> -> memref<10240x128xf32, #tpu.memory_space<hbm>>
        tpu.wait_indirect_dma semaphore(%arg10 : memref<!tpu.dma_semaphore, #tpu.memory_space<semaphore_mem>>) src(%dma_wait3A_210 : memref<10240x128xf32, #tpu.memory_space<hbm>>) dst(%dma_wait3A_204 : memref<128x128xf32, #tpu.memory_space<vmem>>)
        %dma_start3A_211 = arith.constant 0 : i32
        %dma_start3A_212 = arith.constant 2 : i32
        %dma_start3A_213 = arith.constant 0 : i32
        %dma_start3A_214 = arith.constant 0 : i32
        %dma_start3A_215 = tpu.memref_slice %arg8[%dma_start3A_211, %dma_start3A_213, %dma_start3A_214] : memref<2x128x128xf32, #tpu.memory_space<vmem>> -> memref<1x128x128xf32, #tpu.memory_space<vmem>>
        %dma_start3A_216 = tpu.memref_squeeze %dma_start3A_215 : memref<1x128x128xf32, #tpu.memory_space<vmem>> -> memref<128x128xf32, #tpu.memory_space<vmem>>
        %dma_start3A_217 = arith.constant 0 : i32
        %dma_start3A_218 = tpu.memref_slice %arg7[%select_n3A_85, %dma_start3A_212, %dma_start3A_217] : memref<2x8x128xi32, #tpu.memory_space<vmem>> -> memref<1x1x128xi32, #tpu.memory_space<vmem>>
        %dma_start3A_219 = tpu.memref_squeeze %dma_start3A_218 : memref<1x1x128xi32, #tpu.memory_space<vmem>> -> memref<128xi32, #tpu.memory_space<vmem>>
        %dma_start3A_220 = arith.constant 0 : i32
        %dma_start3A_221 = arith.constant 0 : i32
        %dma_start3A_222 = tpu.memref_slice %arg9[%dma_start3A_220, %dma_start3A_221] : memref<10240x128xf32, #tpu.memory_space<vmem_shared>> -> memref<10240x128xf32, #tpu.memory_space<vmem_shared>>
        tpu.enqueue_indirect_dma source(%dma_start3A_216 : memref<128x128xf32, #tpu.memory_space<vmem>>) target(%dma_start3A_222 : memref<10240x128xf32, #tpu.memory_space<vmem_shared>>) offsets(%dma_start3A_219 : memref<128xi32, #tpu.memory_space<vmem>>) semaphore(%arg12 : memref<!tpu.dma_semaphore, #tpu.memory_space<semaphore_mem>>) {add = true}
        %dma_wait3A_223 = arith.constant 0 : i32
        %dma_wait3A_224 = arith.constant 0 : i32
        %dma_wait3A_225 = arith.constant 1 : i32
        %dma_wait3A_226 = arith.constant 0 : i32
        %dma_wait3A_227 = arith.constant 0 : i32
        %dma_wait3A_228 = tpu.memref_slice %arg8[%dma_wait3A_225, %dma_wait3A_226, %dma_wait3A_227] : memref<2x128x128xf32, #tpu.memory_space<vmem>> -> memref<1x128x128xf32, #tpu.memory_space<vmem>>
        %dma_wait3A_229 = tpu.memref_squeeze %dma_wait3A_228 : memref<1x128x128xf32, #tpu.memory_space<vmem>> -> memref<128x128xf32, #tpu.memory_space<vmem>>
        %dma_wait3A_230 = arith.constant 0 : i32
        %dma_wait3A_231 = tpu.memref_slice %arg6[%dma_wait3A_223, %dma_wait3A_224, %dma_wait3A_230] : memref<2x8x128xi32, #tpu.memory_space<vmem>> -> memref<1x1x128xi32, #tpu.memory_space<vmem>>
        %dma_wait3A_232 = tpu.memref_squeeze %dma_wait3A_231 : memref<1x1x128xi32, #tpu.memory_space<vmem>> -> memref<128xi32, #tpu.memory_space<vmem>>
        %dma_wait3A_233 = arith.constant 0 : i32
        %dma_wait3A_234 = arith.constant 0 : i32
        %dma_wait3A_235 = tpu.memref_slice %arg2[%dma_wait3A_233, %dma_wait3A_234] : memref<10240x128xf32, #tpu.memory_space<hbm>> -> memref<10240x128xf32, #tpu.memory_space<hbm>>
        tpu.wait_indirect_dma semaphore(%arg11 : memref<!tpu.dma_semaphore, #tpu.memory_space<semaphore_mem>>) src(%dma_wait3A_235 : memref<10240x128xf32, #tpu.memory_space<hbm>>) dst(%dma_wait3A_229 : memref<128x128xf32, #tpu.memory_space<vmem>>)
        %dma_start3A_236 = arith.constant 1 : i32
        %dma_start3A_237 = arith.constant 3 : i32
        %dma_start3A_238 = arith.constant 0 : i32
        %dma_start3A_239 = arith.constant 0 : i32
        %dma_start3A_240 = tpu.memref_slice %arg8[%dma_start3A_236, %dma_start3A_238, %dma_start3A_239] : memref<2x128x128xf32, #tpu.memory_space<vmem>> -> memref<1x128x128xf32, #tpu.memory_space<vmem>>
        %dma_start3A_241 = tpu.memref_squeeze %dma_start3A_240 : memref<1x128x128xf32, #tpu.memory_space<vmem>> -> memref<128x128xf32, #tpu.memory_space<vmem>>
        %dma_start3A_242 = arith.constant 0 : i32
        %dma_start3A_243 = tpu.memref_slice %arg7[%select_n3A_85, %dma_start3A_237, %dma_start3A_242] : memref<2x8x128xi32, #tpu.memory_space<vmem>> -> memref<1x1x128xi32, #tpu.memory_space<vmem>>
        %dma_start3A_244 = tpu.memref_squeeze %dma_start3A_243 : memref<1x1x128xi32, #tpu.memory_space<vmem>> -> memref<128xi32, #tpu.memory_space<vmem>>
        %dma_start3A_245 = arith.constant 0 : i32
        %dma_start3A_246 = arith.constant 0 : i32
        %dma_start3A_247 = tpu.memref_slice %arg9[%dma_start3A_245, %dma_start3A_246] : memref<10240x128xf32, #tpu.memory_space<vmem_shared>> -> memref<10240x128xf32, #tpu.memory_space<vmem_shared>>
        tpu.enqueue_indirect_dma source(%dma_start3A_241 : memref<128x128xf32, #tpu.memory_space<vmem>>) target(%dma_start3A_247 : memref<10240x128xf32, #tpu.memory_space<vmem_shared>>) offsets(%dma_start3A_244 : memref<128xi32, #tpu.memory_space<vmem>>) semaphore(%arg13 : memref<!tpu.dma_semaphore, #tpu.memory_space<semaphore_mem>>) {add = true}
        %dma_wait3A_248 = arith.constant 0 : i32
        %dma_wait3A_249 = arith.constant 0 : i32
        %dma_wait3A_250 = arith.constant 0 : i32
        %dma_wait3A_251 = arith.constant 0 : i32
        %dma_wait3A_252 = arith.constant 0 : i32
        %dma_wait3A_253 = tpu.memref_slice %arg8[%dma_wait3A_248, %dma_wait3A_251, %dma_wait3A_252] : memref<2x128x128xf32, #tpu.memory_space<vmem>> -> memref<1x128x128xf32, #tpu.memory_space<vmem>>
        %dma_wait3A_254 = tpu.memref_squeeze %dma_wait3A_253 : memref<1x128x128xf32, #tpu.memory_space<vmem>> -> memref<128x128xf32, #tpu.memory_space<vmem>>
        %dma_wait3A_255 = arith.constant 0 : i32
        %dma_wait3A_256 = tpu.memref_slice %arg7[%dma_wait3A_249, %dma_wait3A_250, %dma_wait3A_255] : memref<2x8x128xi32, #tpu.memory_space<vmem>> -> memref<1x1x128xi32, #tpu.memory_space<vmem>>
        %dma_wait3A_257 = tpu.memref_squeeze %dma_wait3A_256 : memref<1x1x128xi32, #tpu.memory_space<vmem>> -> memref<128xi32, #tpu.memory_space<vmem>>
        %dma_wait3A_258 = arith.constant 0 : i32
        %dma_wait3A_259 = arith.constant 0 : i32
        %dma_wait3A_260 = tpu.memref_slice %arg9[%dma_wait3A_258, %dma_wait3A_259] : memref<10240x128xf32, #tpu.memory_space<vmem_shared>> -> memref<10240x128xf32, #tpu.memory_space<vmem_shared>>
        tpu.wait_indirect_dma semaphore(%arg12 : memref<!tpu.dma_semaphore, #tpu.memory_space<semaphore_mem>>) src(%dma_wait3A_254 : memref<128x128xf32, #tpu.memory_space<vmem>>) dst(%dma_wait3A_260 : memref<10240x128xf32, #tpu.memory_space<vmem_shared>>)
        %dma_start3A_261 = arith.constant 4 : i32
        %dma_start3A_262 = arith.constant 0 : i32
        %dma_start3A_263 = arith.constant 0 : i32
        %dma_start3A_264 = arith.constant 0 : i32
        %dma_start3A_265 = tpu.memref_slice %arg8[%dma_start3A_262, %dma_start3A_263, %dma_start3A_264] : memref<2x128x128xf32, #tpu.memory_space<vmem>> -> memref<1x128x128xf32, #tpu.memory_space<vmem>>
        %dma_start3A_266 = tpu.memref_squeeze %dma_start3A_265 : memref<1x128x128xf32, #tpu.memory_space<vmem>> -> memref<128x128xf32, #tpu.memory_space<vmem>>
        %dma_start3A_267 = arith.constant 0 : i32
        %dma_start3A_268 = tpu.memref_slice %arg6[%select_n3A_85, %dma_start3A_261, %dma_start3A_267] : memref<2x8x128xi32, #tpu.memory_space<vmem>> -> memref<1x1x128xi32, #tpu.memory_space<vmem>>
        %dma_start3A_269 = tpu.memref_squeeze %dma_start3A_268 : memref<1x1x128xi32, #tpu.memory_space<vmem>> -> memref<128xi32, #tpu.memory_space<vmem>>
        %dma_start3A_270 = arith.constant 0 : i32
        %dma_start3A_271 = arith.constant 0 : i32
        %dma_start3A_272 = tpu.memref_slice %arg2[%dma_start3A_270, %dma_start3A_271] : memref<10240x128xf32, #tpu.memory_space<hbm>> -> memref<10240x128xf32, #tpu.memory_space<hbm>>
        tpu.enqueue_indirect_dma source(%dma_start3A_272 : memref<10240x128xf32, #tpu.memory_space<hbm>>) target(%dma_start3A_266 : memref<128x128xf32, #tpu.memory_space<vmem>>) offsets(%dma_start3A_269 : memref<128xi32, #tpu.memory_space<vmem>>) semaphore(%arg10 : memref<!tpu.dma_semaphore, #tpu.memory_space<semaphore_mem>>)
        %dma_wait3A_273 = arith.constant 1 : i32
        %dma_wait3A_274 = arith.constant 0 : i32
        %dma_wait3A_275 = arith.constant 0 : i32
        %dma_wait3A_276 = arith.constant 0 : i32
        %dma_wait3A_277 = arith.constant 0 : i32
        %dma_wait3A_278 = tpu.memref_slice %arg8[%dma_wait3A_273, %dma_wait3A_276, %dma_wait3A_277] : memref<2x128x128xf32, #tpu.memory_space<vmem>> -> memref<1x128x128xf32, #tpu.memory_space<vmem>>
        %dma_wait3A_279 = tpu.memref_squeeze %dma_wait3A_278 : memref<1x128x128xf32, #tpu.memory_space<vmem>> -> memref<128x128xf32, #tpu.memory_space<vmem>>
        %dma_wait3A_280 = arith.constant 0 : i32
        %dma_wait3A_281 = tpu.memref_slice %arg7[%dma_wait3A_274, %dma_wait3A_275, %dma_wait3A_280] : memref<2x8x128xi32, #tpu.memory_space<vmem>> -> memref<1x1x128xi32, #tpu.memory_space<vmem>>
        %dma_wait3A_282 = tpu.memref_squeeze %dma_wait3A_281 : memref<1x1x128xi32, #tpu.memory_space<vmem>> -> memref<128xi32, #tpu.memory_space<vmem>>
        %dma_wait3A_283 = arith.constant 0 : i32
        %dma_wait3A_284 = arith.constant 0 : i32
        %dma_wait3A_285 = tpu.memref_slice %arg9[%dma_wait3A_283, %dma_wait3A_284] : memref<10240x128xf32, #tpu.memory_space<vmem_shared>> -> memref<10240x128xf32, #tpu.memory_space<vmem_shared>>
        tpu.wait_indirect_dma semaphore(%arg13 : memref<!tpu.dma_semaphore, #tpu.memory_space<semaphore_mem>>) src(%dma_wait3A_279 : memref<128x128xf32, #tpu.memory_space<vmem>>) dst(%dma_wait3A_285 : memref<10240x128xf32, #tpu.memory_space<vmem_shared>>)
        %dma_start3A_286 = arith.constant 5 : i32
        %dma_start3A_287 = arith.constant 1 : i32
        %dma_start3A_288 = arith.constant 0 : i32
        %dma_start3A_289 = arith.constant 0 : i32
        %dma_start3A_290 = tpu.memref_slice %arg8[%dma_start3A_287, %dma_start3A_288, %dma_start3A_289] : memref<2x128x128xf32, #tpu.memory_space<vmem>> -> memref<1x128x128xf32, #tpu.memory_space<vmem>>
        %dma_start3A_291 = tpu.memref_squeeze %dma_start3A_290 : memref<1x128x128xf32, #tpu.memory_space<vmem>> -> memref<128x128xf32, #tpu.memory_space<vmem>>
        %dma_start3A_292 = arith.constant 0 : i32
        %dma_start3A_293 = tpu.memref_slice %arg6[%select_n3A_85, %dma_start3A_286, %dma_start3A_292] : memref<2x8x128xi32, #tpu.memory_space<vmem>> -> memref<1x1x128xi32, #tpu.memory_space<vmem>>
        %dma_start3A_294 = tpu.memref_squeeze %dma_start3A_293 : memref<1x1x128xi32, #tpu.memory_space<vmem>> -> memref<128xi32, #tpu.memory_space<vmem>>
        %dma_start3A_295 = arith.constant 0 : i32
        %dma_start3A_296 = arith.constant 0 : i32
        %dma_start3A_297 = tpu.memref_slice %arg2[%dma_start3A_295, %dma_start3A_296] : memref<10240x128xf32, #tpu.memory_space<hbm>> -> memref<10240x128xf32, #tpu.memory_space<hbm>>
        tpu.enqueue_indirect_dma source(%dma_start3A_297 : memref<10240x128xf32, #tpu.memory_space<hbm>>) target(%dma_start3A_291 : memref<128x128xf32, #tpu.memory_space<vmem>>) offsets(%dma_start3A_294 : memref<128xi32, #tpu.memory_space<vmem>>) semaphore(%arg11 : memref<!tpu.dma_semaphore, #tpu.memory_space<semaphore_mem>>)
        %dma_wait3A_298 = arith.constant 0 : i32
        %dma_wait3A_299 = arith.constant 0 : i32
        %dma_wait3A_300 = arith.constant 0 : i32
        %dma_wait3A_301 = arith.constant 0 : i32
        %dma_wait3A_302 = arith.constant 0 : i32
        %dma_wait3A_303 = tpu.memref_slice %arg8[%dma_wait3A_300, %dma_wait3A_301, %dma_wait3A_302] : memref<2x128x128xf32, #tpu.memory_space<vmem>> -> memref<1x128x128xf32, #tpu.memory_space<vmem>>
        %dma_wait3A_304 = tpu.memref_squeeze %dma_wait3A_303 : memref<1x128x128xf32, #tpu.memory_space<vmem>> -> memref<128x128xf32, #tpu.memory_space<vmem>>
        %dma_wait3A_305 = arith.constant 0 : i32
        %dma_wait3A_306 = tpu.memref_slice %arg6[%dma_wait3A_298, %dma_wait3A_299, %dma_wait3A_305] : memref<2x8x128xi32, #tpu.memory_space<vmem>> -> memref<1x1x128xi32, #tpu.memory_space<vmem>>
        %dma_wait3A_307 = tpu.memref_squeeze %dma_wait3A_306 : memref<1x1x128xi32, #tpu.memory_space<vmem>> -> memref<128xi32, #tpu.memory_space<vmem>>
        %dma_wait3A_308 = arith.constant 0 : i32
        %dma_wait3A_309 = arith.constant 0 : i32
        %dma_wait3A_310 = tpu.memref_slice %arg2[%dma_wait3A_308, %dma_wait3A_309] : memref<10240x128xf32, #tpu.memory_space<hbm>> -> memref<10240x128xf32, #tpu.memory_space<hbm>>
        tpu.wait_indirect_dma semaphore(%arg10 : memref<!tpu.dma_semaphore, #tpu.memory_space<semaphore_mem>>) src(%dma_wait3A_310 : memref<10240x128xf32, #tpu.memory_space<hbm>>) dst(%dma_wait3A_304 : memref<128x128xf32, #tpu.memory_space<vmem>>)
        %dma_start3A_311 = arith.constant 0 : i32
        %dma_start3A_312 = arith.constant 4 : i32
        %dma_start3A_313 = arith.constant 0 : i32
        %dma_start3A_314 = arith.constant 0 : i32
        %dma_start3A_315 = tpu.memref_slice %arg8[%dma_start3A_311, %dma_start3A_313, %dma_start3A_314] : memref<2x128x128xf32, #tpu.memory_space<vmem>> -> memref<1x128x128xf32, #tpu.memory_space<vmem>>
        %dma_start3A_316 = tpu.memref_squeeze %dma_start3A_315 : memref<1x128x128xf32, #tpu.memory_space<vmem>> -> memref<128x128xf32, #tpu.memory_space<vmem>>
        %dma_start3A_317 = arith.constant 0 : i32
        %dma_start3A_318 = tpu.memref_slice %arg7[%select_n3A_85, %dma_start3A_312, %dma_start3A_317] : memref<2x8x128xi32, #tpu.memory_space<vmem>> -> memref<1x1x128xi32, #tpu.memory_space<vmem>>
        %dma_start3A_319 = tpu.memref_squeeze %dma_start3A_318 : memref<1x1x128xi32, #tpu.memory_space<vmem>> -> memref<128xi32, #tpu.memory_space<vmem>>
        %dma_start3A_320 = arith.constant 0 : i32
        %dma_start3A_321 = arith.constant 0 : i32
        %dma_start3A_322 = tpu.memref_slice %arg9[%dma_start3A_320, %dma_start3A_321] : memref<10240x128xf32, #tpu.memory_space<vmem_shared>> -> memref<10240x128xf32, #tpu.memory_space<vmem_shared>>
        tpu.enqueue_indirect_dma source(%dma_start3A_316 : memref<128x128xf32, #tpu.memory_space<vmem>>) target(%dma_start3A_322 : memref<10240x128xf32, #tpu.memory_space<vmem_shared>>) offsets(%dma_start3A_319 : memref<128xi32, #tpu.memory_space<vmem>>) semaphore(%arg12 : memref<!tpu.dma_semaphore, #tpu.memory_space<semaphore_mem>>) {add = true}
        %dma_wait3A_323 = arith.constant 0 : i32
        %dma_wait3A_324 = arith.constant 0 : i32
        %dma_wait3A_325 = arith.constant 1 : i32
        %dma_wait3A_326 = arith.constant 0 : i32
        %dma_wait3A_327 = arith.constant 0 : i32
        %dma_wait3A_328 = tpu.memref_slice %arg8[%dma_wait3A_325, %dma_wait3A_326, %dma_wait3A_327] : memref<2x128x128xf32, #tpu.memory_space<vmem>> -> memref<1x128x128xf32, #tpu.memory_space<vmem>>
        %dma_wait3A_329 = tpu.memref_squeeze %dma_wait3A_328 : memref<1x128x128xf32, #tpu.memory_space<vmem>> -> memref<128x128xf32, #tpu.memory_space<vmem>>
        %dma_wait3A_330 = arith.constant 0 : i32
        %dma_wait3A_331 = tpu.memref_slice %arg6[%dma_wait3A_323, %dma_wait3A_324, %dma_wait3A_330] : memref<2x8x128xi32, #tpu.memory_space<vmem>> -> memref<1x1x128xi32, #tpu.memory_space<vmem>>
        %dma_wait3A_332 = tpu.memref_squeeze %dma_wait3A_331 : memref<1x1x128xi32, #tpu.memory_space<vmem>> -> memref<128xi32, #tpu.memory_space<vmem>>
        %dma_wait3A_333 = arith.constant 0 : i32
        %dma_wait3A_334 = arith.constant 0 : i32
        %dma_wait3A_335 = tpu.memref_slice %arg2[%dma_wait3A_333, %dma_wait3A_334] : memref<10240x128xf32, #tpu.memory_space<hbm>> -> memref<10240x128xf32, #tpu.memory_space<hbm>>
        tpu.wait_indirect_dma semaphore(%arg11 : memref<!tpu.dma_semaphore, #tpu.memory_space<semaphore_mem>>) src(%dma_wait3A_335 : memref<10240x128xf32, #tpu.memory_space<hbm>>) dst(%dma_wait3A_329 : memref<128x128xf32, #tpu.memory_space<vmem>>)
        %dma_start3A_336 = arith.constant 1 : i32
        %dma_start3A_337 = arith.constant 5 : i32
        %dma_start3A_338 = arith.constant 0 : i32
        %dma_start3A_339 = arith.constant 0 : i32
        %dma_start3A_340 = tpu.memref_slice %arg8[%dma_start3A_336, %dma_start3A_338, %dma_start3A_339] : memref<2x128x128xf32, #tpu.memory_space<vmem>> -> memref<1x128x128xf32, #tpu.memory_space<vmem>>
        %dma_start3A_341 = tpu.memref_squeeze %dma_start3A_340 : memref<1x128x128xf32, #tpu.memory_space<vmem>> -> memref<128x128xf32, #tpu.memory_space<vmem>>
        %dma_start3A_342 = arith.constant 0 : i32
        %dma_start3A_343 = tpu.memref_slice %arg7[%select_n3A_85, %dma_start3A_337, %dma_start3A_342] : memref<2x8x128xi32, #tpu.memory_space<vmem>> -> memref<1x1x128xi32, #tpu.memory_space<vmem>>
        %dma_start3A_344 = tpu.memref_squeeze %dma_start3A_343 : memref<1x1x128xi32, #tpu.memory_space<vmem>> -> memref<128xi32, #tpu.memory_space<vmem>>
        %dma_start3A_345 = arith.constant 0 : i32
        %dma_start3A_346 = arith.constant 0 : i32
        %dma_start3A_347 = tpu.memref_slice %arg9[%dma_start3A_345, %dma_start3A_346] : memref<10240x128xf32, #tpu.memory_space<vmem_shared>> -> memref<10240x128xf32, #tpu.memory_space<vmem_shared>>
        tpu.enqueue_indirect_dma source(%dma_start3A_341 : memref<128x128xf32, #tpu.memory_space<vmem>>) target(%dma_start3A_347 : memref<10240x128xf32, #tpu.memory_space<vmem_shared>>) offsets(%dma_start3A_344 : memref<128xi32, #tpu.memory_space<vmem>>) semaphore(%arg13 : memref<!tpu.dma_semaphore, #tpu.memory_space<semaphore_mem>>) {add = true}
        %dma_wait3A_348 = arith.constant 0 : i32
        %dma_wait3A_349 = arith.constant 0 : i32
        %dma_wait3A_350 = arith.constant 0 : i32
        %dma_wait3A_351 = arith.constant 0 : i32
        %dma_wait3A_352 = arith.constant 0 : i32
        %dma_wait3A_353 = tpu.memref_slice %arg8[%dma_wait3A_348, %dma_wait3A_351, %dma_wait3A_352] : memref<2x128x128xf32, #tpu.memory_space<vmem>> -> memref<1x128x128xf32, #tpu.memory_space<vmem>>
        %dma_wait3A_354 = tpu.memref_squeeze %dma_wait3A_353 : memref<1x128x128xf32, #tpu.memory_space<vmem>> -> memref<128x128xf32, #tpu.memory_space<vmem>>
        %dma_wait3A_355 = arith.constant 0 : i32
        %dma_wait3A_356 = tpu.memref_slice %arg7[%dma_wait3A_349, %dma_wait3A_350, %dma_wait3A_355] : memref<2x8x128xi32, #tpu.memory_space<vmem>> -> memref<1x1x128xi32, #tpu.memory_space<vmem>>
        %dma_wait3A_357 = tpu.memref_squeeze %dma_wait3A_356 : memref<1x1x128xi32, #tpu.memory_space<vmem>> -> memref<128xi32, #tpu.memory_space<vmem>>
        %dma_wait3A_358 = arith.constant 0 : i32
        %dma_wait3A_359 = arith.constant 0 : i32
        %dma_wait3A_360 = tpu.memref_slice %arg9[%dma_wait3A_358, %dma_wait3A_359] : memref<10240x128xf32, #tpu.memory_space<vmem_shared>> -> memref<10240x128xf32, #tpu.memory_space<vmem_shared>>
        tpu.wait_indirect_dma semaphore(%arg12 : memref<!tpu.dma_semaphore, #tpu.memory_space<semaphore_mem>>) src(%dma_wait3A_354 : memref<128x128xf32, #tpu.memory_space<vmem>>) dst(%dma_wait3A_360 : memref<10240x128xf32, #tpu.memory_space<vmem_shared>>)
        %dma_start3A_361 = arith.constant 6 : i32
        %dma_start3A_362 = arith.constant 0 : i32
        %dma_start3A_363 = arith.constant 0 : i32
        %dma_start3A_364 = arith.constant 0 : i32
        %dma_start3A_365 = tpu.memref_slice %arg8[%dma_start3A_362, %dma_start3A_363, %dma_start3A_364] : memref<2x128x128xf32, #tpu.memory_space<vmem>> -> memref<1x128x128xf32, #tpu.memory_space<vmem>>
        %dma_start3A_366 = tpu.memref_squeeze %dma_start3A_365 : memref<1x128x128xf32, #tpu.memory_space<vmem>> -> memref<128x128xf32, #tpu.memory_space<vmem>>
        %dma_start3A_367 = arith.constant 0 : i32
        %dma_start3A_368 = tpu.memref_slice %arg6[%select_n3A_85, %dma_start3A_361, %dma_start3A_367] : memref<2x8x128xi32, #tpu.memory_space<vmem>> -> memref<1x1x128xi32, #tpu.memory_space<vmem>>
        %dma_start3A_369 = tpu.memref_squeeze %dma_start3A_368 : memref<1x1x128xi32, #tpu.memory_space<vmem>> -> memref<128xi32, #tpu.memory_space<vmem>>
        %dma_start3A_370 = arith.constant 0 : i32
        %dma_start3A_371 = arith.constant 0 : i32
        %dma_start3A_372 = tpu.memref_slice %arg2[%dma_start3A_370, %dma_start3A_371] : memref<10240x128xf32, #tpu.memory_space<hbm>> -> memref<10240x128xf32, #tpu.memory_space<hbm>>
        tpu.enqueue_indirect_dma source(%dma_start3A_372 : memref<10240x128xf32, #tpu.memory_space<hbm>>) target(%dma_start3A_366 : memref<128x128xf32, #tpu.memory_space<vmem>>) offsets(%dma_start3A_369 : memref<128xi32, #tpu.memory_space<vmem>>) semaphore(%arg10 : memref<!tpu.dma_semaphore, #tpu.memory_space<semaphore_mem>>)
        %dma_wait3A_373 = arith.constant 1 : i32
        %dma_wait3A_374 = arith.constant 0 : i32
        %dma_wait3A_375 = arith.constant 0 : i32
        %dma_wait3A_376 = arith.constant 0 : i32
        %dma_wait3A_377 = arith.constant 0 : i32
        %dma_wait3A_378 = tpu.memref_slice %arg8[%dma_wait3A_373, %dma_wait3A_376, %dma_wait3A_377] : memref<2x128x128xf32, #tpu.memory_space<vmem>> -> memref<1x128x128xf32, #tpu.memory_space<vmem>>
        %dma_wait3A_379 = tpu.memref_squeeze %dma_wait3A_378 : memref<1x128x128xf32, #tpu.memory_space<vmem>> -> memref<128x128xf32, #tpu.memory_space<vmem>>
        %dma_wait3A_380 = arith.constant 0 : i32
        %dma_wait3A_381 = tpu.memref_slice %arg7[%dma_wait3A_374, %dma_wait3A_375, %dma_wait3A_380] : memref<2x8x128xi32, #tpu.memory_space<vmem>> -> memref<1x1x128xi32, #tpu.memory_space<vmem>>
        %dma_wait3A_382 = tpu.memref_squeeze %dma_wait3A_381 : memref<1x1x128xi32, #tpu.memory_space<vmem>> -> memref<128xi32, #tpu.memory_space<vmem>>
        %dma_wait3A_383 = arith.constant 0 : i32
        %dma_wait3A_384 = arith.constant 0 : i32
        %dma_wait3A_385 = tpu.memref_slice %arg9[%dma_wait3A_383, %dma_wait3A_384] : memref<10240x128xf32, #tpu.memory_space<vmem_shared>> -> memref<10240x128xf32, #tpu.memory_space<vmem_shared>>
        tpu.wait_indirect_dma semaphore(%arg13 : memref<!tpu.dma_semaphore, #tpu.memory_space<semaphore_mem>>) src(%dma_wait3A_379 : memref<128x128xf32, #tpu.memory_space<vmem>>) dst(%dma_wait3A_385 : memref<10240x128xf32, #tpu.memory_space<vmem_shared>>)
        %dma_start3A_386 = arith.constant 7 : i32
        %dma_start3A_387 = arith.constant 1 : i32
        %dma_start3A_388 = arith.constant 0 : i32
        %dma_start3A_389 = arith.constant 0 : i32
        %dma_start3A_390 = tpu.memref_slice %arg8[%dma_start3A_387, %dma_start3A_388, %dma_start3A_389] : memref<2x128x128xf32, #tpu.memory_space<vmem>> -> memref<1x128x128xf32, #tpu.memory_space<vmem>>
        %dma_start3A_391 = tpu.memref_squeeze %dma_start3A_390 : memref<1x128x128xf32, #tpu.memory_space<vmem>> -> memref<128x128xf32, #tpu.memory_space<vmem>>
        %dma_start3A_392 = arith.constant 0 : i32
        %dma_start3A_393 = tpu.memref_slice %arg6[%select_n3A_85, %dma_start3A_386, %dma_start3A_392] : memref<2x8x128xi32, #tpu.memory_space<vmem>> -> memref<1x1x128xi32, #tpu.memory_space<vmem>>
        %dma_start3A_394 = tpu.memref_squeeze %dma_start3A_393 : memref<1x1x128xi32, #tpu.memory_space<vmem>> -> memref<128xi32, #tpu.memory_space<vmem>>
        %dma_start3A_395 = arith.constant 0 : i32
        %dma_start3A_396 = arith.constant 0 : i32
        %dma_start3A_397 = tpu.memref_slice %arg2[%dma_start3A_395, %dma_start3A_396] : memref<10240x128xf32, #tpu.memory_space<hbm>> -> memref<10240x128xf32, #tpu.memory_space<hbm>>
        tpu.enqueue_indirect_dma source(%dma_start3A_397 : memref<10240x128xf32, #tpu.memory_space<hbm>>) target(%dma_start3A_391 : memref<128x128xf32, #tpu.memory_space<vmem>>) offsets(%dma_start3A_394 : memref<128xi32, #tpu.memory_space<vmem>>) semaphore(%arg11 : memref<!tpu.dma_semaphore, #tpu.memory_space<semaphore_mem>>)
        %dma_wait3A_398 = arith.constant 0 : i32
        %dma_wait3A_399 = arith.constant 0 : i32
        %dma_wait3A_400 = arith.constant 0 : i32
        %dma_wait3A_401 = arith.constant 0 : i32
        %dma_wait3A_402 = arith.constant 0 : i32
        %dma_wait3A_403 = tpu.memref_slice %arg8[%dma_wait3A_400, %dma_wait3A_401, %dma_wait3A_402] : memref<2x128x128xf32, #tpu.memory_space<vmem>> -> memref<1x128x128xf32, #tpu.memory_space<vmem>>
        %dma_wait3A_404 = tpu.memref_squeeze %dma_wait3A_403 : memref<1x128x128xf32, #tpu.memory_space<vmem>> -> memref<128x128xf32, #tpu.memory_space<vmem>>
        %dma_wait3A_405 = arith.constant 0 : i32
        %dma_wait3A_406 = tpu.memref_slice %arg6[%dma_wait3A_398, %dma_wait3A_399, %dma_wait3A_405] : memref<2x8x128xi32, #tpu.memory_space<vmem>> -> memref<1x1x128xi32, #tpu.memory_space<vmem>>
        %dma_wait3A_407 = tpu.memref_squeeze %dma_wait3A_406 : memref<1x1x128xi32, #tpu.memory_space<vmem>> -> memref<128xi32, #tpu.memory_space<vmem>>
        %dma_wait3A_408 = arith.constant 0 : i32
        %dma_wait3A_409 = arith.constant 0 : i32
        %dma_wait3A_410 = tpu.memref_slice %arg2[%dma_wait3A_408, %dma_wait3A_409] : memref<10240x128xf32, #tpu.memory_space<hbm>> -> memref<10240x128xf32, #tpu.memory_space<hbm>>
        tpu.wait_indirect_dma semaphore(%arg10 : memref<!tpu.dma_semaphore, #tpu.memory_space<semaphore_mem>>) src(%dma_wait3A_410 : memref<10240x128xf32, #tpu.memory_space<hbm>>) dst(%dma_wait3A_404 : memref<128x128xf32, #tpu.memory_space<vmem>>)
        %dma_start3A_411 = arith.constant 0 : i32
        %dma_start3A_412 = arith.constant 6 : i32
        %dma_start3A_413 = arith.constant 0 : i32
        %dma_start3A_414 = arith.constant 0 : i32
        %dma_start3A_415 = tpu.memref_slice %arg8[%dma_start3A_411, %dma_start3A_413, %dma_start3A_414] : memref<2x128x128xf32, #tpu.memory_space<vmem>> -> memref<1x128x128xf32, #tpu.memory_space<vmem>>
        %dma_start3A_416 = tpu.memref_squeeze %dma_start3A_415 : memref<1x128x128xf32, #tpu.memory_space<vmem>> -> memref<128x128xf32, #tpu.memory_space<vmem>>
        %dma_start3A_417 = arith.constant 0 : i32
        %dma_start3A_418 = tpu.memref_slice %arg7[%select_n3A_85, %dma_start3A_412, %dma_start3A_417] : memref<2x8x128xi32, #tpu.memory_space<vmem>> -> memref<1x1x128xi32, #tpu.memory_space<vmem>>
        %dma_start3A_419 = tpu.memref_squeeze %dma_start3A_418 : memref<1x1x128xi32, #tpu.memory_space<vmem>> -> memref<128xi32, #tpu.memory_space<vmem>>
        %dma_start3A_420 = arith.constant 0 : i32
        %dma_start3A_421 = arith.constant 0 : i32
        %dma_start3A_422 = tpu.memref_slice %arg9[%dma_start3A_420, %dma_start3A_421] : memref<10240x128xf32, #tpu.memory_space<vmem_shared>> -> memref<10240x128xf32, #tpu.memory_space<vmem_shared>>
        tpu.enqueue_indirect_dma source(%dma_start3A_416 : memref<128x128xf32, #tpu.memory_space<vmem>>) target(%dma_start3A_422 : memref<10240x128xf32, #tpu.memory_space<vmem_shared>>) offsets(%dma_start3A_419 : memref<128xi32, #tpu.memory_space<vmem>>) semaphore(%arg12 : memref<!tpu.dma_semaphore, #tpu.memory_space<semaphore_mem>>) {add = true}
        %dma_wait3A_423 = arith.constant 0 : i32
        %dma_wait3A_424 = arith.constant 0 : i32
        %dma_wait3A_425 = arith.constant 1 : i32
        %dma_wait3A_426 = arith.constant 0 : i32
        %dma_wait3A_427 = arith.constant 0 : i32
        %dma_wait3A_428 = tpu.memref_slice %arg8[%dma_wait3A_425, %dma_wait3A_426, %dma_wait3A_427] : memref<2x128x128xf32, #tpu.memory_space<vmem>> -> memref<1x128x128xf32, #tpu.memory_space<vmem>>
        %dma_wait3A_429 = tpu.memref_squeeze %dma_wait3A_428 : memref<1x128x128xf32, #tpu.memory_space<vmem>> -> memref<128x128xf32, #tpu.memory_space<vmem>>
        %dma_wait3A_430 = arith.constant 0 : i32
        %dma_wait3A_431 = tpu.memref_slice %arg6[%dma_wait3A_423, %dma_wait3A_424, %dma_wait3A_430] : memref<2x8x128xi32, #tpu.memory_space<vmem>> -> memref<1x1x128xi32, #tpu.memory_space<vmem>>
        %dma_wait3A_432 = tpu.memref_squeeze %dma_wait3A_431 : memref<1x1x128xi32, #tpu.memory_space<vmem>> -> memref<128xi32, #tpu.memory_space<vmem>>
        %dma_wait3A_433 = arith.constant 0 : i32
        %dma_wait3A_434 = arith.constant 0 : i32
        %dma_wait3A_435 = tpu.memref_slice %arg2[%dma_wait3A_433, %dma_wait3A_434] : memref<10240x128xf32, #tpu.memory_space<hbm>> -> memref<10240x128xf32, #tpu.memory_space<hbm>>
        tpu.wait_indirect_dma semaphore(%arg11 : memref<!tpu.dma_semaphore, #tpu.memory_space<semaphore_mem>>) src(%dma_wait3A_435 : memref<10240x128xf32, #tpu.memory_space<hbm>>) dst(%dma_wait3A_429 : memref<128x128xf32, #tpu.memory_space<vmem>>)
        %dma_start3A_436 = arith.constant 1 : i32
        %dma_start3A_437 = arith.constant 7 : i32
        %dma_start3A_438 = arith.constant 0 : i32
        %dma_start3A_439 = arith.constant 0 : i32
        %dma_start3A_440 = tpu.memref_slice %arg8[%dma_start3A_436, %dma_start3A_438, %dma_start3A_439] : memref<2x128x128xf32, #tpu.memory_space<vmem>> -> memref<1x128x128xf32, #tpu.memory_space<vmem>>
        %dma_start3A_441 = tpu.memref_squeeze %dma_start3A_440 : memref<1x128x128xf32, #tpu.memory_space<vmem>> -> memref<128x128xf32, #tpu.memory_space<vmem>>
        %dma_start3A_442 = arith.constant 0 : i32
        %dma_start3A_443 = tpu.memref_slice %arg7[%select_n3A_85, %dma_start3A_437, %dma_start3A_442] : memref<2x8x128xi32, #tpu.memory_space<vmem>> -> memref<1x1x128xi32, #tpu.memory_space<vmem>>
        %dma_start3A_444 = tpu.memref_squeeze %dma_start3A_443 : memref<1x1x128xi32, #tpu.memory_space<vmem>> -> memref<128xi32, #tpu.memory_space<vmem>>
        %dma_start3A_445 = arith.constant 0 : i32
        %dma_start3A_446 = arith.constant 0 : i32
        %dma_start3A_447 = tpu.memref_slice %arg9[%dma_start3A_445, %dma_start3A_446] : memref<10240x128xf32, #tpu.memory_space<vmem_shared>> -> memref<10240x128xf32, #tpu.memory_space<vmem_shared>>
        tpu.enqueue_indirect_dma source(%dma_start3A_441 : memref<128x128xf32, #tpu.memory_space<vmem>>) target(%dma_start3A_447 : memref<10240x128xf32, #tpu.memory_space<vmem_shared>>) offsets(%dma_start3A_444 : memref<128xi32, #tpu.memory_space<vmem>>) semaphore(%arg13 : memref<!tpu.dma_semaphore, #tpu.memory_space<semaphore_mem>>) {add = true}
        %dma_wait3A_448 = arith.constant 0 : i32
        %dma_wait3A_449 = arith.constant 0 : i32
        %dma_wait3A_450 = arith.constant 0 : i32
        %dma_wait3A_451 = arith.constant 0 : i32
        %dma_wait3A_452 = arith.constant 0 : i32
        %dma_wait3A_453 = tpu.memref_slice %arg8[%dma_wait3A_448, %dma_wait3A_451, %dma_wait3A_452] : memref<2x128x128xf32, #tpu.memory_space<vmem>> -> memref<1x128x128xf32, #tpu.memory_space<vmem>>
        %dma_wait3A_454 = tpu.memref_squeeze %dma_wait3A_453 : memref<1x128x128xf32, #tpu.memory_space<vmem>> -> memref<128x128xf32, #tpu.memory_space<vmem>>
        %dma_wait3A_455 = arith.constant 0 : i32
        %dma_wait3A_456 = tpu.memref_slice %arg7[%dma_wait3A_449, %dma_wait3A_450, %dma_wait3A_455] : memref<2x8x128xi32, #tpu.memory_space<vmem>> -> memref<1x1x128xi32, #tpu.memory_space<vmem>>
        %dma_wait3A_457 = tpu.memref_squeeze %dma_wait3A_456 : memref<1x1x128xi32, #tpu.memory_space<vmem>> -> memref<128xi32, #tpu.memory_space<vmem>>
        %dma_wait3A_458 = arith.constant 0 : i32
        %dma_wait3A_459 = arith.constant 0 : i32
        %dma_wait3A_460 = tpu.memref_slice %arg9[%dma_wait3A_458, %dma_wait3A_459] : memref<10240x128xf32, #tpu.memory_space<vmem_shared>> -> memref<10240x128xf32, #tpu.memory_space<vmem_shared>>
        tpu.wait_indirect_dma semaphore(%arg12 : memref<!tpu.dma_semaphore, #tpu.memory_space<semaphore_mem>>) src(%dma_wait3A_454 : memref<128x128xf32, #tpu.memory_space<vmem>>) dst(%dma_wait3A_460 : memref<10240x128xf32, #tpu.memory_space<vmem_shared>>)
        %convert_element_type3A_461 = arith.extui %lt3A_90 : i1 to i32
        %cond3A_462 = arith.constant 0 : i32
        %cond3A_463 = arith.cmpi ne, %convert_element_type3A_461, %cond3A_462 : i32
        scf.if %cond3A_463 {
          %dma_wait3A_480 = arith.constant 0 : i32
          %dma_wait3A_481 = arith.constant 0 : i32
          %dma_wait3A_482 = tpu.memref_slice %arg6[%sub3A_87, %dma_wait3A_480, %dma_wait3A_481] : memref<2x8x128xi32, #tpu.memory_space<vmem>> -> memref<1x8x128xi32, #tpu.memory_space<vmem>>
          %dma_wait3A_483 = tpu.memref_squeeze %dma_wait3A_482 : memref<1x8x128xi32, #tpu.memory_space<vmem>> -> memref<8x128xi32, #tpu.memory_space<vmem>>
          %dma_wait3A_484 = arith.constant 0 : i32
          %dma_wait3A_485 = tpu.memref_slice %arg3[%add3A_95, %dma_wait3A_484] : memref<2560x128xi32, #tpu.memory_space<hbm>> -> memref<8x128xi32, #tpu.memory_space<hbm>>
          %dma_wait3A_486 = arith.constant 0 : i32
          %dma_wait3A_487 = arith.constant 0 : i32
          %dma_wait3A_488 = tpu.memref_slice %arg6[%sub3A_87, %dma_wait3A_486, %dma_wait3A_487] : memref<2x8x128xi32, #tpu.memory_space<vmem>> -> memref<1x8x128xi32, #tpu.memory_space<vmem>>
          %dma_wait3A_489 = tpu.memref_squeeze %dma_wait3A_488 : memref<1x8x128xi32, #tpu.memory_space<vmem>> -> memref<8x128xi32, #tpu.memory_space<vmem>>
          %dma_wait3A_490 = arith.constant 0 : i32
          %dma_wait3A_491 = tpu.memref_slice %arg3[%add3A_95, %dma_wait3A_490] : memref<2560x128xi32, #tpu.memory_space<hbm>> -> memref<8x128xi32, #tpu.memory_space<hbm>>
          tpu.wait_dma2 semaphore(%arg14 : memref<!tpu.dma_semaphore, #tpu.memory_space<semaphore_mem>>) src(%dma_wait3A_491 : memref<8x128xi32, #tpu.memory_space<hbm>>) dst(%dma_wait3A_489 : memref<8x128xi32, #tpu.memory_space<vmem>>)
          %dma_wait3A_492 = arith.constant 0 : i32
          %dma_wait3A_493 = arith.constant 0 : i32
          %dma_wait3A_494 = tpu.memref_slice %arg7[%sub3A_87, %dma_wait3A_492, %dma_wait3A_493] : memref<2x8x128xi32, #tpu.memory_space<vmem>> -> memref<1x8x128xi32, #tpu.memory_space<vmem>>
          %dma_wait3A_495 = tpu.memref_squeeze %dma_wait3A_494 : memref<1x8x128xi32, #tpu.memory_space<vmem>> -> memref<8x128xi32, #tpu.memory_space<vmem>>
          %dma_wait3A_496 = arith.constant 0 : i32
          %dma_wait3A_497 = tpu.memref_slice %arg4[%add3A_95, %dma_wait3A_496] : memref<2560x128xi32, #tpu.memory_space<hbm>> -> memref<8x128xi32, #tpu.memory_space<hbm>>
          %dma_wait3A_498 = arith.constant 0 : i32
          %dma_wait3A_499 = arith.constant 0 : i32
          %dma_wait3A_500 = tpu.memref_slice %arg7[%sub3A_87, %dma_wait3A_498, %dma_wait3A_499] : memref<2x8x128xi32, #tpu.memory_space<vmem>> -> memref<1x8x128xi32, #tpu.memory_space<vmem>>
          %dma_wait3A_501 = tpu.memref_squeeze %dma_wait3A_500 : memref<1x8x128xi32, #tpu.memory_space<vmem>> -> memref<8x128xi32, #tpu.memory_space<vmem>>
          %dma_wait3A_502 = arith.constant 0 : i32
          %dma_wait3A_503 = tpu.memref_slice %arg4[%add3A_95, %dma_wait3A_502] : memref<2560x128xi32, #tpu.memory_space<hbm>> -> memref<8x128xi32, #tpu.memory_space<hbm>>
          tpu.wait_dma2 semaphore(%arg15 : memref<!tpu.dma_semaphore, #tpu.memory_space<semaphore_mem>>) src(%dma_wait3A_503 : memref<8x128xi32, #tpu.memory_space<hbm>>) dst(%dma_wait3A_501 : memref<8x128xi32, #tpu.memory_space<vmem>>)
          %dma_start3A_504 = arith.constant 0 : i32
          %dma_start3A_505 = arith.constant 0 : i32
          %dma_start3A_506 = arith.constant 0 : i32
          %dma_start3A_507 = arith.constant 0 : i32
          %dma_start3A_508 = tpu.memref_slice %arg8[%dma_start3A_505, %dma_start3A_506, %dma_start3A_507] : memref<2x128x128xf32, #tpu.memory_space<vmem>> -> memref<1x128x128xf32, #tpu.memory_space<vmem>>
          %dma_start3A_509 = tpu.memref_squeeze %dma_start3A_508 : memref<1x128x128xf32, #tpu.memory_space<vmem>> -> memref<128x128xf32, #tpu.memory_space<vmem>>
          %dma_start3A_510 = arith.constant 0 : i32
          %dma_start3A_511 = tpu.memref_slice %arg6[%sub3A_87, %dma_start3A_504, %dma_start3A_510] : memref<2x8x128xi32, #tpu.memory_space<vmem>> -> memref<1x1x128xi32, #tpu.memory_space<vmem>>
          %dma_start3A_512 = tpu.memref_squeeze %dma_start3A_511 : memref<1x1x128xi32, #tpu.memory_space<vmem>> -> memref<128xi32, #tpu.memory_space<vmem>>
          %dma_start3A_513 = arith.constant 0 : i32
          %dma_start3A_514 = arith.constant 0 : i32
          %dma_start3A_515 = tpu.memref_slice %arg2[%dma_start3A_513, %dma_start3A_514] : memref<10240x128xf32, #tpu.memory_space<hbm>> -> memref<10240x128xf32, #tpu.memory_space<hbm>>
          tpu.enqueue_indirect_dma source(%dma_start3A_515 : memref<10240x128xf32, #tpu.memory_space<hbm>>) target(%dma_start3A_509 : memref<128x128xf32, #tpu.memory_space<vmem>>) offsets(%dma_start3A_512 : memref<128xi32, #tpu.memory_space<vmem>>) semaphore(%arg10 : memref<!tpu.dma_semaphore, #tpu.memory_space<semaphore_mem>>)
        } else {
        }
        %dma_wait3A_464 = arith.constant 1 : i32
        %dma_wait3A_465 = arith.constant 0 : i32
        %dma_wait3A_466 = arith.constant 0 : i32
        %dma_wait3A_467 = arith.constant 0 : i32
        %dma_wait3A_468 = arith.constant 0 : i32
        %dma_wait3A_469 = tpu.memref_slice %arg8[%dma_wait3A_464, %dma_wait3A_467, %dma_wait3A_468] : memref<2x128x128xf32, #tpu.memory_space<vmem>> -> memref<1x128x128xf32, #tpu.memory_space<vmem>>
        %dma_wait3A_470 = tpu.memref_squeeze %dma_wait3A_469 : memref<1x128x128xf32, #tpu.memory_space<vmem>> -> memref<128x128xf32, #tpu.memory_space<vmem>>
        %dma_wait3A_471 = arith.constant 0 : i32
        %dma_wait3A_472 = tpu.memref_slice %arg7[%dma_wait3A_465, %dma_wait3A_466, %dma_wait3A_471] : memref<2x8x128xi32, #tpu.memory_space<vmem>> -> memref<1x1x128xi32, #tpu.memory_space<vmem>>
        %dma_wait3A_473 = tpu.memref_squeeze %dma_wait3A_472 : memref<1x1x128xi32, #tpu.memory_space<vmem>> -> memref<128xi32, #tpu.memory_space<vmem>>
        %dma_wait3A_474 = arith.constant 0 : i32
        %dma_wait3A_475 = arith.constant 0 : i32
        %dma_wait3A_476 = tpu.memref_slice %arg9[%dma_wait3A_474, %dma_wait3A_475] : memref<10240x128xf32, #tpu.memory_space<vmem_shared>> -> memref<10240x128xf32, #tpu.memory_space<vmem_shared>>
        tpu.wait_indirect_dma semaphore(%arg13 : memref<!tpu.dma_semaphore, #tpu.memory_space<semaphore_mem>>) src(%dma_wait3A_470 : memref<128x128xf32, #tpu.memory_space<vmem>>) dst(%dma_wait3A_476 : memref<10240x128xf32, #tpu.memory_space<vmem_shared>>)
        %convert_element_type3A_477 = arith.extui %lt3A_90 : i1 to i32
        %cond3A_478 = arith.constant 0 : i32
        %cond3A_479 = arith.cmpi ne, %convert_element_type3A_477, %cond3A_478 : i32
        scf.if %cond3A_479 {
          %dma_start3A_480 = arith.constant 1 : i32
          %dma_start3A_481 = arith.constant 1 : i32
          %dma_start3A_482 = arith.constant 0 : i32
          %dma_start3A_483 = arith.constant 0 : i32
          %dma_start3A_484 = tpu.memref_slice %arg8[%dma_start3A_481, %dma_start3A_482, %dma_start3A_483] : memref<2x128x128xf32, #tpu.memory_space<vmem>> -> memref<1x128x128xf32, #tpu.memory_space<vmem>>
          %dma_start3A_485 = tpu.memref_squeeze %dma_start3A_484 : memref<1x128x128xf32, #tpu.memory_space<vmem>> -> memref<128x128xf32, #tpu.memory_space<vmem>>
          %dma_start3A_486 = arith.constant 0 : i32
          %dma_start3A_487 = tpu.memref_slice %arg6[%sub3A_87, %dma_start3A_480, %dma_start3A_486] : memref<2x8x128xi32, #tpu.memory_space<vmem>> -> memref<1x1x128xi32, #tpu.memory_space<vmem>>
          %dma_start3A_488 = tpu.memref_squeeze %dma_start3A_487 : memref<1x1x128xi32, #tpu.memory_space<vmem>> -> memref<128xi32, #tpu.memory_space<vmem>>
          %dma_start3A_489 = arith.constant 0 : i32
          %dma_start3A_490 = arith.constant 0 : i32
          %dma_start3A_491 = tpu.memref_slice %arg2[%dma_start3A_489, %dma_start3A_490] : memref<10240x128xf32, #tpu.memory_space<hbm>> -> memref<10240x128xf32, #tpu.memory_space<hbm>>
          tpu.enqueue_indirect_dma source(%dma_start3A_491 : memref<10240x128xf32, #tpu.memory_space<hbm>>) target(%dma_start3A_485 : memref<128x128xf32, #tpu.memory_space<vmem>>) offsets(%dma_start3A_488 : memref<128xi32, #tpu.memory_space<vmem>>) semaphore(%arg11 : memref<!tpu.dma_semaphore, #tpu.memory_space<semaphore_mem>>)
        } else {
        }
      }
      %while3A_61 = arith.constant 1 : i32
      scf.for %while3A_70 = %while3A_59 to %while3A_55 step %while3A_61  : i32 {
        %mul3A_71 = arith.muli %while3A_70, %while3A : i32
        %add3A_72 = arith.addi %while3A_52, %mul3A_71 : i32
        %jit3A_73 = arith.constant 2 : i32
        %eq3A_74 = arith.constant 0 : i32
        %eq3A_75 = arith.cmpi eq, %jit3A_73, %eq3A_74 : i32
        %jit3A_76 = arith.constant 1 : i32
        %select_n3A_77 = arith.select %eq3A_75, %jit3A_76, %jit3A_73 : i32
        %rem3A = arith.remsi %add3A_72, %select_n3A_77 : i32
        %ne3A = arith.constant 0 : i32
        %ne3A_78 = arith.cmpi ne, %rem3A, %ne3A : i32
        %lt3A_79 = arith.constant 0 : i32
        %lt3A_80 = arith.cmpi slt, %rem3A, %lt3A_79 : i32
        %lt3A_81 = arith.constant 0 : i32
        %lt3A_82 = arith.cmpi slt, %select_n3A_77, %lt3A_81 : i32
        %ne3A_83 = arith.xori %lt3A_80, %lt3A_82 : i1
        %and3A = arith.andi %ne3A_83, %ne3A_78 : i1
        %add3A_84 = arith.addi %rem3A, %select_n3A_77 : i32
        %select_n3A_85 = arith.select %and3A, %add3A_84, %rem3A : i32
        %sub3A_86 = arith.constant 1 : i32
        %sub3A_87 = arith.subi %sub3A_86, %select_n3A_85 : i32
        %sub3A_88 = arith.constant 1 : i32
        %sub3A_89 = arith.subi %select_n3A, %sub3A_88 : i32
        %lt3A_90 = arith.cmpi slt, %add3A_72, %sub3A_89 : i32
        %add3A_91 = arith.constant 1 : i32
        %add3A_92 = arith.addi %add3A_72, %add3A_91 : i32
        %mul3A_93 = arith.constant 8 : i32
        %mul3A_94 = arith.muli %add3A_92, %mul3A_93 : i32
        %add3A_95 = arith.addi %select_n3A_19, %mul3A_94 : i32
        %convert_element_type3A_96 = arith.extui %lt3A_90 : i1 to i32
        %cond3A_97 = arith.constant 0 : i32
        %cond3A_98 = arith.cmpi ne, %convert_element_type3A_96, %cond3A_97 : i32
        scf.if %cond3A_98 {
          %dma_start3A_480 = arith.constant 0 : i32
          %dma_start3A_481 = arith.constant 0 : i32
          %dma_start3A_482 = tpu.memref_slice %arg6[%sub3A_87, %dma_start3A_480, %dma_start3A_481] : memref<2x8x128xi32, #tpu.memory_space<vmem>> -> memref<1x8x128xi32, #tpu.memory_space<vmem>>
          %dma_start3A_483 = tpu.memref_squeeze %dma_start3A_482 : memref<1x8x128xi32, #tpu.memory_space<vmem>> -> memref<8x128xi32, #tpu.memory_space<vmem>>
          %dma_start3A_484 = arith.constant 0 : i32
          %dma_start3A_485 = tpu.memref_slice %arg3[%add3A_95, %dma_start3A_484] : memref<2560x128xi32, #tpu.memory_space<hbm>> -> memref<8x128xi32, #tpu.memory_space<hbm>>
          %dma_start3A_486 = arith.constant 0 : i32
          %dma_start3A_487 = arith.constant 0 : i32
          %dma_start3A_488 = tpu.memref_slice %arg6[%sub3A_87, %dma_start3A_486, %dma_start3A_487] : memref<2x8x128xi32, #tpu.memory_space<vmem>> -> memref<1x8x128xi32, #tpu.memory_space<vmem>>
          %dma_start3A_489 = tpu.memref_squeeze %dma_start3A_488 : memref<1x8x128xi32, #tpu.memory_space<vmem>> -> memref<8x128xi32, #tpu.memory_space<vmem>>
          %dma_start3A_490 = arith.constant 0 : i32
          %dma_start3A_491 = tpu.memref_slice %arg3[%add3A_95, %dma_start3A_490] : memref<2560x128xi32, #tpu.memory_space<hbm>> -> memref<8x128xi32, #tpu.memory_space<hbm>>
          tpu.enqueue_dma source(%dma_start3A_491 : memref<8x128xi32, #tpu.memory_space<hbm>>) target(%dma_start3A_489 : memref<8x128xi32, #tpu.memory_space<vmem>>) target_semaphore(%arg14 : memref<!tpu.dma_semaphore, #tpu.memory_space<semaphore_mem>>)
          %dma_start3A_492 = arith.constant 0 : i32
          %dma_start3A_493 = arith.constant 0 : i32
          %dma_start3A_494 = tpu.memref_slice %arg7[%sub3A_87, %dma_start3A_492, %dma_start3A_493] : memref<2x8x128xi32, #tpu.memory_space<vmem>> -> memref<1x8x128xi32, #tpu.memory_space<vmem>>
          %dma_start3A_495 = tpu.memref_squeeze %dma_start3A_494 : memref<1x8x128xi32, #tpu.memory_space<vmem>> -> memref<8x128xi32, #tpu.memory_space<vmem>>
          %dma_start3A_496 = arith.constant 0 : i32
          %dma_start3A_497 = tpu.memref_slice %arg4[%add3A_95, %dma_start3A_496] : memref<2560x128xi32, #tpu.memory_space<hbm>> -> memref<8x128xi32, #tpu.memory_space<hbm>>
          %dma_start3A_498 = arith.constant 0 : i32
          %dma_start3A_499 = arith.constant 0 : i32
          %dma_start3A_500 = tpu.memref_slice %arg7[%sub3A_87, %dma_start3A_498, %dma_start3A_499] : memref<2x8x128xi32, #tpu.memory_space<vmem>> -> memref<1x8x128xi32, #tpu.memory_space<vmem>>
          %dma_start3A_501 = tpu.memref_squeeze %dma_start3A_500 : memref<1x8x128xi32, #tpu.memory_space<vmem>> -> memref<8x128xi32, #tpu.memory_space<vmem>>
          %dma_start3A_502 = arith.constant 0 : i32
          %dma_start3A_503 = tpu.memref_slice %arg4[%add3A_95, %dma_start3A_502] : memref<2560x128xi32, #tpu.memory_space<hbm>> -> memref<8x128xi32, #tpu.memory_space<hbm>>
          tpu.enqueue_dma source(%dma_start3A_503 : memref<8x128xi32, #tpu.memory_space<hbm>>) target(%dma_start3A_501 : memref<8x128xi32, #tpu.memory_space<vmem>>) target_semaphore(%arg15 : memref<!tpu.dma_semaphore, #tpu.memory_space<semaphore_mem>>)
        } else {
        }
        %dma_wait3A = arith.constant 0 : i32
        %dma_wait3A_99 = arith.constant 0 : i32
        %dma_wait3A_100 = arith.constant 0 : i32
        %dma_wait3A_101 = arith.constant 0 : i32
        %dma_wait3A_102 = arith.constant 0 : i32
        %dma_wait3A_103 = tpu.memref_slice %arg8[%dma_wait3A_100, %dma_wait3A_101, %dma_wait3A_102] : memref<2x128x128xf32, #tpu.memory_space<vmem>> -> memref<1x128x128xf32, #tpu.memory_space<vmem>>
        %dma_wait3A_104 = tpu.memref_squeeze %dma_wait3A_103 : memref<1x128x128xf32, #tpu.memory_space<vmem>> -> memref<128x128xf32, #tpu.memory_space<vmem>>
        %dma_wait3A_105 = arith.constant 0 : i32
        %dma_wait3A_106 = tpu.memref_slice %arg6[%dma_wait3A, %dma_wait3A_99, %dma_wait3A_105] : memref<2x8x128xi32, #tpu.memory_space<vmem>> -> memref<1x1x128xi32, #tpu.memory_space<vmem>>
        %dma_wait3A_107 = tpu.memref_squeeze %dma_wait3A_106 : memref<1x1x128xi32, #tpu.memory_space<vmem>> -> memref<128xi32, #tpu.memory_space<vmem>>
        %dma_wait3A_108 = arith.constant 0 : i32
        %dma_wait3A_109 = arith.constant 0 : i32
        %dma_wait3A_110 = tpu.memref_slice %arg2[%dma_wait3A_108, %dma_wait3A_109] : memref<10240x128xf32, #tpu.memory_space<hbm>> -> memref<10240x128xf32, #tpu.memory_space<hbm>>
        tpu.wait_indirect_dma semaphore(%arg10 : memref<!tpu.dma_semaphore, #tpu.memory_space<semaphore_mem>>) src(%dma_wait3A_110 : memref<10240x128xf32, #tpu.memory_space<hbm>>) dst(%dma_wait3A_104 : memref<128x128xf32, #tpu.memory_space<vmem>>)
        %dma_start3A_111 = arith.constant 0 : i32
        %dma_start3A_112 = arith.constant 0 : i32
        %dma_start3A_113 = arith.constant 0 : i32
        %dma_start3A_114 = arith.constant 0 : i32
        %dma_start3A_115 = tpu.memref_slice %arg8[%dma_start3A_111, %dma_start3A_113, %dma_start3A_114] : memref<2x128x128xf32, #tpu.memory_space<vmem>> -> memref<1x128x128xf32, #tpu.memory_space<vmem>>
        %dma_start3A_116 = tpu.memref_squeeze %dma_start3A_115 : memref<1x128x128xf32, #tpu.memory_space<vmem>> -> memref<128x128xf32, #tpu.memory_space<vmem>>
        %dma_start3A_117 = arith.constant 0 : i32
        %dma_start3A_118 = tpu.memref_slice %arg7[%select_n3A_85, %dma_start3A_112, %dma_start3A_117] : memref<2x8x128xi32, #tpu.memory_space<vmem>> -> memref<1x1x128xi32, #tpu.memory_space<vmem>>
        %dma_start3A_119 = tpu.memref_squeeze %dma_start3A_118 : memref<1x1x128xi32, #tpu.memory_space<vmem>> -> memref<128xi32, #tpu.memory_space<vmem>>
        %dma_start3A_120 = arith.constant 0 : i32
        %dma_start3A_121 = arith.constant 0 : i32
        %dma_start3A_122 = tpu.memref_slice %arg9[%dma_start3A_120, %dma_start3A_121] : memref<10240x128xf32, #tpu.memory_space<vmem_shared>> -> memref<10240x128xf32, #tpu.memory_space<vmem_shared>>
        tpu.enqueue_indirect_dma source(%dma_start3A_116 : memref<128x128xf32, #tpu.memory_space<vmem>>) target(%dma_start3A_122 : memref<10240x128xf32, #tpu.memory_space<vmem_shared>>) offsets(%dma_start3A_119 : memref<128xi32, #tpu.memory_space<vmem>>) semaphore(%arg12 : memref<!tpu.dma_semaphore, #tpu.memory_space<semaphore_mem>>) {add = true}
        %dma_wait3A_123 = arith.constant 0 : i32
        %dma_wait3A_124 = arith.constant 0 : i32
        %dma_wait3A_125 = arith.constant 1 : i32
        %dma_wait3A_126 = arith.constant 0 : i32
        %dma_wait3A_127 = arith.constant 0 : i32
        %dma_wait3A_128 = tpu.memref_slice %arg8[%dma_wait3A_125, %dma_wait3A_126, %dma_wait3A_127] : memref<2x128x128xf32, #tpu.memory_space<vmem>> -> memref<1x128x128xf32, #tpu.memory_space<vmem>>
        %dma_wait3A_129 = tpu.memref_squeeze %dma_wait3A_128 : memref<1x128x128xf32, #tpu.memory_space<vmem>> -> memref<128x128xf32, #tpu.memory_space<vmem>>
        %dma_wait3A_130 = arith.constant 0 : i32
        %dma_wait3A_131 = tpu.memref_slice %arg6[%dma_wait3A_123, %dma_wait3A_124, %dma_wait3A_130] : memref<2x8x128xi32, #tpu.memory_space<vmem>> -> memref<1x1x128xi32, #tpu.memory_space<vmem>>
        %dma_wait3A_132 = tpu.memref_squeeze %dma_wait3A_131 : memref<1x1x128xi32, #tpu.memory_space<vmem>> -> memref<128xi32, #tpu.memory_space<vmem>>
        %dma_wait3A_133 = arith.constant 0 : i32
        %dma_wait3A_134 = arith.constant 0 : i32
        %dma_wait3A_135 = tpu.memref_slice %arg2[%dma_wait3A_133, %dma_wait3A_134] : memref<10240x128xf32, #tpu.memory_space<hbm>> -> memref<10240x128xf32, #tpu.memory_space<hbm>>
        tpu.wait_indirect_dma semaphore(%arg11 : memref<!tpu.dma_semaphore, #tpu.memory_space<semaphore_mem>>) src(%dma_wait3A_135 : memref<10240x128xf32, #tpu.memory_space<hbm>>) dst(%dma_wait3A_129 : memref<128x128xf32, #tpu.memory_space<vmem>>)
        %dma_start3A_136 = arith.constant 1 : i32
        %dma_start3A_137 = arith.constant 1 : i32
        %dma_start3A_138 = arith.constant 0 : i32
        %dma_start3A_139 = arith.constant 0 : i32
        %dma_start3A_140 = tpu.memref_slice %arg8[%dma_start3A_136, %dma_start3A_138, %dma_start3A_139] : memref<2x128x128xf32, #tpu.memory_space<vmem>> -> memref<1x128x128xf32, #tpu.memory_space<vmem>>
        %dma_start3A_141 = tpu.memref_squeeze %dma_start3A_140 : memref<1x128x128xf32, #tpu.memory_space<vmem>> -> memref<128x128xf32, #tpu.memory_space<vmem>>
        %dma_start3A_142 = arith.constant 0 : i32
        %dma_start3A_143 = tpu.memref_slice %arg7[%select_n3A_85, %dma_start3A_137, %dma_start3A_142] : memref<2x8x128xi32, #tpu.memory_space<vmem>> -> memref<1x1x128xi32, #tpu.memory_space<vmem>>
        %dma_start3A_144 = tpu.memref_squeeze %dma_start3A_143 : memref<1x1x128xi32, #tpu.memory_space<vmem>> -> memref<128xi32, #tpu.memory_space<vmem>>
        %dma_start3A_145 = arith.constant 0 : i32
        %dma_start3A_146 = arith.constant 0 : i32
        %dma_start3A_147 = tpu.memref_slice %arg9[%dma_start3A_145, %dma_start3A_146] : memref<10240x128xf32, #tpu.memory_space<vmem_shared>> -> memref<10240x128xf32, #tpu.memory_space<vmem_shared>>
        tpu.enqueue_indirect_dma source(%dma_start3A_141 : memref<128x128xf32, #tpu.memory_space<vmem>>) target(%dma_start3A_147 : memref<10240x128xf32, #tpu.memory_space<vmem_shared>>) offsets(%dma_start3A_144 : memref<128xi32, #tpu.memory_space<vmem>>) semaphore(%arg13 : memref<!tpu.dma_semaphore, #tpu.memory_space<semaphore_mem>>) {add = true}
        %dma_wait3A_148 = arith.constant 0 : i32
        %dma_wait3A_149 = arith.constant 0 : i32
        %dma_wait3A_150 = arith.constant 0 : i32
        %dma_wait3A_151 = arith.constant 0 : i32
        %dma_wait3A_152 = arith.constant 0 : i32
        %dma_wait3A_153 = tpu.memref_slice %arg8[%dma_wait3A_148, %dma_wait3A_151, %dma_wait3A_152] : memref<2x128x128xf32, #tpu.memory_space<vmem>> -> memref<1x128x128xf32, #tpu.memory_space<vmem>>
        %dma_wait3A_154 = tpu.memref_squeeze %dma_wait3A_153 : memref<1x128x128xf32, #tpu.memory_space<vmem>> -> memref<128x128xf32, #tpu.memory_space<vmem>>
        %dma_wait3A_155 = arith.constant 0 : i32
        %dma_wait3A_156 = tpu.memref_slice %arg7[%dma_wait3A_149, %dma_wait3A_150, %dma_wait3A_155] : memref<2x8x128xi32, #tpu.memory_space<vmem>> -> memref<1x1x128xi32, #tpu.memory_space<vmem>>
        %dma_wait3A_157 = tpu.memref_squeeze %dma_wait3A_156 : memref<1x1x128xi32, #tpu.memory_space<vmem>> -> memref<128xi32, #tpu.memory_space<vmem>>
        %dma_wait3A_158 = arith.constant 0 : i32
        %dma_wait3A_159 = arith.constant 0 : i32
        %dma_wait3A_160 = tpu.memref_slice %arg9[%dma_wait3A_158, %dma_wait3A_159] : memref<10240x128xf32, #tpu.memory_space<vmem_shared>> -> memref<10240x128xf32, #tpu.memory_space<vmem_shared>>
        tpu.wait_indirect_dma semaphore(%arg12 : memref<!tpu.dma_semaphore, #tpu.memory_space<semaphore_mem>>) src(%dma_wait3A_154 : memref<128x128xf32, #tpu.memory_space<vmem>>) dst(%dma_wait3A_160 : memref<10240x128xf32, #tpu.memory_space<vmem_shared>>)
        %dma_start3A_161 = arith.constant 2 : i32
        %dma_start3A_162 = arith.constant 0 : i32
        %dma_start3A_163 = arith.constant 0 : i32
        %dma_start3A_164 = arith.constant 0 : i32
        %dma_start3A_165 = tpu.memref_slice %arg8[%dma_start3A_162, %dma_start3A_163, %dma_start3A_164] : memref<2x128x128xf32, #tpu.memory_space<vmem>> -> memref<1x128x128xf32, #tpu.memory_space<vmem>>
        %dma_start3A_166 = tpu.memref_squeeze %dma_start3A_165 : memref<1x128x128xf32, #tpu.memory_space<vmem>> -> memref<128x128xf32, #tpu.memory_space<vmem>>
        %dma_start3A_167 = arith.constant 0 : i32
        %dma_start3A_168 = tpu.memref_slice %arg6[%select_n3A_85, %dma_start3A_161, %dma_start3A_167] : memref<2x8x128xi32, #tpu.memory_space<vmem>> -> memref<1x1x128xi32, #tpu.memory_space<vmem>>
        %dma_start3A_169 = tpu.memref_squeeze %dma_start3A_168 : memref<1x1x128xi32, #tpu.memory_space<vmem>> -> memref<128xi32, #tpu.memory_space<vmem>>
        %dma_start3A_170 = arith.constant 0 : i32
        %dma_start3A_171 = arith.constant 0 : i32
        %dma_start3A_172 = tpu.memref_slice %arg2[%dma_start3A_170, %dma_start3A_171] : memref<10240x128xf32, #tpu.memory_space<hbm>> -> memref<10240x128xf32, #tpu.memory_space<hbm>>
        tpu.enqueue_indirect_dma source(%dma_start3A_172 : memref<10240x128xf32, #tpu.memory_space<hbm>>) target(%dma_start3A_166 : memref<128x128xf32, #tpu.memory_space<vmem>>) offsets(%dma_start3A_169 : memref<128xi32, #tpu.memory_space<vmem>>) semaphore(%arg10 : memref<!tpu.dma_semaphore, #tpu.memory_space<semaphore_mem>>)
        %dma_wait3A_173 = arith.constant 1 : i32
        %dma_wait3A_174 = arith.constant 0 : i32
        %dma_wait3A_175 = arith.constant 0 : i32
        %dma_wait3A_176 = arith.constant 0 : i32
        %dma_wait3A_177 = arith.constant 0 : i32
        %dma_wait3A_178 = tpu.memref_slice %arg8[%dma_wait3A_173, %dma_wait3A_176, %dma_wait3A_177] : memref<2x128x128xf32, #tpu.memory_space<vmem>> -> memref<1x128x128xf32, #tpu.memory_space<vmem>>
        %dma_wait3A_179 = tpu.memref_squeeze %dma_wait3A_178 : memref<1x128x128xf32, #tpu.memory_space<vmem>> -> memref<128x128xf32, #tpu.memory_space<vmem>>
        %dma_wait3A_180 = arith.constant 0 : i32
        %dma_wait3A_181 = tpu.memref_slice %arg7[%dma_wait3A_174, %dma_wait3A_175, %dma_wait3A_180] : memref<2x8x128xi32, #tpu.memory_space<vmem>> -> memref<1x1x128xi32, #tpu.memory_space<vmem>>
        %dma_wait3A_182 = tpu.memref_squeeze %dma_wait3A_181 : memref<1x1x128xi32, #tpu.memory_space<vmem>> -> memref<128xi32, #tpu.memory_space<vmem>>
        %dma_wait3A_183 = arith.constant 0 : i32
        %dma_wait3A_184 = arith.constant 0 : i32
        %dma_wait3A_185 = tpu.memref_slice %arg9[%dma_wait3A_183, %dma_wait3A_184] : memref<10240x128xf32, #tpu.memory_space<vmem_shared>> -> memref<10240x128xf32, #tpu.memory_space<vmem_shared>>
        tpu.wait_indirect_dma semaphore(%arg13 : memref<!tpu.dma_semaphore, #tpu.memory_space<semaphore_mem>>) src(%dma_wait3A_179 : memref<128x128xf32, #tpu.memory_space<vmem>>) dst(%dma_wait3A_185 : memref<10240x128xf32, #tpu.memory_space<vmem_shared>>)
        %dma_start3A_186 = arith.constant 3 : i32
        %dma_start3A_187 = arith.constant 1 : i32
        %dma_start3A_188 = arith.constant 0 : i32
        %dma_start3A_189 = arith.constant 0 : i32
        %dma_start3A_190 = tpu.memref_slice %arg8[%dma_start3A_187, %dma_start3A_188, %dma_start3A_189] : memref<2x128x128xf32, #tpu.memory_space<vmem>> -> memref<1x128x128xf32, #tpu.memory_space<vmem>>
        %dma_start3A_191 = tpu.memref_squeeze %dma_start3A_190 : memref<1x128x128xf32, #tpu.memory_space<vmem>> -> memref<128x128xf32, #tpu.memory_space<vmem>>
        %dma_start3A_192 = arith.constant 0 : i32
        %dma_start3A_193 = tpu.memref_slice %arg6[%select_n3A_85, %dma_start3A_186, %dma_start3A_192] : memref<2x8x128xi32, #tpu.memory_space<vmem>> -> memref<1x1x128xi32, #tpu.memory_space<vmem>>
        %dma_start3A_194 = tpu.memref_squeeze %dma_start3A_193 : memref<1x1x128xi32, #tpu.memory_space<vmem>> -> memref<128xi32, #tpu.memory_space<vmem>>
        %dma_start3A_195 = arith.constant 0 : i32
        %dma_start3A_196 = arith.constant 0 : i32
        %dma_start3A_197 = tpu.memref_slice %arg2[%dma_start3A_195, %dma_start3A_196] : memref<10240x128xf32, #tpu.memory_space<hbm>> -> memref<10240x128xf32, #tpu.memory_space<hbm>>
        tpu.enqueue_indirect_dma source(%dma_start3A_197 : memref<10240x128xf32, #tpu.memory_space<hbm>>) target(%dma_start3A_191 : memref<128x128xf32, #tpu.memory_space<vmem>>) offsets(%dma_start3A_194 : memref<128xi32, #tpu.memory_space<vmem>>) semaphore(%arg11 : memref<!tpu.dma_semaphore, #tpu.memory_space<semaphore_mem>>)
        %dma_wait3A_198 = arith.constant 0 : i32
        %dma_wait3A_199 = arith.constant 0 : i32
        %dma_wait3A_200 = arith.constant 0 : i32
        %dma_wait3A_201 = arith.constant 0 : i32
        %dma_wait3A_202 = arith.constant 0 : i32
        %dma_wait3A_203 = tpu.memref_slice %arg8[%dma_wait3A_200, %dma_wait3A_201, %dma_wait3A_202] : memref<2x128x128xf32, #tpu.memory_space<vmem>> -> memref<1x128x128xf32, #tpu.memory_space<vmem>>
        %dma_wait3A_204 = tpu.memref_squeeze %dma_wait3A_203 : memref<1x128x128xf32, #tpu.memory_space<vmem>> -> memref<128x128xf32, #tpu.memory_space<vmem>>
        %dma_wait3A_205 = arith.constant 0 : i32
        %dma_wait3A_206 = tpu.memref_slice %arg6[%dma_wait3A_198, %dma_wait3A_199, %dma_wait3A_205] : memref<2x8x128xi32, #tpu.memory_space<vmem>> -> memref<1x1x128xi32, #tpu.memory_space<vmem>>
        %dma_wait3A_207 = tpu.memref_squeeze %dma_wait3A_206 : memref<1x1x128xi32, #tpu.memory_space<vmem>> -> memref<128xi32, #tpu.memory_space<vmem>>
        %dma_wait3A_208 = arith.constant 0 : i32
        %dma_wait3A_209 = arith.constant 0 : i32
        %dma_wait3A_210 = tpu.memref_slice %arg2[%dma_wait3A_208, %dma_wait3A_209] : memref<10240x128xf32, #tpu.memory_space<hbm>> -> memref<10240x128xf32, #tpu.memory_space<hbm>>
        tpu.wait_indirect_dma semaphore(%arg10 : memref<!tpu.dma_semaphore, #tpu.memory_space<semaphore_mem>>) src(%dma_wait3A_210 : memref<10240x128xf32, #tpu.memory_space<hbm>>) dst(%dma_wait3A_204 : memref<128x128xf32, #tpu.memory_space<vmem>>)
        %dma_start3A_211 = arith.constant 0 : i32
        %dma_start3A_212 = arith.constant 2 : i32
        %dma_start3A_213 = arith.constant 0 : i32
        %dma_start3A_214 = arith.constant 0 : i32
        %dma_start3A_215 = tpu.memref_slice %arg8[%dma_start3A_211, %dma_start3A_213, %dma_start3A_214] : memref<2x128x128xf32, #tpu.memory_space<vmem>> -> memref<1x128x128xf32, #tpu.memory_space<vmem>>
        %dma_start3A_216 = tpu.memref_squeeze %dma_start3A_215 : memref<1x128x128xf32, #tpu.memory_space<vmem>> -> memref<128x128xf32, #tpu.memory_space<vmem>>
        %dma_start3A_217 = arith.constant 0 : i32
        %dma_start3A_218 = tpu.memref_slice %arg7[%select_n3A_85, %dma_start3A_212, %dma_start3A_217] : memref<2x8x128xi32, #tpu.memory_space<vmem>> -> memref<1x1x128xi32, #tpu.memory_space<vmem>>
        %dma_start3A_219 = tpu.memref_squeeze %dma_start3A_218 : memref<1x1x128xi32, #tpu.memory_space<vmem>> -> memref<128xi32, #tpu.memory_space<vmem>>
        %dma_start3A_220 = arith.constant 0 : i32
        %dma_start3A_221 = arith.constant 0 : i32
        %dma_start3A_222 = tpu.memref_slice %arg9[%dma_start3A_220, %dma_start3A_221] : memref<10240x128xf32, #tpu.memory_space<vmem_shared>> -> memref<10240x128xf32, #tpu.memory_space<vmem_shared>>
        tpu.enqueue_indirect_dma source(%dma_start3A_216 : memref<128x128xf32, #tpu.memory_space<vmem>>) target(%dma_start3A_222 : memref<10240x128xf32, #tpu.memory_space<vmem_shared>>) offsets(%dma_start3A_219 : memref<128xi32, #tpu.memory_space<vmem>>) semaphore(%arg12 : memref<!tpu.dma_semaphore, #tpu.memory_space<semaphore_mem>>) {add = true}
        %dma_wait3A_223 = arith.constant 0 : i32
        %dma_wait3A_224 = arith.constant 0 : i32
        %dma_wait3A_225 = arith.constant 1 : i32
        %dma_wait3A_226 = arith.constant 0 : i32
        %dma_wait3A_227 = arith.constant 0 : i32
        %dma_wait3A_228 = tpu.memref_slice %arg8[%dma_wait3A_225, %dma_wait3A_226, %dma_wait3A_227] : memref<2x128x128xf32, #tpu.memory_space<vmem>> -> memref<1x128x128xf32, #tpu.memory_space<vmem>>
        %dma_wait3A_229 = tpu.memref_squeeze %dma_wait3A_228 : memref<1x128x128xf32, #tpu.memory_space<vmem>> -> memref<128x128xf32, #tpu.memory_space<vmem>>
        %dma_wait3A_230 = arith.constant 0 : i32
        %dma_wait3A_231 = tpu.memref_slice %arg6[%dma_wait3A_223, %dma_wait3A_224, %dma_wait3A_230] : memref<2x8x128xi32, #tpu.memory_space<vmem>> -> memref<1x1x128xi32, #tpu.memory_space<vmem>>
        %dma_wait3A_232 = tpu.memref_squeeze %dma_wait3A_231 : memref<1x1x128xi32, #tpu.memory_space<vmem>> -> memref<128xi32, #tpu.memory_space<vmem>>
        %dma_wait3A_233 = arith.constant 0 : i32
        %dma_wait3A_234 = arith.constant 0 : i32
        %dma_wait3A_235 = tpu.memref_slice %arg2[%dma_wait3A_233, %dma_wait3A_234] : memref<10240x128xf32, #tpu.memory_space<hbm>> -> memref<10240x128xf32, #tpu.memory_space<hbm>>
        tpu.wait_indirect_dma semaphore(%arg11 : memref<!tpu.dma_semaphore, #tpu.memory_space<semaphore_mem>>) src(%dma_wait3A_235 : memref<10240x128xf32, #tpu.memory_space<hbm>>) dst(%dma_wait3A_229 : memref<128x128xf32, #tpu.memory_space<vmem>>)
        %dma_start3A_236 = arith.constant 1 : i32
        %dma_start3A_237 = arith.constant 3 : i32
        %dma_start3A_238 = arith.constant 0 : i32
        %dma_start3A_239 = arith.constant 0 : i32
        %dma_start3A_240 = tpu.memref_slice %arg8[%dma_start3A_236, %dma_start3A_238, %dma_start3A_239] : memref<2x128x128xf32, #tpu.memory_space<vmem>> -> memref<1x128x128xf32, #tpu.memory_space<vmem>>
        %dma_start3A_241 = tpu.memref_squeeze %dma_start3A_240 : memref<1x128x128xf32, #tpu.memory_space<vmem>> -> memref<128x128xf32, #tpu.memory_space<vmem>>
        %dma_start3A_242 = arith.constant 0 : i32
        %dma_start3A_243 = tpu.memref_slice %arg7[%select_n3A_85, %dma_start3A_237, %dma_start3A_242] : memref<2x8x128xi32, #tpu.memory_space<vmem>> -> memref<1x1x128xi32, #tpu.memory_space<vmem>>
        %dma_start3A_244 = tpu.memref_squeeze %dma_start3A_243 : memref<1x1x128xi32, #tpu.memory_space<vmem>> -> memref<128xi32, #tpu.memory_space<vmem>>
        %dma_start3A_245 = arith.constant 0 : i32
        %dma_start3A_246 = arith.constant 0 : i32
        %dma_start3A_247 = tpu.memref_slice %arg9[%dma_start3A_245, %dma_start3A_246] : memref<10240x128xf32, #tpu.memory_space<vmem_shared>> -> memref<10240x128xf32, #tpu.memory_space<vmem_shared>>
        tpu.enqueue_indirect_dma source(%dma_start3A_241 : memref<128x128xf32, #tpu.memory_space<vmem>>) target(%dma_start3A_247 : memref<10240x128xf32, #tpu.memory_space<vmem_shared>>) offsets(%dma_start3A_244 : memref<128xi32, #tpu.memory_space<vmem>>) semaphore(%arg13 : memref<!tpu.dma_semaphore, #tpu.memory_space<semaphore_mem>>) {add = true}
        %dma_wait3A_248 = arith.constant 0 : i32
        %dma_wait3A_249 = arith.constant 0 : i32
        %dma_wait3A_250 = arith.constant 0 : i32
        %dma_wait3A_251 = arith.constant 0 : i32
        %dma_wait3A_252 = arith.constant 0 : i32
        %dma_wait3A_253 = tpu.memref_slice %arg8[%dma_wait3A_248, %dma_wait3A_251, %dma_wait3A_252] : memref<2x128x128xf32, #tpu.memory_space<vmem>> -> memref<1x128x128xf32, #tpu.memory_space<vmem>>
        %dma_wait3A_254 = tpu.memref_squeeze %dma_wait3A_253 : memref<1x128x128xf32, #tpu.memory_space<vmem>> -> memref<128x128xf32, #tpu.memory_space<vmem>>
        %dma_wait3A_255 = arith.constant 0 : i32
        %dma_wait3A_256 = tpu.memref_slice %arg7[%dma_wait3A_249, %dma_wait3A_250, %dma_wait3A_255] : memref<2x8x128xi32, #tpu.memory_space<vmem>> -> memref<1x1x128xi32, #tpu.memory_space<vmem>>
        %dma_wait3A_257 = tpu.memref_squeeze %dma_wait3A_256 : memref<1x1x128xi32, #tpu.memory_space<vmem>> -> memref<128xi32, #tpu.memory_space<vmem>>
        %dma_wait3A_258 = arith.constant 0 : i32
        %dma_wait3A_259 = arith.constant 0 : i32
        %dma_wait3A_260 = tpu.memref_slice %arg9[%dma_wait3A_258, %dma_wait3A_259] : memref<10240x128xf32, #tpu.memory_space<vmem_shared>> -> memref<10240x128xf32, #tpu.memory_space<vmem_shared>>
        tpu.wait_indirect_dma semaphore(%arg12 : memref<!tpu.dma_semaphore, #tpu.memory_space<semaphore_mem>>) src(%dma_wait3A_254 : memref<128x128xf32, #tpu.memory_space<vmem>>) dst(%dma_wait3A_260 : memref<10240x128xf32, #tpu.memory_space<vmem_shared>>)
        %dma_start3A_261 = arith.constant 4 : i32
        %dma_start3A_262 = arith.constant 0 : i32
        %dma_start3A_263 = arith.constant 0 : i32
        %dma_start3A_264 = arith.constant 0 : i32
        %dma_start3A_265 = tpu.memref_slice %arg8[%dma_start3A_262, %dma_start3A_263, %dma_start3A_264] : memref<2x128x128xf32, #tpu.memory_space<vmem>> -> memref<1x128x128xf32, #tpu.memory_space<vmem>>
        %dma_start3A_266 = tpu.memref_squeeze %dma_start3A_265 : memref<1x128x128xf32, #tpu.memory_space<vmem>> -> memref<128x128xf32, #tpu.memory_space<vmem>>
        %dma_start3A_267 = arith.constant 0 : i32
        %dma_start3A_268 = tpu.memref_slice %arg6[%select_n3A_85, %dma_start3A_261, %dma_start3A_267] : memref<2x8x128xi32, #tpu.memory_space<vmem>> -> memref<1x1x128xi32, #tpu.memory_space<vmem>>
        %dma_start3A_269 = tpu.memref_squeeze %dma_start3A_268 : memref<1x1x128xi32, #tpu.memory_space<vmem>> -> memref<128xi32, #tpu.memory_space<vmem>>
        %dma_start3A_270 = arith.constant 0 : i32
        %dma_start3A_271 = arith.constant 0 : i32
        %dma_start3A_272 = tpu.memref_slice %arg2[%dma_start3A_270, %dma_start3A_271] : memref<10240x128xf32, #tpu.memory_space<hbm>> -> memref<10240x128xf32, #tpu.memory_space<hbm>>
        tpu.enqueue_indirect_dma source(%dma_start3A_272 : memref<10240x128xf32, #tpu.memory_space<hbm>>) target(%dma_start3A_266 : memref<128x128xf32, #tpu.memory_space<vmem>>) offsets(%dma_start3A_269 : memref<128xi32, #tpu.memory_space<vmem>>) semaphore(%arg10 : memref<!tpu.dma_semaphore, #tpu.memory_space<semaphore_mem>>)
        %dma_wait3A_273 = arith.constant 1 : i32
        %dma_wait3A_274 = arith.constant 0 : i32
        %dma_wait3A_275 = arith.constant 0 : i32
        %dma_wait3A_276 = arith.constant 0 : i32
        %dma_wait3A_277 = arith.constant 0 : i32
        %dma_wait3A_278 = tpu.memref_slice %arg8[%dma_wait3A_273, %dma_wait3A_276, %dma_wait3A_277] : memref<2x128x128xf32, #tpu.memory_space<vmem>> -> memref<1x128x128xf32, #tpu.memory_space<vmem>>
        %dma_wait3A_279 = tpu.memref_squeeze %dma_wait3A_278 : memref<1x128x128xf32, #tpu.memory_space<vmem>> -> memref<128x128xf32, #tpu.memory_space<vmem>>
        %dma_wait3A_280 = arith.constant 0 : i32
        %dma_wait3A_281 = tpu.memref_slice %arg7[%dma_wait3A_274, %dma_wait3A_275, %dma_wait3A_280] : memref<2x8x128xi32, #tpu.memory_space<vmem>> -> memref<1x1x128xi32, #tpu.memory_space<vmem>>
        %dma_wait3A_282 = tpu.memref_squeeze %dma_wait3A_281 : memref<1x1x128xi32, #tpu.memory_space<vmem>> -> memref<128xi32, #tpu.memory_space<vmem>>
        %dma_wait3A_283 = arith.constant 0 : i32
        %dma_wait3A_284 = arith.constant 0 : i32
        %dma_wait3A_285 = tpu.memref_slice %arg9[%dma_wait3A_283, %dma_wait3A_284] : memref<10240x128xf32, #tpu.memory_space<vmem_shared>> -> memref<10240x128xf32, #tpu.memory_space<vmem_shared>>
        tpu.wait_indirect_dma semaphore(%arg13 : memref<!tpu.dma_semaphore, #tpu.memory_space<semaphore_mem>>) src(%dma_wait3A_279 : memref<128x128xf32, #tpu.memory_space<vmem>>) dst(%dma_wait3A_285 : memref<10240x128xf32, #tpu.memory_space<vmem_shared>>)
        %dma_start3A_286 = arith.constant 5 : i32
        %dma_start3A_287 = arith.constant 1 : i32
        %dma_start3A_288 = arith.constant 0 : i32
        %dma_start3A_289 = arith.constant 0 : i32
        %dma_start3A_290 = tpu.memref_slice %arg8[%dma_start3A_287, %dma_start3A_288, %dma_start3A_289] : memref<2x128x128xf32, #tpu.memory_space<vmem>> -> memref<1x128x128xf32, #tpu.memory_space<vmem>>
        %dma_start3A_291 = tpu.memref_squeeze %dma_start3A_290 : memref<1x128x128xf32, #tpu.memory_space<vmem>> -> memref<128x128xf32, #tpu.memory_space<vmem>>
        %dma_start3A_292 = arith.constant 0 : i32
        %dma_start3A_293 = tpu.memref_slice %arg6[%select_n3A_85, %dma_start3A_286, %dma_start3A_292] : memref<2x8x128xi32, #tpu.memory_space<vmem>> -> memref<1x1x128xi32, #tpu.memory_space<vmem>>
        %dma_start3A_294 = tpu.memref_squeeze %dma_start3A_293 : memref<1x1x128xi32, #tpu.memory_space<vmem>> -> memref<128xi32, #tpu.memory_space<vmem>>
        %dma_start3A_295 = arith.constant 0 : i32
        %dma_start3A_296 = arith.constant 0 : i32
        %dma_start3A_297 = tpu.memref_slice %arg2[%dma_start3A_295, %dma_start3A_296] : memref<10240x128xf32, #tpu.memory_space<hbm>> -> memref<10240x128xf32, #tpu.memory_space<hbm>>
        tpu.enqueue_indirect_dma source(%dma_start3A_297 : memref<10240x128xf32, #tpu.memory_space<hbm>>) target(%dma_start3A_291 : memref<128x128xf32, #tpu.memory_space<vmem>>) offsets(%dma_start3A_294 : memref<128xi32, #tpu.memory_space<vmem>>) semaphore(%arg11 : memref<!tpu.dma_semaphore, #tpu.memory_space<semaphore_mem>>)
        %dma_wait3A_298 = arith.constant 0 : i32
        %dma_wait3A_299 = arith.constant 0 : i32
        %dma_wait3A_300 = arith.constant 0 : i32
        %dma_wait3A_301 = arith.constant 0 : i32
        %dma_wait3A_302 = arith.constant 0 : i32
        %dma_wait3A_303 = tpu.memref_slice %arg8[%dma_wait3A_300, %dma_wait3A_301, %dma_wait3A_302] : memref<2x128x128xf32, #tpu.memory_space<vmem>> -> memref<1x128x128xf32, #tpu.memory_space<vmem>>
        %dma_wait3A_304 = tpu.memref_squeeze %dma_wait3A_303 : memref<1x128x128xf32, #tpu.memory_space<vmem>> -> memref<128x128xf32, #tpu.memory_space<vmem>>
        %dma_wait3A_305 = arith.constant 0 : i32
        %dma_wait3A_306 = tpu.memref_slice %arg6[%dma_wait3A_298, %dma_wait3A_299, %dma_wait3A_305] : memref<2x8x128xi32, #tpu.memory_space<vmem>> -> memref<1x1x128xi32, #tpu.memory_space<vmem>>
        %dma_wait3A_307 = tpu.memref_squeeze %dma_wait3A_306 : memref<1x1x128xi32, #tpu.memory_space<vmem>> -> memref<128xi32, #tpu.memory_space<vmem>>
        %dma_wait3A_308 = arith.constant 0 : i32
        %dma_wait3A_309 = arith.constant 0 : i32
        %dma_wait3A_310 = tpu.memref_slice %arg2[%dma_wait3A_308, %dma_wait3A_309] : memref<10240x128xf32, #tpu.memory_space<hbm>> -> memref<10240x128xf32, #tpu.memory_space<hbm>>
        tpu.wait_indirect_dma semaphore(%arg10 : memref<!tpu.dma_semaphore, #tpu.memory_space<semaphore_mem>>) src(%dma_wait3A_310 : memref<10240x128xf32, #tpu.memory_space<hbm>>) dst(%dma_wait3A_304 : memref<128x128xf32, #tpu.memory_space<vmem>>)
        %dma_start3A_311 = arith.constant 0 : i32
        %dma_start3A_312 = arith.constant 4 : i32
        %dma_start3A_313 = arith.constant 0 : i32
        %dma_start3A_314 = arith.constant 0 : i32
        %dma_start3A_315 = tpu.memref_slice %arg8[%dma_start3A_311, %dma_start3A_313, %dma_start3A_314] : memref<2x128x128xf32, #tpu.memory_space<vmem>> -> memref<1x128x128xf32, #tpu.memory_space<vmem>>
        %dma_start3A_316 = tpu.memref_squeeze %dma_start3A_315 : memref<1x128x128xf32, #tpu.memory_space<vmem>> -> memref<128x128xf32, #tpu.memory_space<vmem>>
        %dma_start3A_317 = arith.constant 0 : i32
        %dma_start3A_318 = tpu.memref_slice %arg7[%select_n3A_85, %dma_start3A_312, %dma_start3A_317] : memref<2x8x128xi32, #tpu.memory_space<vmem>> -> memref<1x1x128xi32, #tpu.memory_space<vmem>>
        %dma_start3A_319 = tpu.memref_squeeze %dma_start3A_318 : memref<1x1x128xi32, #tpu.memory_space<vmem>> -> memref<128xi32, #tpu.memory_space<vmem>>
        %dma_start3A_320 = arith.constant 0 : i32
        %dma_start3A_321 = arith.constant 0 : i32
        %dma_start3A_322 = tpu.memref_slice %arg9[%dma_start3A_320, %dma_start3A_321] : memref<10240x128xf32, #tpu.memory_space<vmem_shared>> -> memref<10240x128xf32, #tpu.memory_space<vmem_shared>>
        tpu.enqueue_indirect_dma source(%dma_start3A_316 : memref<128x128xf32, #tpu.memory_space<vmem>>) target(%dma_start3A_322 : memref<10240x128xf32, #tpu.memory_space<vmem_shared>>) offsets(%dma_start3A_319 : memref<128xi32, #tpu.memory_space<vmem>>) semaphore(%arg12 : memref<!tpu.dma_semaphore, #tpu.memory_space<semaphore_mem>>) {add = true}
        %dma_wait3A_323 = arith.constant 0 : i32
        %dma_wait3A_324 = arith.constant 0 : i32
        %dma_wait3A_325 = arith.constant 1 : i32
        %dma_wait3A_326 = arith.constant 0 : i32
        %dma_wait3A_327 = arith.constant 0 : i32
        %dma_wait3A_328 = tpu.memref_slice %arg8[%dma_wait3A_325, %dma_wait3A_326, %dma_wait3A_327] : memref<2x128x128xf32, #tpu.memory_space<vmem>> -> memref<1x128x128xf32, #tpu.memory_space<vmem>>
        %dma_wait3A_329 = tpu.memref_squeeze %dma_wait3A_328 : memref<1x128x128xf32, #tpu.memory_space<vmem>> -> memref<128x128xf32, #tpu.memory_space<vmem>>
        %dma_wait3A_330 = arith.constant 0 : i32
        %dma_wait3A_331 = tpu.memref_slice %arg6[%dma_wait3A_323, %dma_wait3A_324, %dma_wait3A_330] : memref<2x8x128xi32, #tpu.memory_space<vmem>> -> memref<1x1x128xi32, #tpu.memory_space<vmem>>
        %dma_wait3A_332 = tpu.memref_squeeze %dma_wait3A_331 : memref<1x1x128xi32, #tpu.memory_space<vmem>> -> memref<128xi32, #tpu.memory_space<vmem>>
        %dma_wait3A_333 = arith.constant 0 : i32
        %dma_wait3A_334 = arith.constant 0 : i32
        %dma_wait3A_335 = tpu.memref_slice %arg2[%dma_wait3A_333, %dma_wait3A_334] : memref<10240x128xf32, #tpu.memory_space<hbm>> -> memref<10240x128xf32, #tpu.memory_space<hbm>>
        tpu.wait_indirect_dma semaphore(%arg11 : memref<!tpu.dma_semaphore, #tpu.memory_space<semaphore_mem>>) src(%dma_wait3A_335 : memref<10240x128xf32, #tpu.memory_space<hbm>>) dst(%dma_wait3A_329 : memref<128x128xf32, #tpu.memory_space<vmem>>)
        %dma_start3A_336 = arith.constant 1 : i32
        %dma_start3A_337 = arith.constant 5 : i32
        %dma_start3A_338 = arith.constant 0 : i32
        %dma_start3A_339 = arith.constant 0 : i32
        %dma_start3A_340 = tpu.memref_slice %arg8[%dma_start3A_336, %dma_start3A_338, %dma_start3A_339] : memref<2x128x128xf32, #tpu.memory_space<vmem>> -> memref<1x128x128xf32, #tpu.memory_space<vmem>>
        %dma_start3A_341 = tpu.memref_squeeze %dma_start3A_340 : memref<1x128x128xf32, #tpu.memory_space<vmem>> -> memref<128x128xf32, #tpu.memory_space<vmem>>
        %dma_start3A_342 = arith.constant 0 : i32
        %dma_start3A_343 = tpu.memref_slice %arg7[%select_n3A_85, %dma_start3A_337, %dma_start3A_342] : memref<2x8x128xi32, #tpu.memory_space<vmem>> -> memref<1x1x128xi32, #tpu.memory_space<vmem>>
        %dma_start3A_344 = tpu.memref_squeeze %dma_start3A_343 : memref<1x1x128xi32, #tpu.memory_space<vmem>> -> memref<128xi32, #tpu.memory_space<vmem>>
        %dma_start3A_345 = arith.constant 0 : i32
        %dma_start3A_346 = arith.constant 0 : i32
        %dma_start3A_347 = tpu.memref_slice %arg9[%dma_start3A_345, %dma_start3A_346] : memref<10240x128xf32, #tpu.memory_space<vmem_shared>> -> memref<10240x128xf32, #tpu.memory_space<vmem_shared>>
        tpu.enqueue_indirect_dma source(%dma_start3A_341 : memref<128x128xf32, #tpu.memory_space<vmem>>) target(%dma_start3A_347 : memref<10240x128xf32, #tpu.memory_space<vmem_shared>>) offsets(%dma_start3A_344 : memref<128xi32, #tpu.memory_space<vmem>>) semaphore(%arg13 : memref<!tpu.dma_semaphore, #tpu.memory_space<semaphore_mem>>) {add = true}
        %dma_wait3A_348 = arith.constant 0 : i32
        %dma_wait3A_349 = arith.constant 0 : i32
        %dma_wait3A_350 = arith.constant 0 : i32
        %dma_wait3A_351 = arith.constant 0 : i32
        %dma_wait3A_352 = arith.constant 0 : i32
        %dma_wait3A_353 = tpu.memref_slice %arg8[%dma_wait3A_348, %dma_wait3A_351, %dma_wait3A_352] : memref<2x128x128xf32, #tpu.memory_space<vmem>> -> memref<1x128x128xf32, #tpu.memory_space<vmem>>
        %dma_wait3A_354 = tpu.memref_squeeze %dma_wait3A_353 : memref<1x128x128xf32, #tpu.memory_space<vmem>> -> memref<128x128xf32, #tpu.memory_space<vmem>>
        %dma_wait3A_355 = arith.constant 0 : i32
        %dma_wait3A_356 = tpu.memref_slice %arg7[%dma_wait3A_349, %dma_wait3A_350, %dma_wait3A_355] : memref<2x8x128xi32, #tpu.memory_space<vmem>> -> memref<1x1x128xi32, #tpu.memory_space<vmem>>
        %dma_wait3A_357 = tpu.memref_squeeze %dma_wait3A_356 : memref<1x1x128xi32, #tpu.memory_space<vmem>> -> memref<128xi32, #tpu.memory_space<vmem>>
        %dma_wait3A_358 = arith.constant 0 : i32
        %dma_wait3A_359 = arith.constant 0 : i32
        %dma_wait3A_360 = tpu.memref_slice %arg9[%dma_wait3A_358, %dma_wait3A_359] : memref<10240x128xf32, #tpu.memory_space<vmem_shared>> -> memref<10240x128xf32, #tpu.memory_space<vmem_shared>>
        tpu.wait_indirect_dma semaphore(%arg12 : memref<!tpu.dma_semaphore, #tpu.memory_space<semaphore_mem>>) src(%dma_wait3A_354 : memref<128x128xf32, #tpu.memory_space<vmem>>) dst(%dma_wait3A_360 : memref<10240x128xf32, #tpu.memory_space<vmem_shared>>)
        %dma_start3A_361 = arith.constant 6 : i32
        %dma_start3A_362 = arith.constant 0 : i32
        %dma_start3A_363 = arith.constant 0 : i32
        %dma_start3A_364 = arith.constant 0 : i32
        %dma_start3A_365 = tpu.memref_slice %arg8[%dma_start3A_362, %dma_start3A_363, %dma_start3A_364] : memref<2x128x128xf32, #tpu.memory_space<vmem>> -> memref<1x128x128xf32, #tpu.memory_space<vmem>>
        %dma_start3A_366 = tpu.memref_squeeze %dma_start3A_365 : memref<1x128x128xf32, #tpu.memory_space<vmem>> -> memref<128x128xf32, #tpu.memory_space<vmem>>
        %dma_start3A_367 = arith.constant 0 : i32
        %dma_start3A_368 = tpu.memref_slice %arg6[%select_n3A_85, %dma_start3A_361, %dma_start3A_367] : memref<2x8x128xi32, #tpu.memory_space<vmem>> -> memref<1x1x128xi32, #tpu.memory_space<vmem>>
        %dma_start3A_369 = tpu.memref_squeeze %dma_start3A_368 : memref<1x1x128xi32, #tpu.memory_space<vmem>> -> memref<128xi32, #tpu.memory_space<vmem>>
        %dma_start3A_370 = arith.constant 0 : i32
        %dma_start3A_371 = arith.constant 0 : i32
        %dma_start3A_372 = tpu.memref_slice %arg2[%dma_start3A_370, %dma_start3A_371] : memref<10240x128xf32, #tpu.memory_space<hbm>> -> memref<10240x128xf32, #tpu.memory_space<hbm>>
        tpu.enqueue_indirect_dma source(%dma_start3A_372 : memref<10240x128xf32, #tpu.memory_space<hbm>>) target(%dma_start3A_366 : memref<128x128xf32, #tpu.memory_space<vmem>>) offsets(%dma_start3A_369 : memref<128xi32, #tpu.memory_space<vmem>>) semaphore(%arg10 : memref<!tpu.dma_semaphore, #tpu.memory_space<semaphore_mem>>)
        %dma_wait3A_373 = arith.constant 1 : i32
        %dma_wait3A_374 = arith.constant 0 : i32
        %dma_wait3A_375 = arith.constant 0 : i32
        %dma_wait3A_376 = arith.constant 0 : i32
        %dma_wait3A_377 = arith.constant 0 : i32
        %dma_wait3A_378 = tpu.memref_slice %arg8[%dma_wait3A_373, %dma_wait3A_376, %dma_wait3A_377] : memref<2x128x128xf32, #tpu.memory_space<vmem>> -> memref<1x128x128xf32, #tpu.memory_space<vmem>>
        %dma_wait3A_379 = tpu.memref_squeeze %dma_wait3A_378 : memref<1x128x128xf32, #tpu.memory_space<vmem>> -> memref<128x128xf32, #tpu.memory_space<vmem>>
        %dma_wait3A_380 = arith.constant 0 : i32
        %dma_wait3A_381 = tpu.memref_slice %arg7[%dma_wait3A_374, %dma_wait3A_375, %dma_wait3A_380] : memref<2x8x128xi32, #tpu.memory_space<vmem>> -> memref<1x1x128xi32, #tpu.memory_space<vmem>>
        %dma_wait3A_382 = tpu.memref_squeeze %dma_wait3A_381 : memref<1x1x128xi32, #tpu.memory_space<vmem>> -> memref<128xi32, #tpu.memory_space<vmem>>
        %dma_wait3A_383 = arith.constant 0 : i32
        %dma_wait3A_384 = arith.constant 0 : i32
        %dma_wait3A_385 = tpu.memref_slice %arg9[%dma_wait3A_383, %dma_wait3A_384] : memref<10240x128xf32, #tpu.memory_space<vmem_shared>> -> memref<10240x128xf32, #tpu.memory_space<vmem_shared>>
        tpu.wait_indirect_dma semaphore(%arg13 : memref<!tpu.dma_semaphore, #tpu.memory_space<semaphore_mem>>) src(%dma_wait3A_379 : memref<128x128xf32, #tpu.memory_space<vmem>>) dst(%dma_wait3A_385 : memref<10240x128xf32, #tpu.memory_space<vmem_shared>>)
        %dma_start3A_386 = arith.constant 7 : i32
        %dma_start3A_387 = arith.constant 1 : i32
        %dma_start3A_388 = arith.constant 0 : i32
        %dma_start3A_389 = arith.constant 0 : i32
        %dma_start3A_390 = tpu.memref_slice %arg8[%dma_start3A_387, %dma_start3A_388, %dma_start3A_389] : memref<2x128x128xf32, #tpu.memory_space<vmem>> -> memref<1x128x128xf32, #tpu.memory_space<vmem>>
        %dma_start3A_391 = tpu.memref_squeeze %dma_start3A_390 : memref<1x128x128xf32, #tpu.memory_space<vmem>> -> memref<128x128xf32, #tpu.memory_space<vmem>>
        %dma_start3A_392 = arith.constant 0 : i32
        %dma_start3A_393 = tpu.memref_slice %arg6[%select_n3A_85, %dma_start3A_386, %dma_start3A_392] : memref<2x8x128xi32, #tpu.memory_space<vmem>> -> memref<1x1x128xi32, #tpu.memory_space<vmem>>
        %dma_start3A_394 = tpu.memref_squeeze %dma_start3A_393 : memref<1x1x128xi32, #tpu.memory_space<vmem>> -> memref<128xi32, #tpu.memory_space<vmem>>
        %dma_start3A_395 = arith.constant 0 : i32
        %dma_start3A_396 = arith.constant 0 : i32
        %dma_start3A_397 = tpu.memref_slice %arg2[%dma_start3A_395, %dma_start3A_396] : memref<10240x128xf32, #tpu.memory_space<hbm>> -> memref<10240x128xf32, #tpu.memory_space<hbm>>
        tpu.enqueue_indirect_dma source(%dma_start3A_397 : memref<10240x128xf32, #tpu.memory_space<hbm>>) target(%dma_start3A_391 : memref<128x128xf32, #tpu.memory_space<vmem>>) offsets(%dma_start3A_394 : memref<128xi32, #tpu.memory_space<vmem>>) semaphore(%arg11 : memref<!tpu.dma_semaphore, #tpu.memory_space<semaphore_mem>>)
        %dma_wait3A_398 = arith.constant 0 : i32
        %dma_wait3A_399 = arith.constant 0 : i32
        %dma_wait3A_400 = arith.constant 0 : i32
        %dma_wait3A_401 = arith.constant 0 : i32
        %dma_wait3A_402 = arith.constant 0 : i32
        %dma_wait3A_403 = tpu.memref_slice %arg8[%dma_wait3A_400, %dma_wait3A_401, %dma_wait3A_402] : memref<2x128x128xf32, #tpu.memory_space<vmem>> -> memref<1x128x128xf32, #tpu.memory_space<vmem>>
        %dma_wait3A_404 = tpu.memref_squeeze %dma_wait3A_403 : memref<1x128x128xf32, #tpu.memory_space<vmem>> -> memref<128x128xf32, #tpu.memory_space<vmem>>
        %dma_wait3A_405 = arith.constant 0 : i32
        %dma_wait3A_406 = tpu.memref_slice %arg6[%dma_wait3A_398, %dma_wait3A_399, %dma_wait3A_405] : memref<2x8x128xi32, #tpu.memory_space<vmem>> -> memref<1x1x128xi32, #tpu.memory_space<vmem>>
        %dma_wait3A_407 = tpu.memref_squeeze %dma_wait3A_406 : memref<1x1x128xi32, #tpu.memory_space<vmem>> -> memref<128xi32, #tpu.memory_space<vmem>>
        %dma_wait3A_408 = arith.constant 0 : i32
        %dma_wait3A_409 = arith.constant 0 : i32
        %dma_wait3A_410 = tpu.memref_slice %arg2[%dma_wait3A_408, %dma_wait3A_409] : memref<10240x128xf32, #tpu.memory_space<hbm>> -> memref<10240x128xf32, #tpu.memory_space<hbm>>
        tpu.wait_indirect_dma semaphore(%arg10 : memref<!tpu.dma_semaphore, #tpu.memory_space<semaphore_mem>>) src(%dma_wait3A_410 : memref<10240x128xf32, #tpu.memory_space<hbm>>) dst(%dma_wait3A_404 : memref<128x128xf32, #tpu.memory_space<vmem>>)
        %dma_start3A_411 = arith.constant 0 : i32
        %dma_start3A_412 = arith.constant 6 : i32
        %dma_start3A_413 = arith.constant 0 : i32
        %dma_start3A_414 = arith.constant 0 : i32
        %dma_start3A_415 = tpu.memref_slice %arg8[%dma_start3A_411, %dma_start3A_413, %dma_start3A_414] : memref<2x128x128xf32, #tpu.memory_space<vmem>> -> memref<1x128x128xf32, #tpu.memory_space<vmem>>
        %dma_start3A_416 = tpu.memref_squeeze %dma_start3A_415 : memref<1x128x128xf32, #tpu.memory_space<vmem>> -> memref<128x128xf32, #tpu.memory_space<vmem>>
        %dma_start3A_417 = arith.constant 0 : i32
        %dma_start3A_418 = tpu.memref_slice %arg7[%select_n3A_85, %dma_start3A_412, %dma_start3A_417] : memref<2x8x128xi32, #tpu.memory_space<vmem>> -> memref<1x1x128xi32, #tpu.memory_space<vmem>>
        %dma_start3A_419 = tpu.memref_squeeze %dma_start3A_418 : memref<1x1x128xi32, #tpu.memory_space<vmem>> -> memref<128xi32, #tpu.memory_space<vmem>>
        %dma_start3A_420 = arith.constant 0 : i32
        %dma_start3A_421 = arith.constant 0 : i32
        %dma_start3A_422 = tpu.memref_slice %arg9[%dma_start3A_420, %dma_start3A_421] : memref<10240x128xf32, #tpu.memory_space<vmem_shared>> -> memref<10240x128xf32, #tpu.memory_space<vmem_shared>>
        tpu.enqueue_indirect_dma source(%dma_start3A_416 : memref<128x128xf32, #tpu.memory_space<vmem>>) target(%dma_start3A_422 : memref<10240x128xf32, #tpu.memory_space<vmem_shared>>) offsets(%dma_start3A_419 : memref<128xi32, #tpu.memory_space<vmem>>) semaphore(%arg12 : memref<!tpu.dma_semaphore, #tpu.memory_space<semaphore_mem>>) {add = true}
        %dma_wait3A_423 = arith.constant 0 : i32
        %dma_wait3A_424 = arith.constant 0 : i32
        %dma_wait3A_425 = arith.constant 1 : i32
        %dma_wait3A_426 = arith.constant 0 : i32
        %dma_wait3A_427 = arith.constant 0 : i32
        %dma_wait3A_428 = tpu.memref_slice %arg8[%dma_wait3A_425, %dma_wait3A_426, %dma_wait3A_427] : memref<2x128x128xf32, #tpu.memory_space<vmem>> -> memref<1x128x128xf32, #tpu.memory_space<vmem>>
        %dma_wait3A_429 = tpu.memref_squeeze %dma_wait3A_428 : memref<1x128x128xf32, #tpu.memory_space<vmem>> -> memref<128x128xf32, #tpu.memory_space<vmem>>
        %dma_wait3A_430 = arith.constant 0 : i32
        %dma_wait3A_431 = tpu.memref_slice %arg6[%dma_wait3A_423, %dma_wait3A_424, %dma_wait3A_430] : memref<2x8x128xi32, #tpu.memory_space<vmem>> -> memref<1x1x128xi32, #tpu.memory_space<vmem>>
        %dma_wait3A_432 = tpu.memref_squeeze %dma_wait3A_431 : memref<1x1x128xi32, #tpu.memory_space<vmem>> -> memref<128xi32, #tpu.memory_space<vmem>>
        %dma_wait3A_433 = arith.constant 0 : i32
        %dma_wait3A_434 = arith.constant 0 : i32
        %dma_wait3A_435 = tpu.memref_slice %arg2[%dma_wait3A_433, %dma_wait3A_434] : memref<10240x128xf32, #tpu.memory_space<hbm>> -> memref<10240x128xf32, #tpu.memory_space<hbm>>
        tpu.wait_indirect_dma semaphore(%arg11 : memref<!tpu.dma_semaphore, #tpu.memory_space<semaphore_mem>>) src(%dma_wait3A_435 : memref<10240x128xf32, #tpu.memory_space<hbm>>) dst(%dma_wait3A_429 : memref<128x128xf32, #tpu.memory_space<vmem>>)
        %dma_start3A_436 = arith.constant 1 : i32
        %dma_start3A_437 = arith.constant 7 : i32
        %dma_start3A_438 = arith.constant 0 : i32
        %dma_start3A_439 = arith.constant 0 : i32
        %dma_start3A_440 = tpu.memref_slice %arg8[%dma_start3A_436, %dma_start3A_438, %dma_start3A_439] : memref<2x128x128xf32, #tpu.memory_space<vmem>> -> memref<1x128x128xf32, #tpu.memory_space<vmem>>
        %dma_start3A_441 = tpu.memref_squeeze %dma_start3A_440 : memref<1x128x128xf32, #tpu.memory_space<vmem>> -> memref<128x128xf32, #tpu.memory_space<vmem>>
        %dma_start3A_442 = arith.constant 0 : i32
        %dma_start3A_443 = tpu.memref_slice %arg7[%select_n3A_85, %dma_start3A_437, %dma_start3A_442] : memref<2x8x128xi32, #tpu.memory_space<vmem>> -> memref<1x1x128xi32, #tpu.memory_space<vmem>>
        %dma_start3A_444 = tpu.memref_squeeze %dma_start3A_443 : memref<1x1x128xi32, #tpu.memory_space<vmem>> -> memref<128xi32, #tpu.memory_space<vmem>>
        %dma_start3A_445 = arith.constant 0 : i32
        %dma_start3A_446 = arith.constant 0 : i32
        %dma_start3A_447 = tpu.memref_slice %arg9[%dma_start3A_445, %dma_start3A_446] : memref<10240x128xf32, #tpu.memory_space<vmem_shared>> -> memref<10240x128xf32, #tpu.memory_space<vmem_shared>>
        tpu.enqueue_indirect_dma source(%dma_start3A_441 : memref<128x128xf32, #tpu.memory_space<vmem>>) target(%dma_start3A_447 : memref<10240x128xf32, #tpu.memory_space<vmem_shared>>) offsets(%dma_start3A_444 : memref<128xi32, #tpu.memory_space<vmem>>) semaphore(%arg13 : memref<!tpu.dma_semaphore, #tpu.memory_space<semaphore_mem>>) {add = true}
        %dma_wait3A_448 = arith.constant 0 : i32
        %dma_wait3A_449 = arith.constant 0 : i32
        %dma_wait3A_450 = arith.constant 0 : i32
        %dma_wait3A_451 = arith.constant 0 : i32
        %dma_wait3A_452 = arith.constant 0 : i32
        %dma_wait3A_453 = tpu.memref_slice %arg8[%dma_wait3A_448, %dma_wait3A_451, %dma_wait3A_452] : memref<2x128x128xf32, #tpu.memory_space<vmem>> -> memref<1x128x128xf32, #tpu.memory_space<vmem>>
        %dma_wait3A_454 = tpu.memref_squeeze %dma_wait3A_453 : memref<1x128x128xf32, #tpu.memory_space<vmem>> -> memref<128x128xf32, #tpu.memory_space<vmem>>
        %dma_wait3A_455 = arith.constant 0 : i32
        %dma_wait3A_456 = tpu.memref_slice %arg7[%dma_wait3A_449, %dma_wait3A_450, %dma_wait3A_455] : memref<2x8x128xi32, #tpu.memory_space<vmem>> -> memref<1x1x128xi32, #tpu.memory_space<vmem>>
        %dma_wait3A_457 = tpu.memref_squeeze %dma_wait3A_456 : memref<1x1x128xi32, #tpu.memory_space<vmem>> -> memref<128xi32, #tpu.memory_space<vmem>>
        %dma_wait3A_458 = arith.constant 0 : i32
        %dma_wait3A_459 = arith.constant 0 : i32
        %dma_wait3A_460 = tpu.memref_slice %arg9[%dma_wait3A_458, %dma_wait3A_459] : memref<10240x128xf32, #tpu.memory_space<vmem_shared>> -> memref<10240x128xf32, #tpu.memory_space<vmem_shared>>
        tpu.wait_indirect_dma semaphore(%arg12 : memref<!tpu.dma_semaphore, #tpu.memory_space<semaphore_mem>>) src(%dma_wait3A_454 : memref<128x128xf32, #tpu.memory_space<vmem>>) dst(%dma_wait3A_460 : memref<10240x128xf32, #tpu.memory_space<vmem_shared>>)
        %convert_element_type3A_461 = arith.extui %lt3A_90 : i1 to i32
        %cond3A_462 = arith.constant 0 : i32
        %cond3A_463 = arith.cmpi ne, %convert_element_type3A_461, %cond3A_462 : i32
        scf.if %cond3A_463 {
          %dma_wait3A_480 = arith.constant 0 : i32
          %dma_wait3A_481 = arith.constant 0 : i32
          %dma_wait3A_482 = tpu.memref_slice %arg6[%sub3A_87, %dma_wait3A_480, %dma_wait3A_481] : memref<2x8x128xi32, #tpu.memory_space<vmem>> -> memref<1x8x128xi32, #tpu.memory_space<vmem>>
          %dma_wait3A_483 = tpu.memref_squeeze %dma_wait3A_482 : memref<1x8x128xi32, #tpu.memory_space<vmem>> -> memref<8x128xi32, #tpu.memory_space<vmem>>
          %dma_wait3A_484 = arith.constant 0 : i32
          %dma_wait3A_485 = tpu.memref_slice %arg3[%add3A_95, %dma_wait3A_484] : memref<2560x128xi32, #tpu.memory_space<hbm>> -> memref<8x128xi32, #tpu.memory_space<hbm>>
          %dma_wait3A_486 = arith.constant 0 : i32
          %dma_wait3A_487 = arith.constant 0 : i32
          %dma_wait3A_488 = tpu.memref_slice %arg6[%sub3A_87, %dma_wait3A_486, %dma_wait3A_487] : memref<2x8x128xi32, #tpu.memory_space<vmem>> -> memref<1x8x128xi32, #tpu.memory_space<vmem>>
          %dma_wait3A_489 = tpu.memref_squeeze %dma_wait3A_488 : memref<1x8x128xi32, #tpu.memory_space<vmem>> -> memref<8x128xi32, #tpu.memory_space<vmem>>
          %dma_wait3A_490 = arith.constant 0 : i32
          %dma_wait3A_491 = tpu.memref_slice %arg3[%add3A_95, %dma_wait3A_490] : memref<2560x128xi32, #tpu.memory_space<hbm>> -> memref<8x128xi32, #tpu.memory_space<hbm>>
          tpu.wait_dma2 semaphore(%arg14 : memref<!tpu.dma_semaphore, #tpu.memory_space<semaphore_mem>>) src(%dma_wait3A_491 : memref<8x128xi32, #tpu.memory_space<hbm>>) dst(%dma_wait3A_489 : memref<8x128xi32, #tpu.memory_space<vmem>>)
          %dma_wait3A_492 = arith.constant 0 : i32
          %dma_wait3A_493 = arith.constant 0 : i32
          %dma_wait3A_494 = tpu.memref_slice %arg7[%sub3A_87, %dma_wait3A_492, %dma_wait3A_493] : memref<2x8x128xi32, #tpu.memory_space<vmem>> -> memref<1x8x128xi32, #tpu.memory_space<vmem>>
          %dma_wait3A_495 = tpu.memref_squeeze %dma_wait3A_494 : memref<1x8x128xi32, #tpu.memory_space<vmem>> -> memref<8x128xi32, #tpu.memory_space<vmem>>
          %dma_wait3A_496 = arith.constant 0 : i32
          %dma_wait3A_497 = tpu.memref_slice %arg4[%add3A_95, %dma_wait3A_496] : memref<2560x128xi32, #tpu.memory_space<hbm>> -> memref<8x128xi32, #tpu.memory_space<hbm>>
          %dma_wait3A_498 = arith.constant 0 : i32
          %dma_wait3A_499 = arith.constant 0 : i32
          %dma_wait3A_500 = tpu.memref_slice %arg7[%sub3A_87, %dma_wait3A_498, %dma_wait3A_499] : memref<2x8x128xi32, #tpu.memory_space<vmem>> -> memref<1x8x128xi32, #tpu.memory_space<vmem>>
          %dma_wait3A_501 = tpu.memref_squeeze %dma_wait3A_500 : memref<1x8x128xi32, #tpu.memory_space<vmem>> -> memref<8x128xi32, #tpu.memory_space<vmem>>
          %dma_wait3A_502 = arith.constant 0 : i32
          %dma_wait3A_503 = tpu.memref_slice %arg4[%add3A_95, %dma_wait3A_502] : memref<2560x128xi32, #tpu.memory_space<hbm>> -> memref<8x128xi32, #tpu.memory_space<hbm>>
          tpu.wait_dma2 semaphore(%arg15 : memref<!tpu.dma_semaphore, #tpu.memory_space<semaphore_mem>>) src(%dma_wait3A_503 : memref<8x128xi32, #tpu.memory_space<hbm>>) dst(%dma_wait3A_501 : memref<8x128xi32, #tpu.memory_space<vmem>>)
          %dma_start3A_504 = arith.constant 0 : i32
          %dma_start3A_505 = arith.constant 0 : i32
          %dma_start3A_506 = arith.constant 0 : i32
          %dma_start3A_507 = arith.constant 0 : i32
          %dma_start3A_508 = tpu.memref_slice %arg8[%dma_start3A_505, %dma_start3A_506, %dma_start3A_507] : memref<2x128x128xf32, #tpu.memory_space<vmem>> -> memref<1x128x128xf32, #tpu.memory_space<vmem>>
          %dma_start3A_509 = tpu.memref_squeeze %dma_start3A_508 : memref<1x128x128xf32, #tpu.memory_space<vmem>> -> memref<128x128xf32, #tpu.memory_space<vmem>>
          %dma_start3A_510 = arith.constant 0 : i32
          %dma_start3A_511 = tpu.memref_slice %arg6[%sub3A_87, %dma_start3A_504, %dma_start3A_510] : memref<2x8x128xi32, #tpu.memory_space<vmem>> -> memref<1x1x128xi32, #tpu.memory_space<vmem>>
          %dma_start3A_512 = tpu.memref_squeeze %dma_start3A_511 : memref<1x1x128xi32, #tpu.memory_space<vmem>> -> memref<128xi32, #tpu.memory_space<vmem>>
          %dma_start3A_513 = arith.constant 0 : i32
          %dma_start3A_514 = arith.constant 0 : i32
          %dma_start3A_515 = tpu.memref_slice %arg2[%dma_start3A_513, %dma_start3A_514] : memref<10240x128xf32, #tpu.memory_space<hbm>> -> memref<10240x128xf32, #tpu.memory_space<hbm>>
          tpu.enqueue_indirect_dma source(%dma_start3A_515 : memref<10240x128xf32, #tpu.memory_space<hbm>>) target(%dma_start3A_509 : memref<128x128xf32, #tpu.memory_space<vmem>>) offsets(%dma_start3A_512 : memref<128xi32, #tpu.memory_space<vmem>>) semaphore(%arg10 : memref<!tpu.dma_semaphore, #tpu.memory_space<semaphore_mem>>)
        } else {
        }
        %dma_wait3A_464 = arith.constant 1 : i32
        %dma_wait3A_465 = arith.constant 0 : i32
        %dma_wait3A_466 = arith.constant 0 : i32
        %dma_wait3A_467 = arith.constant 0 : i32
        %dma_wait3A_468 = arith.constant 0 : i32
        %dma_wait3A_469 = tpu.memref_slice %arg8[%dma_wait3A_464, %dma_wait3A_467, %dma_wait3A_468] : memref<2x128x128xf32, #tpu.memory_space<vmem>> -> memref<1x128x128xf32, #tpu.memory_space<vmem>>
        %dma_wait3A_470 = tpu.memref_squeeze %dma_wait3A_469 : memref<1x128x128xf32, #tpu.memory_space<vmem>> -> memref<128x128xf32, #tpu.memory_space<vmem>>
        %dma_wait3A_471 = arith.constant 0 : i32
        %dma_wait3A_472 = tpu.memref_slice %arg7[%dma_wait3A_465, %dma_wait3A_466, %dma_wait3A_471] : memref<2x8x128xi32, #tpu.memory_space<vmem>> -> memref<1x1x128xi32, #tpu.memory_space<vmem>>
        %dma_wait3A_473 = tpu.memref_squeeze %dma_wait3A_472 : memref<1x1x128xi32, #tpu.memory_space<vmem>> -> memref<128xi32, #tpu.memory_space<vmem>>
        %dma_wait3A_474 = arith.constant 0 : i32
        %dma_wait3A_475 = arith.constant 0 : i32
        %dma_wait3A_476 = tpu.memref_slice %arg9[%dma_wait3A_474, %dma_wait3A_475] : memref<10240x128xf32, #tpu.memory_space<vmem_shared>> -> memref<10240x128xf32, #tpu.memory_space<vmem_shared>>
        tpu.wait_indirect_dma semaphore(%arg13 : memref<!tpu.dma_semaphore, #tpu.memory_space<semaphore_mem>>) src(%dma_wait3A_470 : memref<128x128xf32, #tpu.memory_space<vmem>>) dst(%dma_wait3A_476 : memref<10240x128xf32, #tpu.memory_space<vmem_shared>>)
        %convert_element_type3A_477 = arith.extui %lt3A_90 : i1 to i32
        %cond3A_478 = arith.constant 0 : i32
        %cond3A_479 = arith.cmpi ne, %convert_element_type3A_477, %cond3A_478 : i32
        scf.if %cond3A_479 {
          %dma_start3A_480 = arith.constant 1 : i32
          %dma_start3A_481 = arith.constant 1 : i32
          %dma_start3A_482 = arith.constant 0 : i32
          %dma_start3A_483 = arith.constant 0 : i32
          %dma_start3A_484 = tpu.memref_slice %arg8[%dma_start3A_481, %dma_start3A_482, %dma_start3A_483] : memref<2x128x128xf32, #tpu.memory_space<vmem>> -> memref<1x128x128xf32, #tpu.memory_space<vmem>>
          %dma_start3A_485 = tpu.memref_squeeze %dma_start3A_484 : memref<1x128x128xf32, #tpu.memory_space<vmem>> -> memref<128x128xf32, #tpu.memory_space<vmem>>
          %dma_start3A_486 = arith.constant 0 : i32
          %dma_start3A_487 = tpu.memref_slice %arg6[%sub3A_87, %dma_start3A_480, %dma_start3A_486] : memref<2x8x128xi32, #tpu.memory_space<vmem>> -> memref<1x1x128xi32, #tpu.memory_space<vmem>>
          %dma_start3A_488 = tpu.memref_squeeze %dma_start3A_487 : memref<1x1x128xi32, #tpu.memory_space<vmem>> -> memref<128xi32, #tpu.memory_space<vmem>>
          %dma_start3A_489 = arith.constant 0 : i32
          %dma_start3A_490 = arith.constant 0 : i32
          %dma_start3A_491 = tpu.memref_slice %arg2[%dma_start3A_489, %dma_start3A_490] : memref<10240x128xf32, #tpu.memory_space<hbm>> -> memref<10240x128xf32, #tpu.memory_space<hbm>>
          tpu.enqueue_indirect_dma source(%dma_start3A_491 : memref<10240x128xf32, #tpu.memory_space<hbm>>) target(%dma_start3A_485 : memref<128x128xf32, #tpu.memory_space<vmem>>) offsets(%dma_start3A_488 : memref<128xi32, #tpu.memory_space<vmem>>) semaphore(%arg11 : memref<!tpu.dma_semaphore, #tpu.memory_space<semaphore_mem>>)
        } else {
        }
      }
      %barrier3A_62 = arith.constant 0 : index
      tpu.barrier barrier_id(%barrier3A_62)
      %mul3A_63 = arith.constant 640 : i32
      %mul3A_64 = arith.muli %arg1, %mul3A_63 : i32
      %mul3A_65 = arith.constant 10240 : i32
      %mul3A_66 = arith.muli %arg0, %mul3A_65 : i32
      %mul3A_67 = arith.constant 640 : i32
      %mul3A_68 = arith.muli %arg1, %mul3A_67 : i32
      %add3A_69 = arith.addi %mul3A_66, %mul3A_68 : i32
      "tpu.region"() ({
        %run_scoped3A_70 = tpu.sem_alloc : memref<!tpu.dma_semaphore, #tpu.memory_space<semaphore_mem>>
        %dma_start3A_71 = arith.constant 0 : i32
        %dma_start3A_72 = tpu.memref_slice %arg5[%add3A_69, %dma_start3A_71] : memref<20480x128xf32, #tpu.memory_space<hbm>> -> memref<640x128xf32, #tpu.memory_space<hbm>>
        %dma_start3A_73 = arith.constant 0 : i32
        %dma_start3A_74 = tpu.memref_slice %arg9[%mul3A_64, %dma_start3A_73] : memref<10240x128xf32, #tpu.memory_space<vmem_shared>> -> memref<640x128xf32, #tpu.memory_space<vmem_shared>>
        tpu.enqueue_dma source(%dma_start3A_74 : memref<640x128xf32, #tpu.memory_space<vmem_shared>>) target(%dma_start3A_72 : memref<640x128xf32, #tpu.memory_space<hbm>>) target_semaphore(%run_scoped3A_70 : memref<!tpu.dma_semaphore, #tpu.memory_space<semaphore_mem>>)
        %dma_wait3A = arith.constant 0 : i32
        %dma_wait3A_75 = tpu.memref_slice %arg5[%add3A_69, %dma_wait3A] : memref<20480x128xf32, #tpu.memory_space<hbm>> -> memref<640x128xf32, #tpu.memory_space<hbm>>
        %dma_wait3A_76 = arith.constant 0 : i32
        %dma_wait3A_77 = tpu.memref_slice %arg9[%mul3A_64, %dma_wait3A_76] : memref<10240x128xf32, #tpu.memory_space<vmem_shared>> -> memref<640x128xf32, #tpu.memory_space<vmem_shared>>
        tpu.wait_dma2 semaphore(%run_scoped3A_70 : memref<!tpu.dma_semaphore, #tpu.memory_space<semaphore_mem>>) src(%dma_wait3A_77 : memref<640x128xf32, #tpu.memory_space<vmem_shared>>) dst(%dma_wait3A_75 : memref<640x128xf32, #tpu.memory_space<hbm>>)
        tpu.yield
      }) : () -> ()
    } else {
    }
    return
  }
}

module attributes {stable_mosaic.version = 14 : i64} {
  func.func @_prep_body(%arg0: memref<20480x16xf32, #tpu.memory_space<vmem>>, %arg1: memref<10000x128xf32, #tpu.memory_space<vmem>>, %arg2: memref<10240x128xf32, #tpu.memory_space<vmem>>, %arg3: memref<10240x1xf32, #tpu.memory_space<vmem>>, %arg4: memref<10240x1xf32, #tpu.memory_space<vmem>>) attributes {dimension_semantics = [], scalar_prefetch = 0 : i64, scratch_operands = 0 : i64, tpu.core_type = #tpu.core_type<tc>} {
    %get3A = arith.constant 0 : index
    %get3A_0 = arith.constant 0 : index
    %get3A_1 = vector.load %arg0[%get3A, %get3A_0] : memref<20480x16xf32, #tpu.memory_space<vmem>>, vector<10240x16xf32>
    %get3A_2 = arith.constant 10240 : index
    %get3A_3 = arith.constant 0 : index
    %get3A_4 = vector.load %arg0[%get3A_2, %get3A_3] : memref<20480x16xf32, #tpu.memory_space<vmem>>, vector<10240x16xf32>
    %add3A = arith.addf %get3A_1, %get3A_4 : vector<10240x16xf32>
    %slice3A = vector.extract_strided_slice %add3A {offsets = [0, 0], sizes = [10240, 1], strides = [1, 1]} : vector<10240x16xf32> to vector<10240x1xf32>
    %gt3A = arith.constant 0.000000e+00 : f32
    %gt3A_5 = vector.broadcast %gt3A : f32 to vector<10240x1xf32>
    %gt3A_6 = arith.cmpf ogt, %slice3A, %gt3A_5 : vector<10240x1xf32>
    %max3A = arith.constant 9.99999996E-13 : f32
    %max3A_7 = vector.broadcast %max3A : f32 to vector<10240x1xf32>
    %max3A_8 = arith.maximumf %slice3A, %max3A_7 : vector<10240x1xf32>
    %rsqrt3A = math.rsqrt %max3A_8 : vector<10240x1xf32>
    %jit3A = arith.constant 0.000000e+00 : f32
    %broadcast_in_dim3A = vector.broadcast %jit3A : f32 to vector<10240x1xf32>
    %select_n3A = arith.select %gt3A_6, %rsqrt3A, %broadcast_in_dim3A : vector<10240x1xi1>, vector<10240x1xf32>
    %swap3A = arith.constant 0 : index
    %swap3A_9 = arith.constant 0 : index
    %swap3A_10 = vector.load %arg3[%swap3A, %swap3A_9] : memref<10240x1xf32, #tpu.memory_space<vmem>>, vector<10240x1xf32>
    tpu.vector_store %arg3[%swap3A, %swap3A_9], %select_n3A {strides = array<i32>} : memref<10240x1xf32, #tpu.memory_space<vmem>>, vector<10240x1xf32>,
    %max3A_11 = arith.constant 1.000000e+00 : f32
    %max3A_12 = vector.broadcast %max3A_11 : f32 to vector<10240x1xf32>
    %max3A_13 = arith.maximumf %slice3A, %max3A_12 : vector<10240x1xf32>
    %div3A = arith.constant 1.000000e+00 : f32
    %div3A_14 = vector.broadcast %div3A : f32 to vector<10240x1xf32>
    %div3A_15 = arith.divf %div3A_14, %max3A_13 : vector<10240x1xf32>
    %swap3A_16 = arith.constant 0 : index
    %swap3A_17 = arith.constant 0 : index
    %swap3A_18 = vector.load %arg4[%swap3A_16, %swap3A_17] : memref<10240x1xf32, #tpu.memory_space<vmem>>, vector<10240x1xf32>
    tpu.vector_store %arg4[%swap3A_16, %swap3A_17], %div3A_15 {strides = array<i32>} : memref<10240x1xf32, #tpu.memory_space<vmem>>, vector<10240x1xf32>,
    %get3A_19 = arith.constant 0 : index
    %get3A_20 = arith.constant 0 : index
    %get3A_21 = vector.load %arg1[%get3A_19, %get3A_20] : memref<10000x128xf32, #tpu.memory_space<vmem>>, vector<10000x128xf32>
    %slice3A_22 = vector.extract_strided_slice %select_n3A {offsets = [0, 0], sizes = [10000, 1], strides = [1, 1]} : vector<10240x1xf32> to vector<10000x1xf32>
    %mul3A = vector.broadcast %slice3A_22 : vector<10000x1xf32> to vector<10000x128xf32>
    %mul3A_23 = arith.mulf %get3A_21, %mul3A : vector<10000x128xf32>
    %swap3A_24 = arith.constant 0 : index
    %swap3A_25 = arith.constant 0 : index
    %swap3A_26 = vector.load %arg2[%swap3A_24, %swap3A_25] : memref<10240x128xf32, #tpu.memory_space<vmem>>, vector<10000x128xf32>
    tpu.vector_store %arg2[%swap3A_24, %swap3A_25], %mul3A_23 {strides = array<i32>} : memref<10240x128xf32, #tpu.memory_space<vmem>>, vector<10000x128xf32>,
    %broadcast_in_dim3A_27 = arith.constant 0.000000e+00 : f32
    %broadcast_in_dim3A_28 = vector.broadcast %broadcast_in_dim3A_27 : f32 to vector<240x128xf32>
    %swap3A_29 = arith.constant 10000 : index
    %swap3A_30 = arith.constant 0 : index
    %swap3A_31 = vector.load %arg2[%swap3A_29, %swap3A_30] : memref<10240x128xf32, #tpu.memory_space<vmem>>, vector<240x128xf32>
    tpu.vector_store %arg2[%swap3A_29, %swap3A_30], %broadcast_in_dim3A_28 {strides = array<i32>} : memref<10240x128xf32, #tpu.memory_space<vmem>>, vector<240x128xf32>,
    return
  }
}

module attributes {stable_mosaic.version = 14 : i64} {
  func.func @_combine_body(%arg0: memref<20480x128xf32, #tpu.memory_space<vmem>>, %arg1: memref<10240x1xf32, #tpu.memory_space<vmem>>, %arg2: memref<10240x128xf32, #tpu.memory_space<vmem>>) attributes {dimension_semantics = [], scalar_prefetch = 0 : i64, scratch_operands = 0 : i64, tpu.core_type = #tpu.core_type<tc>} {
    %get3A = arith.constant 0 : index
    %get3A_0 = arith.constant 0 : index
    %get3A_1 = vector.load %arg1[%get3A, %get3A_0] : memref<10240x1xf32, #tpu.memory_space<vmem>>, vector<10240x1xf32>
    %get3A_2 = arith.constant 0 : index
    %get3A_3 = arith.constant 0 : index
    %get3A_4 = vector.load %arg0[%get3A_2, %get3A_3] : memref<20480x128xf32, #tpu.memory_space<vmem>>, vector<10240x128xf32>
    %get3A_5 = arith.constant 10240 : index
    %get3A_6 = arith.constant 0 : index
    %get3A_7 = vector.load %arg0[%get3A_5, %get3A_6] : memref<20480x128xf32, #tpu.memory_space<vmem>>, vector<10240x128xf32>
    %add3A = arith.addf %get3A_4, %get3A_7 : vector<10240x128xf32>
    %mul3A = vector.broadcast %get3A_1 : vector<10240x1xf32> to vector<10240x128xf32>
    %mul3A_8 = arith.mulf %mul3A, %add3A : vector<10240x128xf32>
    %swap3A = arith.constant 0 : index
    %swap3A_9 = arith.constant 0 : index
    %swap3A_10 = vector.load %arg2[%swap3A, %swap3A_9] : memref<10240x128xf32, #tpu.memory_space<vmem>>, vector<10240x128xf32>
    tpu.vector_store %arg2[%swap3A, %swap3A_9], %mul3A_8 {strides = array<i32>} : memref<10240x128xf32, #tpu.memory_space<vmem>>, vector<10240x128xf32>,
    return
  }
}

module attributes {stable_mosaic.version = 14 : i64} {
  func.func @_layer1_body(%arg0: memref<20480x128xf32, #tpu.memory_space<vmem>>, %arg1: memref<10240x1xf32, #tpu.memory_space<vmem>>, %arg2: memref<10240x128xf32, #tpu.memory_space<vmem>>, %arg3: memref<128x16xf32, #tpu.memory_space<vmem>>, %arg4: memref<1x16xf32, #tpu.memory_space<vmem>>, %arg5: memref<128x16xf32, #tpu.memory_space<vmem>>, %arg6: memref<10240x16xf32, #tpu.memory_space<vmem>>) attributes {dimension_semantics = [], scalar_prefetch = 0 : i64, scratch_operands = 0 : i64, tpu.core_type = #tpu.core_type<tc>} {
    %get3A = arith.constant 0 : index
    %get3A_0 = arith.constant 0 : index
    %get3A_1 = vector.load %arg1[%get3A, %get3A_0] : memref<10240x1xf32, #tpu.memory_space<vmem>>, vector<10240x1xf32>
    %get3A_2 = arith.constant 0 : index
    %get3A_3 = arith.constant 0 : index
    %get3A_4 = vector.load %arg0[%get3A_2, %get3A_3] : memref<20480x128xf32, #tpu.memory_space<vmem>>, vector<10240x128xf32>
    %get3A_5 = arith.constant 10240 : index
    %get3A_6 = arith.constant 0 : index
    %get3A_7 = vector.load %arg0[%get3A_5, %get3A_6] : memref<20480x128xf32, #tpu.memory_space<vmem>>, vector<10240x128xf32>
    %add3A = arith.addf %get3A_4, %get3A_7 : vector<10240x128xf32>
    %mul3A = vector.broadcast %get3A_1 : vector<10240x1xf32> to vector<10240x128xf32>
    %mul3A_8 = arith.mulf %mul3A, %add3A : vector<10240x128xf32>
    %get3A_9 = arith.constant 0 : index
    %get3A_10 = arith.constant 0 : index
    %get3A_11 = vector.load %arg3[%get3A_9, %get3A_10] : memref<128x16xf32, #tpu.memory_space<vmem>>, vector<128x16xf32>
    %dot_general3A = arith.constant dense<0.000000e+00> : vector<10240x16xf32>
    %dot_general3A_12 = tpu.matmul %mul3A_8, %get3A_11, %dot_general3A {dimension_numbers = #tpu.dot_dimension_numbers<[1], [0], [0], [1], [0, 0, 1, 1], [], []>, transpose_lhs_hint = false} : vector<10240x128xf32>, vector<128x16xf32>, vector<10240x16xf32> -> vector<10240x16xf32>
    %get3A_13 = arith.constant 0 : index
    %get3A_14 = arith.constant 0 : index
    %get3A_15 = vector.load %arg4[%get3A_13, %get3A_14] : memref<1x16xf32, #tpu.memory_space<vmem>>, vector<1x16xf32>
    %add3A_16 = vector.broadcast %get3A_15 : vector<1x16xf32> to vector<10240x16xf32>
    %add3A_17 = arith.addf %dot_general3A_12, %add3A_16 : vector<10240x16xf32>
    %get3A_18 = arith.constant 0 : index
    %get3A_19 = arith.constant 0 : index
    %get3A_20 = vector.load %arg2[%get3A_18, %get3A_19] : memref<10240x128xf32, #tpu.memory_space<vmem>>, vector<10240x128xf32>
    %get3A_21 = arith.constant 0 : index
    %get3A_22 = arith.constant 0 : index
    %get3A_23 = vector.load %arg5[%get3A_21, %get3A_22] : memref<128x16xf32, #tpu.memory_space<vmem>>, vector<128x16xf32>
    %dot_general3A_24 = arith.constant dense<0.000000e+00> : vector<10240x16xf32>
    %dot_general3A_25 = tpu.matmul %get3A_20, %get3A_23, %dot_general3A_24 {dimension_numbers = #tpu.dot_dimension_numbers<[1], [0], [0], [1], [0, 0, 1, 1], [], []>, transpose_lhs_hint = false} : vector<10240x128xf32>, vector<128x16xf32>, vector<10240x16xf32> -> vector<10240x16xf32>
    %add3A_26 = arith.addf %add3A_17, %dot_general3A_25 : vector<10240x16xf32>
    %gt3A = arith.constant 0.000000e+00 : f32
    %gt3A_27 = vector.broadcast %gt3A : f32 to vector<10240x16xf32>
    %gt3A_28 = arith.cmpf ogt, %add3A_26, %gt3A_27 : vector<10240x16xf32>
    %exp3A = math.exp %add3A_26 : vector<10240x16xf32>
    %sub3A = arith.constant 1.000000e+00 : f32
    %sub3A_29 = vector.broadcast %sub3A : f32 to vector<10240x16xf32>
    %sub3A_30 = arith.subf %exp3A, %sub3A_29 : vector<10240x16xf32>
    %mul3A_31 = arith.constant 1.67326319 : f32
    %mul3A_32 = vector.broadcast %mul3A_31 : f32 to vector<10240x16xf32>
    %mul3A_33 = arith.mulf %mul3A_32, %sub3A_30 : vector<10240x16xf32>
    %select_n3A = arith.select %gt3A_28, %add3A_26, %mul3A_33 : vector<10240x16xi1>, vector<10240x16xf32>
    %mul3A_34 = arith.constant 1.05070102 : f32
    %mul3A_35 = vector.broadcast %mul3A_34 : f32 to vector<10240x16xf32>
    %mul3A_36 = arith.mulf %mul3A_35, %select_n3A : vector<10240x16xf32>
    %swap3A = arith.constant 0 : index
    %swap3A_37 = arith.constant 0 : index
    %swap3A_38 = vector.load %arg6[%swap3A, %swap3A_37] : memref<10240x16xf32, #tpu.memory_space<vmem>>, vector<10240x16xf32>
    tpu.vector_store %arg6[%swap3A, %swap3A_37], %mul3A_36 {strides = array<i32>} : memref<10240x16xf32, #tpu.memory_space<vmem>>, vector<10240x16xf32>,
    return
  }
}

module attributes {stable_mosaic.version = 14 : i64} {
  func.func @_layer2_body(%arg0: memref<20480x16xf32, #tpu.memory_space<vmem>>, %arg1: memref<10240x1xf32, #tpu.memory_space<vmem>>, %arg2: memref<10240x16xf32, #tpu.memory_space<vmem>>, %arg3: memref<16x128xf32, #tpu.memory_space<vmem>>, %arg4: memref<1x128xf32, #tpu.memory_space<vmem>>, %arg5: memref<16x128xf32, #tpu.memory_space<vmem>>, %arg6: memref<10240x128xf32, #tpu.memory_space<vmem>>) attributes {dimension_semantics = [], scalar_prefetch = 0 : i64, scratch_operands = 0 : i64, tpu.core_type = #tpu.core_type<tc>} {
    %get3A = arith.constant 0 : index
    %get3A_0 = arith.constant 0 : index
    %get3A_1 = vector.load %arg1[%get3A, %get3A_0] : memref<10240x1xf32, #tpu.memory_space<vmem>>, vector<10240x1xf32>
    %get3A_2 = arith.constant 0 : index
    %get3A_3 = arith.constant 0 : index
    %get3A_4 = vector.load %arg0[%get3A_2, %get3A_3] : memref<20480x16xf32, #tpu.memory_space<vmem>>, vector<10240x16xf32>
    %get3A_5 = arith.constant 10240 : index
    %get3A_6 = arith.constant 0 : index
    %get3A_7 = vector.load %arg0[%get3A_5, %get3A_6] : memref<20480x16xf32, #tpu.memory_space<vmem>>, vector<10240x16xf32>
    %add3A = arith.addf %get3A_4, %get3A_7 : vector<10240x16xf32>
    %mul3A = vector.broadcast %get3A_1 : vector<10240x1xf32> to vector<10240x16xf32>
    %mul3A_8 = arith.mulf %mul3A, %add3A : vector<10240x16xf32>
    %get3A_9 = arith.constant 0 : index
    %get3A_10 = arith.constant 0 : index
    %get3A_11 = vector.load %arg3[%get3A_9, %get3A_10] : memref<16x128xf32, #tpu.memory_space<vmem>>, vector<16x128xf32>
    %dot_general3A = arith.constant dense<0.000000e+00> : vector<10240x128xf32>
    %dot_general3A_12 = tpu.matmul %mul3A_8, %get3A_11, %dot_general3A {dimension_numbers = #tpu.dot_dimension_numbers<[1], [0], [0], [1], [0, 0, 1, 1], [], []>, transpose_lhs_hint = false} : vector<10240x16xf32>, vector<16x128xf32>, vector<10240x128xf32> -> vector<10240x128xf32>
    %get3A_13 = arith.constant 0 : index
    %get3A_14 = arith.constant 0 : index
    %get3A_15 = vector.load %arg4[%get3A_13, %get3A_14] : memref<1x128xf32, #tpu.memory_space<vmem>>, vector<1x128xf32>
    %add3A_16 = vector.broadcast %get3A_15 : vector<1x128xf32> to vector<10240x128xf32>
    %add3A_17 = arith.addf %dot_general3A_12, %add3A_16 : vector<10240x128xf32>
    %get3A_18 = arith.constant 0 : index
    %get3A_19 = arith.constant 0 : index
    %get3A_20 = vector.load %arg2[%get3A_18, %get3A_19] : memref<10240x16xf32, #tpu.memory_space<vmem>>, vector<10240x16xf32>
    %get3A_21 = arith.constant 0 : index
    %get3A_22 = arith.constant 0 : index
    %get3A_23 = vector.load %arg5[%get3A_21, %get3A_22] : memref<16x128xf32, #tpu.memory_space<vmem>>, vector<16x128xf32>
    %dot_general3A_24 = arith.constant dense<0.000000e+00> : vector<10240x128xf32>
    %dot_general3A_25 = tpu.matmul %get3A_20, %get3A_23, %dot_general3A_24 {dimension_numbers = #tpu.dot_dimension_numbers<[1], [0], [0], [1], [0, 0, 1, 1], [], []>, transpose_lhs_hint = false} : vector<10240x16xf32>, vector<16x128xf32>, vector<10240x128xf32> -> vector<10240x128xf32>
    %add3A_26 = arith.addf %add3A_17, %dot_general3A_25 : vector<10240x128xf32>
    %reduce_max3A = arith.constant dense<0xFF800000> : vector<10240xf32>
    %reduce_max3A_27 = vector.multi_reduction <maximumf>, %add3A_26, %reduce_max3A [1] : vector<10240x128xf32> to vector<10240xf32>
    %broadcast_in_dim3A = vector.shape_cast %reduce_max3A_27 : vector<10240xf32> to vector<10240x1xf32>
    %sub3A = vector.broadcast %broadcast_in_dim3A : vector<10240x1xf32> to vector<10240x128xf32>
    %sub3A_28 = arith.subf %add3A_26, %sub3A : vector<10240x128xf32>
    %exp3A = math.exp %sub3A_28 : vector<10240x128xf32>
    %reduce_sum3A = arith.constant dense<0.000000e+00> : vector<10240xf32>
    %reduce_sum3A_29 = vector.multi_reduction <add>, %exp3A, %reduce_sum3A [1] : vector<10240x128xf32> to vector<10240xf32>
    %broadcast_in_dim3A_30 = vector.shape_cast %reduce_sum3A_29 : vector<10240xf32> to vector<10240x1xf32>
    %div3A = vector.broadcast %broadcast_in_dim3A_30 : vector<10240x1xf32> to vector<10240x128xf32>
    %div3A_31 = arith.divf %exp3A, %div3A : vector<10240x128xf32>
    %swap3A = arith.constant 0 : index
    %swap3A_32 = arith.constant 0 : index
    %swap3A_33 = vector.load %arg6[%swap3A, %swap3A_32] : memref<10240x128xf32, #tpu.memory_space<vmem>>, vector<10240x128xf32>
    tpu.vector_store %arg6[%swap3A, %swap3A_32], %div3A_31 {strides = array<i32>} : memref<10240x128xf32, #tpu.memory_space<vmem>>, vector<10240x128xf32>,
    return
  }
}

</mosaic_0001>

<sc_bundles>
// kernel: kernel.10.cloned.1.call-start
scs
__scs_entry_jumppad:
0x0: {  	(pc) =	sbr.rel $0x88, $3  }
0x1: {  	(tag) =	ssettag $0x0;
	lr =	simm.s32 $0x1  }
0x2: {  	[smem:$0x3F99] =	sst lr;
	_ =	strace $0xD0000000  }
0x3: {  	_ = 	snop  }
0x4: {  	_ = 	snop  }
0x5: {  	_ = 	snop  }
0x6: {  	_ = 	snop  }
0x7: {  	_ = 	snop  }
__scs_overlays_trampoline_lowered:
0x8: {  	[smem:$0x3FA8] =	sst s0  }
0x9: {  	[smem:$0x3FA9] =	sst s1  }
0xa: {  	[smem:$0x3FAA] =	sst s2  }
0xb: {  	[smem:$0x3FAB] =	sst s3  }
0xc: {  	[smem:$0x3FAC] =	sst s4  }
0xd: {  	[smem:$0x3FAD] =	sst s5  }
0xe: {  	[smem:$0x3FAE] =	sst s6  }
0xf: {  	[smem:$0x3FAF] =	sst s7  }
0x10: {  	[smem:$0x3FB0] =	sst s8  }
0x11: {  	[smem:$0x3FB1] =	sst s9;
	s0 =	simm.s32 @!p0 $0x0  }
0x12: {  	s1 =	sld [smem:$0x3F97];
	s0 =	simm.s32 @p0 $0x1  }
0x13: {  	[smem:$0x3FB2] =	sst s0;
	s0 =	simm.s32 @!p1 $0x0  }
0x14: {  	s2 =	sld [smem:$0x3F96];
	s0 =	simm.s32 @p1 $0x1  }
0x15: {  	[smem:$0x3FB3] =	sst s0;
	s0 =	simm.s32 @!p2 $0x0  }
0x16: {  	s3 =	sld [smem:$0x3FDB];
	s0 =	simm.s32 @p2 $0x1  }
0x17: {  	s4 =	simm.s32 $0x1BF5;
	[smem:$0x3FB5] =	sst s0  }
0x18: {  	s0 =	sld [smem:$0x3F98];
	_ =	swait.ge [sflag:s4], $0x0  }
0x19: {  	s7 =	sld [smem:$0x3F99]  }
0x1a: {  	s8 =	sadd.s32 $0xFFFFE003, lr  }
0x1b: {  	s9 =	sadd.s32 $0xFFFFFEF7, lr;
	s5 =	simm.s32 $0xFFFFFFFF;
	p2 =	slt.u32 s8, $0xFFFFF086  }
0x1c: {  	p1 =	slt.u32 s9, $0xF7A;
	s5 =	simm.s32 @!p2 $0x0  }
0x1d: {  	s5 =	simm.s32 @p1 $0x1;
	p0 =	seq.s32 s7, s2  }
0x1e: {  	s7 =	smul.u32 @!p0 $0xF7A, s2;
	p2 =	seq.s32 @!p0 s5, $0x0  }
0x1f: {  	s9 =	smul.u32 $0xF7A, s1;
	s8 =	simm.s32 @!p0 $0x1BF5;
	p2 =	por !p2, p0  }
0x20: {  	[sflag:s8] =	ssyncset.s32 @!p0 $0xFFFFF086;
	s6 =	sadd.s32 @!p0 s3, s7;
	s7 =	simm.s32 @!p0 $0x108  }
0x21: {  	s3 =	sadd.s32 s3, s9;
	s6 =	sadd.s32 @!p0 $0x88, s6;
	s7 =	simm.s32 @p2 $0x1082  }
0x22: {  	[simem:s7], [sflag:s8] =	dma.local @!p0 [hbm:s6], $0xF7A  }
0x23: {  	s9 =	sor.u32 $0xD0000000, s2;
	s6 =	simm.s32 $0x108;
	_ =	swait.ge @!p0 [sflag:s8], $0x0  }
0x24: {  	s3 =	sadd.s32 $0x88, s3;
	s6 =	simm.s32 @!p1 $0x1082;
	[sflag:s4] =	ssyncset.s32 $0xFFFFF086  }
0x25: {  	[simem:s6], [sflag:s4] =	dma.local [hbm:s3], $0xF7A  }
0x26: {  	[smem:$0x3F99] =	sst s1;
	(tag) =	ssettag s2;
	_ =	strace s9  }
0x27: {  	s1 =	sld [smem:$0x3FA9]  }
0x28: {  	s2 =	sld [smem:$0x3FAA]  }
0x29: {  	s4 =	sld [smem:$0x3FAC]  }
0x2a: {  	p0 =	seq.s32 s5, $0x0;
	s5 =	sld [smem:$0x3FAD]  }
0x2b: {  	s6 =	sld [smem:$0x3FAE]  }
0x2c: {  	s7 =	sld [smem:$0x3FAF]  }
0x2d: {  	s3 =	simm.s32 $0x108;
	s8 =	sld [smem:$0x3FB0]  }
0x2e: {  	s3 =	simm.s32 @!p0 $0x1082;
	s9 =	sld [smem:$0x3FB1]  }
0x2f: {  	lr =	sadd.s32 s0, s3;
	s0 =	sld [smem:$0x3FA8]  }
0x30: {  	s3 =	sld [smem:$0x3FAB]  }
0x31: {  	[smem:$0x3FB4] =	sst s10  }
0x32: {  	s10 =	sld [smem:$0x3FB2];
	_ =	sdelay $0x3  }
0x33: {  	p0 =	seq.s32 s10, $0x1;
	s10 =	sld [smem:$0x3FB4];
	_ =	sdelay $0x3  }
0x34: {  	[smem:$0x3FB4] =	sst s10  }
0x35: {  	s10 =	sld [smem:$0x3FB3];
	_ =	sdelay $0x3  }
0x36: {  	p1 =	seq.s32 s10, $0x1;
	s10 =	sld [smem:$0x3FB4];
	_ =	sdelay $0x3  }
0x37: {  	[smem:$0x3FB4] =	sst s10  }
0x38: {  	s10 =	sld [smem:$0x3FB5]  }
0x39: {  	_ = 	snop;
	(pc) =	sbr.ind lr, $3  }
0x3a: {  	_ = 	snop  }
0x3b: {  	_ = 	snop  }
0x3c: {  	p2 =	seq.s32 s10, $0x1;
	s10 =	sld [smem:$0x3FB4]  }
0x3d: {  	_ =	shalt  }
0x3e: {  	_ =	shalt  }
0x3f: {  	_ =	shalt  }
0x40: {  	_ =	shalt  }
0x41: {  	_ =	shalt  }
0x42: {  	_ =	shalt  }
0x43: {  	_ =	shalt  }
0x44: {  	_ =	shalt  }
0x45: {  	_ =	shalt  }
0x46: {  	_ =	shalt  }
0x47: {  	_ =	shalt  }
0x48: {  	_ =	shalt  }
0x49: {  	_ =	shalt  }
0x4a: {  	_ =	shalt  }
0x4b: {  	_ =	shalt  }
0x4c: {  	_ =	shalt  }
0x4d: {  	_ =	shalt  }
0x4e: {  	_ =	shalt  }
0x4f: {  	_ =	shalt  }
0x50: {  	_ =	shalt  }
0x51: {  	_ =	shalt  }
0x52: {  	_ =	shalt  }
0x53: {  	_ =	shalt  }
0x54: {  	_ =	shalt  }
0x55: {  	_ =	shalt  }
0x56: {  	_ =	shalt  }
0x57: {  	_ =	shalt  }
0x58: {  	_ =	shalt  }
0x59: {  	_ =	shalt  }
0x5a: {  	_ =	shalt  }
0x5b: {  	_ =	shalt  }
0x5c: {  	_ =	shalt  }
0x5d: {  	_ =	shalt  }
0x5e: {  	_ =	shalt  }
0x5f: {  	_ =	shalt  }
0x60: {  	_ =	shalt  }
0x61: {  	_ =	shalt  }
0x62: {  	_ =	shalt  }
0x63: {  	_ =	shalt  }
0x64: {  	_ =	shalt  }
0x65: {  	_ =	shalt  }
0x66: {  	_ =	shalt  }
0x67: {  	_ =	shalt  }
0x68: {  	_ =	shalt  }
0x69: {  	_ =	shalt  }
0x6a: {  	_ =	shalt  }
0x6b: {  	_ =	shalt  }
0x6c: {  	_ =	shalt  }
0x6d: {  	_ =	shalt  }
0x6e: {  	_ =	shalt  }
0x6f: {  	_ =	shalt  }
0x70: {  	_ =	shalt  }
0x71: {  	_ =	shalt  }
0x72: {  	_ =	shalt  }
0x73: {  	_ =	shalt  }
0x74: {  	_ =	shalt  }
0x75: {  	_ =	shalt  }
0x76: {  	_ =	shalt  }
0x77: {  	_ =	shalt  }
0x78: {  	_ =	shalt  }
0x79: {  	_ =	shalt  }
0x7a: {  	_ =	shalt  }
0x7b: {  	_ =	shalt  }
0x7c: {  	_ =	shalt  }
0x7d: {  	_ =	shalt  }
0x7e: {  	_ =	shalt  }
0x7f: {  	_ =	shalt  }
0x80: {  	_ =	shalt  }
0x81: {  	_ =	shalt  }
0x82: {  	_ =	shalt  }
0x83: {  	_ =	shalt  }
0x84: {  	_ =	shalt  }
0x85: {  	_ =	shalt  }
0x86: {  	_ =	shalt  }
0x87: {  	_ =	shalt  }
.Lfunc_end0:
.L_simem_size_0:
called_computation_lowered:
.L_overlay_start_0:
0x88: {  	s2 =	sld [smem:$0x3FD9]  }
0x89: {  	s3 =	sld [smem:$0x3FFE];
	_ =	sdelay $0x1  }
0x8a: {  	s1 =	srdreg.scid  }
0x8b: {  	s0 =	sand.u32 $0x1, s1  }
0x8c: {  	s16 =	sshll.u32 s0, $0xA;
	s2 =	sadd.s32 s3, s2  }
0x8d: {  	s2 =	sadd.s32 s2, s16  }
0x8e: {  	[smem:$0x3FC0] =	sst s2  }
0x8f: {  	_ = 	snop  }
0x90: {  	(tm) =	ssettm $0x1  }
0x91: {  	s17 =	sld [smem:$0x3FFB];
	_ =	sdelay $0x3  }
0x92: {  	_ =	strace s17  }
0x93: {  	s2 =	sld [smem:$0x3FFC];
	_ =	sdelay $0x3  }
0x94: {  	_ =	strace s2  }
0x95: {  	s2 =	sld [smem:$0x3FFD];
	_ =	sdelay $0x3  }
0x96: {  	_ =	strace s2  }
0x97: {  	_ =	strace $0x8FFFFFFF  }
0x98: {  	s18 =	sld [smem:$0x3FDB];
	_ =	sdelay $0x1  }
0x99: {  	s19 =	simm.s32 $_scs_section_size  }
0x9a: {  	s4 =	simm.s32 $_size__tile_overlayer_lowered;
	s5 =	simm.s32 $_tile_overlayer_lowered  }
0x9b: {  	s22 =	simm.s32 $0x1BFF;
	s21 =	sshll.u32 s5, $0x1;
	s2 =	sadd.s32 s19, s18  }
0x9c: {  	s6 =	simm.s32 $0x0;
	s20 =	sshll.u32 s4, $0x1;
	s4 =	sadd.s32 s21, s2  }
0x9d: {  	[timem:s6], [sflag:s22] =	dma.local [hbm:s4], s20  }
0x9e: {  	_ =	swait.ge [sflag:s22], s20  }
0x9f: {  	s3 =	ssub.s32 $0x0, s20;
	[sflag:s22] =	ssyncset.done $0x0  }
0xa0: {  	[sflag:s22] =	ssyncadd.s32 s3;
	_ =	sdelay $0x1  }
0xa1: {  	s23 =	simm.s32 $0x1B8B  }
0xa2: {  	_ =	swait.ge [sflag:s23], $0x1  }
0xa3: {  	[sflag:s23] =	ssyncset.done $0x0  }
0xa4: {  	s25 =	simm.s32 $0x1B8E;
	s24 =	sld [smem:$0x3FFE];
	[sflag:s23] =	ssyncadd.s32 $0xFFFFFFFF  }
0xa5: {  	s26 =	simm.s32 $execute0_lowered;
	[smem:$0x3FD2] =	sst s25  }
0xa6: {  	s4 =	sshll.u32 s26, $0x1;
	_ =	strace $0x80000046;
	[dreg:$0x1] =	wrdreg $0xFFFFFFFF  }
0xa7: {  	s28 =	simm.s32 $_size_execute0_lowered;
	s2 =	sadd.s32 s2, s4;
	[dreg:$0x0] =	wrdreg $0x0  }
0xa8: {  	s4 =	sshll.u32 s28, $0x1;
	[dreg:$0x2] =	wrdreg s2  }
0xa9: {  	[dreg:$0x3] =	wrdreg s4  }
0xaa: {  	[dreg:$0x4] =	wrdreg $0xC0  }
0xab: {  	_ =	task [dreg:s6], $0x5FFFF  }
0xac: {  	[dreg:$0x1] =	wrdreg $0xFFFFFFFF  }
0xad: {  	[dreg:$0x0] =	wrdreg $0x60  }
0xae: {  	[dreg:$0x2] =	wrdreg s24  }
0xaf: {  	[dreg:$0x3] =	wrdreg $0x30000  }
0xb0: {  	[dreg:$0x4] =	wrdreg $0x9  }
0xb1: {  	_ =	task.clear_ibuf [dreg:s6], $0x5FFFF;
	_ =	strace $0x90000046  }
0xb2: {  	s29 =	simm.s32 $0x9;
	_ =	strace $0x80000048  }
0xb3: {  	_ =	swait.ge [sflag:s29], $0x1  }
0xb4: {  	[sflag:s29] =	ssyncadd.s32 $0xFFFFFFFF  }
0xb5: {  	_ =	strace $0x90000048  }
0xb6: {  	_ =	sfence  }
0xb7: {  	s30 =	sld [smem:$0x0];
	_ =	sdelay $0x2  }
0xb8: {  	s31 =	sshll.u32 s1, $0xD;
	s1 =	sshrl.u32 s1, $0x2  }
0xb9: {  	s3 =	sand.u32 $0x4000, s31;
	s1 =	sadd.s32 s1, s30  }
0xba: {  	s0 =	sor.u32 s3, s0;
	s1 =	sshll.u32 s1, $0x11  }
0xbb: {  	s0 =	sor.u32 s1, s0  }
0xbc: {  	s0 =	sadd.s32 $0x8F2B, s0  }
0xbd: {  	[sflag:s0] =	ssyncadd.remote.s32 $0x1  }
0xbe: {  	_ =	sfence.sel $0xFFFF  }
0xbf: {  	[dreg:$0x0] =	wrdreg $0xFFFFFFFF;
	(pc) =	sbr.abs _section_cstart, $3  }
0xc0: {  	[dreg:$0x1] =	wrdreg $0xFFFFFFFF  }
0xc1: {  	_ =	task.clear_ibuf [dreg:s6], $0x2FFFF;
	_ =	strace $0x9FFFFFFF  }
0xc2: {  	(tm) =	ssettm $0x7FFFFFFF  }
0xc3: {  	_ =	shalt  }
tec
execute0_lowered:
.L_overlay_start_1:
0x0: {  	(tag) =	ssettag $0x1  }
0x1: {  	s5 =	rddreg [dreg:$0x0]  }
0x2: {  	s0 =	srdreg.scid;
	s2 =	rddreg [dreg:$0x1];
	s3 =	simm.s32 $0x0  }
0x3: {  	s12 =	simm.s32 $0x1;
	s13 =	simm.s32 $0x2800;
	s4 =	sand.u32 $0x1, s0  }
0x4: {  	s14 =	simm.s32 $0x80;
	s0 =	stileid.u32;
	s7 =	smul.u32 $0x5000, s4  }
0x5: {  	s17 =	simm.s32 $0x0;
	[smem:$0x7FF] =	sst s3;
	s8 =	smul.u32 $0x500, s0  }
0x6: {  	s1 =	sshll.u32 s4, $0x4;
	s4 =	ssub.s32 $0x2, s4;
	s9 =	smul.u32 $0xA000, s0  }
0x7: {  	s15 =	sshll.u32 s0, $0x6;
	s1 =	sor.u32 s0, s1;
	s30 =	sshrl.u32 s4, $0x1  }
0x8: {  	s15 =	sor.u32 $0x1C01, s15;
	s6 =	smul.u32 $0x500, s1;
	s1 =	rddreg [dreg:$0x2]  }
0x9: {  	_ =	strace $0x80000047;
	s7 =	sadd.s32 s8, s7;
	s8 =	ssub.s32 s4, s30  }
0xa: {  	s31 =	sshrl.u32 s9, $0x2;
	s7 =	sadd.s32 s7, s5;
	s6 =	sadd.s32 s6, s5  }
0xb: {  	s5 =	sadd.s32 s31, s2;
	s4 =	sadd.s32 $0x2800, s6;
	s6 =	sadd.s32 $0xC800, s7  }
0xc: {  	s7 =	smax.u32 s8, $0x1;
	s8 =	sadd.s32 $0x800, s5;
	s9 =	sadd.s32 $0x1000, s5  }
0xd: {  	v0 =	vimm.f32 $0.0e+00;
	v1 =	vimm.f32 $1.000000000e+00;
	s10 =	sadd.s32 $0x1800, s5;
	s11 =	sadd.s32 $0x2000, s5;
	s16 =	sshrl.u32 s5, $0x3  }
.LBB2_1:
0xe: {  	[tilespmem:s3], [sflag:$0x1] =	stream.linear.gather [hbm4b:s4+s3], $0x2800, $0x38;
	[tilespmem:$0x5800] =	vst v63  }
0xf: {  	_ =	swait.ge [sflag:s12], $0x2800  }
0x10: {  	[sflag:s12] =	ssyncset.done $0x0  }
0x11: {  	s18 =	simm.s32 $0x40;
	s19 =	simm.s32 $0x0;
	[sflag:s12] =	ssyncadd.s32 $0xFFFFD800  }
.LBB2_2:
0x12: {  	p0 =	sne.s32 s18, $0x1FC0;
	[tilespmem:s19+$0x2800] =	vst v0;
	s19 =	smov.u32 s18;
	s18 =	sadd.s32 $0x40, s18  }
.Ltmp0:
0x13: {  	(pc) =	sbr.rel @p0 .LBB2_2-.Ltmp0, $2  }
0x14: {  	_ =	sdelay $0x2  }
0x15: {  	s19 =	sshra.s32 s19, $0x2  }
0x16: {  	[tilespmem:s19+$0x2800] =	vst v0  }
0x17: {  	[spmem:s5] =	stream.linear.scatter [tilespmem:s13], [sflag:$0x1], $0x800, $0x38;
	[tilespmem:$0x5800] =	vst v63  }
0x18: {  	_ =	swait.ge [sflag:s12], $0x800  }
0x19: {  	[sflag:s12] =	ssyncset.done $0x0  }
0x1a: {  	[sflag:s12] =	ssyncadd.s32 $0xFFFFF800  }
0x1b: {  	[spmem:s8] =	stream.linear.scatter [tilespmem:s13], [sflag:$0x1], $0x800, $0x38;
	[tilespmem:$0x5800] =	vst v63  }
0x1c: {  	_ =	swait.ge [sflag:s12], $0x800  }
0x1d: {  	[sflag:s12] =	ssyncset.done $0x0  }
0x1e: {  	[sflag:s12] =	ssyncadd.s32 $0xFFFFF800  }
0x1f: {  	[spmem:s9] =	stream.linear.scatter [tilespmem:s13], [sflag:$0x1], $0x800, $0x38;
	[tilespmem:$0x5800] =	vst v63  }
0x20: {  	_ =	swait.ge [sflag:s12], $0x800  }
0x21: {  	[sflag:s12] =	ssyncset.done $0x0  }
0x22: {  	[sflag:s12] =	ssyncadd.s32 $0xFFFFF800  }
0x23: {  	[spmem:s10] =	stream.linear.scatter [tilespmem:s13], [sflag:$0x1], $0x800, $0x38;
	[tilespmem:$0x5800] =	vst v63  }
0x24: {  	_ =	swait.ge [sflag:s12], $0x800  }
0x25: {  	[sflag:s12] =	ssyncset.done $0x0  }
0x26: {  	[sflag:s12] =	ssyncadd.s32 $0xFFFFF800  }
0x27: {  	[spmem:s11] =	stream.linear.scatter [tilespmem:s13], [sflag:$0x1], $0x800, $0x38;
	[tilespmem:$0x5800] =	vst v63  }
0x28: {  	_ =	swait.ge [sflag:s12], $0x800  }
0x29: {  	[sflag:s12] =	ssyncset.done $0x0  }
0x2a: {  	[sflag:s12] =	ssyncadd.s32 $0xFFFFF800  }
0x2b: {  	s18 =	simm.s32 $0x40;
	s19 =	simm.s32 $0x0;
	[bflag:$0x0] =	sbarrier.arrive $0xFFFF  }
.LBB2_4:
0x2c: {  	p0 =	sne.s32 s18, $0x1FC0;
	[tilespmem:s19+$0x2800] =	vst v1;
	s19 =	smov.u32 s18;
	s18 =	sadd.s32 $0x40, s18  }
.Ltmp1:
0x2d: {  	(pc) =	sbr.rel @p0 .LBB2_4-.Ltmp1, $2  }
0x2e: {  	_ =	sdelay $0x2  }
0x2f: {  	s19 =	sshra.s32 s19, $0x2  }
0x30: {  	[tilespmem:s19+$0x2800] =	vst v1;
	s18 =	simm.s32 $0x0  }
0x31: {  	[spmem:s2] =	stream.indirect.scatter.add.f32 [tilespmem:s13], [sflag:$0x1], $0x10, s18, s14, $0xb8;
	[tilespmem:$0x5800] =	vst v63  }
0x32: {  	_ =	swait.ge [sflag:s12], $0x800  }
0x33: {  	s18 =	simm.s32 $0x200;
	[sflag:s12] =	ssyncset.done $0x0  }
.LBB2_6:
0x34: {  	s19 =	sshra.s32 s18, $0x2;
	[sflag:s12] =	ssyncadd.s32 $0xFFFFF800;
	p0 =	sne.s32 s18, $0x9E00  }
0x35: {  	[spmem:s2] =	stream.indirect.scatter.add.f32 [tilespmem:s13], [sflag:$0x1], $0x10, s19, s14, $0xb8;
	[tilespmem:$0x5800] =	vst v63  }
.Ltmp2:
0x36: {  	_ = 	snop;
	(pc) =	sbr.rel @p0 .LBB2_6-.Ltmp2, $4  }
0x37: {  	_ = 	snop  }
0x38: {  	s18 =	sadd.s32 $0x200, s18  }
0x39: {  	_ =	swait.ge [sflag:s12], $0x800  }
0x3a: {  	[sflag:s12] =	ssyncset.done $0x0  }
0x3b: {  	s17 =	sadd.s32 $0x1, s17  }
0x3c: {  	[sflag:s12] =	ssyncadd.s32 $0xFFFFF800;
	p0 =	sne.s32 s17, s7  }
.Ltmp3:
0x3d: {  	[bflag:$0x0] =	sbarrier.arrive $0xFFFF;
	(pc) =	sbr.rel @p0 .LBB2_1-.Ltmp3, $4  }
0x3e: {  	[hbm:s6], [sflag:s15] =	dma.local [spmem:s16], $0x500  }
0x3f: {  	_ =	swait.ge [sflag:s12], $0x500  }
0x40: {  	[sflag:s12] =	ssyncset.done $0x0  }
0x41: {  	[sflag:s12] =	ssyncadd.s32 $0xFFFFFB00  }
0x42: {  	_ =	sfence.sel $0x180000  }
0x43: {  	[bflag:$0x0] =	sbarrier.arrive $0xFFFF  }
0x44: {  	p0 =	sne.s32 s0, $0x0;
	_ =	strace $0x90000047  }
0x45: {  	s0 =	sadd.s32 @!p0 $0x100000, s1;
	[bflag:$0x2] =	sbarrier.arrive $0xFFFF  }
0x46: {  	[sflag:s0] =	ssyncadd.tile.s32 @!p0 $0x1;
	_ =	shalt  }
.Lfunc_end2:
_tile_overlayer_lowered:
.L_overlay_start_2:
0x47: {  	(tag) =	ssettag $0x2  }
0x48: {  	s0 =	rddreg [dreg:$0x0];
	s2 =	stileid.u32  }
0x49: {  	s1 =	rddreg [dreg:$0x1];
	p0 =	sne.s32 s2, $0x0  }
0x4a: {  	s3 =	rddreg [dreg:$0x2];
	[bflag:$0x3] =	sbarrier.arrive $0xFFFF;
	s2 =	simm.s32 @!p0 $0x1C01  }
0x4b: {  	[timem:s3], [sflag:s2] =	dma.local @!p0 [hbm:s0], s1  }
0x4c: {  	s0 =	simm.s32 @!p0 $0x1  }
0x4d: {  	_ =	swait.ge @!p0 [sflag:s0], s1  }
0x4e: {  	s1 =	ssub.s32 @!p0 $0x0, s1;
	[sflag:s0] =	ssyncset.done @!p0 $0x0  }
0x4f: {  	[sflag:s0] =	ssyncadd.s32 @!p0 s1  }
0x50: {  	[bflag:$0x3] =	sbarrier.arrive $0xFFFF  }
0x51: {  	_ =	shalt  }

// kernel: kernel.13.cloned.1.call-start
scs
__scs_entry_jumppad:
0x0: {  	(pc) =	sbr.rel $0x88, $3  }
0x1: {  	(tag) =	ssettag $0x0;
	lr =	simm.s32 $0x1  }
0x2: {  	[smem:$0x3F99] =	sst lr;
	_ =	strace $0xD0000000  }
0x3: {  	_ = 	snop  }
0x4: {  	_ = 	snop  }
0x5: {  	_ = 	snop  }
0x6: {  	_ = 	snop  }
0x7: {  	_ = 	snop  }
__scs_overlays_trampoline_lowered:
0x8: {  	[smem:$0x3FA8] =	sst s0  }
0x9: {  	[smem:$0x3FA9] =	sst s1  }
0xa: {  	[smem:$0x3FAA] =	sst s2  }
0xb: {  	[smem:$0x3FAB] =	sst s3  }
0xc: {  	[smem:$0x3FAC] =	sst s4  }
0xd: {  	[smem:$0x3FAD] =	sst s5  }
0xe: {  	[smem:$0x3FAE] =	sst s6  }
0xf: {  	[smem:$0x3FAF] =	sst s7  }
0x10: {  	[smem:$0x3FB0] =	sst s8  }
0x11: {  	[smem:$0x3FB1] =	sst s9;
	s0 =	simm.s32 @!p0 $0x0  }
0x12: {  	s1 =	sld [smem:$0x3F97];
	s0 =	simm.s32 @p0 $0x1  }
0x13: {  	[smem:$0x3FB2] =	sst s0;
	s0 =	simm.s32 @!p1 $0x0  }
0x14: {  	s2 =	sld [smem:$0x3F96];
	s0 =	simm.s32 @p1 $0x1  }
0x15: {  	[smem:$0x3FB3] =	sst s0;
	s0 =	simm.s32 @!p2 $0x0  }
0x16: {  	s3 =	sld [smem:$0x3FDB];
	s0 =	simm.s32 @p2 $0x1  }
0x17: {  	s4 =	simm.s32 $0x1BF5;
	[smem:$0x3FB5] =	sst s0  }
0x18: {  	s0 =	sld [smem:$0x3F98];
	_ =	swait.ge [sflag:s4], $0x0  }
0x19: {  	s7 =	sld [smem:$0x3F99]  }
0x1a: {  	s8 =	sadd.s32 $0xFFFFE003, lr  }
0x1b: {  	s9 =	sadd.s32 $0xFFFFFEF7, lr;
	s5 =	simm.s32 $0xFFFFFFFF;
	p2 =	slt.u32 s8, $0xFFFFF086  }
0x1c: {  	p1 =	slt.u32 s9, $0xF7A;
	s5 =	simm.s32 @!p2 $0x0  }
0x1d: {  	s5 =	simm.s32 @p1 $0x1;
	p0 =	seq.s32 s7, s2  }
0x1e: {  	s7 =	smul.u32 @!p0 $0xF7A, s2;
	p2 =	seq.s32 @!p0 s5, $0x0  }
0x1f: {  	s9 =	smul.u32 $0xF7A, s1;
	s8 =	simm.s32 @!p0 $0x1BF5;
	p2 =	por !p2, p0  }
0x20: {  	[sflag:s8] =	ssyncset.s32 @!p0 $0xFFFFF086;
	s6 =	sadd.s32 @!p0 s3, s7;
	s7 =	simm.s32 @!p0 $0x108  }
0x21: {  	s3 =	sadd.s32 s3, s9;
	s6 =	sadd.s32 @!p0 $0x88, s6;
	s7 =	simm.s32 @p2 $0x1082  }
0x22: {  	[simem:s7], [sflag:s8] =	dma.local @!p0 [hbm:s6], $0xF7A  }
0x23: {  	s9 =	sor.u32 $0xD0000000, s2;
	s6 =	simm.s32 $0x108;
	_ =	swait.ge @!p0 [sflag:s8], $0x0  }
0x24: {  	s3 =	sadd.s32 $0x88, s3;
	s6 =	simm.s32 @!p1 $0x1082;
	[sflag:s4] =	ssyncset.s32 $0xFFFFF086  }
0x25: {  	[simem:s6], [sflag:s4] =	dma.local [hbm:s3], $0xF7A  }
0x26: {  	[smem:$0x3F99] =	sst s1;
	(tag) =	ssettag s2;
	_ =	strace s9  }
0x27: {  	s1 =	sld [smem:$0x3FA9]  }
0x28: {  	s2 =	sld [smem:$0x3FAA]  }
0x29: {  	s4 =	sld [smem:$0x3FAC]  }
0x2a: {  	p0 =	seq.s32 s5, $0x0;
	s5 =	sld [smem:$0x3FAD]  }
0x2b: {  	s6 =	sld [smem:$0x3FAE]  }
0x2c: {  	s7 =	sld [smem:$0x3FAF]  }
0x2d: {  	s3 =	simm.s32 $0x108;
	s8 =	sld [smem:$0x3FB0]  }
0x2e: {  	s3 =	simm.s32 @!p0 $0x1082;
	s9 =	sld [smem:$0x3FB1]  }
0x2f: {  	lr =	sadd.s32 s0, s3;
	s0 =	sld [smem:$0x3FA8]  }
0x30: {  	s3 =	sld [smem:$0x3FAB]  }
0x31: {  	[smem:$0x3FB4] =	sst s10  }
0x32: {  	s10 =	sld [smem:$0x3FB2];
	_ =	sdelay $0x3  }
0x33: {  	p0 =	seq.s32 s10, $0x1;
	s10 =	sld [smem:$0x3FB4];
	_ =	sdelay $0x3  }
0x34: {  	[smem:$0x3FB4] =	sst s10  }
0x35: {  	s10 =	sld [smem:$0x3FB3];
	_ =	sdelay $0x3  }
0x36: {  	p1 =	seq.s32 s10, $0x1;
	s10 =	sld [smem:$0x3FB4];
	_ =	sdelay $0x3  }
0x37: {  	[smem:$0x3FB4] =	sst s10  }
0x38: {  	s10 =	sld [smem:$0x3FB5]  }
0x39: {  	_ = 	snop;
	(pc) =	sbr.ind lr, $3  }
0x3a: {  	_ = 	snop  }
0x3b: {  	_ = 	snop  }
0x3c: {  	p2 =	seq.s32 s10, $0x1;
	s10 =	sld [smem:$0x3FB4]  }
0x3d: {  	_ =	shalt  }
0x3e: {  	_ =	shalt  }
0x3f: {  	_ =	shalt  }
0x40: {  	_ =	shalt  }
0x41: {  	_ =	shalt  }
0x42: {  	_ =	shalt  }
0x43: {  	_ =	shalt  }
0x44: {  	_ =	shalt  }
0x45: {  	_ =	shalt  }
0x46: {  	_ =	shalt  }
0x47: {  	_ =	shalt  }
0x48: {  	_ =	shalt  }
0x49: {  	_ =	shalt  }
0x4a: {  	_ =	shalt  }
0x4b: {  	_ =	shalt  }
0x4c: {  	_ =	shalt  }
0x4d: {  	_ =	shalt  }
0x4e: {  	_ =	shalt  }
0x4f: {  	_ =	shalt  }
0x50: {  	_ =	shalt  }
0x51: {  	_ =	shalt  }
0x52: {  	_ =	shalt  }
0x53: {  	_ =	shalt  }
0x54: {  	_ =	shalt  }
0x55: {  	_ =	shalt  }
0x56: {  	_ =	shalt  }
0x57: {  	_ =	shalt  }
0x58: {  	_ =	shalt  }
0x59: {  	_ =	shalt  }
0x5a: {  	_ =	shalt  }
0x5b: {  	_ =	shalt  }
0x5c: {  	_ =	shalt  }
0x5d: {  	_ =	shalt  }
0x5e: {  	_ =	shalt  }
0x5f: {  	_ =	shalt  }
0x60: {  	_ =	shalt  }
0x61: {  	_ =	shalt  }
0x62: {  	_ =	shalt  }
0x63: {  	_ =	shalt  }
0x64: {  	_ =	shalt  }
0x65: {  	_ =	shalt  }
0x66: {  	_ =	shalt  }
0x67: {  	_ =	shalt  }
0x68: {  	_ =	shalt  }
0x69: {  	_ =	shalt  }
0x6a: {  	_ =	shalt  }
0x6b: {  	_ =	shalt  }
0x6c: {  	_ =	shalt  }
0x6d: {  	_ =	shalt  }
0x6e: {  	_ =	shalt  }
0x6f: {  	_ =	shalt  }
0x70: {  	_ =	shalt  }
0x71: {  	_ =	shalt  }
0x72: {  	_ =	shalt  }
0x73: {  	_ =	shalt  }
0x74: {  	_ =	shalt  }
0x75: {  	_ =	shalt  }
0x76: {  	_ =	shalt  }
0x77: {  	_ =	shalt  }
0x78: {  	_ =	shalt  }
0x79: {  	_ =	shalt  }
0x7a: {  	_ =	shalt  }
0x7b: {  	_ =	shalt  }
0x7c: {  	_ =	shalt  }
0x7d: {  	_ =	shalt  }
0x7e: {  	_ =	shalt  }
0x7f: {  	_ =	shalt  }
0x80: {  	_ =	shalt  }
0x81: {  	_ =	shalt  }
0x82: {  	_ =	shalt  }
0x83: {  	_ =	shalt  }
0x84: {  	_ =	shalt  }
0x85: {  	_ =	shalt  }
0x86: {  	_ =	shalt  }
0x87: {  	_ =	shalt  }
.Lfunc_end0:
.L_simem_size_0:
called_computation.1_lowered:
.L_overlay_start_0:
0x88: {  	s2 =	sld [smem:$0x3FD9]  }
0x89: {  	s3 =	sld [smem:$0x3FFE];
	_ =	sdelay $0x1  }
0x8a: {  	s1 =	srdreg.scid  }
0x8b: {  	s0 =	sand.u32 $0x1, s1  }
0x8c: {  	s17 =	sshll.u32 s0, $0xA;
	s2 =	sadd.s32 s3, s2  }
0x8d: {  	s2 =	sadd.s32 s2, s17  }
0x8e: {  	[smem:$0x3FC0] =	sst s2  }
0x8f: {  	_ = 	snop  }
0x90: {  	s2 =	sld [smem:$0x3FD0];
	(tm) =	ssettm $0x1  }
0x91: {  	s18 =	sld [smem:$0x3FFB];
	_ =	sdelay $0x3  }
0x92: {  	_ =	strace s18  }
0x93: {  	s3 =	sld [smem:$0x3FFC];
	_ =	sdelay $0x3  }
0x94: {  	_ =	strace s3  }
0x95: {  	s3 =	sld [smem:$0x3FFD];
	_ =	sdelay $0x3  }
0x96: {  	_ =	strace s3  }
0x97: {  	_ =	strace $0x8FFFFFFF  }
0x98: {  	s19 =	sld [smem:$0x3FDB];
	_ =	sdelay $0x1  }
0x99: {  	s4 =	simm.s32 $_scs_section_size  }
0x9a: {  	s5 =	simm.s32 $_size__tile_overlayer_lowered;
	s6 =	simm.s32 $_tile_overlayer_lowered  }
0x9b: {  	s22 =	simm.s32 $0x1BFF;
	s21 =	sshll.u32 s6, $0x1;
	s3 =	sadd.s32 s4, s19  }
0x9c: {  	s7 =	simm.s32 $0x0;
	s20 =	sshll.u32 s5, $0x1;
	s5 =	sadd.s32 s21, s3  }
0x9d: {  	[timem:s7], [sflag:s22] =	dma.local [hbm:s5], s20  }
0x9e: {  	_ =	swait.ge [sflag:s22], s20  }
0x9f: {  	s4 =	ssub.s32 $0x0, s20;
	[sflag:s22] =	ssyncset.done $0x0  }
0xa0: {  	[sflag:s22] =	ssyncadd.s32 s4;
	_ =	sdelay $0x1  }
0xa1: {  	s23 =	simm.s32 $0x1B8B  }
0xa2: {  	_ =	swait.ge [sflag:s23], $0x1  }
0xa3: {  	[sflag:s23] =	ssyncset.done $0x0  }
0xa4: {  	s25 =	simm.s32 $0x1B8E;
	s24 =	sld [smem:$0x3FFE];
	[sflag:s23] =	ssyncadd.s32 $0xFFFFFFFF  }
0xa5: {  	s26 =	simm.s32 $execute0_lowered;
	[smem:$0x3FD2] =	sst s25  }
0xa6: {  	s5 =	sshll.u32 s26, $0x1;
	_ =	strace $0x80000049;
	[dreg:$0x1] =	wrdreg $0xFFFFFFFF  }
0xa7: {  	s28 =	simm.s32 $_size_execute0_lowered;
	s3 =	sadd.s32 s3, s5;
	[dreg:$0x0] =	wrdreg $0x0  }
0xa8: {  	s5 =	sshll.u32 s28, $0x1;
	[dreg:$0x2] =	wrdreg s3  }
0xa9: {  	[dreg:$0x3] =	wrdreg s5  }
0xaa: {  	[dreg:$0x4] =	wrdreg $0xC0  }
0xab: {  	_ =	task [dreg:s7], $0x5FFFF  }
0xac: {  	[dreg:$0x1] =	wrdreg $0xFFFFFFFF  }
0xad: {  	[dreg:$0x0] =	wrdreg $0x60  }
0xae: {  	[dreg:$0x2] =	wrdreg s24  }
0xaf: {  	[dreg:$0x3] =	wrdreg s2  }
0xb0: {  	[dreg:$0x4] =	wrdreg $0x90000  }
0xb1: {  	[dreg:$0x5] =	wrdreg $0x9  }
0xb2: {  	_ =	task.clear_ibuf [dreg:s7], $0x6FFFF;
	_ =	strace $0x90000049  }
0xb3: {  	s29 =	simm.s32 $0x9;
	_ =	strace $0x8000004B  }
0xb4: {  	_ =	swait.ge [sflag:s29], $0x1  }
0xb5: {  	[sflag:s29] =	ssyncadd.s32 $0xFFFFFFFF  }
0xb6: {  	_ =	strace $0x9000004B  }
0xb7: {  	_ =	sfence  }
0xb8: {  	s30 =	sld [smem:$0x0];
	_ =	sdelay $0x2  }
0xb9: {  	s31 =	sshll.u32 s1, $0xD;
	s1 =	sshrl.u32 s1, $0x2  }
0xba: {  	s3 =	sand.u32 $0x4000, s31;
	s1 =	sadd.s32 s1, s30  }
0xbb: {  	s0 =	sor.u32 s3, s0;
	s1 =	sshll.u32 s1, $0x11  }
0xbc: {  	s0 =	sor.u32 s1, s0  }
0xbd: {  	s0 =	sadd.s32 $0x8F2B, s0  }
0xbe: {  	[sflag:s0] =	ssyncadd.remote.s32 $0x1  }
0xbf: {  	_ =	sfence.sel $0xFFFF  }
0xc0: {  	[dreg:$0x0] =	wrdreg $0xFFFFFFFF;
	(pc) =	sbr.abs _section_cstart, $3  }
0xc1: {  	[dreg:$0x1] =	wrdreg $0xFFFFFFFF  }
0xc2: {  	_ =	task.clear_ibuf [dreg:s7], $0x2FFFF;
	_ =	strace $0x9FFFFFFF  }
0xc3: {  	(tm) =	ssettm $0x7FFFFFFF  }
tec
execute0_lowered:
.L_overlay_start_1:
0x0: {  	(tag) =	ssettag $0x1  }
0x1: {  	s0 =	rddreg [dreg:$0x0]  }
0x2: {  	s6 =	rddreg [dreg:$0x1]  }
0x3: {  	s2 =	rddreg [dreg:$0x2];
	s1 =	stileid.u32;
	s3 =	simm.s32 $0x0  }
0x4: {  	s4 =	srdreg.scid;
	s16 =	simm.s32 $0x1000;
	s17 =	simm.s32 $0x7  }
0x5: {  	s19 =	simm.s32 $0x80;
	s20 =	simm.s32 $0x5000;
	s21 =	simm.s32 $0x1  }
0x6: {  	s22 =	simm.s32 $0x2;
	s23 =	simm.s32 $0x3;
	s5 =	smul.u32 $0x50, s1  }
0x7: {  	s24 =	simm.s32 $0x4;
	s25 =	simm.s32 $0x5;
	s30 =	smul.u32 $0x2800, s1  }
0x8: {  	s26 =	simm.s32 $0x6;
	s7 =	sand.u32 $0x1, s4;
	s10 =	smul.u32 $0x50000, s1  }
0x9: {  	[smem:$0x7FF] =	sst s3;
	p0 =	seq.s32 s7, $0x0;
	s8 =	smul.u32 $0x28000, s7  }
0xa: {  	_ =	strace $0x8000004A;
	s7 =	ssub.s32 $0x2, s7;
	s4 =	sadd.s32 $0x500, s5  }
0xb: {  	s31 =	sshrl.u32 s7, $0x1;
	s10 =	sshrl.u32 s10, $0x2;
	s4 =	smov.u32 @p0 s5  }
0xc: {  	s5 =	sadd.s32 s30, s8;
	s11 =	ssub.s32 s7, s31;
	s9 =	sshll.u32 s4, $0x4  }
.Ltmp0:
0xd: {  	s4 =	sadd.s32 $0xC800, s0;
	s14 =	sadd.s32 s9, s0;
	(pc) =	sbr.rel .LBB2_1-.Ltmp0, $4  }
0xe: {  	s0 =	sadd.s32 s5, s0;
	s5 =	sadd.s32 s10, s2;
	s6 =	sadd.s32 s6, s9  }
0xf: {  	s9 =	smax.u32 s11, $0x1;
	s7 =	sadd.s32 $0x2800, s14;
	s8 =	sadd.s32 $0x34800, s0  }
0x10: {  	s10 =	sadd.s32 $0x4000, s5;
	s11 =	sadd.s32 $0x8000, s5;
	s12 =	sadd.s32 $0xC000, s5  }
0x11: {  	v0 =	vimm.f32 $0.0e+00;
	s13 =	sadd.s32 $0x10000, s5;
	s14 =	sadd.s32 $0x2880, s14;
	s15 =	sadd.s32 $0x80, s6  }
.LBB2_5:
0x12: {  	_ =	swait.ge [sflag:s24], $0x4000  }
0x13: {  	[sflag:s24] =	ssyncset.done $0x0  }
0x14: {  	[sflag:s24] =	ssyncadd.s32 $0xFFFFC000  }
.LBB2_7:
0x15: {  	s0 =	stileid.u32;
	s3 =	sadd.s32 $0x1, s3  }
0x16: {  	[bflag:$0x0] =	sbarrier.arrive $0xFFFF;
	s0 =	sshll.u32 s0, $0x6;
	p0 =	sne.s32 s3, s9  }
.Ltmp1:
0x17: {  	s1 =	sshrl.u32 s5, $0x3;
	s0 =	sor.u32 $0x1C07, s0;
	(pc) =	sbr.rel @!p0 .LBB2_8-.Ltmp1, $4  }
0x18: {  	[hbm:s8], [sflag:s0] =	dma.local [spmem:s1], $0x2800  }
0x19: {  	_ =	swait.ge [sflag:s17], $0x2800  }
0x1a: {  	[sflag:s17] =	ssyncset.done $0x0  }
0x1b: {  	[sflag:s17] =	ssyncadd.s32 $0xFFFFD800  }
.LBB2_1:
0x1c: {  	s0 =	simm.s32 $0x0;
	s28 =	simm.s32 $0x200  }
.LBB2_2:
0x1d: {  	p0 =	sne.s32 s28, $0xFE00;
	[tilespmem:s0+$0x1070] =	vst v0  }
0x1e: {  	[tilespmem:s0+$0x1000] =	vst v0  }
0x1f: {  	[tilespmem:s0+$0x1010] =	vst v0  }
.Ltmp2:
0x20: {  	[tilespmem:s0+$0x1020] =	vst v0;
	(pc) =	sbr.rel @p0 .LBB2_2-.Ltmp2, $4  }
0x21: {  	[tilespmem:s0+$0x1030] =	vst v0  }
0x22: {  	[tilespmem:s0+$0x1040] =	vst v0  }
0x23: {  	[tilespmem:s0+$0x1050] =	vst v0  }
0x24: {  	[tilespmem:s0+$0x1060] =	vst v0;
	s0 =	sshra.s32 s28, $0x2;
	s28 =	sadd.s32 $0x200, s28  }
0x25: {  	[tilespmem:s0+$0x1070] =	vst v0  }
0x26: {  	[tilespmem:s0+$0x1000] =	vst v0  }
0x27: {  	[tilespmem:s0+$0x1010] =	vst v0  }
0x28: {  	[tilespmem:s0+$0x1020] =	vst v0  }
0x29: {  	[tilespmem:s0+$0x1030] =	vst v0  }
0x2a: {  	[tilespmem:s0+$0x1040] =	vst v0  }
0x2b: {  	[tilespmem:s0+$0x1050] =	vst v0  }
0x2c: {  	[tilespmem:s0+$0x1060] =	vst v0  }
0x2d: {  	[spmem:s5] =	stream.linear.scatter [tilespmem:s16], [sflag:$0x7], $0x4000, $0x38;
	[tilespmem:$0x1D000] =	vst v63  }
0x2e: {  	_ =	swait.ge [sflag:s17], $0x4000  }
0x2f: {  	[sflag:s17] =	ssyncset.done $0x0  }
0x30: {  	[sflag:s17] =	ssyncadd.s32 $0xFFFFC000  }
0x31: {  	[spmem:s10] =	stream.linear.scatter [tilespmem:s16], [sflag:$0x7], $0x4000, $0x38;
	[tilespmem:$0x1D000] =	vst v63  }
0x32: {  	_ =	swait.ge [sflag:s17], $0x4000  }
0x33: {  	[sflag:s17] =	ssyncset.done $0x0  }
0x34: {  	[sflag:s17] =	ssyncadd.s32 $0xFFFFC000  }
0x35: {  	[spmem:s11] =	stream.linear.scatter [tilespmem:s16], [sflag:$0x7], $0x4000, $0x38;
	[tilespmem:$0x1D000] =	vst v63  }
0x36: {  	_ =	swait.ge [sflag:s17], $0x4000  }
0x37: {  	[sflag:s17] =	ssyncset.done $0x0  }
0x38: {  	[sflag:s17] =	ssyncadd.s32 $0xFFFFC000  }
0x39: {  	[spmem:s12] =	stream.linear.scatter [tilespmem:s16], [sflag:$0x7], $0x4000, $0x38;
	[tilespmem:$0x1D000] =	vst v63  }
0x3a: {  	_ =	swait.ge [sflag:s17], $0x4000  }
0x3b: {  	[sflag:s17] =	ssyncset.done $0x0  }
0x3c: {  	[sflag:s17] =	ssyncadd.s32 $0xFFFFC000  }
0x3d: {  	[spmem:s13] =	stream.linear.scatter [tilespmem:s16], [sflag:$0x7], $0x4000, $0x38;
	[tilespmem:$0x1D000] =	vst v63  }
0x3e: {  	_ =	swait.ge [sflag:s17], $0x4000  }
0x3f: {  	[sflag:s17] =	ssyncset.done $0x0  }
0x40: {  	[sflag:s17] =	ssyncadd.s32 $0xFFFFC000  }
0x41: {  	s28 =	simm.s32 $0x0;
	[bflag:$0x0] =	sbarrier.arrive $0xFFFF  }
0x42: {  	[tilespmem:s28], [sflag:$0x7] =	stream.linear.gather [hbm4b:s6+s28], $0x400, $0x38;
	[tilespmem:$0x1D000] =	vst v63  }
0x43: {  	_ =	swait.ge [sflag:s17], $0x400  }
0x44: {  	[sflag:s17] =	ssyncset.done $0x0  }
0x45: {  	s31 =	simm.s32 $0x800;
	[sflag:s17] =	ssyncadd.s32 $0xFFFFFC00  }
0x46: {  	[tilespmem:s31], [sflag:$0x7] =	stream.linear.gather [hbm4b:s7+s28], $0x400, $0x38;
	[tilespmem:$0x1D000] =	vst v63  }
0x47: {  	_ =	swait.ge [sflag:s17], $0x400  }
0x48: {  	[sflag:s17] =	ssyncset.done $0x0  }
0x49: {  	[sflag:s17] =	ssyncadd.s32 $0xFFFFFC00  }
0x4a: {  	[tilespmem:s16], [sflag:$0x1] =	stream.indirect.gather [hbm4b:s4+s19], $0x80, s28, s19, $0xb8;
	[tilespmem:$0x1D000] =	vst v63  }
0x4b: {  	s29 =	smov.u32 s15;
	s30 =	smov.u32 s14  }
0x4c: {  	[tilespmem:s20], [sflag:$0x2] =	stream.indirect.gather [hbm4b:s4+s19], $0x80, s19, s19, $0xb8;
	[tilespmem:$0x1D000] =	vst v63  }
.LBB2_4:
0x4d: {  	s0 =	sand.u32 $0x1, s28  }
0x4e: {  	p0 =	seq.s32 s28, $0x9;
	s31 =	sxor.u32 $0x1, s0  }
0x4f: {  	s18 =	simm.s32 @!p0 $0x0;
	s1 =	sshll.u32 @!p0 s31, $0xA  }
0x50: {  	[tilespmem:s1], [sflag:$0x5] =	stream.linear.gather @!p0 [hbm4b:s29+s18], $0x400, $0x38;
	[tilespmem:$0x1D000] =	vst v63  }
0x51: {  	s1 =	sor.u32 @!p0 $0x800, s1  }
0x52: {  	[tilespmem:s1], [sflag:$0x6] =	stream.linear.gather @!p0 [hbm4b:s30+s18], $0x400, $0x38;
	[tilespmem:$0x1D000] =	vst v63  }
0x53: {  	_ =	swait.ge [sflag:s21], $0x4000  }
0x54: {  	s0 =	sshll.u32 s0, $0xA;
	[sflag:s21] =	ssyncset.done $0x0  }
0x55: {  	s18 =	sor.u32 $0x800, s0;
	[sflag:s21] =	ssyncadd.s32 $0xFFFFC000  }
0x56: {  	[spmem:s2] =	stream.indirect.scatter.add.f32 [tilespmem:s16], [sflag:$0x3], $0x80, s18, s19, $0xb8;
	[tilespmem:$0x1D000] =	vst v63  }
0x57: {  	_ =	swait.ge [sflag:s22], $0x4000  }
0x58: {  	[sflag:s22] =	ssyncset.done $0x0  }
0x59: {  	s18 =	sor.u32 $0x880, s0;
	[sflag:s22] =	ssyncadd.s32 $0xFFFFC000  }
0x5a: {  	[spmem:s2] =	stream.indirect.scatter.add.f32 [tilespmem:s20], [sflag:$0x4], $0x80, s18, s19, $0xb8;
	[tilespmem:$0x1D000] =	vst v63  }
0x5b: {  	_ =	swait.ge [sflag:s23], $0x4000  }
0x5c: {  	[sflag:s23] =	ssyncset.done $0x0  }
0x5d: {  	s18 =	sor.u32 $0x100, s0;
	[sflag:s23] =	ssyncadd.s32 $0xFFFFC000  }
0x5e: {  	[tilespmem:s16], [sflag:$0x1] =	stream.indirect.gather [hbm4b:s4+s19], $0x80, s18, s19, $0xb8;
	[tilespmem:$0x1D000] =	vst v63  }
0x5f: {  	_ =	swait.ge [sflag:s24], $0x4000  }
0x60: {  	[sflag:s24] =	ssyncset.done $0x0  }
0x61: {  	s18 =	sor.u32 $0x180, s0;
	[sflag:s24] =	ssyncadd.s32 $0xFFFFC000  }
0x62: {  	[tilespmem:s20], [sflag:$0x2] =	stream.indirect.gather [hbm4b:s4+s19], $0x80, s18, s19, $0xb8;
	[tilespmem:$0x1D000] =	vst v63  }
0x63: {  	_ =	swait.ge [sflag:s21], $0x4000  }
0x64: {  	[sflag:s21] =	ssyncset.done $0x0  }
0x65: {  	s18 =	sor.u32 $0x900, s0;
	[sflag:s21] =	ssyncadd.s32 $0xFFFFC000  }
0x66: {  	[spmem:s2] =	stream.indirect.scatter.add.f32 [tilespmem:s16], [sflag:$0x3], $0x80, s18, s19, $0xb8;
	[tilespmem:$0x1D000] =	vst v63  }
0x67: {  	_ =	swait.ge [sflag:s22], $0x4000  }
0x68: {  	[sflag:s22] =	ssyncset.done $0x0  }
0x69: {  	s18 =	sor.u32 $0x980, s0;
	[sflag:s22] =	ssyncadd.s32 $0xFFFFC000  }
0x6a: {  	[spmem:s2] =	stream.indirect.scatter.add.f32 [tilespmem:s20], [sflag:$0x4], $0x80, s18, s19, $0xb8;
	[tilespmem:$0x1D000] =	vst v63  }
0x6b: {  	_ =	swait.ge [sflag:s23], $0x4000  }
0x6c: {  	[sflag:s23] =	ssyncset.done $0x0  }
0x6d: {  	s18 =	sor.u32 $0x200, s0;
	[sflag:s23] =	ssyncadd.s32 $0xFFFFC000  }
0x6e: {  	[tilespmem:s16], [sflag:$0x1] =	stream.indirect.gather [hbm4b:s4+s19], $0x80, s18, s19, $0xb8;
	[tilespmem:$0x1D000] =	vst v63  }
0x6f: {  	_ =	swait.ge [sflag:s24], $0x4000  }
0x70: {  	[sflag:s24] =	ssyncset.done $0x0  }
0x71: {  	s18 =	sor.u32 $0x280, s0;
	[sflag:s24] =	ssyncadd.s32 $0xFFFFC000  }
0x72: {  	[tilespmem:s20], [sflag:$0x2] =	stream.indirect.gather [hbm4b:s4+s19], $0x80, s18, s19, $0xb8;
	[tilespmem:$0x1D000] =	vst v63  }
0x73: {  	_ =	swait.ge [sflag:s21], $0x4000  }
0x74: {  	[sflag:s21] =	ssyncset.done $0x0  }
0x75: {  	s18 =	sor.u32 $0xA00, s0;
	[sflag:s21] =	ssyncadd.s32 $0xFFFFC000  }
0x76: {  	[spmem:s2] =	stream.indirect.scatter.add.f32 [tilespmem:s16], [sflag:$0x3], $0x80, s18, s19, $0xb8;
	[tilespmem:$0x1D000] =	vst v63  }
0x77: {  	_ =	swait.ge [sflag:s22], $0x4000  }
0x78: {  	[sflag:s22] =	ssyncset.done $0x0  }
0x79: {  	s18 =	sor.u32 $0xA80, s0;
	[sflag:s22] =	ssyncadd.s32 $0xFFFFC000  }
0x7a: {  	[spmem:s2] =	stream.indirect.scatter.add.f32 [tilespmem:s20], [sflag:$0x4], $0x80, s18, s19, $0xb8;
	[tilespmem:$0x1D000] =	vst v63  }
0x7b: {  	_ =	swait.ge [sflag:s23], $0x4000  }
0x7c: {  	[sflag:s23] =	ssyncset.done $0x0  }
0x7d: {  	s18 =	sor.u32 $0x300, s0;
	[sflag:s23] =	ssyncadd.s32 $0xFFFFC000  }
0x7e: {  	[tilespmem:s16], [sflag:$0x1] =	stream.indirect.gather [hbm4b:s4+s19], $0x80, s18, s19, $0xb8;
	[tilespmem:$0x1D000] =	vst v63  }
0x7f: {  	_ =	swait.ge [sflag:s24], $0x4000  }
0x80: {  	[sflag:s24] =	ssyncset.done $0x0  }
0x81: {  	s18 =	sor.u32 $0x380, s0;
	[sflag:s24] =	ssyncadd.s32 $0xFFFFC000  }
0x82: {  	[tilespmem:s20], [sflag:$0x2] =	stream.indirect.gather [hbm4b:s4+s19], $0x80, s18, s19, $0xb8;
	[tilespmem:$0x1D000] =	vst v63  }
0x83: {  	_ =	swait.ge [sflag:s21], $0x4000  }
0x84: {  	[sflag:s21] =	ssyncset.done $0x0  }
0x85: {  	s18 =	sor.u32 $0xB00, s0;
	[sflag:s21] =	ssyncadd.s32 $0xFFFFC000  }
0x86: {  	[spmem:s2] =	stream.indirect.scatter.add.f32 [tilespmem:s16], [sflag:$0x3], $0x80, s18, s19, $0xb8;
	[tilespmem:$0x1D000] =	vst v63  }
0x87: {  	_ =	swait.ge [sflag:s22], $0x4000  }
0x88: {  	p0 =	sne.s32 s28, $0x9;
	[sflag:s22] =	ssyncset.done $0x0  }
.Ltmp3:
0x89: {  	s0 =	sor.u32 $0xB80, s0;
	[sflag:s22] =	ssyncadd.s32 $0xFFFFC000;
	(pc) =	sbr.rel @!p0 .LBB2_5-.Ltmp3, $4  }
0x8a: {  	[spmem:s2] =	stream.indirect.scatter.add.f32 [tilespmem:s20], [sflag:$0x4], $0x80, s0, s19, $0xb8;
	[tilespmem:$0x1D000] =	vst v63  }
0x8b: {  	_ =	swait.ge [sflag:s23], $0x4000  }
0x8c: {  	[sflag:s23] =	ssyncset.done $0x0  }
0x8d: {  	[sflag:s23] =	ssyncadd.s32 $0xFFFFC000  }
0x8e: {  	_ =	swait.ge [sflag:s25], $0x400  }
0x8f: {  	[sflag:s25] =	ssyncset.done $0x0  }
0x90: {  	[sflag:s25] =	ssyncadd.s32 $0xFFFFFC00  }
0x91: {  	_ =	swait.ge [sflag:s26], $0x400  }
0x92: {  	s28 =	sadd.s32 $0x1, s28;
	[sflag:s26] =	ssyncset.done $0x0  }
0x93: {  	s0 =	sshll.u32 s31, $0xA;
	p0 =	sne.s32 s28, $0xA;
	[sflag:s26] =	ssyncadd.s32 $0xFFFFFC00  }
0x94: {  	[tilespmem:s16], [sflag:$0x1] =	stream.indirect.gather [hbm4b:s4+s19], $0x80, s0, s19, $0xb8;
	[tilespmem:$0x1D000] =	vst v63  }
.Ltmp4:
0x95: {  	_ = 	snop;
	(pc) =	sbr.rel @p0 .LBB2_4-.Ltmp4, $4  }
.Ltmp5:
0x96: {  	_ =	swait.ge [sflag:s24], $0x4000;
	(pc) =	sbr.rel @!p0 .LBB2_7-.Ltmp5, $4  }
0x97: {  	s30 =	sadd.s32 $0x80, s30;
	[sflag:s24] =	ssyncset.done $0x0  }
0x98: {  	s29 =	sadd.s32 $0x80, s29;
	s0 =	sor.u32 $0x80, s0;
	[sflag:s24] =	ssyncadd.s32 $0xFFFFC000  }
0x99: {  	[tilespmem:s20], [sflag:$0x2] =	stream.indirect.gather [hbm4b:s4+s19], $0x80, s0, s19, $0xb8;
	[tilespmem:$0x1D000] =	vst v63  }
0x9a: {  	_ = 	snop  }
.LBB2_8:
0x9b: {  	_ =	sfence.sel $0x180000  }
0x9c: {  	[bflag:$0x0] =	sbarrier.arrive $0xFFFF  }
0x9d: {  	_ =	strace $0x9000004A  }
0x9e: {  	s0 =	stileid.u32;
	[bflag:$0x2] =	sbarrier.arrive $0xFFFF  }
0x9f: {  	p0 =	sne.s32 s0, $0x0;
	s0 =	rddreg [dreg:$0x3]  }
0xa0: {  	s0 =	sadd.s32 @!p0 $0x100000, s0  }
0xa1: {  	[sflag:s0] =	ssyncadd.tile.s32 @!p0 $0x1;
	_ =	shalt  }
.Lfunc_end2:
_tile_overlayer_lowered:
.L_overlay_start_2:
0xa2: {  	(tag) =	ssettag $0x2  }
0xa3: {  	s0 =	rddreg [dreg:$0x0];
	s2 =	stileid.u32  }
0xa4: {  	s1 =	rddreg [dreg:$0x1];
	p0 =	sne.s32 s2, $0x0  }
0xa5: {  	s3 =	rddreg [dreg:$0x2];
	[bflag:$0x3] =	sbarrier.arrive $0xFFFF;
	s2 =	simm.s32 @!p0 $0x1C07  }
0xa6: {  	[timem:s3], [sflag:s2] =	dma.local @!p0 [hbm:s0], s1  }
0xa7: {  	s0 =	simm.s32 @!p0 $0x7  }
0xa8: {  	_ =	swait.ge @!p0 [sflag:s0], s1  }
0xa9: {  	s1 =	ssub.s32 @!p0 $0x0, s1;
	[sflag:s0] =	ssyncset.done @!p0 $0x0  }
0xaa: {  	[sflag:s0] =	ssyncadd.s32 @!p0 s1  }
0xab: {  	[bflag:$0x3] =	sbarrier.arrive $0xFFFF  }
0xac: {  	_ =	shalt  }

// kernel: kernel.16.cloned.1.call-start
scs
__scs_entry_jumppad:
0x0: {  	(pc) =	sbr.rel $0x88, $3  }
0x1: {  	(tag) =	ssettag $0x0;
	lr =	simm.s32 $0x1  }
0x2: {  	[smem:$0x3F99] =	sst lr;
	_ =	strace $0xD0000000  }
0x3: {  	_ = 	snop  }
0x4: {  	_ = 	snop  }
0x5: {  	_ = 	snop  }
0x6: {  	_ = 	snop  }
0x7: {  	_ = 	snop  }
__scs_overlays_trampoline_lowered:
0x8: {  	[smem:$0x3FA8] =	sst s0  }
0x9: {  	[smem:$0x3FA9] =	sst s1  }
0xa: {  	[smem:$0x3FAA] =	sst s2  }
0xb: {  	[smem:$0x3FAB] =	sst s3  }
0xc: {  	[smem:$0x3FAC] =	sst s4  }
0xd: {  	[smem:$0x3FAD] =	sst s5  }
0xe: {  	[smem:$0x3FAE] =	sst s6  }
0xf: {  	[smem:$0x3FAF] =	sst s7  }
0x10: {  	[smem:$0x3FB0] =	sst s8  }
0x11: {  	[smem:$0x3FB1] =	sst s9;
	s0 =	simm.s32 @!p0 $0x0  }
0x12: {  	s1 =	sld [smem:$0x3F97];
	s0 =	simm.s32 @p0 $0x1  }
0x13: {  	[smem:$0x3FB2] =	sst s0;
	s0 =	simm.s32 @!p1 $0x0  }
0x14: {  	s2 =	sld [smem:$0x3F96];
	s0 =	simm.s32 @p1 $0x1  }
0x15: {  	[smem:$0x3FB3] =	sst s0;
	s0 =	simm.s32 @!p2 $0x0  }
0x16: {  	s3 =	sld [smem:$0x3FDB];
	s0 =	simm.s32 @p2 $0x1  }
0x17: {  	s4 =	simm.s32 $0x1BF5;
	[smem:$0x3FB5] =	sst s0  }
0x18: {  	s0 =	sld [smem:$0x3F98];
	_ =	swait.ge [sflag:s4], $0x0  }
0x19: {  	s7 =	sld [smem:$0x3F99]  }
0x1a: {  	s8 =	sadd.s32 $0xFFFFE003, lr  }
0x1b: {  	s9 =	sadd.s32 $0xFFFFFEF7, lr;
	s5 =	simm.s32 $0xFFFFFFFF;
	p2 =	slt.u32 s8, $0xFFFFF086  }
0x1c: {  	p1 =	slt.u32 s9, $0xF7A;
	s5 =	simm.s32 @!p2 $0x0  }
0x1d: {  	s5 =	simm.s32 @p1 $0x1;
	p0 =	seq.s32 s7, s2  }
0x1e: {  	s7 =	smul.u32 @!p0 $0xF7A, s2;
	p2 =	seq.s32 @!p0 s5, $0x0  }
0x1f: {  	s9 =	smul.u32 $0xF7A, s1;
	s8 =	simm.s32 @!p0 $0x1BF5;
	p2 =	por !p2, p0  }
0x20: {  	[sflag:s8] =	ssyncset.s32 @!p0 $0xFFFFF086;
	s6 =	sadd.s32 @!p0 s3, s7;
	s7 =	simm.s32 @!p0 $0x108  }
0x21: {  	s3 =	sadd.s32 s3, s9;
	s6 =	sadd.s32 @!p0 $0x88, s6;
	s7 =	simm.s32 @p2 $0x1082  }
0x22: {  	[simem:s7], [sflag:s8] =	dma.local @!p0 [hbm:s6], $0xF7A  }
0x23: {  	s9 =	sor.u32 $0xD0000000, s2;
	s6 =	simm.s32 $0x108;
	_ =	swait.ge @!p0 [sflag:s8], $0x0  }
0x24: {  	s3 =	sadd.s32 $0x88, s3;
	s6 =	simm.s32 @!p1 $0x1082;
	[sflag:s4] =	ssyncset.s32 $0xFFFFF086  }
0x25: {  	[simem:s6], [sflag:s4] =	dma.local [hbm:s3], $0xF7A  }
0x26: {  	[smem:$0x3F99] =	sst s1;
	(tag) =	ssettag s2;
	_ =	strace s9  }
0x27: {  	s1 =	sld [smem:$0x3FA9]  }
0x28: {  	s2 =	sld [smem:$0x3FAA]  }
0x29: {  	s4 =	sld [smem:$0x3FAC]  }
0x2a: {  	p0 =	seq.s32 s5, $0x0;
	s5 =	sld [smem:$0x3FAD]  }
0x2b: {  	s6 =	sld [smem:$0x3FAE]  }
0x2c: {  	s7 =	sld [smem:$0x3FAF]  }
0x2d: {  	s3 =	simm.s32 $0x108;
	s8 =	sld [smem:$0x3FB0]  }
0x2e: {  	s3 =	simm.s32 @!p0 $0x1082;
	s9 =	sld [smem:$0x3FB1]  }
0x2f: {  	lr =	sadd.s32 s0, s3;
	s0 =	sld [smem:$0x3FA8]  }
0x30: {  	s3 =	sld [smem:$0x3FAB]  }
0x31: {  	[smem:$0x3FB4] =	sst s10  }
0x32: {  	s10 =	sld [smem:$0x3FB2];
	_ =	sdelay $0x3  }
0x33: {  	p0 =	seq.s32 s10, $0x1;
	s10 =	sld [smem:$0x3FB4];
	_ =	sdelay $0x3  }
0x34: {  	[smem:$0x3FB4] =	sst s10  }
0x35: {  	s10 =	sld [smem:$0x3FB3];
	_ =	sdelay $0x3  }
0x36: {  	p1 =	seq.s32 s10, $0x1;
	s10 =	sld [smem:$0x3FB4];
	_ =	sdelay $0x3  }
0x37: {  	[smem:$0x3FB4] =	sst s10  }
0x38: {  	s10 =	sld [smem:$0x3FB5]  }
0x39: {  	_ = 	snop;
	(pc) =	sbr.ind lr, $3  }
0x3a: {  	_ = 	snop  }
0x3b: {  	_ = 	snop  }
0x3c: {  	p2 =	seq.s32 s10, $0x1;
	s10 =	sld [smem:$0x3FB4]  }
0x3d: {  	_ =	shalt  }
0x3e: {  	_ =	shalt  }
0x3f: {  	_ =	shalt  }
0x40: {  	_ =	shalt  }
0x41: {  	_ =	shalt  }
0x42: {  	_ =	shalt  }
0x43: {  	_ =	shalt  }
0x44: {  	_ =	shalt  }
0x45: {  	_ =	shalt  }
0x46: {  	_ =	shalt  }
0x47: {  	_ =	shalt  }
0x48: {  	_ =	shalt  }
0x49: {  	_ =	shalt  }
0x4a: {  	_ =	shalt  }
0x4b: {  	_ =	shalt  }
0x4c: {  	_ =	shalt  }
0x4d: {  	_ =	shalt  }
0x4e: {  	_ =	shalt  }
0x4f: {  	_ =	shalt  }
0x50: {  	_ =	shalt  }
0x51: {  	_ =	shalt  }
0x52: {  	_ =	shalt  }
0x53: {  	_ =	shalt  }
0x54: {  	_ =	shalt  }
0x55: {  	_ =	shalt  }
0x56: {  	_ =	shalt  }
0x57: {  	_ =	shalt  }
0x58: {  	_ =	shalt  }
0x59: {  	_ =	shalt  }
0x5a: {  	_ =	shalt  }
0x5b: {  	_ =	shalt  }
0x5c: {  	_ =	shalt  }
0x5d: {  	_ =	shalt  }
0x5e: {  	_ =	shalt  }
0x5f: {  	_ =	shalt  }
0x60: {  	_ =	shalt  }
0x61: {  	_ =	shalt  }
0x62: {  	_ =	shalt  }
0x63: {  	_ =	shalt  }
0x64: {  	_ =	shalt  }
0x65: {  	_ =	shalt  }
0x66: {  	_ =	shalt  }
0x67: {  	_ =	shalt  }
0x68: {  	_ =	shalt  }
0x69: {  	_ =	shalt  }
0x6a: {  	_ =	shalt  }
0x6b: {  	_ =	shalt  }
0x6c: {  	_ =	shalt  }
0x6d: {  	_ =	shalt  }
0x6e: {  	_ =	shalt  }
0x6f: {  	_ =	shalt  }
0x70: {  	_ =	shalt  }
0x71: {  	_ =	shalt  }
0x72: {  	_ =	shalt  }
0x73: {  	_ =	shalt  }
0x74: {  	_ =	shalt  }
0x75: {  	_ =	shalt  }
0x76: {  	_ =	shalt  }
0x77: {  	_ =	shalt  }
0x78: {  	_ =	shalt  }
0x79: {  	_ =	shalt  }
0x7a: {  	_ =	shalt  }
0x7b: {  	_ =	shalt  }
0x7c: {  	_ =	shalt  }
0x7d: {  	_ =	shalt  }
0x7e: {  	_ =	shalt  }
0x7f: {  	_ =	shalt  }
0x80: {  	_ =	shalt  }
0x81: {  	_ =	shalt  }
0x82: {  	_ =	shalt  }
0x83: {  	_ =	shalt  }
0x84: {  	_ =	shalt  }
0x85: {  	_ =	shalt  }
0x86: {  	_ =	shalt  }
0x87: {  	_ =	shalt  }
.Lfunc_end0:
.L_simem_size_0:
called_computation.2_lowered:
.L_overlay_start_0:
0x88: {  	s2 =	sld [smem:$0x3FD9]  }
0x89: {  	s3 =	sld [smem:$0x3FFE];
	_ =	sdelay $0x1  }
0x8a: {  	s1 =	srdreg.scid  }
0x8b: {  	s0 =	sand.u32 $0x1, s1  }
0x8c: {  	s17 =	sshll.u32 s0, $0xA;
	s2 =	sadd.s32 s3, s2  }
0x8d: {  	s2 =	sadd.s32 s2, s17  }
0x8e: {  	[smem:$0x3FC0] =	sst s2  }
0x8f: {  	_ = 	snop  }
0x90: {  	s2 =	sld [smem:$0x3FD0];
	(tm) =	ssettm $0x1  }
0x91: {  	s18 =	sld [smem:$0x3FFB];
	_ =	sdelay $0x3  }
0x92: {  	_ =	strace s18  }
0x93: {  	s3 =	sld [smem:$0x3FFC];
	_ =	sdelay $0x3  }
0x94: {  	_ =	strace s3  }
0x95: {  	s3 =	sld [smem:$0x3FFD];
	_ =	sdelay $0x3  }
0x96: {  	_ =	strace s3  }
0x97: {  	_ =	strace $0x8FFFFFFF  }
0x98: {  	s19 =	sld [smem:$0x3FDB];
	_ =	sdelay $0x1  }
0x99: {  	s4 =	simm.s32 $_scs_section_size  }
0x9a: {  	s5 =	simm.s32 $_size__tile_overlayer_lowered;
	s6 =	simm.s32 $_tile_overlayer_lowered  }
0x9b: {  	s22 =	simm.s32 $0x1BFF;
	s21 =	sshll.u32 s6, $0x1;
	s3 =	sadd.s32 s4, s19  }
0x9c: {  	s7 =	simm.s32 $0x0;
	s20 =	sshll.u32 s5, $0x1;
	s5 =	sadd.s32 s21, s3  }
0x9d: {  	[timem:s7], [sflag:s22] =	dma.local [hbm:s5], s20  }
0x9e: {  	_ =	swait.ge [sflag:s22], s20  }
0x9f: {  	s4 =	ssub.s32 $0x0, s20;
	[sflag:s22] =	ssyncset.done $0x0  }
0xa0: {  	[sflag:s22] =	ssyncadd.s32 s4;
	_ =	sdelay $0x1  }
0xa1: {  	s23 =	simm.s32 $0x1B8B  }
0xa2: {  	_ =	swait.ge [sflag:s23], $0x1  }
0xa3: {  	[sflag:s23] =	ssyncset.done $0x0  }
0xa4: {  	s25 =	simm.s32 $0x1B8E;
	s24 =	sld [smem:$0x3FFE];
	[sflag:s23] =	ssyncadd.s32 $0xFFFFFFFF  }
0xa5: {  	s26 =	simm.s32 $execute0_lowered;
	[smem:$0x3FD2] =	sst s25  }
0xa6: {  	s5 =	sshll.u32 s26, $0x1;
	_ =	strace $0x8000004C;
	[dreg:$0x1] =	wrdreg $0xFFFFFFFF  }
0xa7: {  	s28 =	simm.s32 $_size_execute0_lowered;
	s3 =	sadd.s32 s3, s5;
	[dreg:$0x0] =	wrdreg $0x0  }
0xa8: {  	s5 =	sshll.u32 s28, $0x1;
	[dreg:$0x2] =	wrdreg s3  }
0xa9: {  	[dreg:$0x3] =	wrdreg s5  }
0xaa: {  	[dreg:$0x4] =	wrdreg $0xC0  }
0xab: {  	_ =	task [dreg:s7], $0x5FFFF  }
0xac: {  	[dreg:$0x1] =	wrdreg $0xFFFFFFFF  }
0xad: {  	[dreg:$0x0] =	wrdreg $0x60  }
0xae: {  	[dreg:$0x2] =	wrdreg s24  }
0xaf: {  	[dreg:$0x3] =	wrdreg s2  }
0xb0: {  	[dreg:$0x4] =	wrdreg $0x90000  }
0xb1: {  	[dreg:$0x5] =	wrdreg $0x9  }
0xb2: {  	_ =	task.clear_ibuf [dreg:s7], $0x6FFFF;
	_ =	strace $0x9000004C  }
0xb3: {  	s29 =	simm.s32 $0x9;
	_ =	strace $0x8000004E  }
0xb4: {  	_ =	swait.ge [sflag:s29], $0x1  }
0xb5: {  	[sflag:s29] =	ssyncadd.s32 $0xFFFFFFFF  }
0xb6: {  	_ =	strace $0x9000004E  }
0xb7: {  	_ =	sfence  }
0xb8: {  	s30 =	sld [smem:$0x0];
	_ =	sdelay $0x2  }
0xb9: {  	s31 =	sshll.u32 s1, $0xD;
	s1 =	sshrl.u32 s1, $0x2  }
0xba: {  	s3 =	sand.u32 $0x4000, s31;
	s1 =	sadd.s32 s1, s30  }
0xbb: {  	s0 =	sor.u32 s3, s0;
	s1 =	sshll.u32 s1, $0x11  }
0xbc: {  	s0 =	sor.u32 s1, s0  }
0xbd: {  	s0 =	sadd.s32 $0x8F2B, s0  }
0xbe: {  	[sflag:s0] =	ssyncadd.remote.s32 $0x1  }
0xbf: {  	_ =	sfence.sel $0xFFFF  }
0xc0: {  	[dreg:$0x0] =	wrdreg $0xFFFFFFFF;
	(pc) =	sbr.abs _section_cstart, $3  }
0xc1: {  	[dreg:$0x1] =	wrdreg $0xFFFFFFFF  }
0xc2: {  	_ =	task.clear_ibuf [dreg:s7], $0x2FFFF;
	_ =	strace $0x9FFFFFFF  }
0xc3: {  	(tm) =	ssettm $0x7FFFFFFF  }
tec
execute0_lowered:
.L_overlay_start_1:
0x0: {  	(tag) =	ssettag $0x1  }
0x1: {  	s0 =	rddreg [dreg:$0x0]  }
0x2: {  	s6 =	rddreg [dreg:$0x1]  }
0x3: {  	s2 =	rddreg [dreg:$0x2];
	s1 =	stileid.u32;
	s3 =	simm.s32 $0x0  }
0x4: {  	s4 =	srdreg.scid;
	s16 =	simm.s32 $0x1000;
	s17 =	simm.s32 $0x7  }
0x5: {  	s19 =	simm.s32 $0x80;
	s20 =	simm.s32 $0x5000;
	s21 =	simm.s32 $0x1  }
0x6: {  	s22 =	simm.s32 $0x2;
	s23 =	simm.s32 $0x3;
	s5 =	smul.u32 $0x50, s1  }
0x7: {  	s24 =	simm.s32 $0x4;
	s25 =	simm.s32 $0x5;
	s30 =	smul.u32 $0x2800, s1  }
0x8: {  	s26 =	simm.s32 $0x6;
	s7 =	sand.u32 $0x1, s4;
	s10 =	smul.u32 $0x50000, s1  }
0x9: {  	[smem:$0x7FF] =	sst s3;
	p0 =	seq.s32 s7, $0x0;
	s8 =	smul.u32 $0x28000, s7  }
0xa: {  	_ =	strace $0x8000004D;
	s7 =	ssub.s32 $0x2, s7;
	s4 =	sadd.s32 $0x500, s5  }
0xb: {  	s31 =	sshrl.u32 s7, $0x1;
	s10 =	sshrl.u32 s10, $0x2;
	s4 =	smov.u32 @p0 s5  }
0xc: {  	s5 =	sadd.s32 s30, s8;
	s11 =	ssub.s32 s7, s31;
	s9 =	sshll.u32 s4, $0x4  }
.Ltmp0:
0xd: {  	s4 =	sadd.s32 $0xC800, s0;
	s14 =	sadd.s32 s9, s0;
	(pc) =	sbr.rel .LBB2_1-.Ltmp0, $4  }
0xe: {  	s0 =	sadd.s32 s5, s0;
	s5 =	sadd.s32 s10, s2;
	s6 =	sadd.s32 s6, s9  }
0xf: {  	s9 =	smax.u32 s11, $0x1;
	s7 =	sadd.s32 $0x2800, s14;
	s8 =	sadd.s32 $0x34800, s0  }
0x10: {  	s10 =	sadd.s32 $0x4000, s5;
	s11 =	sadd.s32 $0x8000, s5;
	s12 =	sadd.s32 $0xC000, s5  }
0x11: {  	v0 =	vimm.f32 $0.0e+00;
	s13 =	sadd.s32 $0x10000, s5;
	s14 =	sadd.s32 $0x2880, s14;
	s15 =	sadd.s32 $0x80, s6  }
.LBB2_5:
0x12: {  	_ =	swait.ge [sflag:s24], $0x4000  }
0x13: {  	[sflag:s24] =	ssyncset.done $0x0  }
0x14: {  	[sflag:s24] =	ssyncadd.s32 $0xFFFFC000  }
.LBB2_7:
0x15: {  	s0 =	stileid.u32;
	s3 =	sadd.s32 $0x1, s3  }
0x16: {  	[bflag:$0x0] =	sbarrier.arrive $0xFFFF;
	s0 =	sshll.u32 s0, $0x6;
	p0 =	sne.s32 s3, s9  }
.Ltmp1:
0x17: {  	s1 =	sshrl.u32 s5, $0x3;
	s0 =	sor.u32 $0x1C07, s0;
	(pc) =	sbr.rel @!p0 .LBB2_8-.Ltmp1, $4  }
0x18: {  	[hbm:s8], [sflag:s0] =	dma.local [spmem:s1], $0x2800  }
0x19: {  	_ =	swait.ge [sflag:s17], $0x2800  }
0x1a: {  	[sflag:s17] =	ssyncset.done $0x0  }
0x1b: {  	[sflag:s17] =	ssyncadd.s32 $0xFFFFD800  }
.LBB2_1:
0x1c: {  	s0 =	simm.s32 $0x0;
	s28 =	simm.s32 $0x200  }
.LBB2_2:
0x1d: {  	p0 =	sne.s32 s28, $0xFE00;
	[tilespmem:s0+$0x1070] =	vst v0  }
0x1e: {  	[tilespmem:s0+$0x1000] =	vst v0  }
0x1f: {  	[tilespmem:s0+$0x1010] =	vst v0  }
.Ltmp2:
0x20: {  	[tilespmem:s0+$0x1020] =	vst v0;
	(pc) =	sbr.rel @p0 .LBB2_2-.Ltmp2, $4  }
0x21: {  	[tilespmem:s0+$0x1030] =	vst v0  }
0x22: {  	[tilespmem:s0+$0x1040] =	vst v0  }
0x23: {  	[tilespmem:s0+$0x1050] =	vst v0  }
0x24: {  	[tilespmem:s0+$0x1060] =	vst v0;
	s0 =	sshra.s32 s28, $0x2;
	s28 =	sadd.s32 $0x200, s28  }
0x25: {  	[tilespmem:s0+$0x1070] =	vst v0  }
0x26: {  	[tilespmem:s0+$0x1000] =	vst v0  }
0x27: {  	[tilespmem:s0+$0x1010] =	vst v0  }
0x28: {  	[tilespmem:s0+$0x1020] =	vst v0  }
0x29: {  	[tilespmem:s0+$0x1030] =	vst v0  }
0x2a: {  	[tilespmem:s0+$0x1040] =	vst v0  }
0x2b: {  	[tilespmem:s0+$0x1050] =	vst v0  }
0x2c: {  	[tilespmem:s0+$0x1060] =	vst v0  }
0x2d: {  	[spmem:s5] =	stream.linear.scatter [tilespmem:s16], [sflag:$0x7], $0x4000, $0x38;
	[tilespmem:$0x1D000] =	vst v63  }
0x2e: {  	_ =	swait.ge [sflag:s17], $0x4000  }
0x2f: {  	[sflag:s17] =	ssyncset.done $0x0  }
0x30: {  	[sflag:s17] =	ssyncadd.s32 $0xFFFFC000  }
0x31: {  	[spmem:s10] =	stream.linear.scatter [tilespmem:s16], [sflag:$0x7], $0x4000, $0x38;
	[tilespmem:$0x1D000] =	vst v63  }
0x32: {  	_ =	swait.ge [sflag:s17], $0x4000  }
0x33: {  	[sflag:s17] =	ssyncset.done $0x0  }
0x34: {  	[sflag:s17] =	ssyncadd.s32 $0xFFFFC000  }
0x35: {  	[spmem:s11] =	stream.linear.scatter [tilespmem:s16], [sflag:$0x7], $0x4000, $0x38;
	[tilespmem:$0x1D000] =	vst v63  }
0x36: {  	_ =	swait.ge [sflag:s17], $0x4000  }
0x37: {  	[sflag:s17] =	ssyncset.done $0x0  }
0x38: {  	[sflag:s17] =	ssyncadd.s32 $0xFFFFC000  }
0x39: {  	[spmem:s12] =	stream.linear.scatter [tilespmem:s16], [sflag:$0x7], $0x4000, $0x38;
	[tilespmem:$0x1D000] =	vst v63  }
0x3a: {  	_ =	swait.ge [sflag:s17], $0x4000  }
0x3b: {  	[sflag:s17] =	ssyncset.done $0x0  }
0x3c: {  	[sflag:s17] =	ssyncadd.s32 $0xFFFFC000  }
0x3d: {  	[spmem:s13] =	stream.linear.scatter [tilespmem:s16], [sflag:$0x7], $0x4000, $0x38;
	[tilespmem:$0x1D000] =	vst v63  }
0x3e: {  	_ =	swait.ge [sflag:s17], $0x4000  }
0x3f: {  	[sflag:s17] =	ssyncset.done $0x0  }
0x40: {  	[sflag:s17] =	ssyncadd.s32 $0xFFFFC000  }
0x41: {  	s28 =	simm.s32 $0x0;
	[bflag:$0x0] =	sbarrier.arrive $0xFFFF  }
0x42: {  	[tilespmem:s28], [sflag:$0x7] =	stream.linear.gather [hbm4b:s6+s28], $0x400, $0x38;
	[tilespmem:$0x1D000] =	vst v63  }
0x43: {  	_ =	swait.ge [sflag:s17], $0x400  }
0x44: {  	[sflag:s17] =	ssyncset.done $0x0  }
0x45: {  	s31 =	simm.s32 $0x800;
	[sflag:s17] =	ssyncadd.s32 $0xFFFFFC00  }
0x46: {  	[tilespmem:s31], [sflag:$0x7] =	stream.linear.gather [hbm4b:s7+s28], $0x400, $0x38;
	[tilespmem:$0x1D000] =	vst v63  }
0x47: {  	_ =	swait.ge [sflag:s17], $0x400  }
0x48: {  	[sflag:s17] =	ssyncset.done $0x0  }
0x49: {  	[sflag:s17] =	ssyncadd.s32 $0xFFFFFC00  }
0x4a: {  	[tilespmem:s16], [sflag:$0x1] =	stream.indirect.gather [hbm4b:s4+s19], $0x80, s28, s19, $0xb8;
	[tilespmem:$0x1D000] =	vst v63  }
0x4b: {  	s29 =	smov.u32 s15;
	s30 =	smov.u32 s14  }
0x4c: {  	[tilespmem:s20], [sflag:$0x2] =	stream.indirect.gather [hbm4b:s4+s19], $0x80, s19, s19, $0xb8;
	[tilespmem:$0x1D000] =	vst v63  }
.LBB2_4:
0x4d: {  	s0 =	sand.u32 $0x1, s28  }
0x4e: {  	p0 =	seq.s32 s28, $0x9;
	s31 =	sxor.u32 $0x1, s0  }
0x4f: {  	s18 =	simm.s32 @!p0 $0x0;
	s1 =	sshll.u32 @!p0 s31, $0xA  }
0x50: {  	[tilespmem:s1], [sflag:$0x5] =	stream.linear.gather @!p0 [hbm4b:s29+s18], $0x400, $0x38;
	[tilespmem:$0x1D000] =	vst v63  }
0x51: {  	s1 =	sor.u32 @!p0 $0x800, s1  }
0x52: {  	[tilespmem:s1], [sflag:$0x6] =	stream.linear.gather @!p0 [hbm4b:s30+s18], $0x400, $0x38;
	[tilespmem:$0x1D000] =	vst v63  }
0x53: {  	_ =	swait.ge [sflag:s21], $0x4000  }
0x54: {  	s0 =	sshll.u32 s0, $0xA;
	[sflag:s21] =	ssyncset.done $0x0  }
0x55: {  	s18 =	sor.u32 $0x800, s0;
	[sflag:s21] =	ssyncadd.s32 $0xFFFFC000  }
0x56: {  	[spmem:s2] =	stream.indirect.scatter.add.f32 [tilespmem:s16], [sflag:$0x3], $0x80, s18, s19, $0xb8;
	[tilespmem:$0x1D000] =	vst v63  }
0x57: {  	_ =	swait.ge [sflag:s22], $0x4000  }
0x58: {  	[sflag:s22] =	ssyncset.done $0x0  }
0x59: {  	s18 =	sor.u32 $0x880, s0;
	[sflag:s22] =	ssyncadd.s32 $0xFFFFC000  }
0x5a: {  	[spmem:s2] =	stream.indirect.scatter.add.f32 [tilespmem:s20], [sflag:$0x4], $0x80, s18, s19, $0xb8;
	[tilespmem:$0x1D000] =	vst v63  }
0x5b: {  	_ =	swait.ge [sflag:s23], $0x4000  }
0x5c: {  	[sflag:s23] =	ssyncset.done $0x0  }
0x5d: {  	s18 =	sor.u32 $0x100, s0;
	[sflag:s23] =	ssyncadd.s32 $0xFFFFC000  }
0x5e: {  	[tilespmem:s16], [sflag:$0x1] =	stream.indirect.gather [hbm4b:s4+s19], $0x80, s18, s19, $0xb8;
	[tilespmem:$0x1D000] =	vst v63  }
0x5f: {  	_ =	swait.ge [sflag:s24], $0x4000  }
0x60: {  	[sflag:s24] =	ssyncset.done $0x0  }
0x61: {  	s18 =	sor.u32 $0x180, s0;
	[sflag:s24] =	ssyncadd.s32 $0xFFFFC000  }
0x62: {  	[tilespmem:s20], [sflag:$0x2] =	stream.indirect.gather [hbm4b:s4+s19], $0x80, s18, s19, $0xb8;
	[tilespmem:$0x1D000] =	vst v63  }
0x63: {  	_ =	swait.ge [sflag:s21], $0x4000  }
0x64: {  	[sflag:s21] =	ssyncset.done $0x0  }
0x65: {  	s18 =	sor.u32 $0x900, s0;
	[sflag:s21] =	ssyncadd.s32 $0xFFFFC000  }
0x66: {  	[spmem:s2] =	stream.indirect.scatter.add.f32 [tilespmem:s16], [sflag:$0x3], $0x80, s18, s19, $0xb8;
	[tilespmem:$0x1D000] =	vst v63  }
0x67: {  	_ =	swait.ge [sflag:s22], $0x4000  }
0x68: {  	[sflag:s22] =	ssyncset.done $0x0  }
0x69: {  	s18 =	sor.u32 $0x980, s0;
	[sflag:s22] =	ssyncadd.s32 $0xFFFFC000  }
0x6a: {  	[spmem:s2] =	stream.indirect.scatter.add.f32 [tilespmem:s20], [sflag:$0x4], $0x80, s18, s19, $0xb8;
	[tilespmem:$0x1D000] =	vst v63  }
0x6b: {  	_ =	swait.ge [sflag:s23], $0x4000  }
0x6c: {  	[sflag:s23] =	ssyncset.done $0x0  }
0x6d: {  	s18 =	sor.u32 $0x200, s0;
	[sflag:s23] =	ssyncadd.s32 $0xFFFFC000  }
0x6e: {  	[tilespmem:s16], [sflag:$0x1] =	stream.indirect.gather [hbm4b:s4+s19], $0x80, s18, s19, $0xb8;
	[tilespmem:$0x1D000] =	vst v63  }
0x6f: {  	_ =	swait.ge [sflag:s24], $0x4000  }
0x70: {  	[sflag:s24] =	ssyncset.done $0x0  }
0x71: {  	s18 =	sor.u32 $0x280, s0;
	[sflag:s24] =	ssyncadd.s32 $0xFFFFC000  }
0x72: {  	[tilespmem:s20], [sflag:$0x2] =	stream.indirect.gather [hbm4b:s4+s19], $0x80, s18, s19, $0xb8;
	[tilespmem:$0x1D000] =	vst v63  }
0x73: {  	_ =	swait.ge [sflag:s21], $0x4000  }
0x74: {  	[sflag:s21] =	ssyncset.done $0x0  }
0x75: {  	s18 =	sor.u32 $0xA00, s0;
	[sflag:s21] =	ssyncadd.s32 $0xFFFFC000  }
0x76: {  	[spmem:s2] =	stream.indirect.scatter.add.f32 [tilespmem:s16], [sflag:$0x3], $0x80, s18, s19, $0xb8;
	[tilespmem:$0x1D000] =	vst v63  }
0x77: {  	_ =	swait.ge [sflag:s22], $0x4000  }
0x78: {  	[sflag:s22] =	ssyncset.done $0x0  }
0x79: {  	s18 =	sor.u32 $0xA80, s0;
	[sflag:s22] =	ssyncadd.s32 $0xFFFFC000  }
0x7a: {  	[spmem:s2] =	stream.indirect.scatter.add.f32 [tilespmem:s20], [sflag:$0x4], $0x80, s18, s19, $0xb8;
	[tilespmem:$0x1D000] =	vst v63  }
0x7b: {  	_ =	swait.ge [sflag:s23], $0x4000  }
0x7c: {  	[sflag:s23] =	ssyncset.done $0x0  }
0x7d: {  	s18 =	sor.u32 $0x300, s0;
	[sflag:s23] =	ssyncadd.s32 $0xFFFFC000  }
0x7e: {  	[tilespmem:s16], [sflag:$0x1] =	stream.indirect.gather [hbm4b:s4+s19], $0x80, s18, s19, $0xb8;
	[tilespmem:$0x1D000] =	vst v63  }
0x7f: {  	_ =	swait.ge [sflag:s24], $0x4000  }
0x80: {  	[sflag:s24] =	ssyncset.done $0x0  }
0x81: {  	s18 =	sor.u32 $0x380, s0;
	[sflag:s24] =	ssyncadd.s32 $0xFFFFC000  }
0x82: {  	[tilespmem:s20], [sflag:$0x2] =	stream.indirect.gather [hbm4b:s4+s19], $0x80, s18, s19, $0xb8;
	[tilespmem:$0x1D000] =	vst v63  }
0x83: {  	_ =	swait.ge [sflag:s21], $0x4000  }
0x84: {  	[sflag:s21] =	ssyncset.done $0x0  }
0x85: {  	s18 =	sor.u32 $0xB00, s0;
	[sflag:s21] =	ssyncadd.s32 $0xFFFFC000  }
0x86: {  	[spmem:s2] =	stream.indirect.scatter.add.f32 [tilespmem:s16], [sflag:$0x3], $0x80, s18, s19, $0xb8;
	[tilespmem:$0x1D000] =	vst v63  }
0x87: {  	_ =	swait.ge [sflag:s22], $0x4000  }
0x88: {  	p0 =	sne.s32 s28, $0x9;
	[sflag:s22] =	ssyncset.done $0x0  }
.Ltmp3:
0x89: {  	s0 =	sor.u32 $0xB80, s0;
	[sflag:s22] =	ssyncadd.s32 $0xFFFFC000;
	(pc) =	sbr.rel @!p0 .LBB2_5-.Ltmp3, $4  }
0x8a: {  	[spmem:s2] =	stream.indirect.scatter.add.f32 [tilespmem:s20], [sflag:$0x4], $0x80, s0, s19, $0xb8;
	[tilespmem:$0x1D000] =	vst v63  }
0x8b: {  	_ =	swait.ge [sflag:s23], $0x4000  }
0x8c: {  	[sflag:s23] =	ssyncset.done $0x0  }
0x8d: {  	[sflag:s23] =	ssyncadd.s32 $0xFFFFC000  }
0x8e: {  	_ =	swait.ge [sflag:s25], $0x400  }
0x8f: {  	[sflag:s25] =	ssyncset.done $0x0  }
0x90: {  	[sflag:s25] =	ssyncadd.s32 $0xFFFFFC00  }
0x91: {  	_ =	swait.ge [sflag:s26], $0x400  }
0x92: {  	s28 =	sadd.s32 $0x1, s28;
	[sflag:s26] =	ssyncset.done $0x0  }
0x93: {  	s0 =	sshll.u32 s31, $0xA;
	p0 =	sne.s32 s28, $0xA;
	[sflag:s26] =	ssyncadd.s32 $0xFFFFFC00  }
0x94: {  	[tilespmem:s16], [sflag:$0x1] =	stream.indirect.gather [hbm4b:s4+s19], $0x80, s0, s19, $0xb8;
	[tilespmem:$0x1D000] =	vst v63  }
.Ltmp4:
0x95: {  	_ = 	snop;
	(pc) =	sbr.rel @p0 .LBB2_4-.Ltmp4, $4  }
.Ltmp5:
0x96: {  	_ =	swait.ge [sflag:s24], $0x4000;
	(pc) =	sbr.rel @!p0 .LBB2_7-.Ltmp5, $4  }
0x97: {  	s30 =	sadd.s32 $0x80, s30;
	[sflag:s24] =	ssyncset.done $0x0  }
0x98: {  	s29 =	sadd.s32 $0x80, s29;
	s0 =	sor.u32 $0x80, s0;
	[sflag:s24] =	ssyncadd.s32 $0xFFFFC000  }
0x99: {  	[tilespmem:s20], [sflag:$0x2] =	stream.indirect.gather [hbm4b:s4+s19], $0x80, s0, s19, $0xb8;
	[tilespmem:$0x1D000] =	vst v63  }
0x9a: {  	_ = 	snop  }
.LBB2_8:
0x9b: {  	_ =	sfence.sel $0x180000  }
0x9c: {  	[bflag:$0x0] =	sbarrier.arrive $0xFFFF  }
0x9d: {  	_ =	strace $0x9000004D  }
0x9e: {  	s0 =	stileid.u32;
	[bflag:$0x2] =	sbarrier.arrive $0xFFFF  }
0x9f: {  	p0 =	sne.s32 s0, $0x0;
	s0 =	rddreg [dreg:$0x3]  }
0xa0: {  	s0 =	sadd.s32 @!p0 $0x100000, s0  }
0xa1: {  	[sflag:s0] =	ssyncadd.tile.s32 @!p0 $0x1;
	_ =	shalt  }
.Lfunc_end2:
_tile_overlayer_lowered:
.L_overlay_start_2:
0xa2: {  	(tag) =	ssettag $0x2  }
0xa3: {  	s0 =	rddreg [dreg:$0x0];
	s2 =	stileid.u32  }
0xa4: {  	s1 =	rddreg [dreg:$0x1];
	p0 =	sne.s32 s2, $0x0  }
0xa5: {  	s3 =	rddreg [dreg:$0x2];
	[bflag:$0x3] =	sbarrier.arrive $0xFFFF;
	s2 =	simm.s32 @!p0 $0x1C07  }
0xa6: {  	[timem:s3], [sflag:s2] =	dma.local @!p0 [hbm:s0], s1  }
0xa7: {  	s0 =	simm.s32 @!p0 $0x7  }
0xa8: {  	_ =	swait.ge @!p0 [sflag:s0], s1  }
0xa9: {  	s1 =	ssub.s32 @!p0 $0x0, s1;
	[sflag:s0] =	ssyncset.done @!p0 $0x0  }
0xaa: {  	[sflag:s0] =	ssyncadd.s32 @!p0 s1  }
0xab: {  	[bflag:$0x3] =	sbarrier.arrive $0xFFFF  }
0xac: {  	_ =	shalt  }

// kernel: kernel.19.cloned.1.call-start
scs
__scs_entry_jumppad:
0x0: {  	(pc) =	sbr.rel $0x88, $3  }
0x1: {  	(tag) =	ssettag $0x0;
	lr =	simm.s32 $0x1  }
0x2: {  	[smem:$0x3F99] =	sst lr;
	_ =	strace $0xD0000000  }
0x3: {  	_ = 	snop  }
0x4: {  	_ = 	snop  }
0x5: {  	_ = 	snop  }
0x6: {  	_ = 	snop  }
0x7: {  	_ = 	snop  }
__scs_overlays_trampoline_lowered:
0x8: {  	[smem:$0x3FA8] =	sst s0  }
0x9: {  	[smem:$0x3FA9] =	sst s1  }
0xa: {  	[smem:$0x3FAA] =	sst s2  }
0xb: {  	[smem:$0x3FAB] =	sst s3  }
0xc: {  	[smem:$0x3FAC] =	sst s4  }
0xd: {  	[smem:$0x3FAD] =	sst s5  }
0xe: {  	[smem:$0x3FAE] =	sst s6  }
0xf: {  	[smem:$0x3FAF] =	sst s7  }
0x10: {  	[smem:$0x3FB0] =	sst s8  }
0x11: {  	[smem:$0x3FB1] =	sst s9;
	s0 =	simm.s32 @!p0 $0x0  }
0x12: {  	s1 =	sld [smem:$0x3F97];
	s0 =	simm.s32 @p0 $0x1  }
0x13: {  	[smem:$0x3FB2] =	sst s0;
	s0 =	simm.s32 @!p1 $0x0  }
0x14: {  	s2 =	sld [smem:$0x3F96];
	s0 =	simm.s32 @p1 $0x1  }
0x15: {  	[smem:$0x3FB3] =	sst s0;
	s0 =	simm.s32 @!p2 $0x0  }
0x16: {  	s3 =	sld [smem:$0x3FDB];
	s0 =	simm.s32 @p2 $0x1  }
0x17: {  	s4 =	simm.s32 $0x1BF5;
	[smem:$0x3FB5] =	sst s0  }
0x18: {  	s0 =	sld [smem:$0x3F98];
	_ =	swait.ge [sflag:s4], $0x0  }
0x19: {  	s7 =	sld [smem:$0x3F99]  }
0x1a: {  	s8 =	sadd.s32 $0xFFFFE003, lr  }
0x1b: {  	s9 =	sadd.s32 $0xFFFFFEF7, lr;
	s5 =	simm.s32 $0xFFFFFFFF;
	p2 =	slt.u32 s8, $0xFFFFF086  }
0x1c: {  	p1 =	slt.u32 s9, $0xF7A;
	s5 =	simm.s32 @!p2 $0x0  }
0x1d: {  	s5 =	simm.s32 @p1 $0x1;
	p0 =	seq.s32 s7, s2  }
0x1e: {  	s7 =	smul.u32 @!p0 $0xF7A, s2;
	p2 =	seq.s32 @!p0 s5, $0x0  }
0x1f: {  	s9 =	smul.u32 $0xF7A, s1;
	s8 =	simm.s32 @!p0 $0x1BF5;
	p2 =	por !p2, p0  }
0x20: {  	[sflag:s8] =	ssyncset.s32 @!p0 $0xFFFFF086;
	s6 =	sadd.s32 @!p0 s3, s7;
	s7 =	simm.s32 @!p0 $0x108  }
0x21: {  	s3 =	sadd.s32 s3, s9;
	s6 =	sadd.s32 @!p0 $0x88, s6;
	s7 =	simm.s32 @p2 $0x1082  }
0x22: {  	[simem:s7], [sflag:s8] =	dma.local @!p0 [hbm:s6], $0xF7A  }
0x23: {  	s9 =	sor.u32 $0xD0000000, s2;
	s6 =	simm.s32 $0x108;
	_ =	swait.ge @!p0 [sflag:s8], $0x0  }
0x24: {  	s3 =	sadd.s32 $0x88, s3;
	s6 =	simm.s32 @!p1 $0x1082;
	[sflag:s4] =	ssyncset.s32 $0xFFFFF086  }
0x25: {  	[simem:s6], [sflag:s4] =	dma.local [hbm:s3], $0xF7A  }
0x26: {  	[smem:$0x3F99] =	sst s1;
	(tag) =	ssettag s2;
	_ =	strace s9  }
0x27: {  	s1 =	sld [smem:$0x3FA9]  }
0x28: {  	s2 =	sld [smem:$0x3FAA]  }
0x29: {  	s4 =	sld [smem:$0x3FAC]  }
0x2a: {  	p0 =	seq.s32 s5, $0x0;
	s5 =	sld [smem:$0x3FAD]  }
0x2b: {  	s6 =	sld [smem:$0x3FAE]  }
0x2c: {  	s7 =	sld [smem:$0x3FAF]  }
0x2d: {  	s3 =	simm.s32 $0x108;
	s8 =	sld [smem:$0x3FB0]  }
0x2e: {  	s3 =	simm.s32 @!p0 $0x1082;
	s9 =	sld [smem:$0x3FB1]  }
0x2f: {  	lr =	sadd.s32 s0, s3;
	s0 =	sld [smem:$0x3FA8]  }
0x30: {  	s3 =	sld [smem:$0x3FAB]  }
0x31: {  	[smem:$0x3FB4] =	sst s10  }
0x32: {  	s10 =	sld [smem:$0x3FB2];
	_ =	sdelay $0x3  }
0x33: {  	p0 =	seq.s32 s10, $0x1;
	s10 =	sld [smem:$0x3FB4];
	_ =	sdelay $0x3  }
0x34: {  	[smem:$0x3FB4] =	sst s10  }
0x35: {  	s10 =	sld [smem:$0x3FB3];
	_ =	sdelay $0x3  }
0x36: {  	p1 =	seq.s32 s10, $0x1;
	s10 =	sld [smem:$0x3FB4];
	_ =	sdelay $0x3  }
0x37: {  	[smem:$0x3FB4] =	sst s10  }
0x38: {  	s10 =	sld [smem:$0x3FB5]  }
0x39: {  	_ = 	snop;
	(pc) =	sbr.ind lr, $3  }
0x3a: {  	_ = 	snop  }
0x3b: {  	_ = 	snop  }
0x3c: {  	p2 =	seq.s32 s10, $0x1;
	s10 =	sld [smem:$0x3FB4]  }
0x3d: {  	_ =	shalt  }
0x3e: {  	_ =	shalt  }
0x3f: {  	_ =	shalt  }
0x40: {  	_ =	shalt  }
0x41: {  	_ =	shalt  }
0x42: {  	_ =	shalt  }
0x43: {  	_ =	shalt  }
0x44: {  	_ =	shalt  }
0x45: {  	_ =	shalt  }
0x46: {  	_ =	shalt  }
0x47: {  	_ =	shalt  }
0x48: {  	_ =	shalt  }
0x49: {  	_ =	shalt  }
0x4a: {  	_ =	shalt  }
0x4b: {  	_ =	shalt  }
0x4c: {  	_ =	shalt  }
0x4d: {  	_ =	shalt  }
0x4e: {  	_ =	shalt  }
0x4f: {  	_ =	shalt  }
0x50: {  	_ =	shalt  }
0x51: {  	_ =	shalt  }
0x52: {  	_ =	shalt  }
0x53: {  	_ =	shalt  }
0x54: {  	_ =	shalt  }
0x55: {  	_ =	shalt  }
0x56: {  	_ =	shalt  }
0x57: {  	_ =	shalt  }
0x58: {  	_ =	shalt  }
0x59: {  	_ =	shalt  }
0x5a: {  	_ =	shalt  }
0x5b: {  	_ =	shalt  }
0x5c: {  	_ =	shalt  }
0x5d: {  	_ =	shalt  }
0x5e: {  	_ =	shalt  }
0x5f: {  	_ =	shalt  }
0x60: {  	_ =	shalt  }
0x61: {  	_ =	shalt  }
0x62: {  	_ =	shalt  }
0x63: {  	_ =	shalt  }
0x64: {  	_ =	shalt  }
0x65: {  	_ =	shalt  }
0x66: {  	_ =	shalt  }
0x67: {  	_ =	shalt  }
0x68: {  	_ =	shalt  }
0x69: {  	_ =	shalt  }
0x6a: {  	_ =	shalt  }
0x6b: {  	_ =	shalt  }
0x6c: {  	_ =	shalt  }
0x6d: {  	_ =	shalt  }
0x6e: {  	_ =	shalt  }
0x6f: {  	_ =	shalt  }
0x70: {  	_ =	shalt  }
0x71: {  	_ =	shalt  }
0x72: {  	_ =	shalt  }
0x73: {  	_ =	shalt  }
0x74: {  	_ =	shalt  }
0x75: {  	_ =	shalt  }
0x76: {  	_ =	shalt  }
0x77: {  	_ =	shalt  }
0x78: {  	_ =	shalt  }
0x79: {  	_ =	shalt  }
0x7a: {  	_ =	shalt  }
0x7b: {  	_ =	shalt  }
0x7c: {  	_ =	shalt  }
0x7d: {  	_ =	shalt  }
0x7e: {  	_ =	shalt  }
0x7f: {  	_ =	shalt  }
0x80: {  	_ =	shalt  }
0x81: {  	_ =	shalt  }
0x82: {  	_ =	shalt  }
0x83: {  	_ =	shalt  }
0x84: {  	_ =	shalt  }
0x85: {  	_ =	shalt  }
0x86: {  	_ =	shalt  }
0x87: {  	_ =	shalt  }
.Lfunc_end0:
.L_simem_size_0:
called_computation.3_lowered:
.L_overlay_start_0:
0x88: {  	s2 =	sld [smem:$0x3FD9]  }
0x89: {  	s3 =	sld [smem:$0x3FFE];
	_ =	sdelay $0x1  }
0x8a: {  	s1 =	srdreg.scid  }
0x8b: {  	s0 =	sand.u32 $0x1, s1  }
0x8c: {  	s17 =	sshll.u32 s0, $0xA;
	s2 =	sadd.s32 s3, s2  }
0x8d: {  	s2 =	sadd.s32 s2, s17  }
0x8e: {  	[smem:$0x3FC0] =	sst s2  }
0x8f: {  	_ = 	snop  }
0x90: {  	s2 =	sld [smem:$0x3FD0];
	(tm) =	ssettm $0x1  }
0x91: {  	s18 =	sld [smem:$0x3FFB];
	_ =	sdelay $0x3  }
0x92: {  	_ =	strace s18  }
0x93: {  	s3 =	sld [smem:$0x3FFC];
	_ =	sdelay $0x3  }
0x94: {  	_ =	strace s3  }
0x95: {  	s3 =	sld [smem:$0x3FFD];
	_ =	sdelay $0x3  }
0x96: {  	_ =	strace s3  }
0x97: {  	_ =	strace $0x8FFFFFFF  }
0x98: {  	s19 =	sld [smem:$0x3FDB];
	_ =	sdelay $0x1  }
0x99: {  	s4 =	simm.s32 $_scs_section_size  }
0x9a: {  	s5 =	simm.s32 $_size__tile_overlayer_lowered;
	s6 =	simm.s32 $_tile_overlayer_lowered  }
0x9b: {  	s22 =	simm.s32 $0x1BFF;
	s21 =	sshll.u32 s6, $0x1;
	s3 =	sadd.s32 s4, s19  }
0x9c: {  	s7 =	simm.s32 $0x0;
	s20 =	sshll.u32 s5, $0x1;
	s5 =	sadd.s32 s21, s3  }
0x9d: {  	[timem:s7], [sflag:s22] =	dma.local [hbm:s5], s20  }
0x9e: {  	_ =	swait.ge [sflag:s22], s20  }
0x9f: {  	s4 =	ssub.s32 $0x0, s20;
	[sflag:s22] =	ssyncset.done $0x0  }
0xa0: {  	[sflag:s22] =	ssyncadd.s32 s4;
	_ =	sdelay $0x1  }
0xa1: {  	s23 =	simm.s32 $0x1B8B  }
0xa2: {  	_ =	swait.ge [sflag:s23], $0x1  }
0xa3: {  	[sflag:s23] =	ssyncset.done $0x0  }
0xa4: {  	s25 =	simm.s32 $0x1B8E;
	s24 =	sld [smem:$0x3FFE];
	[sflag:s23] =	ssyncadd.s32 $0xFFFFFFFF  }
0xa5: {  	s26 =	simm.s32 $execute0_lowered;
	[smem:$0x3FD2] =	sst s25  }
0xa6: {  	s5 =	sshll.u32 s26, $0x1;
	_ =	strace $0x8000004F;
	[dreg:$0x1] =	wrdreg $0xFFFFFFFF  }
0xa7: {  	s28 =	simm.s32 $_size_execute0_lowered;
	s3 =	sadd.s32 s3, s5;
	[dreg:$0x0] =	wrdreg $0x0  }
0xa8: {  	s5 =	sshll.u32 s28, $0x1;
	[dreg:$0x2] =	wrdreg s3  }
0xa9: {  	[dreg:$0x3] =	wrdreg s5  }
0xaa: {  	[dreg:$0x4] =	wrdreg $0xC0  }
0xab: {  	_ =	task [dreg:s7], $0x5FFFF  }
0xac: {  	[dreg:$0x1] =	wrdreg $0xFFFFFFFF  }
0xad: {  	[dreg:$0x0] =	wrdreg $0x60  }
0xae: {  	[dreg:$0x2] =	wrdreg s24  }
0xaf: {  	[dreg:$0x3] =	wrdreg s2  }
0xb0: {  	[dreg:$0x4] =	wrdreg $0x20000  }
0xb1: {  	[dreg:$0x5] =	wrdreg $0x9  }
0xb2: {  	_ =	task.clear_ibuf [dreg:s7], $0x6FFFF;
	_ =	strace $0x9000004F  }
0xb3: {  	s29 =	simm.s32 $0x9;
	_ =	strace $0x80000051  }
0xb4: {  	_ =	swait.ge [sflag:s29], $0x1  }
0xb5: {  	[sflag:s29] =	ssyncadd.s32 $0xFFFFFFFF  }
0xb6: {  	_ =	strace $0x90000051  }
0xb7: {  	_ =	sfence  }
0xb8: {  	s30 =	sld [smem:$0x0];
	_ =	sdelay $0x2  }
0xb9: {  	s31 =	sshll.u32 s1, $0xD;
	s1 =	sshrl.u32 s1, $0x2  }
0xba: {  	s3 =	sand.u32 $0x4000, s31;
	s1 =	sadd.s32 s1, s30  }
0xbb: {  	s0 =	sor.u32 s3, s0;
	s1 =	sshll.u32 s1, $0x11  }
0xbc: {  	s0 =	sor.u32 s1, s0  }
0xbd: {  	s0 =	sadd.s32 $0x8F2B, s0  }
0xbe: {  	[sflag:s0] =	ssyncadd.remote.s32 $0x1  }
0xbf: {  	_ =	sfence.sel $0xFFFF  }
0xc0: {  	[dreg:$0x0] =	wrdreg $0xFFFFFFFF;
	(pc) =	sbr.abs _section_cstart, $3  }
0xc1: {  	[dreg:$0x1] =	wrdreg $0xFFFFFFFF  }
0xc2: {  	_ =	task.clear_ibuf [dreg:s7], $0x2FFFF;
	_ =	strace $0x9FFFFFFF  }
0xc3: {  	(tm) =	ssettm $0x7FFFFFFF  }
tec
execute0_lowered:
.L_overlay_start_1:
0x0: {  	(tag) =	ssettag $0x1  }
0x1: {  	s0 =	rddreg [dreg:$0x0]  }
0x2: {  	s6 =	rddreg [dreg:$0x1]  }
0x3: {  	s2 =	rddreg [dreg:$0x2]  }
0x4: {  	s1 =	stileid.u32;
	s3 =	simm.s32 $0x0;
	s4 =	srdreg.scid  }
0x5: {  	s16 =	simm.s32 $0x1000;
	s17 =	simm.s32 $0x7;
	s19 =	simm.s32 $0x80  }
0x6: {  	s20 =	simm.s32 $0x1800;
	s21 =	simm.s32 $0x1;
	s22 =	simm.s32 $0x2  }
0x7: {  	s23 =	simm.s32 $0x3;
	s24 =	simm.s32 $0x4;
	s25 =	simm.s32 $0x5  }
0x8: {  	s26 =	simm.s32 $0x6;
	s5 =	smul.u32 $0x500, s1;
	[smem:$0x7FF] =	sst s3  }
0x9: {  	s7 =	sand.u32 $0x1, s4;
	s10 =	smul.u32 $0xA000, s1;
	s4 =	sadd.s32 $0xC800, s0  }
0xa: {  	p0 =	seq.s32 s7, $0x0;
	s9 =	smul.u32 $0x5000, s7;
	s7 =	ssub.s32 $0x2, s7  }
0xb: {  	_ =	strace $0x80000050;
	s8 =	sadd.s32 $0x5000, s5;
	s31 =	sshrl.u32 s7, $0x1  }
0xc: {  	s10 =	sshrl.u32 s10, $0x2;
	s8 =	smov.u32 @p0 s5;
	s5 =	sadd.s32 s5, s9  }
.Ltmp0:
0xd: {  	s9 =	ssub.s32 s7, s31;
	s15 =	sadd.s32 s8, s0;
	(pc) =	sbr.rel .LBB2_1-.Ltmp0, $4  }
0xe: {  	s0 =	sadd.s32 s5, s0;
	s5 =	sadd.s32 s10, s2;
	s6 =	sadd.s32 s6, s8  }
0xf: {  	s9 =	smax.u32 s9, $0x1;
	s7 =	sadd.s32 $0x2800, s15;
	s8 =	sadd.s32 $0x11800, s0  }
0x10: {  	s10 =	sadd.s32 $0x800, s5;
	s11 =	sadd.s32 $0x1000, s5;
	s12 =	sadd.s32 $0x1800, s5  }
0x11: {  	v0 =	vimm.f32 $0.0e+00;
	s13 =	sadd.s32 $0x2000, s5;
	s14 =	sadd.s32 $0x80, s6;
	s15 =	sadd.s32 $0x2880, s15  }
.LBB2_5:
0x12: {  	_ =	swait.ge [sflag:s24], $0x800  }
0x13: {  	[sflag:s24] =	ssyncset.done $0x0  }
0x14: {  	[sflag:s24] =	ssyncadd.s32 $0xFFFFF800  }
.LBB2_7:
0x15: {  	s0 =	stileid.u32;
	s3 =	sadd.s32 $0x1, s3  }
0x16: {  	[bflag:$0x0] =	sbarrier.arrive $0xFFFF;
	s0 =	sshll.u32 s0, $0x6;
	p0 =	sne.s32 s3, s9  }
.Ltmp1:
0x17: {  	s1 =	sshrl.u32 s5, $0x3;
	s0 =	sor.u32 $0x1C07, s0;
	(pc) =	sbr.rel @!p0 .LBB2_8-.Ltmp1, $4  }
0x18: {  	[hbm:s8], [sflag:s0] =	dma.local [spmem:s1], $0x500  }
0x19: {  	_ =	swait.ge [sflag:s17], $0x500  }
0x1a: {  	[sflag:s17] =	ssyncset.done $0x0  }
0x1b: {  	[sflag:s17] =	ssyncadd.s32 $0xFFFFFB00  }
.LBB2_1:
0x1c: {  	s0 =	simm.s32 $0x40;
	s28 =	simm.s32 $0x0  }
.LBB2_2:
0x1d: {  	p0 =	sne.s32 s0, $0x1FC0;
	[tilespmem:s28+$0x1000] =	vst v0;
	s28 =	smov.u32 s0;
	s0 =	sadd.s32 $0x40, s0  }
.Ltmp2:
0x1e: {  	(pc) =	sbr.rel @p0 .LBB2_2-.Ltmp2, $2  }
0x1f: {  	_ =	sdelay $0x2  }
0x20: {  	s28 =	sshra.s32 s28, $0x2  }
0x21: {  	[tilespmem:s28+$0x1000] =	vst v0  }
0x22: {  	[spmem:s5] =	stream.linear.scatter [tilespmem:s16], [sflag:$0x7], $0x800, $0x38;
	[tilespmem:$0x4800] =	vst v63  }
0x23: {  	_ =	swait.ge [sflag:s17], $0x800  }
0x24: {  	[sflag:s17] =	ssyncset.done $0x0  }
0x25: {  	[sflag:s17] =	ssyncadd.s32 $0xFFFFF800  }
0x26: {  	[spmem:s10] =	stream.linear.scatter [tilespmem:s16], [sflag:$0x7], $0x800, $0x38;
	[tilespmem:$0x4800] =	vst v63  }
0x27: {  	_ =	swait.ge [sflag:s17], $0x800  }
0x28: {  	[sflag:s17] =	ssyncset.done $0x0  }
0x29: {  	[sflag:s17] =	ssyncadd.s32 $0xFFFFF800  }
0x2a: {  	[spmem:s11] =	stream.linear.scatter [tilespmem:s16], [sflag:$0x7], $0x800, $0x38;
	[tilespmem:$0x4800] =	vst v63  }
0x2b: {  	_ =	swait.ge [sflag:s17], $0x800  }
0x2c: {  	[sflag:s17] =	ssyncset.done $0x0  }
0x2d: {  	[sflag:s17] =	ssyncadd.s32 $0xFFFFF800  }
0x2e: {  	[spmem:s12] =	stream.linear.scatter [tilespmem:s16], [sflag:$0x7], $0x800, $0x38;
	[tilespmem:$0x4800] =	vst v63  }
0x2f: {  	_ =	swait.ge [sflag:s17], $0x800  }
0x30: {  	[sflag:s17] =	ssyncset.done $0x0  }
0x31: {  	[sflag:s17] =	ssyncadd.s32 $0xFFFFF800  }
0x32: {  	[spmem:s13] =	stream.linear.scatter [tilespmem:s16], [sflag:$0x7], $0x800, $0x38;
	[tilespmem:$0x4800] =	vst v63  }
0x33: {  	_ =	swait.ge [sflag:s17], $0x800  }
0x34: {  	[sflag:s17] =	ssyncset.done $0x0  }
0x35: {  	[sflag:s17] =	ssyncadd.s32 $0xFFFFF800  }
0x36: {  	s28 =	simm.s32 $0x0;
	[bflag:$0x0] =	sbarrier.arrive $0xFFFF  }
0x37: {  	[tilespmem:s28], [sflag:$0x7] =	stream.linear.gather [hbm4b:s6+s28], $0x400, $0x38;
	[tilespmem:$0x4800] =	vst v63  }
0x38: {  	_ =	swait.ge [sflag:s17], $0x400  }
0x39: {  	[sflag:s17] =	ssyncset.done $0x0  }
0x3a: {  	s0 =	simm.s32 $0x800;
	[sflag:s17] =	ssyncadd.s32 $0xFFFFFC00  }
0x3b: {  	[tilespmem:s0], [sflag:$0x7] =	stream.linear.gather [hbm4b:s7+s28], $0x400, $0x38;
	[tilespmem:$0x4800] =	vst v63  }
0x3c: {  	_ =	swait.ge [sflag:s17], $0x400  }
0x3d: {  	[sflag:s17] =	ssyncset.done $0x0  }
0x3e: {  	[sflag:s17] =	ssyncadd.s32 $0xFFFFFC00  }
0x3f: {  	[tilespmem:s16], [sflag:$0x1] =	stream.indirect.gather [hbm4b:s4+s19], $0x10, s28, s19, $0xb8;
	[tilespmem:$0x4800] =	vst v63  }
0x40: {  	s29 =	smov.u32 s15;
	s30 =	smov.u32 s14  }
0x41: {  	[tilespmem:s20], [sflag:$0x2] =	stream.indirect.gather [hbm4b:s4+s19], $0x10, s19, s19, $0xb8;
	[tilespmem:$0x4800] =	vst v63  }
.LBB2_4:
0x42: {  	s0 =	sand.u32 $0x1, s28  }
0x43: {  	p0 =	seq.s32 s28, $0x9;
	s31 =	sxor.u32 $0x1, s0  }
0x44: {  	s18 =	simm.s32 @!p0 $0x0;
	s1 =	sshll.u32 @!p0 s31, $0xA  }
0x45: {  	[tilespmem:s1], [sflag:$0x5] =	stream.linear.gather @!p0 [hbm4b:s30+s18], $0x400, $0x38;
	[tilespmem:$0x4800] =	vst v63  }
0x46: {  	s1 =	sor.u32 @!p0 $0x800, s1  }
0x47: {  	[tilespmem:s1], [sflag:$0x6] =	stream.linear.gather @!p0 [hbm4b:s29+s18], $0x400, $0x38;
	[tilespmem:$0x4800] =	vst v63  }
0x48: {  	_ =	swait.ge [sflag:s21], $0x800  }
0x49: {  	s0 =	sshll.u32 s0, $0xA;
	[sflag:s21] =	ssyncset.done $0x0  }
0x4a: {  	s18 =	sor.u32 $0x800, s0;
	[sflag:s21] =	ssyncadd.s32 $0xFFFFF800  }
0x4b: {  	[spmem:s2] =	stream.indirect.scatter.add.f32 [tilespmem:s16], [sflag:$0x3], $0x10, s18, s19, $0xb8;
	[tilespmem:$0x4800] =	vst v63  }
0x4c: {  	_ =	swait.ge [sflag:s22], $0x800  }
0x4d: {  	[sflag:s22] =	ssyncset.done $0x0  }
0x4e: {  	s18 =	sor.u32 $0x880, s0;
	[sflag:s22] =	ssyncadd.s32 $0xFFFFF800  }
0x4f: {  	[spmem:s2] =	stream.indirect.scatter.add.f32 [tilespmem:s20], [sflag:$0x4], $0x10, s18, s19, $0xb8;
	[tilespmem:$0x4800] =	vst v63  }
0x50: {  	_ =	swait.ge [sflag:s23], $0x800  }
0x51: {  	[sflag:s23] =	ssyncset.done $0x0  }
0x52: {  	s18 =	sor.u32 $0x100, s0;
	[sflag:s23] =	ssyncadd.s32 $0xFFFFF800  }
0x53: {  	[tilespmem:s16], [sflag:$0x1] =	stream.indirect.gather [hbm4b:s4+s19], $0x10, s18, s19, $0xb8;
	[tilespmem:$0x4800] =	vst v63  }
0x54: {  	_ =	swait.ge [sflag:s24], $0x800  }
0x55: {  	[sflag:s24] =	ssyncset.done $0x0  }
0x56: {  	s18 =	sor.u32 $0x180, s0;
	[sflag:s24] =	ssyncadd.s32 $0xFFFFF800  }
0x57: {  	[tilespmem:s20], [sflag:$0x2] =	stream.indirect.gather [hbm4b:s4+s19], $0x10, s18, s19, $0xb8;
	[tilespmem:$0x4800] =	vst v63  }
0x58: {  	_ =	swait.ge [sflag:s21], $0x800  }
0x59: {  	[sflag:s21] =	ssyncset.done $0x0  }
0x5a: {  	s18 =	sor.u32 $0x900, s0;
	[sflag:s21] =	ssyncadd.s32 $0xFFFFF800  }
0x5b: {  	[spmem:s2] =	stream.indirect.scatter.add.f32 [tilespmem:s16], [sflag:$0x3], $0x10, s18, s19, $0xb8;
	[tilespmem:$0x4800] =	vst v63  }
0x5c: {  	_ =	swait.ge [sflag:s22], $0x800  }
0x5d: {  	[sflag:s22] =	ssyncset.done $0x0  }
0x5e: {  	s18 =	sor.u32 $0x980, s0;
	[sflag:s22] =	ssyncadd.s32 $0xFFFFF800  }
0x5f: {  	[spmem:s2] =	stream.indirect.scatter.add.f32 [tilespmem:s20], [sflag:$0x4], $0x10, s18, s19, $0xb8;
	[tilespmem:$0x4800] =	vst v63  }
0x60: {  	_ =	swait.ge [sflag:s23], $0x800  }
0x61: {  	[sflag:s23] =	ssyncset.done $0x0  }
0x62: {  	s18 =	sor.u32 $0x200, s0;
	[sflag:s23] =	ssyncadd.s32 $0xFFFFF800  }
0x63: {  	[tilespmem:s16], [sflag:$0x1] =	stream.indirect.gather [hbm4b:s4+s19], $0x10, s18, s19, $0xb8;
	[tilespmem:$0x4800] =	vst v63  }
0x64: {  	_ =	swait.ge [sflag:s24], $0x800  }
0x65: {  	[sflag:s24] =	ssyncset.done $0x0  }
0x66: {  	s18 =	sor.u32 $0x280, s0;
	[sflag:s24] =	ssyncadd.s32 $0xFFFFF800  }
0x67: {  	[tilespmem:s20], [sflag:$0x2] =	stream.indirect.gather [hbm4b:s4+s19], $0x10, s18, s19, $0xb8;
	[tilespmem:$0x4800] =	vst v63  }
0x68: {  	_ =	swait.ge [sflag:s21], $0x800  }
0x69: {  	[sflag:s21] =	ssyncset.done $0x0  }
0x6a: {  	s18 =	sor.u32 $0xA00, s0;
	[sflag:s21] =	ssyncadd.s32 $0xFFFFF800  }
0x6b: {  	[spmem:s2] =	stream.indirect.scatter.add.f32 [tilespmem:s16], [sflag:$0x3], $0x10, s18, s19, $0xb8;
	[tilespmem:$0x4800] =	vst v63  }
0x6c: {  	_ =	swait.ge [sflag:s22], $0x800  }
0x6d: {  	[sflag:s22] =	ssyncset.done $0x0  }
0x6e: {  	s18 =	sor.u32 $0xA80, s0;
	[sflag:s22] =	ssyncadd.s32 $0xFFFFF800  }
0x6f: {  	[spmem:s2] =	stream.indirect.scatter.add.f32 [tilespmem:s20], [sflag:$0x4], $0x10, s18, s19, $0xb8;
	[tilespmem:$0x4800] =	vst v63  }
0x70: {  	_ =	swait.ge [sflag:s23], $0x800  }
0x71: {  	[sflag:s23] =	ssyncset.done $0x0  }
0x72: {  	s18 =	sor.u32 $0x300, s0;
	[sflag:s23] =	ssyncadd.s32 $0xFFFFF800  }
0x73: {  	[tilespmem:s16], [sflag:$0x1] =	stream.indirect.gather [hbm4b:s4+s19], $0x10, s18, s19, $0xb8;
	[tilespmem:$0x4800] =	vst v63  }
0x74: {  	_ =	swait.ge [sflag:s24], $0x800  }
0x75: {  	[sflag:s24] =	ssyncset.done $0x0  }
0x76: {  	s18 =	sor.u32 $0x380, s0;
	[sflag:s24] =	ssyncadd.s32 $0xFFFFF800  }
0x77: {  	[tilespmem:s20], [sflag:$0x2] =	stream.indirect.gather [hbm4b:s4+s19], $0x10, s18, s19, $0xb8;
	[tilespmem:$0x4800] =	vst v63  }
0x78: {  	_ =	swait.ge [sflag:s21], $0x800  }
0x79: {  	[sflag:s21] =	ssyncset.done $0x0  }
0x7a: {  	s18 =	sor.u32 $0xB00, s0;
	[sflag:s21] =	ssyncadd.s32 $0xFFFFF800  }
0x7b: {  	[spmem:s2] =	stream.indirect.scatter.add.f32 [tilespmem:s16], [sflag:$0x3], $0x10, s18, s19, $0xb8;
	[tilespmem:$0x4800] =	vst v63  }
0x7c: {  	_ =	swait.ge [sflag:s22], $0x800  }
0x7d: {  	p0 =	sne.s32 s28, $0x9;
	[sflag:s22] =	ssyncset.done $0x0  }
.Ltmp3:
0x7e: {  	s0 =	sor.u32 $0xB80, s0;
	[sflag:s22] =	ssyncadd.s32 $0xFFFFF800;
	(pc) =	sbr.rel @!p0 .LBB2_5-.Ltmp3, $4  }
0x7f: {  	[spmem:s2] =	stream.indirect.scatter.add.f32 [tilespmem:s20], [sflag:$0x4], $0x10, s0, s19, $0xb8;
	[tilespmem:$0x4800] =	vst v63  }
0x80: {  	_ =	swait.ge [sflag:s23], $0x800  }
0x81: {  	[sflag:s23] =	ssyncset.done $0x0  }
0x82: {  	[sflag:s23] =	ssyncadd.s32 $0xFFFFF800  }
0x83: {  	_ =	swait.ge [sflag:s25], $0x400  }
0x84: {  	[sflag:s25] =	ssyncset.done $0x0  }
0x85: {  	[sflag:s25] =	ssyncadd.s32 $0xFFFFFC00  }
0x86: {  	_ =	swait.ge [sflag:s26], $0x400  }
0x87: {  	s28 =	sadd.s32 $0x1, s28;
	[sflag:s26] =	ssyncset.done $0x0  }
0x88: {  	s0 =	sshll.u32 s31, $0xA;
	p0 =	sne.s32 s28, $0xA;
	[sflag:s26] =	ssyncadd.s32 $0xFFFFFC00  }
0x89: {  	[tilespmem:s16], [sflag:$0x1] =	stream.indirect.gather [hbm4b:s4+s19], $0x10, s0, s19, $0xb8;
	[tilespmem:$0x4800] =	vst v63  }
.Ltmp4:
0x8a: {  	_ = 	snop;
	(pc) =	sbr.rel @p0 .LBB2_4-.Ltmp4, $4  }
.Ltmp5:
0x8b: {  	_ =	swait.ge [sflag:s24], $0x800;
	(pc) =	sbr.rel @!p0 .LBB2_7-.Ltmp5, $4  }
0x8c: {  	s30 =	sadd.s32 $0x80, s30;
	[sflag:s24] =	ssyncset.done $0x0  }
0x8d: {  	s29 =	sadd.s32 $0x80, s29;
	s0 =	sor.u32 $0x80, s0;
	[sflag:s24] =	ssyncadd.s32 $0xFFFFF800  }
0x8e: {  	[tilespmem:s20], [sflag:$0x2] =	stream.indirect.gather [hbm4b:s4+s19], $0x10, s0, s19, $0xb8;
	[tilespmem:$0x4800] =	vst v63  }
0x8f: {  	_ = 	snop  }
.LBB2_8:
0x90: {  	_ =	sfence.sel $0x180000  }
0x91: {  	[bflag:$0x0] =	sbarrier.arrive $0xFFFF  }
0x92: {  	_ =	strace $0x90000050  }
0x93: {  	s0 =	stileid.u32;
	[bflag:$0x2] =	sbarrier.arrive $0xFFFF  }
0x94: {  	p0 =	sne.s32 s0, $0x0;
	s0 =	rddreg [dreg:$0x3]  }
0x95: {  	s0 =	sadd.s32 @!p0 $0x100000, s0  }
0x96: {  	[sflag:s0] =	ssyncadd.tile.s32 @!p0 $0x1;
	_ =	shalt  }
.Lfunc_end2:
_tile_overlayer_lowered:
.L_overlay_start_2:
0x97: {  	(tag) =	ssettag $0x2  }
0x98: {  	s0 =	rddreg [dreg:$0x0];
	s2 =	stileid.u32  }
0x99: {  	s1 =	rddreg [dreg:$0x1];
	p0 =	sne.s32 s2, $0x0  }
0x9a: {  	s3 =	rddreg [dreg:$0x2];
	[bflag:$0x3] =	sbarrier.arrive $0xFFFF;
	s2 =	simm.s32 @!p0 $0x1C07  }
0x9b: {  	[timem:s3], [sflag:s2] =	dma.local @!p0 [hbm:s0], s1  }
0x9c: {  	s0 =	simm.s32 @!p0 $0x7  }
0x9d: {  	_ =	swait.ge @!p0 [sflag:s0], s1  }
0x9e: {  	s1 =	ssub.s32 @!p0 $0x0, s1;
	[sflag:s0] =	ssyncset.done @!p0 $0x0  }
0x9f: {  	[sflag:s0] =	ssyncadd.s32 @!p0 s1  }
0xa0: {  	[bflag:$0x3] =	sbarrier.arrive $0xFFFF  }
0xa1: {  	_ =	shalt  }

</sc_bundles>
